<compile_context>
chip_gen: v7x
topology: tpu7x:2x2x1
jax: 0.10.2.dev20260603
libtpu: 0.0.44.dev20260713+nightly
codegen_flags: <defaults>
</compile_context>

<pallas_src>
import functools

import jax
import jax.numpy as jnp
from jax import lax
from jax.experimental import pallas as pl
from jax.experimental.pallas import tpu as pltpu
from jax.experimental.pallas import tpu_sc as plsc

B = 16
VOCAB = 1000
E = 32
DIM = 32
SPATIAL = DIM * DIM * DIM
EB = 8
NB = E // EB

NC, NS, L = 2, 16, 16
NW = NC * NS
CHUNK = SPATIAL // NW
G = CHUNK // L


def _sc_embed(ids, table_flat):
    mesh = plsc.VectorSubcoreMesh(core_axis_name="c", subcore_axis_name="s")

    @functools.partial(
        pl.kernel,
        mesh=mesh,
        out_type=jax.ShapeDtypeStruct((B, E, DIM, DIM, DIM), jnp.float32),
        compiler_params=pltpu.CompilerParams(needs_layout_passes=False),
        scratch_types=[
            pltpu.VMEM((VOCAB * E,), jnp.float32),
            pltpu.VMEM((2, DIM, DIM), jnp.int32),
            pltpu.VMEM((2, EB, DIM, DIM), jnp.float32),
            pltpu.SemaphoreType.DMA,
            pltpu.SemaphoreType.DMA,
            pltpu.SemaphoreType.DMA,
            pltpu.SemaphoreType.DMA,
        ],
    )
    def k(ids_hbm, tbl_hbm, out_hbm, tbl_v, ids_v, out_v,
          sem_i0, sem_i1, sem_o0, sem_o1):
        sem_i = (sem_i0, sem_i1)
        sem_o = (sem_o0, sem_o1)
        wid = lax.axis_index("s") * NC + lax.axis_index("c")
        pltpu.sync_copy(tbl_hbm, tbl_v)

        def start_ids(b, u):
            pltpu.async_copy(ids_hbm.at[b, wid], ids_v.at[u], sem_i[u])

        def start_out(b, kb, v):
            pltpu.async_copy(
                out_v.at[v], out_hbm.at[b, pl.ds(kb * EB, EB), wid],
                sem_o[v])

        def wait_ids(u):
            pltpu.make_async_copy(
                ids_hbm.at[0, 0], ids_v.at[u], sem_i[u]).wait()

        def wait_out(v):
            pltpu.make_async_copy(
                out_v.at[v], out_hbm.at[0, pl.ds(0, EB), 0], sem_o[v]).wait()

        start_ids(0, 0)
        start_ids(1, 1)

        @pl.loop(0, B, step=2)
        def _(bb):
            for u in range(2):
                b = bb + u
                wait_ids(u)
                for kb in range(NB):
                    v = kb % 2

                    @pl.when(jnp.logical_or(bb > 0, (u * NB + kb) >= 2))
                    def _():
                        wait_out(v)

                    @plsc.parallel_loop(0, G, unroll=2)
                    def _(g):
                        y = g // 2
                        z0 = (g % 2) * L
                        idx = ids_v[u, y, pl.ds(z0, L)]
                        idx = jnp.minimum(jnp.maximum(idx, 0), VOCAB - 1)
                        for el in range(EB):
                            out_v[v, el, y, pl.ds(z0, L)] = plsc.load_gather(
                                tbl_v, [idx + (kb * EB + el) * VOCAB]
                            )

                    start_out(b, kb, v)

                @pl.when(bb < B - 2)
                def _():
                    start_ids(b + 2, u)

        wait_out(0)
        wait_out(1)

    return k(ids, table_flat)


def kernel(parent_blocks, table):
    ids = parent_blocks.astype(jnp.int32)
    return _sc_embed(ids, table.T.reshape(-1))

# --- scband reference (transcript-rebuilt; emitter-appended) ---
"""Pipeline reference for scband-parent-encoder-7249904796220 (READ-ONLY COPY).

The authoritative reference and input builder live on the scoring server;
editing this copy changes nothing except your own understanding.
"""

import jax, jax.numpy as jnp
import numpy as np

BLOCK_VOCAB_SIZE = 1000
EMBED_DIM = 32

def setup_inputs(seed: int = 0) -> dict:
    key = jax.random.key(seed)
    k1, k2 = jax.random.split(key)
    parent_blocks = jax.random.randint(k1, (16, 32, 32, 32), 0, BLOCK_VOCAB_SIZE, dtype=jnp.int64 if jax.config.jax_enable_x64 else jnp.int32)
    table = jax.random.normal(k2, (BLOCK_VOCAB_SIZE, EMBED_DIM), dtype=jnp.float32)
    return {"parent_blocks": parent_blocks, "table": table}

def reference(parent_blocks, table):
    # ids = parent_blocks.long().clamp(0, num_embeddings - 1)
    ids = jnp.clip(parent_blocks.astype(jnp.int32), 0, table.shape[0] - 1)
    # emb = self.embedding(ids)  -> [B, 32, 32, 32, embed_dim]
    emb = jnp.take(table, ids, axis=0)
    # permute(0, 4, 1, 2, 3) -> [B, embed_dim, 32, 32, 32]
    return jnp.transpose(emb, (0, 4, 1, 2, 3))

if __name__ == "__main__":
    import jax
    _d = setup_inputs()
    print(jax.jit(kernel)(*tuple(_d.values())))

</pallas_src>

<mosaic_0001>
#map = affine_map<(d0, d1) -> (0, 0, 0, 0)>
#map1 = affine_map<(d0, d1) -> (0)>
#map2 = affine_map<(d0, d1) -> (0, 0, 0, 0, 0)>
module attributes {stable_mosaic.version = 14 : i64} {
  func.func @k(%arg0: i32, %arg1: i32, %arg2: memref<16x32x32x32xi32, #tpu.memory_space<hbm>>, %arg3: memref<32000xf32, #tpu.memory_space<hbm>>, %arg4: memref<16x32x32x32x32xf32, #tpu.memory_space<hbm>>, %arg5: memref<32000xf32, #tpu.memory_space<vmem>>, %arg6: memref<2x32x32xi32, #tpu.memory_space<vmem>>, %arg7: memref<2x8x32x32xf32, #tpu.memory_space<vmem>>, %arg8: memref<!tpu.dma_semaphore, #tpu.memory_space<semaphore_mem>>, %arg9: memref<!tpu.dma_semaphore, #tpu.memory_space<semaphore_mem>>, %arg10: memref<!tpu.dma_semaphore, #tpu.memory_space<semaphore_mem>>, %arg11: memref<!tpu.dma_semaphore, #tpu.memory_space<semaphore_mem>>) attributes {dimension_semantics = [#tpu.dimension_semantics<core_parallel>, #tpu.dimension_semantics<subcore_parallel>], iteration_bounds = array<i64: 2, 16>, scalar_prefetch = 0 : i64, scratch_operands = 7 : i64, tpu.core_type = #tpu.core_type<sc_vector_subcore>, window_params = [{transform_indices = #map}, {transform_indices = #map1}, {transform_indices = #map2}]} {
    %mul3A = arith.constant 2 : i32
    %mul3A_0 = arith.muli %arg1, %mul3A : i32
    %add3A = arith.addi %mul3A_0, %arg0 : i32
    "tpu.region"() ({
      %run_scoped3A = tpu.sem_alloc : memref<!tpu.dma_semaphore, #tpu.memory_space<semaphore_mem>>
      tpu.enqueue_dma source(%arg3 : memref<32000xf32, #tpu.memory_space<hbm>>) target(%arg5 : memref<32000xf32, #tpu.memory_space<vmem>>) target_semaphore(%run_scoped3A : memref<!tpu.dma_semaphore, #tpu.memory_space<semaphore_mem>>)
      tpu.wait_dma2 semaphore(%run_scoped3A : memref<!tpu.dma_semaphore, #tpu.memory_space<semaphore_mem>>) src(%arg3 : memref<32000xf32, #tpu.memory_space<hbm>>) dst(%arg5 : memref<32000xf32, #tpu.memory_space<vmem>>)
      tpu.yield
    }) : () -> ()
    %dma_start3A = arith.constant 0 : i32
    %dma_start3A_1 = arith.constant 0 : i32
    %dma_start3A_2 = arith.constant 0 : i32
    %dma_start3A_3 = arith.constant 0 : i32
    %dma_start3A_4 = tpu.memref_slice %arg6[%dma_start3A_1, %dma_start3A_2, %dma_start3A_3] : memref<2x32x32xi32, #tpu.memory_space<vmem>> -> memref<1x32x32xi32, #tpu.memory_space<vmem>>
    %dma_start3A_5 = tpu.memref_squeeze %dma_start3A_4 : memref<1x32x32xi32, #tpu.memory_space<vmem>> -> memref<32x32xi32, #tpu.memory_space<vmem>>
    %dma_start3A_6 = arith.constant 0 : i32
    %dma_start3A_7 = arith.constant 0 : i32
    %dma_start3A_8 = tpu.memref_slice %arg2[%dma_start3A, %add3A, %dma_start3A_6, %dma_start3A_7] : memref<16x32x32x32xi32, #tpu.memory_space<hbm>> -> memref<1x1x32x32xi32, #tpu.memory_space<hbm>>
    %dma_start3A_9 = tpu.memref_squeeze %dma_start3A_8 : memref<1x1x32x32xi32, #tpu.memory_space<hbm>> -> memref<32x32xi32, #tpu.memory_space<hbm>>
    %dma_start3A_10 = arith.constant 0 : i32
    %dma_start3A_11 = arith.constant 0 : i32
    %dma_start3A_12 = tpu.memref_slice %arg6[%dma_start3A_1, %dma_start3A_10, %dma_start3A_11] : memref<2x32x32xi32, #tpu.memory_space<vmem>> -> memref<1x32x32xi32, #tpu.memory_space<vmem>>
    %dma_start3A_13 = tpu.memref_squeeze %dma_start3A_12 : memref<1x32x32xi32, #tpu.memory_space<vmem>> -> memref<32x32xi32, #tpu.memory_space<vmem>>
    %dma_start3A_14 = arith.constant 0 : i32
    %dma_start3A_15 = arith.constant 0 : i32
    %dma_start3A_16 = tpu.memref_slice %arg2[%dma_start3A, %add3A, %dma_start3A_14, %dma_start3A_15] : memref<16x32x32x32xi32, #tpu.memory_space<hbm>> -> memref<1x1x32x32xi32, #tpu.memory_space<hbm>>
    %dma_start3A_17 = tpu.memref_squeeze %dma_start3A_16 : memref<1x1x32x32xi32, #tpu.memory_space<hbm>> -> memref<32x32xi32, #tpu.memory_space<hbm>>
    tpu.enqueue_dma source(%dma_start3A_17 : memref<32x32xi32, #tpu.memory_space<hbm>>) target(%dma_start3A_13 : memref<32x32xi32, #tpu.memory_space<vmem>>) target_semaphore(%arg8 : memref<!tpu.dma_semaphore, #tpu.memory_space<semaphore_mem>>)
    %dma_start3A_18 = arith.constant 1 : i32
    %dma_start3A_19 = arith.constant 1 : i32
    %dma_start3A_20 = arith.constant 0 : i32
    %dma_start3A_21 = arith.constant 0 : i32
    %dma_start3A_22 = tpu.memref_slice %arg6[%dma_start3A_19, %dma_start3A_20, %dma_start3A_21] : memref<2x32x32xi32, #tpu.memory_space<vmem>> -> memref<1x32x32xi32, #tpu.memory_space<vmem>>
    %dma_start3A_23 = tpu.memref_squeeze %dma_start3A_22 : memref<1x32x32xi32, #tpu.memory_space<vmem>> -> memref<32x32xi32, #tpu.memory_space<vmem>>
    %dma_start3A_24 = arith.constant 0 : i32
    %dma_start3A_25 = arith.constant 0 : i32
    %dma_start3A_26 = tpu.memref_slice %arg2[%dma_start3A_18, %add3A, %dma_start3A_24, %dma_start3A_25] : memref<16x32x32x32xi32, #tpu.memory_space<hbm>> -> memref<1x1x32x32xi32, #tpu.memory_space<hbm>>
    %dma_start3A_27 = tpu.memref_squeeze %dma_start3A_26 : memref<1x1x32x32xi32, #tpu.memory_space<hbm>> -> memref<32x32xi32, #tpu.memory_space<hbm>>
    %dma_start3A_28 = arith.constant 0 : i32
    %dma_start3A_29 = arith.constant 0 : i32
    %dma_start3A_30 = tpu.memref_slice %arg6[%dma_start3A_19, %dma_start3A_28, %dma_start3A_29] : memref<2x32x32xi32, #tpu.memory_space<vmem>> -> memref<1x32x32xi32, #tpu.memory_space<vmem>>
    %dma_start3A_31 = tpu.memref_squeeze %dma_start3A_30 : memref<1x32x32xi32, #tpu.memory_space<vmem>> -> memref<32x32xi32, #tpu.memory_space<vmem>>
    %dma_start3A_32 = arith.constant 0 : i32
    %dma_start3A_33 = arith.constant 0 : i32
    %dma_start3A_34 = tpu.memref_slice %arg2[%dma_start3A_18, %add3A, %dma_start3A_32, %dma_start3A_33] : memref<16x32x32x32xi32, #tpu.memory_space<hbm>> -> memref<1x1x32x32xi32, #tpu.memory_space<hbm>>
    %dma_start3A_35 = tpu.memref_squeeze %dma_start3A_34 : memref<1x1x32x32xi32, #tpu.memory_space<hbm>> -> memref<32x32xi32, #tpu.memory_space<hbm>>
    tpu.enqueue_dma source(%dma_start3A_35 : memref<32x32xi32, #tpu.memory_space<hbm>>) target(%dma_start3A_31 : memref<32x32xi32, #tpu.memory_space<vmem>>) target_semaphore(%arg9 : memref<!tpu.dma_semaphore, #tpu.memory_space<semaphore_mem>>)
    %scan3A = arith.constant 0 : i32
    %scan3A_36 = arith.constant 8 : i32
    %scan3A_37 = arith.addi %scan3A, %scan3A_36 : i32
    %scan3A_38 = arith.constant 1 : i32
    scf.for %scan3A_85 = %scan3A to %scan3A_37 step %scan3A_38  : i32 {
      %mul3A_86 = arith.constant 2 : i32
      %mul3A_87 = arith.muli %scan3A_85, %mul3A_86 : i32
      %add3A_88 = arith.constant 0 : i32
      %add3A_89 = arith.addi %add3A_88, %mul3A_87 : i32
      %add3A_90 = arith.constant 0 : i32
      %add3A_91 = arith.addi %add3A_89, %add3A_90 : i32
      %dma_wait3A_92 = arith.constant 0 : i32
      %dma_wait3A_93 = arith.constant 0 : i32
      %dma_wait3A_94 = arith.constant 0 : i32
      %dma_wait3A_95 = arith.constant 0 : i32
      %dma_wait3A_96 = arith.constant 0 : i32
      %dma_wait3A_97 = tpu.memref_slice %arg6[%dma_wait3A_94, %dma_wait3A_95, %dma_wait3A_96] : memref<2x32x32xi32, #tpu.memory_space<vmem>> -> memref<1x32x32xi32, #tpu.memory_space<vmem>>
      %dma_wait3A_98 = tpu.memref_squeeze %dma_wait3A_97 : memref<1x32x32xi32, #tpu.memory_space<vmem>> -> memref<32x32xi32, #tpu.memory_space<vmem>>
      %dma_wait3A_99 = arith.constant 0 : i32
      %dma_wait3A_100 = arith.constant 0 : i32
      %dma_wait3A_101 = tpu.memref_slice %arg2[%dma_wait3A_92, %dma_wait3A_93, %dma_wait3A_99, %dma_wait3A_100] : memref<16x32x32x32xi32, #tpu.memory_space<hbm>> -> memref<1x1x32x32xi32, #tpu.memory_space<hbm>>
      %dma_wait3A_102 = tpu.memref_squeeze %dma_wait3A_101 : memref<1x1x32x32xi32, #tpu.memory_space<hbm>> -> memref<32x32xi32, #tpu.memory_space<hbm>>
      %dma_wait3A_103 = arith.constant 0 : i32
      %dma_wait3A_104 = arith.constant 0 : i32
      %dma_wait3A_105 = tpu.memref_slice %arg6[%dma_wait3A_94, %dma_wait3A_103, %dma_wait3A_104] : memref<2x32x32xi32, #tpu.memory_space<vmem>> -> memref<1x32x32xi32, #tpu.memory_space<vmem>>
      %dma_wait3A_106 = tpu.memref_squeeze %dma_wait3A_105 : memref<1x32x32xi32, #tpu.memory_space<vmem>> -> memref<32x32xi32, #tpu.memory_space<vmem>>
      %dma_wait3A_107 = arith.constant 0 : i32
      %dma_wait3A_108 = arith.constant 0 : i32
      %dma_wait3A_109 = tpu.memref_slice %arg2[%dma_wait3A_92, %dma_wait3A_93, %dma_wait3A_107, %dma_wait3A_108] : memref<16x32x32x32xi32, #tpu.memory_space<hbm>> -> memref<1x1x32x32xi32, #tpu.memory_space<hbm>>
      %dma_wait3A_110 = tpu.memref_squeeze %dma_wait3A_109 : memref<1x1x32x32xi32, #tpu.memory_space<hbm>> -> memref<32x32xi32, #tpu.memory_space<hbm>>
      tpu.wait_dma2 semaphore(%arg8 : memref<!tpu.dma_semaphore, #tpu.memory_space<semaphore_mem>>) src(%dma_wait3A_110 : memref<32x32xi32, #tpu.memory_space<hbm>>) dst(%dma_wait3A_106 : memref<32x32xi32, #tpu.memory_space<vmem>>)
      %gt3A = arith.constant 0 : i32
      %gt3A_111 = arith.cmpi sgt, %add3A_89, %gt3A : i32
      %or3A = arith.constant false
      %or3A_112 = arith.ori %gt3A_111, %or3A : i1
      %convert_element_type3A = arith.extui %or3A_112 : i1 to i32
      %cond3A = arith.constant 0 : i32
      %cond3A_113 = arith.cmpi ne, %convert_element_type3A, %cond3A : i32
      scf.if %cond3A_113 {
        %dma_wait3A_384 = arith.constant 0 : i32
        %dma_wait3A_385 = arith.constant 0 : i32
        %dma_wait3A_386 = arith.constant 0 : i32
        %dma_wait3A_387 = arith.constant 0 : i32
        %dma_wait3A_388 = arith.constant 0 : i32
        %dma_wait3A_389 = arith.constant 0 : i32
        %dma_wait3A_390 = tpu.memref_slice %arg7[%dma_wait3A_384, %dma_wait3A_387, %dma_wait3A_388, %dma_wait3A_389] : memref<2x8x32x32xf32, #tpu.memory_space<vmem>> -> memref<1x8x32x32xf32, #tpu.memory_space<vmem>>
        %dma_wait3A_391 = tpu.memref_squeeze %dma_wait3A_390 : memref<1x8x32x32xf32, #tpu.memory_space<vmem>> -> memref<8x32x32xf32, #tpu.memory_space<vmem>>
        %dma_wait3A_392 = arith.constant 0 : i32
        %dma_wait3A_393 = arith.constant 0 : i32
        %dma_wait3A_394 = arith.constant 0 : i32
        %dma_wait3A_395 = tpu.memref_slice %arg4[%dma_wait3A_385, %dma_wait3A_392, %dma_wait3A_386, %dma_wait3A_393, %dma_wait3A_394] : memref<16x32x32x32x32xf32, #tpu.memory_space<hbm>> -> memref<1x8x1x32x32xf32, #tpu.memory_space<hbm>>
        %dma_wait3A_396 = tpu.memref_squeeze %dma_wait3A_395 : memref<1x8x1x32x32xf32, #tpu.memory_space<hbm>> -> memref<8x32x32xf32, #tpu.memory_space<hbm>>
        %dma_wait3A_397 = arith.constant 0 : i32
        %dma_wait3A_398 = arith.constant 0 : i32
        %dma_wait3A_399 = arith.constant 0 : i32
        %dma_wait3A_400 = tpu.memref_slice %arg4[%dma_wait3A_385, %dma_wait3A_397, %dma_wait3A_386, %dma_wait3A_398, %dma_wait3A_399] : memref<16x32x32x32x32xf32, #tpu.memory_space<hbm>> -> memref<1x8x1x32x32xf32, #tpu.memory_space<hbm>>
        %dma_wait3A_401 = tpu.memref_squeeze %dma_wait3A_400 : memref<1x8x1x32x32xf32, #tpu.memory_space<hbm>> -> memref<8x32x32xf32, #tpu.memory_space<hbm>>
        %dma_wait3A_402 = arith.constant 0 : i32
        %dma_wait3A_403 = arith.constant 0 : i32
        %dma_wait3A_404 = arith.constant 0 : i32
        %dma_wait3A_405 = tpu.memref_slice %arg7[%dma_wait3A_384, %dma_wait3A_402, %dma_wait3A_403, %dma_wait3A_404] : memref<2x8x32x32xf32, #tpu.memory_space<vmem>> -> memref<1x8x32x32xf32, #tpu.memory_space<vmem>>
        %dma_wait3A_406 = tpu.memref_squeeze %dma_wait3A_405 : memref<1x8x32x32xf32, #tpu.memory_space<vmem>> -> memref<8x32x32xf32, #tpu.memory_space<vmem>>
        tpu.wait_dma2 semaphore(%arg10 : memref<!tpu.dma_semaphore, #tpu.memory_space<semaphore_mem>>) src(%dma_wait3A_406 : memref<8x32x32xf32, #tpu.memory_space<vmem>>) dst(%dma_wait3A_401 : memref<8x32x32xf32, #tpu.memory_space<hbm>>)
      } else {
      }
      %parallel_loop3A = arith.constant 0 : i32
      %parallel_loop3A_114 = arith.constant 64 : i32
      %parallel_loop3A_115 = arith.constant 1 : i32
      scf.for %parallel_loop3A_384 = %parallel_loop3A to %parallel_loop3A_114 step %parallel_loop3A_115  : i32 {
        %parallel_loop3A_385 = arith.constant 2 : i32
        %parallel_loop3A_386 = arith.divsi %parallel_loop3A_384, %parallel_loop3A_385 : i32
        %parallel_loop3A_387 = arith.constant 0 : i32
        %parallel_loop3A_388 = arith.cmpi sgt, %parallel_loop3A_384, %parallel_loop3A_387 : i32
        %parallel_loop3A_389 = arith.extui %parallel_loop3A_388 : i1 to i32
        %parallel_loop3A_390 = arith.constant 0 : i32
        %parallel_loop3A_391 = arith.cmpi slt, %parallel_loop3A_384, %parallel_loop3A_390 : i32
        %parallel_loop3A_392 = arith.extui %parallel_loop3A_391 : i1 to i32
        %parallel_loop3A_393 = arith.subi %parallel_loop3A_389, %parallel_loop3A_392 : i32
        %parallel_loop3A_394 = arith.constant 0 : i32
        %parallel_loop3A_395 = arith.cmpi sgt, %parallel_loop3A_385, %parallel_loop3A_394 : i32
        %parallel_loop3A_396 = arith.extui %parallel_loop3A_395 : i1 to i32
        %parallel_loop3A_397 = arith.constant 0 : i32
        %parallel_loop3A_398 = arith.cmpi slt, %parallel_loop3A_385, %parallel_loop3A_397 : i32
        %parallel_loop3A_399 = arith.extui %parallel_loop3A_398 : i1 to i32
        %parallel_loop3A_400 = arith.subi %parallel_loop3A_396, %parallel_loop3A_399 : i32
        %parallel_loop3A_401 = arith.cmpi ne, %parallel_loop3A_393, %parallel_loop3A_400 : i32
        %parallel_loop3A_402 = arith.remsi %parallel_loop3A_384, %parallel_loop3A_385 : i32
        %parallel_loop3A_403 = arith.constant 0 : i32
        %parallel_loop3A_404 = arith.cmpi ne, %parallel_loop3A_402, %parallel_loop3A_403 : i32
        %parallel_loop3A_405 = arith.andi %parallel_loop3A_401, %parallel_loop3A_404 : i1
        %parallel_loop3A_406 = arith.constant 1 : i32
        %parallel_loop3A_407 = arith.subi %parallel_loop3A_386, %parallel_loop3A_406 : i32
        %parallel_loop3A_408 = arith.select %parallel_loop3A_405, %parallel_loop3A_407, %parallel_loop3A_386 : i32
        %parallel_loop3A_409 = arith.constant 2 : i32
        %parallel_loop3A_410 = arith.constant 0 : i32
        %parallel_loop3A_411 = arith.cmpi eq, %parallel_loop3A_409, %parallel_loop3A_410 : i32
        %parallel_loop3A_412 = arith.constant 1 : i32
        %parallel_loop3A_413 = arith.select %parallel_loop3A_411, %parallel_loop3A_412, %parallel_loop3A_409 : i32
        %parallel_loop3A_414 = arith.remsi %parallel_loop3A_384, %parallel_loop3A_413 : i32
        %parallel_loop3A_415 = arith.constant 0 : i32
        %parallel_loop3A_416 = arith.cmpi ne, %parallel_loop3A_414, %parallel_loop3A_415 : i32
        %parallel_loop3A_417 = arith.constant 0 : i32
        %parallel_loop3A_418 = arith.cmpi slt, %parallel_loop3A_414, %parallel_loop3A_417 : i32
        %parallel_loop3A_419 = arith.constant 0 : i32
        %parallel_loop3A_420 = arith.cmpi slt, %parallel_loop3A_413, %parallel_loop3A_419 : i32
        %parallel_loop3A_421 = arith.xori %parallel_loop3A_418, %parallel_loop3A_420 : i1
        %parallel_loop3A_422 = arith.andi %parallel_loop3A_421, %parallel_loop3A_416 : i1
        %parallel_loop3A_423 = arith.addi %parallel_loop3A_414, %parallel_loop3A_413 : i32
        %parallel_loop3A_424 = arith.select %parallel_loop3A_422, %parallel_loop3A_423, %parallel_loop3A_414 : i32
        %parallel_loop3A_425 = arith.constant 16 : i32
        %parallel_loop3A_426 = arith.muli %parallel_loop3A_424, %parallel_loop3A_425 : i32
        %parallel_loop3A_427 = arith.constant 0 : i32
        %parallel_loop3A_428 = arith.index_cast %parallel_loop3A_427 : i32 to index
        %parallel_loop3A_429 = arith.index_cast %parallel_loop3A_408 : i32 to index
        %parallel_loop3A_430 = arith.index_cast %parallel_loop3A_426 : i32 to index
        %parallel_loop3A_431 = tpu.vector_load %arg6[%parallel_loop3A_428, %parallel_loop3A_429, %parallel_loop3A_430] {strides = array<i32>} : memref<2x32x32xi32, #tpu.memory_space<vmem>>, vector<16xi32>,
        %parallel_loop3A_432 = arith.constant 0 : i32
        %parallel_loop3A_433 = vector.broadcast %parallel_loop3A_432 : i32 to vector<16xi32>
        %parallel_loop3A_434 = arith.maxsi %parallel_loop3A_431, %parallel_loop3A_433 : vector<16xi32>
        %parallel_loop3A_435 = arith.constant 999 : i32
        %parallel_loop3A_436 = vector.broadcast %parallel_loop3A_435 : i32 to vector<16xi32>
        %parallel_loop3A_437 = arith.minsi %parallel_loop3A_434, %parallel_loop3A_436 : vector<16xi32>
        %parallel_loop3A_438 = arith.constant 0 : i32
        %parallel_loop3A_439 = vector.broadcast %parallel_loop3A_438 : i32 to vector<16xi32>
        %parallel_loop3A_440 = arith.addi %parallel_loop3A_437, %parallel_loop3A_439 : vector<16xi32>
        %parallel_loop3A_441 = tpu.vector_load_idx %arg5[%parallel_loop3A_440] : memref<32000xf32, #tpu.memory_space<vmem>>[vector<16xi32>], vector<16xf32>,
        %parallel_loop3A_442 = arith.constant 0 : i32
        %parallel_loop3A_443 = arith.constant 0 : i32
        %parallel_loop3A_444 = arith.index_cast %parallel_loop3A_442 : i32 to index
        %parallel_loop3A_445 = arith.index_cast %parallel_loop3A_443 : i32 to index
        %parallel_loop3A_446 = arith.index_cast %parallel_loop3A_408 : i32 to index
        %parallel_loop3A_447 = arith.index_cast %parallel_loop3A_426 : i32 to index
        %parallel_loop3A_448 = tpu.vector_load %arg7[%parallel_loop3A_444, %parallel_loop3A_445, %parallel_loop3A_446, %parallel_loop3A_447] {strides = array<i32>} : memref<2x8x32x32xf32, #tpu.memory_space<vmem>>, vector<16xf32>,
        tpu.vector_store %arg7[%parallel_loop3A_444, %parallel_loop3A_445, %parallel_loop3A_446, %parallel_loop3A_447], %parallel_loop3A_441 {strides = array<i32>} : memref<2x8x32x32xf32, #tpu.memory_space<vmem>>, vector<16xf32>,
        %parallel_loop3A_449 = arith.constant 1000 : i32
        %parallel_loop3A_450 = vector.broadcast %parallel_loop3A_449 : i32 to vector<16xi32>
        %parallel_loop3A_451 = arith.addi %parallel_loop3A_437, %parallel_loop3A_450 : vector<16xi32>
        %parallel_loop3A_452 = tpu.vector_load_idx %arg5[%parallel_loop3A_451] : memref<32000xf32, #tpu.memory_space<vmem>>[vector<16xi32>], vector<16xf32>,
        %parallel_loop3A_453 = arith.constant 0 : i32
        %parallel_loop3A_454 = arith.constant 1 : i32
        %parallel_loop3A_455 = arith.index_cast %parallel_loop3A_453 : i32 to index
        %parallel_loop3A_456 = arith.index_cast %parallel_loop3A_454 : i32 to index
        %parallel_loop3A_457 = arith.index_cast %parallel_loop3A_408 : i32 to index
        %parallel_loop3A_458 = arith.index_cast %parallel_loop3A_426 : i32 to index
        %parallel_loop3A_459 = tpu.vector_load %arg7[%parallel_loop3A_455, %parallel_loop3A_456, %parallel_loop3A_457, %parallel_loop3A_458] {strides = array<i32>} : memref<2x8x32x32xf32, #tpu.memory_space<vmem>>, vector<16xf32>,
        tpu.vector_store %arg7[%parallel_loop3A_455, %parallel_loop3A_456, %parallel_loop3A_457, %parallel_loop3A_458], %parallel_loop3A_452 {strides = array<i32>} : memref<2x8x32x32xf32, #tpu.memory_space<vmem>>, vector<16xf32>,
        %parallel_loop3A_460 = arith.constant 2000 : i32
        %parallel_loop3A_461 = vector.broadcast %parallel_loop3A_460 : i32 to vector<16xi32>
        %parallel_loop3A_462 = arith.addi %parallel_loop3A_437, %parallel_loop3A_461 : vector<16xi32>
        %parallel_loop3A_463 = tpu.vector_load_idx %arg5[%parallel_loop3A_462] : memref<32000xf32, #tpu.memory_space<vmem>>[vector<16xi32>], vector<16xf32>,
        %parallel_loop3A_464 = arith.constant 0 : i32
        %parallel_loop3A_465 = arith.constant 2 : i32
        %parallel_loop3A_466 = arith.index_cast %parallel_loop3A_464 : i32 to index
        %parallel_loop3A_467 = arith.index_cast %parallel_loop3A_465 : i32 to index
        %parallel_loop3A_468 = arith.index_cast %parallel_loop3A_408 : i32 to index
        %parallel_loop3A_469 = arith.index_cast %parallel_loop3A_426 : i32 to index
        %parallel_loop3A_470 = tpu.vector_load %arg7[%parallel_loop3A_466, %parallel_loop3A_467, %parallel_loop3A_468, %parallel_loop3A_469] {strides = array<i32>} : memref<2x8x32x32xf32, #tpu.memory_space<vmem>>, vector<16xf32>,
        tpu.vector_store %arg7[%parallel_loop3A_466, %parallel_loop3A_467, %parallel_loop3A_468, %parallel_loop3A_469], %parallel_loop3A_463 {strides = array<i32>} : memref<2x8x32x32xf32, #tpu.memory_space<vmem>>, vector<16xf32>,
        %parallel_loop3A_471 = arith.constant 3000 : i32
        %parallel_loop3A_472 = vector.broadcast %parallel_loop3A_471 : i32 to vector<16xi32>
        %parallel_loop3A_473 = arith.addi %parallel_loop3A_437, %parallel_loop3A_472 : vector<16xi32>
        %parallel_loop3A_474 = tpu.vector_load_idx %arg5[%parallel_loop3A_473] : memref<32000xf32, #tpu.memory_space<vmem>>[vector<16xi32>], vector<16xf32>,
        %parallel_loop3A_475 = arith.constant 0 : i32
        %parallel_loop3A_476 = arith.constant 3 : i32
        %parallel_loop3A_477 = arith.index_cast %parallel_loop3A_475 : i32 to index
        %parallel_loop3A_478 = arith.index_cast %parallel_loop3A_476 : i32 to index
        %parallel_loop3A_479 = arith.index_cast %parallel_loop3A_408 : i32 to index
        %parallel_loop3A_480 = arith.index_cast %parallel_loop3A_426 : i32 to index
        %parallel_loop3A_481 = tpu.vector_load %arg7[%parallel_loop3A_477, %parallel_loop3A_478, %parallel_loop3A_479, %parallel_loop3A_480] {strides = array<i32>} : memref<2x8x32x32xf32, #tpu.memory_space<vmem>>, vector<16xf32>,
        tpu.vector_store %arg7[%parallel_loop3A_477, %parallel_loop3A_478, %parallel_loop3A_479, %parallel_loop3A_480], %parallel_loop3A_474 {strides = array<i32>} : memref<2x8x32x32xf32, #tpu.memory_space<vmem>>, vector<16xf32>,
        %parallel_loop3A_482 = arith.constant 4000 : i32
        %parallel_loop3A_483 = vector.broadcast %parallel_loop3A_482 : i32 to vector<16xi32>
        %parallel_loop3A_484 = arith.addi %parallel_loop3A_437, %parallel_loop3A_483 : vector<16xi32>
        %parallel_loop3A_485 = tpu.vector_load_idx %arg5[%parallel_loop3A_484] : memref<32000xf32, #tpu.memory_space<vmem>>[vector<16xi32>], vector<16xf32>,
        %parallel_loop3A_486 = arith.constant 0 : i32
        %parallel_loop3A_487 = arith.constant 4 : i32
        %parallel_loop3A_488 = arith.index_cast %parallel_loop3A_486 : i32 to index
        %parallel_loop3A_489 = arith.index_cast %parallel_loop3A_487 : i32 to index
        %parallel_loop3A_490 = arith.index_cast %parallel_loop3A_408 : i32 to index
        %parallel_loop3A_491 = arith.index_cast %parallel_loop3A_426 : i32 to index
        %parallel_loop3A_492 = tpu.vector_load %arg7[%parallel_loop3A_488, %parallel_loop3A_489, %parallel_loop3A_490, %parallel_loop3A_491] {strides = array<i32>} : memref<2x8x32x32xf32, #tpu.memory_space<vmem>>, vector<16xf32>,
        tpu.vector_store %arg7[%parallel_loop3A_488, %parallel_loop3A_489, %parallel_loop3A_490, %parallel_loop3A_491], %parallel_loop3A_485 {strides = array<i32>} : memref<2x8x32x32xf32, #tpu.memory_space<vmem>>, vector<16xf32>,
        %parallel_loop3A_493 = arith.constant 5000 : i32
        %parallel_loop3A_494 = vector.broadcast %parallel_loop3A_493 : i32 to vector<16xi32>
        %parallel_loop3A_495 = arith.addi %parallel_loop3A_437, %parallel_loop3A_494 : vector<16xi32>
        %parallel_loop3A_496 = tpu.vector_load_idx %arg5[%parallel_loop3A_495] : memref<32000xf32, #tpu.memory_space<vmem>>[vector<16xi32>], vector<16xf32>,
        %parallel_loop3A_497 = arith.constant 0 : i32
        %parallel_loop3A_498 = arith.constant 5 : i32
        %parallel_loop3A_499 = arith.index_cast %parallel_loop3A_497 : i32 to index
        %parallel_loop3A_500 = arith.index_cast %parallel_loop3A_498 : i32 to index
        %parallel_loop3A_501 = arith.index_cast %parallel_loop3A_408 : i32 to index
        %parallel_loop3A_502 = arith.index_cast %parallel_loop3A_426 : i32 to index
        %parallel_loop3A_503 = tpu.vector_load %arg7[%parallel_loop3A_499, %parallel_loop3A_500, %parallel_loop3A_501, %parallel_loop3A_502] {strides = array<i32>} : memref<2x8x32x32xf32, #tpu.memory_space<vmem>>, vector<16xf32>,
        tpu.vector_store %arg7[%parallel_loop3A_499, %parallel_loop3A_500, %parallel_loop3A_501, %parallel_loop3A_502], %parallel_loop3A_496 {strides = array<i32>} : memref<2x8x32x32xf32, #tpu.memory_space<vmem>>, vector<16xf32>,
        %parallel_loop3A_504 = arith.constant 6000 : i32
        %parallel_loop3A_505 = vector.broadcast %parallel_loop3A_504 : i32 to vector<16xi32>
        %parallel_loop3A_506 = arith.addi %parallel_loop3A_437, %parallel_loop3A_505 : vector<16xi32>
        %parallel_loop3A_507 = tpu.vector_load_idx %arg5[%parallel_loop3A_506] : memref<32000xf32, #tpu.memory_space<vmem>>[vector<16xi32>], vector<16xf32>,
        %parallel_loop3A_508 = arith.constant 0 : i32
        %parallel_loop3A_509 = arith.constant 6 : i32
        %parallel_loop3A_510 = arith.index_cast %parallel_loop3A_508 : i32 to index
        %parallel_loop3A_511 = arith.index_cast %parallel_loop3A_509 : i32 to index
        %parallel_loop3A_512 = arith.index_cast %parallel_loop3A_408 : i32 to index
        %parallel_loop3A_513 = arith.index_cast %parallel_loop3A_426 : i32 to index
        %parallel_loop3A_514 = tpu.vector_load %arg7[%parallel_loop3A_510, %parallel_loop3A_511, %parallel_loop3A_512, %parallel_loop3A_513] {strides = array<i32>} : memref<2x8x32x32xf32, #tpu.memory_space<vmem>>, vector<16xf32>,
        tpu.vector_store %arg7[%parallel_loop3A_510, %parallel_loop3A_511, %parallel_loop3A_512, %parallel_loop3A_513], %parallel_loop3A_507 {strides = array<i32>} : memref<2x8x32x32xf32, #tpu.memory_space<vmem>>, vector<16xf32>,
        %parallel_loop3A_515 = arith.constant 7000 : i32
        %parallel_loop3A_516 = vector.broadcast %parallel_loop3A_515 : i32 to vector<16xi32>
        %parallel_loop3A_517 = arith.addi %parallel_loop3A_437, %parallel_loop3A_516 : vector<16xi32>
        %parallel_loop3A_518 = tpu.vector_load_idx %arg5[%parallel_loop3A_517] : memref<32000xf32, #tpu.memory_space<vmem>>[vector<16xi32>], vector<16xf32>,
        %parallel_loop3A_519 = arith.constant 0 : i32
        %parallel_loop3A_520 = arith.constant 7 : i32
        %parallel_loop3A_521 = arith.index_cast %parallel_loop3A_519 : i32 to index
        %parallel_loop3A_522 = arith.index_cast %parallel_loop3A_520 : i32 to index
        %parallel_loop3A_523 = arith.index_cast %parallel_loop3A_408 : i32 to index
        %parallel_loop3A_524 = arith.index_cast %parallel_loop3A_426 : i32 to index
        %parallel_loop3A_525 = tpu.vector_load %arg7[%parallel_loop3A_521, %parallel_loop3A_522, %parallel_loop3A_523, %parallel_loop3A_524] {strides = array<i32>} : memref<2x8x32x32xf32, #tpu.memory_space<vmem>>, vector<16xf32>,
        tpu.vector_store %arg7[%parallel_loop3A_521, %parallel_loop3A_522, %parallel_loop3A_523, %parallel_loop3A_524], %parallel_loop3A_518 {strides = array<i32>} : memref<2x8x32x32xf32, #tpu.memory_space<vmem>>, vector<16xf32>,
      } {sc.loop_unroll_factor = 2 : i64, sc.parallel_access}
      %dma_start3A_116 = arith.constant 0 : i32
      %dma_start3A_117 = arith.constant 0 : i32
      %dma_start3A_118 = arith.constant 0 : i32
      %dma_start3A_119 = arith.constant 0 : i32
      %dma_start3A_120 = tpu.memref_slice %arg7[%dma_start3A_116, %dma_start3A_117, %dma_start3A_118, %dma_start3A_119] : memref<2x8x32x32xf32, #tpu.memory_space<vmem>> -> memref<1x8x32x32xf32, #tpu.memory_space<vmem>>
      %dma_start3A_121 = tpu.memref_squeeze %dma_start3A_120 : memref<1x8x32x32xf32, #tpu.memory_space<vmem>> -> memref<8x32x32xf32, #tpu.memory_space<vmem>>
      %dma_start3A_122 = arith.constant 0 : i32
      %dma_start3A_123 = arith.constant 0 : i32
      %dma_start3A_124 = arith.constant 0 : i32
      %dma_start3A_125 = tpu.memref_slice %arg4[%add3A_91, %dma_start3A_122, %add3A, %dma_start3A_123, %dma_start3A_124] : memref<16x32x32x32x32xf32, #tpu.memory_space<hbm>> -> memref<1x8x1x32x32xf32, #tpu.memory_space<hbm>>
      %dma_start3A_126 = tpu.memref_squeeze %dma_start3A_125 : memref<1x8x1x32x32xf32, #tpu.memory_space<hbm>> -> memref<8x32x32xf32, #tpu.memory_space<hbm>>
      %dma_start3A_127 = arith.constant 0 : i32
      %dma_start3A_128 = arith.constant 0 : i32
      %dma_start3A_129 = arith.constant 0 : i32
      %dma_start3A_130 = tpu.memref_slice %arg4[%add3A_91, %dma_start3A_127, %add3A, %dma_start3A_128, %dma_start3A_129] : memref<16x32x32x32x32xf32, #tpu.memory_space<hbm>> -> memref<1x8x1x32x32xf32, #tpu.memory_space<hbm>>
      %dma_start3A_131 = tpu.memref_squeeze %dma_start3A_130 : memref<1x8x1x32x32xf32, #tpu.memory_space<hbm>> -> memref<8x32x32xf32, #tpu.memory_space<hbm>>
      %dma_start3A_132 = arith.constant 0 : i32
      %dma_start3A_133 = arith.constant 0 : i32
      %dma_start3A_134 = arith.constant 0 : i32
      %dma_start3A_135 = tpu.memref_slice %arg7[%dma_start3A_116, %dma_start3A_132, %dma_start3A_133, %dma_start3A_134] : memref<2x8x32x32xf32, #tpu.memory_space<vmem>> -> memref<1x8x32x32xf32, #tpu.memory_space<vmem>>
      %dma_start3A_136 = tpu.memref_squeeze %dma_start3A_135 : memref<1x8x32x32xf32, #tpu.memory_space<vmem>> -> memref<8x32x32xf32, #tpu.memory_space<vmem>>
      tpu.enqueue_dma source(%dma_start3A_136 : memref<8x32x32xf32, #tpu.memory_space<vmem>>) target(%dma_start3A_131 : memref<8x32x32xf32, #tpu.memory_space<hbm>>) target_semaphore(%arg10 : memref<!tpu.dma_semaphore, #tpu.memory_space<semaphore_mem>>)
      %gt3A_137 = arith.constant 0 : i32
      %gt3A_138 = arith.cmpi sgt, %add3A_89, %gt3A_137 : i32
      %or3A_139 = arith.constant false
      %or3A_140 = arith.ori %gt3A_138, %or3A_139 : i1
      %convert_element_type3A_141 = arith.extui %or3A_140 : i1 to i32
      %cond3A_142 = arith.constant 0 : i32
      %cond3A_143 = arith.cmpi ne, %convert_element_type3A_141, %cond3A_142 : i32
      scf.if %cond3A_143 {
        %dma_wait3A_384 = arith.constant 1 : i32
        %dma_wait3A_385 = arith.constant 0 : i32
        %dma_wait3A_386 = arith.constant 0 : i32
        %dma_wait3A_387 = arith.constant 0 : i32
        %dma_wait3A_388 = arith.constant 0 : i32
        %dma_wait3A_389 = arith.constant 0 : i32
        %dma_wait3A_390 = tpu.memref_slice %arg7[%dma_wait3A_384, %dma_wait3A_387, %dma_wait3A_388, %dma_wait3A_389] : memref<2x8x32x32xf32, #tpu.memory_space<vmem>> -> memref<1x8x32x32xf32, #tpu.memory_space<vmem>>
        %dma_wait3A_391 = tpu.memref_squeeze %dma_wait3A_390 : memref<1x8x32x32xf32, #tpu.memory_space<vmem>> -> memref<8x32x32xf32, #tpu.memory_space<vmem>>
        %dma_wait3A_392 = arith.constant 0 : i32
        %dma_wait3A_393 = arith.constant 0 : i32
        %dma_wait3A_394 = arith.constant 0 : i32
        %dma_wait3A_395 = tpu.memref_slice %arg4[%dma_wait3A_385, %dma_wait3A_392, %dma_wait3A_386, %dma_wait3A_393, %dma_wait3A_394] : memref<16x32x32x32x32xf32, #tpu.memory_space<hbm>> -> memref<1x8x1x32x32xf32, #tpu.memory_space<hbm>>
        %dma_wait3A_396 = tpu.memref_squeeze %dma_wait3A_395 : memref<1x8x1x32x32xf32, #tpu.memory_space<hbm>> -> memref<8x32x32xf32, #tpu.memory_space<hbm>>
        %dma_wait3A_397 = arith.constant 0 : i32
        %dma_wait3A_398 = arith.constant 0 : i32
        %dma_wait3A_399 = arith.constant 0 : i32
        %dma_wait3A_400 = tpu.memref_slice %arg4[%dma_wait3A_385, %dma_wait3A_397, %dma_wait3A_386, %dma_wait3A_398, %dma_wait3A_399] : memref<16x32x32x32x32xf32, #tpu.memory_space<hbm>> -> memref<1x8x1x32x32xf32, #tpu.memory_space<hbm>>
        %dma_wait3A_401 = tpu.memref_squeeze %dma_wait3A_400 : memref<1x8x1x32x32xf32, #tpu.memory_space<hbm>> -> memref<8x32x32xf32, #tpu.memory_space<hbm>>
        %dma_wait3A_402 = arith.constant 0 : i32
        %dma_wait3A_403 = arith.constant 0 : i32
        %dma_wait3A_404 = arith.constant 0 : i32
        %dma_wait3A_405 = tpu.memref_slice %arg7[%dma_wait3A_384, %dma_wait3A_402, %dma_wait3A_403, %dma_wait3A_404] : memref<2x8x32x32xf32, #tpu.memory_space<vmem>> -> memref<1x8x32x32xf32, #tpu.memory_space<vmem>>
        %dma_wait3A_406 = tpu.memref_squeeze %dma_wait3A_405 : memref<1x8x32x32xf32, #tpu.memory_space<vmem>> -> memref<8x32x32xf32, #tpu.memory_space<vmem>>
        tpu.wait_dma2 semaphore(%arg11 : memref<!tpu.dma_semaphore, #tpu.memory_space<semaphore_mem>>) src(%dma_wait3A_406 : memref<8x32x32xf32, #tpu.memory_space<vmem>>) dst(%dma_wait3A_401 : memref<8x32x32xf32, #tpu.memory_space<hbm>>)
      } else {
      }
      %parallel_loop3A_144 = arith.constant 0 : i32
      %parallel_loop3A_145 = arith.constant 64 : i32
      %parallel_loop3A_146 = arith.constant 1 : i32
      scf.for %parallel_loop3A_384 = %parallel_loop3A_144 to %parallel_loop3A_145 step %parallel_loop3A_146  : i32 {
        %parallel_loop3A_385 = arith.constant 2 : i32
        %parallel_loop3A_386 = arith.divsi %parallel_loop3A_384, %parallel_loop3A_385 : i32
        %parallel_loop3A_387 = arith.constant 0 : i32
        %parallel_loop3A_388 = arith.cmpi sgt, %parallel_loop3A_384, %parallel_loop3A_387 : i32
        %parallel_loop3A_389 = arith.extui %parallel_loop3A_388 : i1 to i32
        %parallel_loop3A_390 = arith.constant 0 : i32
        %parallel_loop3A_391 = arith.cmpi slt, %parallel_loop3A_384, %parallel_loop3A_390 : i32
        %parallel_loop3A_392 = arith.extui %parallel_loop3A_391 : i1 to i32
        %parallel_loop3A_393 = arith.subi %parallel_loop3A_389, %parallel_loop3A_392 : i32
        %parallel_loop3A_394 = arith.constant 0 : i32
        %parallel_loop3A_395 = arith.cmpi sgt, %parallel_loop3A_385, %parallel_loop3A_394 : i32
        %parallel_loop3A_396 = arith.extui %parallel_loop3A_395 : i1 to i32
        %parallel_loop3A_397 = arith.constant 0 : i32
        %parallel_loop3A_398 = arith.cmpi slt, %parallel_loop3A_385, %parallel_loop3A_397 : i32
        %parallel_loop3A_399 = arith.extui %parallel_loop3A_398 : i1 to i32
        %parallel_loop3A_400 = arith.subi %parallel_loop3A_396, %parallel_loop3A_399 : i32
        %parallel_loop3A_401 = arith.cmpi ne, %parallel_loop3A_393, %parallel_loop3A_400 : i32
        %parallel_loop3A_402 = arith.remsi %parallel_loop3A_384, %parallel_loop3A_385 : i32
        %parallel_loop3A_403 = arith.constant 0 : i32
        %parallel_loop3A_404 = arith.cmpi ne, %parallel_loop3A_402, %parallel_loop3A_403 : i32
        %parallel_loop3A_405 = arith.andi %parallel_loop3A_401, %parallel_loop3A_404 : i1
        %parallel_loop3A_406 = arith.constant 1 : i32
        %parallel_loop3A_407 = arith.subi %parallel_loop3A_386, %parallel_loop3A_406 : i32
        %parallel_loop3A_408 = arith.select %parallel_loop3A_405, %parallel_loop3A_407, %parallel_loop3A_386 : i32
        %parallel_loop3A_409 = arith.constant 2 : i32
        %parallel_loop3A_410 = arith.constant 0 : i32
        %parallel_loop3A_411 = arith.cmpi eq, %parallel_loop3A_409, %parallel_loop3A_410 : i32
        %parallel_loop3A_412 = arith.constant 1 : i32
        %parallel_loop3A_413 = arith.select %parallel_loop3A_411, %parallel_loop3A_412, %parallel_loop3A_409 : i32
        %parallel_loop3A_414 = arith.remsi %parallel_loop3A_384, %parallel_loop3A_413 : i32
        %parallel_loop3A_415 = arith.constant 0 : i32
        %parallel_loop3A_416 = arith.cmpi ne, %parallel_loop3A_414, %parallel_loop3A_415 : i32
        %parallel_loop3A_417 = arith.constant 0 : i32
        %parallel_loop3A_418 = arith.cmpi slt, %parallel_loop3A_414, %parallel_loop3A_417 : i32
        %parallel_loop3A_419 = arith.constant 0 : i32
        %parallel_loop3A_420 = arith.cmpi slt, %parallel_loop3A_413, %parallel_loop3A_419 : i32
        %parallel_loop3A_421 = arith.xori %parallel_loop3A_418, %parallel_loop3A_420 : i1
        %parallel_loop3A_422 = arith.andi %parallel_loop3A_421, %parallel_loop3A_416 : i1
        %parallel_loop3A_423 = arith.addi %parallel_loop3A_414, %parallel_loop3A_413 : i32
        %parallel_loop3A_424 = arith.select %parallel_loop3A_422, %parallel_loop3A_423, %parallel_loop3A_414 : i32
        %parallel_loop3A_425 = arith.constant 16 : i32
        %parallel_loop3A_426 = arith.muli %parallel_loop3A_424, %parallel_loop3A_425 : i32
        %parallel_loop3A_427 = arith.constant 0 : i32
        %parallel_loop3A_428 = arith.index_cast %parallel_loop3A_427 : i32 to index
        %parallel_loop3A_429 = arith.index_cast %parallel_loop3A_408 : i32 to index
        %parallel_loop3A_430 = arith.index_cast %parallel_loop3A_426 : i32 to index
        %parallel_loop3A_431 = tpu.vector_load %arg6[%parallel_loop3A_428, %parallel_loop3A_429, %parallel_loop3A_430] {strides = array<i32>} : memref<2x32x32xi32, #tpu.memory_space<vmem>>, vector<16xi32>,
        %parallel_loop3A_432 = arith.constant 0 : i32
        %parallel_loop3A_433 = vector.broadcast %parallel_loop3A_432 : i32 to vector<16xi32>
        %parallel_loop3A_434 = arith.maxsi %parallel_loop3A_431, %parallel_loop3A_433 : vector<16xi32>
        %parallel_loop3A_435 = arith.constant 999 : i32
        %parallel_loop3A_436 = vector.broadcast %parallel_loop3A_435 : i32 to vector<16xi32>
        %parallel_loop3A_437 = arith.minsi %parallel_loop3A_434, %parallel_loop3A_436 : vector<16xi32>
        %parallel_loop3A_438 = arith.constant 8000 : i32
        %parallel_loop3A_439 = vector.broadcast %parallel_loop3A_438 : i32 to vector<16xi32>
        %parallel_loop3A_440 = arith.addi %parallel_loop3A_437, %parallel_loop3A_439 : vector<16xi32>
        %parallel_loop3A_441 = tpu.vector_load_idx %arg5[%parallel_loop3A_440] : memref<32000xf32, #tpu.memory_space<vmem>>[vector<16xi32>], vector<16xf32>,
        %parallel_loop3A_442 = arith.constant 1 : i32
        %parallel_loop3A_443 = arith.constant 0 : i32
        %parallel_loop3A_444 = arith.index_cast %parallel_loop3A_442 : i32 to index
        %parallel_loop3A_445 = arith.index_cast %parallel_loop3A_443 : i32 to index
        %parallel_loop3A_446 = arith.index_cast %parallel_loop3A_408 : i32 to index
        %parallel_loop3A_447 = arith.index_cast %parallel_loop3A_426 : i32 to index
        %parallel_loop3A_448 = tpu.vector_load %arg7[%parallel_loop3A_444, %parallel_loop3A_445, %parallel_loop3A_446, %parallel_loop3A_447] {strides = array<i32>} : memref<2x8x32x32xf32, #tpu.memory_space<vmem>>, vector<16xf32>,
        tpu.vector_store %arg7[%parallel_loop3A_444, %parallel_loop3A_445, %parallel_loop3A_446, %parallel_loop3A_447], %parallel_loop3A_441 {strides = array<i32>} : memref<2x8x32x32xf32, #tpu.memory_space<vmem>>, vector<16xf32>,
        %parallel_loop3A_449 = arith.constant 9000 : i32
        %parallel_loop3A_450 = vector.broadcast %parallel_loop3A_449 : i32 to vector<16xi32>
        %parallel_loop3A_451 = arith.addi %parallel_loop3A_437, %parallel_loop3A_450 : vector<16xi32>
        %parallel_loop3A_452 = tpu.vector_load_idx %arg5[%parallel_loop3A_451] : memref<32000xf32, #tpu.memory_space<vmem>>[vector<16xi32>], vector<16xf32>,
        %parallel_loop3A_453 = arith.constant 1 : i32
        %parallel_loop3A_454 = arith.constant 1 : i32
        %parallel_loop3A_455 = arith.index_cast %parallel_loop3A_453 : i32 to index
        %parallel_loop3A_456 = arith.index_cast %parallel_loop3A_454 : i32 to index
        %parallel_loop3A_457 = arith.index_cast %parallel_loop3A_408 : i32 to index
        %parallel_loop3A_458 = arith.index_cast %parallel_loop3A_426 : i32 to index
        %parallel_loop3A_459 = tpu.vector_load %arg7[%parallel_loop3A_455, %parallel_loop3A_456, %parallel_loop3A_457, %parallel_loop3A_458] {strides = array<i32>} : memref<2x8x32x32xf32, #tpu.memory_space<vmem>>, vector<16xf32>,
        tpu.vector_store %arg7[%parallel_loop3A_455, %parallel_loop3A_456, %parallel_loop3A_457, %parallel_loop3A_458], %parallel_loop3A_452 {strides = array<i32>} : memref<2x8x32x32xf32, #tpu.memory_space<vmem>>, vector<16xf32>,
        %parallel_loop3A_460 = arith.constant 10000 : i32
        %parallel_loop3A_461 = vector.broadcast %parallel_loop3A_460 : i32 to vector<16xi32>
        %parallel_loop3A_462 = arith.addi %parallel_loop3A_437, %parallel_loop3A_461 : vector<16xi32>
        %parallel_loop3A_463 = tpu.vector_load_idx %arg5[%parallel_loop3A_462] : memref<32000xf32, #tpu.memory_space<vmem>>[vector<16xi32>], vector<16xf32>,
        %parallel_loop3A_464 = arith.constant 1 : i32
        %parallel_loop3A_465 = arith.constant 2 : i32
        %parallel_loop3A_466 = arith.index_cast %parallel_loop3A_464 : i32 to index
        %parallel_loop3A_467 = arith.index_cast %parallel_loop3A_465 : i32 to index
        %parallel_loop3A_468 = arith.index_cast %parallel_loop3A_408 : i32 to index
        %parallel_loop3A_469 = arith.index_cast %parallel_loop3A_426 : i32 to index
        %parallel_loop3A_470 = tpu.vector_load %arg7[%parallel_loop3A_466, %parallel_loop3A_467, %parallel_loop3A_468, %parallel_loop3A_469] {strides = array<i32>} : memref<2x8x32x32xf32, #tpu.memory_space<vmem>>, vector<16xf32>,
        tpu.vector_store %arg7[%parallel_loop3A_466, %parallel_loop3A_467, %parallel_loop3A_468, %parallel_loop3A_469], %parallel_loop3A_463 {strides = array<i32>} : memref<2x8x32x32xf32, #tpu.memory_space<vmem>>, vector<16xf32>,
        %parallel_loop3A_471 = arith.constant 11000 : i32
        %parallel_loop3A_472 = vector.broadcast %parallel_loop3A_471 : i32 to vector<16xi32>
        %parallel_loop3A_473 = arith.addi %parallel_loop3A_437, %parallel_loop3A_472 : vector<16xi32>
        %parallel_loop3A_474 = tpu.vector_load_idx %arg5[%parallel_loop3A_473] : memref<32000xf32, #tpu.memory_space<vmem>>[vector<16xi32>], vector<16xf32>,
        %parallel_loop3A_475 = arith.constant 1 : i32
        %parallel_loop3A_476 = arith.constant 3 : i32
        %parallel_loop3A_477 = arith.index_cast %parallel_loop3A_475 : i32 to index
        %parallel_loop3A_478 = arith.index_cast %parallel_loop3A_476 : i32 to index
        %parallel_loop3A_479 = arith.index_cast %parallel_loop3A_408 : i32 to index
        %parallel_loop3A_480 = arith.index_cast %parallel_loop3A_426 : i32 to index
        %parallel_loop3A_481 = tpu.vector_load %arg7[%parallel_loop3A_477, %parallel_loop3A_478, %parallel_loop3A_479, %parallel_loop3A_480] {strides = array<i32>} : memref<2x8x32x32xf32, #tpu.memory_space<vmem>>, vector<16xf32>,
        tpu.vector_store %arg7[%parallel_loop3A_477, %parallel_loop3A_478, %parallel_loop3A_479, %parallel_loop3A_480], %parallel_loop3A_474 {strides = array<i32>} : memref<2x8x32x32xf32, #tpu.memory_space<vmem>>, vector<16xf32>,
        %parallel_loop3A_482 = arith.constant 12000 : i32
        %parallel_loop3A_483 = vector.broadcast %parallel_loop3A_482 : i32 to vector<16xi32>
        %parallel_loop3A_484 = arith.addi %parallel_loop3A_437, %parallel_loop3A_483 : vector<16xi32>
        %parallel_loop3A_485 = tpu.vector_load_idx %arg5[%parallel_loop3A_484] : memref<32000xf32, #tpu.memory_space<vmem>>[vector<16xi32>], vector<16xf32>,
        %parallel_loop3A_486 = arith.constant 1 : i32
        %parallel_loop3A_487 = arith.constant 4 : i32
        %parallel_loop3A_488 = arith.index_cast %parallel_loop3A_486 : i32 to index
        %parallel_loop3A_489 = arith.index_cast %parallel_loop3A_487 : i32 to index
        %parallel_loop3A_490 = arith.index_cast %parallel_loop3A_408 : i32 to index
        %parallel_loop3A_491 = arith.index_cast %parallel_loop3A_426 : i32 to index
        %parallel_loop3A_492 = tpu.vector_load %arg7[%parallel_loop3A_488, %parallel_loop3A_489, %parallel_loop3A_490, %parallel_loop3A_491] {strides = array<i32>} : memref<2x8x32x32xf32, #tpu.memory_space<vmem>>, vector<16xf32>,
        tpu.vector_store %arg7[%parallel_loop3A_488, %parallel_loop3A_489, %parallel_loop3A_490, %parallel_loop3A_491], %parallel_loop3A_485 {strides = array<i32>} : memref<2x8x32x32xf32, #tpu.memory_space<vmem>>, vector<16xf32>,
        %parallel_loop3A_493 = arith.constant 13000 : i32
        %parallel_loop3A_494 = vector.broadcast %parallel_loop3A_493 : i32 to vector<16xi32>
        %parallel_loop3A_495 = arith.addi %parallel_loop3A_437, %parallel_loop3A_494 : vector<16xi32>
        %parallel_loop3A_496 = tpu.vector_load_idx %arg5[%parallel_loop3A_495] : memref<32000xf32, #tpu.memory_space<vmem>>[vector<16xi32>], vector<16xf32>,
        %parallel_loop3A_497 = arith.constant 1 : i32
        %parallel_loop3A_498 = arith.constant 5 : i32
        %parallel_loop3A_499 = arith.index_cast %parallel_loop3A_497 : i32 to index
        %parallel_loop3A_500 = arith.index_cast %parallel_loop3A_498 : i32 to index
        %parallel_loop3A_501 = arith.index_cast %parallel_loop3A_408 : i32 to index
        %parallel_loop3A_502 = arith.index_cast %parallel_loop3A_426 : i32 to index
        %parallel_loop3A_503 = tpu.vector_load %arg7[%parallel_loop3A_499, %parallel_loop3A_500, %parallel_loop3A_501, %parallel_loop3A_502] {strides = array<i32>} : memref<2x8x32x32xf32, #tpu.memory_space<vmem>>, vector<16xf32>,
        tpu.vector_store %arg7[%parallel_loop3A_499, %parallel_loop3A_500, %parallel_loop3A_501, %parallel_loop3A_502], %parallel_loop3A_496 {strides = array<i32>} : memref<2x8x32x32xf32, #tpu.memory_space<vmem>>, vector<16xf32>,
        %parallel_loop3A_504 = arith.constant 14000 : i32
        %parallel_loop3A_505 = vector.broadcast %parallel_loop3A_504 : i32 to vector<16xi32>
        %parallel_loop3A_506 = arith.addi %parallel_loop3A_437, %parallel_loop3A_505 : vector<16xi32>
        %parallel_loop3A_507 = tpu.vector_load_idx %arg5[%parallel_loop3A_506] : memref<32000xf32, #tpu.memory_space<vmem>>[vector<16xi32>], vector<16xf32>,
        %parallel_loop3A_508 = arith.constant 1 : i32
        %parallel_loop3A_509 = arith.constant 6 : i32
        %parallel_loop3A_510 = arith.index_cast %parallel_loop3A_508 : i32 to index
        %parallel_loop3A_511 = arith.index_cast %parallel_loop3A_509 : i32 to index
        %parallel_loop3A_512 = arith.index_cast %parallel_loop3A_408 : i32 to index
        %parallel_loop3A_513 = arith.index_cast %parallel_loop3A_426 : i32 to index
        %parallel_loop3A_514 = tpu.vector_load %arg7[%parallel_loop3A_510, %parallel_loop3A_511, %parallel_loop3A_512, %parallel_loop3A_513] {strides = array<i32>} : memref<2x8x32x32xf32, #tpu.memory_space<vmem>>, vector<16xf32>,
        tpu.vector_store %arg7[%parallel_loop3A_510, %parallel_loop3A_511, %parallel_loop3A_512, %parallel_loop3A_513], %parallel_loop3A_507 {strides = array<i32>} : memref<2x8x32x32xf32, #tpu.memory_space<vmem>>, vector<16xf32>,
        %parallel_loop3A_515 = arith.constant 15000 : i32
        %parallel_loop3A_516 = vector.broadcast %parallel_loop3A_515 : i32 to vector<16xi32>
        %parallel_loop3A_517 = arith.addi %parallel_loop3A_437, %parallel_loop3A_516 : vector<16xi32>
        %parallel_loop3A_518 = tpu.vector_load_idx %arg5[%parallel_loop3A_517] : memref<32000xf32, #tpu.memory_space<vmem>>[vector<16xi32>], vector<16xf32>,
        %parallel_loop3A_519 = arith.constant 1 : i32
        %parallel_loop3A_520 = arith.constant 7 : i32
        %parallel_loop3A_521 = arith.index_cast %parallel_loop3A_519 : i32 to index
        %parallel_loop3A_522 = arith.index_cast %parallel_loop3A_520 : i32 to index
        %parallel_loop3A_523 = arith.index_cast %parallel_loop3A_408 : i32 to index
        %parallel_loop3A_524 = arith.index_cast %parallel_loop3A_426 : i32 to index
        %parallel_loop3A_525 = tpu.vector_load %arg7[%parallel_loop3A_521, %parallel_loop3A_522, %parallel_loop3A_523, %parallel_loop3A_524] {strides = array<i32>} : memref<2x8x32x32xf32, #tpu.memory_space<vmem>>, vector<16xf32>,
        tpu.vector_store %arg7[%parallel_loop3A_521, %parallel_loop3A_522, %parallel_loop3A_523, %parallel_loop3A_524], %parallel_loop3A_518 {strides = array<i32>} : memref<2x8x32x32xf32, #tpu.memory_space<vmem>>, vector<16xf32>,
      } {sc.loop_unroll_factor = 2 : i64, sc.parallel_access}
      %dma_start3A_147 = arith.constant 1 : i32
      %dma_start3A_148 = arith.constant 0 : i32
      %dma_start3A_149 = arith.constant 0 : i32
      %dma_start3A_150 = arith.constant 0 : i32
      %dma_start3A_151 = tpu.memref_slice %arg7[%dma_start3A_147, %dma_start3A_148, %dma_start3A_149, %dma_start3A_150] : memref<2x8x32x32xf32, #tpu.memory_space<vmem>> -> memref<1x8x32x32xf32, #tpu.memory_space<vmem>>
      %dma_start3A_152 = tpu.memref_squeeze %dma_start3A_151 : memref<1x8x32x32xf32, #tpu.memory_space<vmem>> -> memref<8x32x32xf32, #tpu.memory_space<vmem>>
      %dma_start3A_153 = arith.constant 8 : i32
      %dma_start3A_154 = arith.constant 0 : i32
      %dma_start3A_155 = arith.constant 0 : i32
      %dma_start3A_156 = tpu.memref_slice %arg4[%add3A_91, %dma_start3A_153, %add3A, %dma_start3A_154, %dma_start3A_155] : memref<16x32x32x32x32xf32, #tpu.memory_space<hbm>> -> memref<1x8x1x32x32xf32, #tpu.memory_space<hbm>>
      %dma_start3A_157 = tpu.memref_squeeze %dma_start3A_156 : memref<1x8x1x32x32xf32, #tpu.memory_space<hbm>> -> memref<8x32x32xf32, #tpu.memory_space<hbm>>
      %dma_start3A_158 = arith.constant 8 : i32
      %dma_start3A_159 = arith.constant 0 : i32
      %dma_start3A_160 = arith.constant 0 : i32
      %dma_start3A_161 = tpu.memref_slice %arg4[%add3A_91, %dma_start3A_158, %add3A, %dma_start3A_159, %dma_start3A_160] : memref<16x32x32x32x32xf32, #tpu.memory_space<hbm>> -> memref<1x8x1x32x32xf32, #tpu.memory_space<hbm>>
      %dma_start3A_162 = tpu.memref_squeeze %dma_start3A_161 : memref<1x8x1x32x32xf32, #tpu.memory_space<hbm>> -> memref<8x32x32xf32, #tpu.memory_space<hbm>>
      %dma_start3A_163 = arith.constant 0 : i32
      %dma_start3A_164 = arith.constant 0 : i32
      %dma_start3A_165 = arith.constant 0 : i32
      %dma_start3A_166 = tpu.memref_slice %arg7[%dma_start3A_147, %dma_start3A_163, %dma_start3A_164, %dma_start3A_165] : memref<2x8x32x32xf32, #tpu.memory_space<vmem>> -> memref<1x8x32x32xf32, #tpu.memory_space<vmem>>
      %dma_start3A_167 = tpu.memref_squeeze %dma_start3A_166 : memref<1x8x32x32xf32, #tpu.memory_space<vmem>> -> memref<8x32x32xf32, #tpu.memory_space<vmem>>
      tpu.enqueue_dma source(%dma_start3A_167 : memref<8x32x32xf32, #tpu.memory_space<vmem>>) target(%dma_start3A_162 : memref<8x32x32xf32, #tpu.memory_space<hbm>>) target_semaphore(%arg11 : memref<!tpu.dma_semaphore, #tpu.memory_space<semaphore_mem>>)
      %gt3A_168 = arith.constant 0 : i32
      %gt3A_169 = arith.cmpi sgt, %add3A_89, %gt3A_168 : i32
      %or3A_170 = arith.constant true
      %or3A_171 = arith.ori %gt3A_169, %or3A_170 : i1
      %convert_element_type3A_172 = arith.extui %or3A_171 : i1 to i32
      %cond3A_173 = arith.constant 0 : i32
      %cond3A_174 = arith.cmpi ne, %convert_element_type3A_172, %cond3A_173 : i32
      scf.if %cond3A_174 {
        %dma_wait3A_384 = arith.constant 0 : i32
        %dma_wait3A_385 = arith.constant 0 : i32
        %dma_wait3A_386 = arith.constant 0 : i32
        %dma_wait3A_387 = arith.constant 0 : i32
        %dma_wait3A_388 = arith.constant 0 : i32
        %dma_wait3A_389 = arith.constant 0 : i32
        %dma_wait3A_390 = tpu.memref_slice %arg7[%dma_wait3A_384, %dma_wait3A_387, %dma_wait3A_388, %dma_wait3A_389] : memref<2x8x32x32xf32, #tpu.memory_space<vmem>> -> memref<1x8x32x32xf32, #tpu.memory_space<vmem>>
        %dma_wait3A_391 = tpu.memref_squeeze %dma_wait3A_390 : memref<1x8x32x32xf32, #tpu.memory_space<vmem>> -> memref<8x32x32xf32, #tpu.memory_space<vmem>>
        %dma_wait3A_392 = arith.constant 0 : i32
        %dma_wait3A_393 = arith.constant 0 : i32
        %dma_wait3A_394 = arith.constant 0 : i32
        %dma_wait3A_395 = tpu.memref_slice %arg4[%dma_wait3A_385, %dma_wait3A_392, %dma_wait3A_386, %dma_wait3A_393, %dma_wait3A_394] : memref<16x32x32x32x32xf32, #tpu.memory_space<hbm>> -> memref<1x8x1x32x32xf32, #tpu.memory_space<hbm>>
        %dma_wait3A_396 = tpu.memref_squeeze %dma_wait3A_395 : memref<1x8x1x32x32xf32, #tpu.memory_space<hbm>> -> memref<8x32x32xf32, #tpu.memory_space<hbm>>
        %dma_wait3A_397 = arith.constant 0 : i32
        %dma_wait3A_398 = arith.constant 0 : i32
        %dma_wait3A_399 = arith.constant 0 : i32
        %dma_wait3A_400 = tpu.memref_slice %arg4[%dma_wait3A_385, %dma_wait3A_397, %dma_wait3A_386, %dma_wait3A_398, %dma_wait3A_399] : memref<16x32x32x32x32xf32, #tpu.memory_space<hbm>> -> memref<1x8x1x32x32xf32, #tpu.memory_space<hbm>>
        %dma_wait3A_401 = tpu.memref_squeeze %dma_wait3A_400 : memref<1x8x1x32x32xf32, #tpu.memory_space<hbm>> -> memref<8x32x32xf32, #tpu.memory_space<hbm>>
        %dma_wait3A_402 = arith.constant 0 : i32
        %dma_wait3A_403 = arith.constant 0 : i32
        %dma_wait3A_404 = arith.constant 0 : i32
        %dma_wait3A_405 = tpu.memref_slice %arg7[%dma_wait3A_384, %dma_wait3A_402, %dma_wait3A_403, %dma_wait3A_404] : memref<2x8x32x32xf32, #tpu.memory_space<vmem>> -> memref<1x8x32x32xf32, #tpu.memory_space<vmem>>
        %dma_wait3A_406 = tpu.memref_squeeze %dma_wait3A_405 : memref<1x8x32x32xf32, #tpu.memory_space<vmem>> -> memref<8x32x32xf32, #tpu.memory_space<vmem>>
        tpu.wait_dma2 semaphore(%arg10 : memref<!tpu.dma_semaphore, #tpu.memory_space<semaphore_mem>>) src(%dma_wait3A_406 : memref<8x32x32xf32, #tpu.memory_space<vmem>>) dst(%dma_wait3A_401 : memref<8x32x32xf32, #tpu.memory_space<hbm>>)
      } else {
      }
      %parallel_loop3A_175 = arith.constant 0 : i32
      %parallel_loop3A_176 = arith.constant 64 : i32
      %parallel_loop3A_177 = arith.constant 1 : i32
      scf.for %parallel_loop3A_384 = %parallel_loop3A_175 to %parallel_loop3A_176 step %parallel_loop3A_177  : i32 {
        %parallel_loop3A_385 = arith.constant 2 : i32
        %parallel_loop3A_386 = arith.divsi %parallel_loop3A_384, %parallel_loop3A_385 : i32
        %parallel_loop3A_387 = arith.constant 0 : i32
        %parallel_loop3A_388 = arith.cmpi sgt, %parallel_loop3A_384, %parallel_loop3A_387 : i32
        %parallel_loop3A_389 = arith.extui %parallel_loop3A_388 : i1 to i32
        %parallel_loop3A_390 = arith.constant 0 : i32
        %parallel_loop3A_391 = arith.cmpi slt, %parallel_loop3A_384, %parallel_loop3A_390 : i32
        %parallel_loop3A_392 = arith.extui %parallel_loop3A_391 : i1 to i32
        %parallel_loop3A_393 = arith.subi %parallel_loop3A_389, %parallel_loop3A_392 : i32
        %parallel_loop3A_394 = arith.constant 0 : i32
        %parallel_loop3A_395 = arith.cmpi sgt, %parallel_loop3A_385, %parallel_loop3A_394 : i32
        %parallel_loop3A_396 = arith.extui %parallel_loop3A_395 : i1 to i32
        %parallel_loop3A_397 = arith.constant 0 : i32
        %parallel_loop3A_398 = arith.cmpi slt, %parallel_loop3A_385, %parallel_loop3A_397 : i32
        %parallel_loop3A_399 = arith.extui %parallel_loop3A_398 : i1 to i32
        %parallel_loop3A_400 = arith.subi %parallel_loop3A_396, %parallel_loop3A_399 : i32
        %parallel_loop3A_401 = arith.cmpi ne, %parallel_loop3A_393, %parallel_loop3A_400 : i32
        %parallel_loop3A_402 = arith.remsi %parallel_loop3A_384, %parallel_loop3A_385 : i32
        %parallel_loop3A_403 = arith.constant 0 : i32
        %parallel_loop3A_404 = arith.cmpi ne, %parallel_loop3A_402, %parallel_loop3A_403 : i32
        %parallel_loop3A_405 = arith.andi %parallel_loop3A_401, %parallel_loop3A_404 : i1
        %parallel_loop3A_406 = arith.constant 1 : i32
        %parallel_loop3A_407 = arith.subi %parallel_loop3A_386, %parallel_loop3A_406 : i32
        %parallel_loop3A_408 = arith.select %parallel_loop3A_405, %parallel_loop3A_407, %parallel_loop3A_386 : i32
        %parallel_loop3A_409 = arith.constant 2 : i32
        %parallel_loop3A_410 = arith.constant 0 : i32
        %parallel_loop3A_411 = arith.cmpi eq, %parallel_loop3A_409, %parallel_loop3A_410 : i32
        %parallel_loop3A_412 = arith.constant 1 : i32
        %parallel_loop3A_413 = arith.select %parallel_loop3A_411, %parallel_loop3A_412, %parallel_loop3A_409 : i32
        %parallel_loop3A_414 = arith.remsi %parallel_loop3A_384, %parallel_loop3A_413 : i32
        %parallel_loop3A_415 = arith.constant 0 : i32
        %parallel_loop3A_416 = arith.cmpi ne, %parallel_loop3A_414, %parallel_loop3A_415 : i32
        %parallel_loop3A_417 = arith.constant 0 : i32
        %parallel_loop3A_418 = arith.cmpi slt, %parallel_loop3A_414, %parallel_loop3A_417 : i32
        %parallel_loop3A_419 = arith.constant 0 : i32
        %parallel_loop3A_420 = arith.cmpi slt, %parallel_loop3A_413, %parallel_loop3A_419 : i32
        %parallel_loop3A_421 = arith.xori %parallel_loop3A_418, %parallel_loop3A_420 : i1
        %parallel_loop3A_422 = arith.andi %parallel_loop3A_421, %parallel_loop3A_416 : i1
        %parallel_loop3A_423 = arith.addi %parallel_loop3A_414, %parallel_loop3A_413 : i32
        %parallel_loop3A_424 = arith.select %parallel_loop3A_422, %parallel_loop3A_423, %parallel_loop3A_414 : i32
        %parallel_loop3A_425 = arith.constant 16 : i32
        %parallel_loop3A_426 = arith.muli %parallel_loop3A_424, %parallel_loop3A_425 : i32
        %parallel_loop3A_427 = arith.constant 0 : i32
        %parallel_loop3A_428 = arith.index_cast %parallel_loop3A_427 : i32 to index
        %parallel_loop3A_429 = arith.index_cast %parallel_loop3A_408 : i32 to index
        %parallel_loop3A_430 = arith.index_cast %parallel_loop3A_426 : i32 to index
        %parallel_loop3A_431 = tpu.vector_load %arg6[%parallel_loop3A_428, %parallel_loop3A_429, %parallel_loop3A_430] {strides = array<i32>} : memref<2x32x32xi32, #tpu.memory_space<vmem>>, vector<16xi32>,
        %parallel_loop3A_432 = arith.constant 0 : i32
        %parallel_loop3A_433 = vector.broadcast %parallel_loop3A_432 : i32 to vector<16xi32>
        %parallel_loop3A_434 = arith.maxsi %parallel_loop3A_431, %parallel_loop3A_433 : vector<16xi32>
        %parallel_loop3A_435 = arith.constant 999 : i32
        %parallel_loop3A_436 = vector.broadcast %parallel_loop3A_435 : i32 to vector<16xi32>
        %parallel_loop3A_437 = arith.minsi %parallel_loop3A_434, %parallel_loop3A_436 : vector<16xi32>
        %parallel_loop3A_438 = arith.constant 16000 : i32
        %parallel_loop3A_439 = vector.broadcast %parallel_loop3A_438 : i32 to vector<16xi32>
        %parallel_loop3A_440 = arith.addi %parallel_loop3A_437, %parallel_loop3A_439 : vector<16xi32>
        %parallel_loop3A_441 = tpu.vector_load_idx %arg5[%parallel_loop3A_440] : memref<32000xf32, #tpu.memory_space<vmem>>[vector<16xi32>], vector<16xf32>,
        %parallel_loop3A_442 = arith.constant 0 : i32
        %parallel_loop3A_443 = arith.constant 0 : i32
        %parallel_loop3A_444 = arith.index_cast %parallel_loop3A_442 : i32 to index
        %parallel_loop3A_445 = arith.index_cast %parallel_loop3A_443 : i32 to index
        %parallel_loop3A_446 = arith.index_cast %parallel_loop3A_408 : i32 to index
        %parallel_loop3A_447 = arith.index_cast %parallel_loop3A_426 : i32 to index
        %parallel_loop3A_448 = tpu.vector_load %arg7[%parallel_loop3A_444, %parallel_loop3A_445, %parallel_loop3A_446, %parallel_loop3A_447] {strides = array<i32>} : memref<2x8x32x32xf32, #tpu.memory_space<vmem>>, vector<16xf32>,
        tpu.vector_store %arg7[%parallel_loop3A_444, %parallel_loop3A_445, %parallel_loop3A_446, %parallel_loop3A_447], %parallel_loop3A_441 {strides = array<i32>} : memref<2x8x32x32xf32, #tpu.memory_space<vmem>>, vector<16xf32>,
        %parallel_loop3A_449 = arith.constant 17000 : i32
        %parallel_loop3A_450 = vector.broadcast %parallel_loop3A_449 : i32 to vector<16xi32>
        %parallel_loop3A_451 = arith.addi %parallel_loop3A_437, %parallel_loop3A_450 : vector<16xi32>
        %parallel_loop3A_452 = tpu.vector_load_idx %arg5[%parallel_loop3A_451] : memref<32000xf32, #tpu.memory_space<vmem>>[vector<16xi32>], vector<16xf32>,
        %parallel_loop3A_453 = arith.constant 0 : i32
        %parallel_loop3A_454 = arith.constant 1 : i32
        %parallel_loop3A_455 = arith.index_cast %parallel_loop3A_453 : i32 to index
        %parallel_loop3A_456 = arith.index_cast %parallel_loop3A_454 : i32 to index
        %parallel_loop3A_457 = arith.index_cast %parallel_loop3A_408 : i32 to index
        %parallel_loop3A_458 = arith.index_cast %parallel_loop3A_426 : i32 to index
        %parallel_loop3A_459 = tpu.vector_load %arg7[%parallel_loop3A_455, %parallel_loop3A_456, %parallel_loop3A_457, %parallel_loop3A_458] {strides = array<i32>} : memref<2x8x32x32xf32, #tpu.memory_space<vmem>>, vector<16xf32>,
        tpu.vector_store %arg7[%parallel_loop3A_455, %parallel_loop3A_456, %parallel_loop3A_457, %parallel_loop3A_458], %parallel_loop3A_452 {strides = array<i32>} : memref<2x8x32x32xf32, #tpu.memory_space<vmem>>, vector<16xf32>,
        %parallel_loop3A_460 = arith.constant 18000 : i32
        %parallel_loop3A_461 = vector.broadcast %parallel_loop3A_460 : i32 to vector<16xi32>
        %parallel_loop3A_462 = arith.addi %parallel_loop3A_437, %parallel_loop3A_461 : vector<16xi32>
        %parallel_loop3A_463 = tpu.vector_load_idx %arg5[%parallel_loop3A_462] : memref<32000xf32, #tpu.memory_space<vmem>>[vector<16xi32>], vector<16xf32>,
        %parallel_loop3A_464 = arith.constant 0 : i32
        %parallel_loop3A_465 = arith.constant 2 : i32
        %parallel_loop3A_466 = arith.index_cast %parallel_loop3A_464 : i32 to index
        %parallel_loop3A_467 = arith.index_cast %parallel_loop3A_465 : i32 to index
        %parallel_loop3A_468 = arith.index_cast %parallel_loop3A_408 : i32 to index
        %parallel_loop3A_469 = arith.index_cast %parallel_loop3A_426 : i32 to index
        %parallel_loop3A_470 = tpu.vector_load %arg7[%parallel_loop3A_466, %parallel_loop3A_467, %parallel_loop3A_468, %parallel_loop3A_469] {strides = array<i32>} : memref<2x8x32x32xf32, #tpu.memory_space<vmem>>, vector<16xf32>,
        tpu.vector_store %arg7[%parallel_loop3A_466, %parallel_loop3A_467, %parallel_loop3A_468, %parallel_loop3A_469], %parallel_loop3A_463 {strides = array<i32>} : memref<2x8x32x32xf32, #tpu.memory_space<vmem>>, vector<16xf32>,
        %parallel_loop3A_471 = arith.constant 19000 : i32
        %parallel_loop3A_472 = vector.broadcast %parallel_loop3A_471 : i32 to vector<16xi32>
        %parallel_loop3A_473 = arith.addi %parallel_loop3A_437, %parallel_loop3A_472 : vector<16xi32>
        %parallel_loop3A_474 = tpu.vector_load_idx %arg5[%parallel_loop3A_473] : memref<32000xf32, #tpu.memory_space<vmem>>[vector<16xi32>], vector<16xf32>,
        %parallel_loop3A_475 = arith.constant 0 : i32
        %parallel_loop3A_476 = arith.constant 3 : i32
        %parallel_loop3A_477 = arith.index_cast %parallel_loop3A_475 : i32 to index
        %parallel_loop3A_478 = arith.index_cast %parallel_loop3A_476 : i32 to index
        %parallel_loop3A_479 = arith.index_cast %parallel_loop3A_408 : i32 to index
        %parallel_loop3A_480 = arith.index_cast %parallel_loop3A_426 : i32 to index
        %parallel_loop3A_481 = tpu.vector_load %arg7[%parallel_loop3A_477, %parallel_loop3A_478, %parallel_loop3A_479, %parallel_loop3A_480] {strides = array<i32>} : memref<2x8x32x32xf32, #tpu.memory_space<vmem>>, vector<16xf32>,
        tpu.vector_store %arg7[%parallel_loop3A_477, %parallel_loop3A_478, %parallel_loop3A_479, %parallel_loop3A_480], %parallel_loop3A_474 {strides = array<i32>} : memref<2x8x32x32xf32, #tpu.memory_space<vmem>>, vector<16xf32>,
        %parallel_loop3A_482 = arith.constant 20000 : i32
        %parallel_loop3A_483 = vector.broadcast %parallel_loop3A_482 : i32 to vector<16xi32>
        %parallel_loop3A_484 = arith.addi %parallel_loop3A_437, %parallel_loop3A_483 : vector<16xi32>
        %parallel_loop3A_485 = tpu.vector_load_idx %arg5[%parallel_loop3A_484] : memref<32000xf32, #tpu.memory_space<vmem>>[vector<16xi32>], vector<16xf32>,
        %parallel_loop3A_486 = arith.constant 0 : i32
        %parallel_loop3A_487 = arith.constant 4 : i32
        %parallel_loop3A_488 = arith.index_cast %parallel_loop3A_486 : i32 to index
        %parallel_loop3A_489 = arith.index_cast %parallel_loop3A_487 : i32 to index
        %parallel_loop3A_490 = arith.index_cast %parallel_loop3A_408 : i32 to index
        %parallel_loop3A_491 = arith.index_cast %parallel_loop3A_426 : i32 to index
        %parallel_loop3A_492 = tpu.vector_load %arg7[%parallel_loop3A_488, %parallel_loop3A_489, %parallel_loop3A_490, %parallel_loop3A_491] {strides = array<i32>} : memref<2x8x32x32xf32, #tpu.memory_space<vmem>>, vector<16xf32>,
        tpu.vector_store %arg7[%parallel_loop3A_488, %parallel_loop3A_489, %parallel_loop3A_490, %parallel_loop3A_491], %parallel_loop3A_485 {strides = array<i32>} : memref<2x8x32x32xf32, #tpu.memory_space<vmem>>, vector<16xf32>,
        %parallel_loop3A_493 = arith.constant 21000 : i32
        %parallel_loop3A_494 = vector.broadcast %parallel_loop3A_493 : i32 to vector<16xi32>
        %parallel_loop3A_495 = arith.addi %parallel_loop3A_437, %parallel_loop3A_494 : vector<16xi32>
        %parallel_loop3A_496 = tpu.vector_load_idx %arg5[%parallel_loop3A_495] : memref<32000xf32, #tpu.memory_space<vmem>>[vector<16xi32>], vector<16xf32>,
        %parallel_loop3A_497 = arith.constant 0 : i32
        %parallel_loop3A_498 = arith.constant 5 : i32
        %parallel_loop3A_499 = arith.index_cast %parallel_loop3A_497 : i32 to index
        %parallel_loop3A_500 = arith.index_cast %parallel_loop3A_498 : i32 to index
        %parallel_loop3A_501 = arith.index_cast %parallel_loop3A_408 : i32 to index
        %parallel_loop3A_502 = arith.index_cast %parallel_loop3A_426 : i32 to index
        %parallel_loop3A_503 = tpu.vector_load %arg7[%parallel_loop3A_499, %parallel_loop3A_500, %parallel_loop3A_501, %parallel_loop3A_502] {strides = array<i32>} : memref<2x8x32x32xf32, #tpu.memory_space<vmem>>, vector<16xf32>,
        tpu.vector_store %arg7[%parallel_loop3A_499, %parallel_loop3A_500, %parallel_loop3A_501, %parallel_loop3A_502], %parallel_loop3A_496 {strides = array<i32>} : memref<2x8x32x32xf32, #tpu.memory_space<vmem>>, vector<16xf32>,
        %parallel_loop3A_504 = arith.constant 22000 : i32
        %parallel_loop3A_505 = vector.broadcast %parallel_loop3A_504 : i32 to vector<16xi32>
        %parallel_loop3A_506 = arith.addi %parallel_loop3A_437, %parallel_loop3A_505 : vector<16xi32>
        %parallel_loop3A_507 = tpu.vector_load_idx %arg5[%parallel_loop3A_506] : memref<32000xf32, #tpu.memory_space<vmem>>[vector<16xi32>], vector<16xf32>,
        %parallel_loop3A_508 = arith.constant 0 : i32
        %parallel_loop3A_509 = arith.constant 6 : i32
        %parallel_loop3A_510 = arith.index_cast %parallel_loop3A_508 : i32 to index
        %parallel_loop3A_511 = arith.index_cast %parallel_loop3A_509 : i32 to index
        %parallel_loop3A_512 = arith.index_cast %parallel_loop3A_408 : i32 to index
        %parallel_loop3A_513 = arith.index_cast %parallel_loop3A_426 : i32 to index
        %parallel_loop3A_514 = tpu.vector_load %arg7[%parallel_loop3A_510, %parallel_loop3A_511, %parallel_loop3A_512, %parallel_loop3A_513] {strides = array<i32>} : memref<2x8x32x32xf32, #tpu.memory_space<vmem>>, vector<16xf32>,
        tpu.vector_store %arg7[%parallel_loop3A_510, %parallel_loop3A_511, %parallel_loop3A_512, %parallel_loop3A_513], %parallel_loop3A_507 {strides = array<i32>} : memref<2x8x32x32xf32, #tpu.memory_space<vmem>>, vector<16xf32>,
        %parallel_loop3A_515 = arith.constant 23000 : i32
        %parallel_loop3A_516 = vector.broadcast %parallel_loop3A_515 : i32 to vector<16xi32>
        %parallel_loop3A_517 = arith.addi %parallel_loop3A_437, %parallel_loop3A_516 : vector<16xi32>
        %parallel_loop3A_518 = tpu.vector_load_idx %arg5[%parallel_loop3A_517] : memref<32000xf32, #tpu.memory_space<vmem>>[vector<16xi32>], vector<16xf32>,
        %parallel_loop3A_519 = arith.constant 0 : i32
        %parallel_loop3A_520 = arith.constant 7 : i32
        %parallel_loop3A_521 = arith.index_cast %parallel_loop3A_519 : i32 to index
        %parallel_loop3A_522 = arith.index_cast %parallel_loop3A_520 : i32 to index
        %parallel_loop3A_523 = arith.index_cast %parallel_loop3A_408 : i32 to index
        %parallel_loop3A_524 = arith.index_cast %parallel_loop3A_426 : i32 to index
        %parallel_loop3A_525 = tpu.vector_load %arg7[%parallel_loop3A_521, %parallel_loop3A_522, %parallel_loop3A_523, %parallel_loop3A_524] {strides = array<i32>} : memref<2x8x32x32xf32, #tpu.memory_space<vmem>>, vector<16xf32>,
        tpu.vector_store %arg7[%parallel_loop3A_521, %parallel_loop3A_522, %parallel_loop3A_523, %parallel_loop3A_524], %parallel_loop3A_518 {strides = array<i32>} : memref<2x8x32x32xf32, #tpu.memory_space<vmem>>, vector<16xf32>,
      } {sc.loop_unroll_factor = 2 : i64, sc.parallel_access}
      %dma_start3A_178 = arith.constant 0 : i32
      %dma_start3A_179 = arith.constant 0 : i32
      %dma_start3A_180 = arith.constant 0 : i32
      %dma_start3A_181 = arith.constant 0 : i32
      %dma_start3A_182 = tpu.memref_slice %arg7[%dma_start3A_178, %dma_start3A_179, %dma_start3A_180, %dma_start3A_181] : memref<2x8x32x32xf32, #tpu.memory_space<vmem>> -> memref<1x8x32x32xf32, #tpu.memory_space<vmem>>
      %dma_start3A_183 = tpu.memref_squeeze %dma_start3A_182 : memref<1x8x32x32xf32, #tpu.memory_space<vmem>> -> memref<8x32x32xf32, #tpu.memory_space<vmem>>
      %dma_start3A_184 = arith.constant 16 : i32
      %dma_start3A_185 = arith.constant 0 : i32
      %dma_start3A_186 = arith.constant 0 : i32
      %dma_start3A_187 = tpu.memref_slice %arg4[%add3A_91, %dma_start3A_184, %add3A, %dma_start3A_185, %dma_start3A_186] : memref<16x32x32x32x32xf32, #tpu.memory_space<hbm>> -> memref<1x8x1x32x32xf32, #tpu.memory_space<hbm>>
      %dma_start3A_188 = tpu.memref_squeeze %dma_start3A_187 : memref<1x8x1x32x32xf32, #tpu.memory_space<hbm>> -> memref<8x32x32xf32, #tpu.memory_space<hbm>>
      %dma_start3A_189 = arith.constant 16 : i32
      %dma_start3A_190 = arith.constant 0 : i32
      %dma_start3A_191 = arith.constant 0 : i32
      %dma_start3A_192 = tpu.memref_slice %arg4[%add3A_91, %dma_start3A_189, %add3A, %dma_start3A_190, %dma_start3A_191] : memref<16x32x32x32x32xf32, #tpu.memory_space<hbm>> -> memref<1x8x1x32x32xf32, #tpu.memory_space<hbm>>
      %dma_start3A_193 = tpu.memref_squeeze %dma_start3A_192 : memref<1x8x1x32x32xf32, #tpu.memory_space<hbm>> -> memref<8x32x32xf32, #tpu.memory_space<hbm>>
      %dma_start3A_194 = arith.constant 0 : i32
      %dma_start3A_195 = arith.constant 0 : i32
      %dma_start3A_196 = arith.constant 0 : i32
      %dma_start3A_197 = tpu.memref_slice %arg7[%dma_start3A_178, %dma_start3A_194, %dma_start3A_195, %dma_start3A_196] : memref<2x8x32x32xf32, #tpu.memory_space<vmem>> -> memref<1x8x32x32xf32, #tpu.memory_space<vmem>>
      %dma_start3A_198 = tpu.memref_squeeze %dma_start3A_197 : memref<1x8x32x32xf32, #tpu.memory_space<vmem>> -> memref<8x32x32xf32, #tpu.memory_space<vmem>>
      tpu.enqueue_dma source(%dma_start3A_198 : memref<8x32x32xf32, #tpu.memory_space<vmem>>) target(%dma_start3A_193 : memref<8x32x32xf32, #tpu.memory_space<hbm>>) target_semaphore(%arg10 : memref<!tpu.dma_semaphore, #tpu.memory_space<semaphore_mem>>)
      %gt3A_199 = arith.constant 0 : i32
      %gt3A_200 = arith.cmpi sgt, %add3A_89, %gt3A_199 : i32
      %or3A_201 = arith.constant true
      %or3A_202 = arith.ori %gt3A_200, %or3A_201 : i1
      %convert_element_type3A_203 = arith.extui %or3A_202 : i1 to i32
      %cond3A_204 = arith.constant 0 : i32
      %cond3A_205 = arith.cmpi ne, %convert_element_type3A_203, %cond3A_204 : i32
      scf.if %cond3A_205 {
        %dma_wait3A_384 = arith.constant 1 : i32
        %dma_wait3A_385 = arith.constant 0 : i32
        %dma_wait3A_386 = arith.constant 0 : i32
        %dma_wait3A_387 = arith.constant 0 : i32
        %dma_wait3A_388 = arith.constant 0 : i32
        %dma_wait3A_389 = arith.constant 0 : i32
        %dma_wait3A_390 = tpu.memref_slice %arg7[%dma_wait3A_384, %dma_wait3A_387, %dma_wait3A_388, %dma_wait3A_389] : memref<2x8x32x32xf32, #tpu.memory_space<vmem>> -> memref<1x8x32x32xf32, #tpu.memory_space<vmem>>
        %dma_wait3A_391 = tpu.memref_squeeze %dma_wait3A_390 : memref<1x8x32x32xf32, #tpu.memory_space<vmem>> -> memref<8x32x32xf32, #tpu.memory_space<vmem>>
        %dma_wait3A_392 = arith.constant 0 : i32
        %dma_wait3A_393 = arith.constant 0 : i32
        %dma_wait3A_394 = arith.constant 0 : i32
        %dma_wait3A_395 = tpu.memref_slice %arg4[%dma_wait3A_385, %dma_wait3A_392, %dma_wait3A_386, %dma_wait3A_393, %dma_wait3A_394] : memref<16x32x32x32x32xf32, #tpu.memory_space<hbm>> -> memref<1x8x1x32x32xf32, #tpu.memory_space<hbm>>
        %dma_wait3A_396 = tpu.memref_squeeze %dma_wait3A_395 : memref<1x8x1x32x32xf32, #tpu.memory_space<hbm>> -> memref<8x32x32xf32, #tpu.memory_space<hbm>>
        %dma_wait3A_397 = arith.constant 0 : i32
        %dma_wait3A_398 = arith.constant 0 : i32
        %dma_wait3A_399 = arith.constant 0 : i32
        %dma_wait3A_400 = tpu.memref_slice %arg4[%dma_wait3A_385, %dma_wait3A_397, %dma_wait3A_386, %dma_wait3A_398, %dma_wait3A_399] : memref<16x32x32x32x32xf32, #tpu.memory_space<hbm>> -> memref<1x8x1x32x32xf32, #tpu.memory_space<hbm>>
        %dma_wait3A_401 = tpu.memref_squeeze %dma_wait3A_400 : memref<1x8x1x32x32xf32, #tpu.memory_space<hbm>> -> memref<8x32x32xf32, #tpu.memory_space<hbm>>
        %dma_wait3A_402 = arith.constant 0 : i32
        %dma_wait3A_403 = arith.constant 0 : i32
        %dma_wait3A_404 = arith.constant 0 : i32
        %dma_wait3A_405 = tpu.memref_slice %arg7[%dma_wait3A_384, %dma_wait3A_402, %dma_wait3A_403, %dma_wait3A_404] : memref<2x8x32x32xf32, #tpu.memory_space<vmem>> -> memref<1x8x32x32xf32, #tpu.memory_space<vmem>>
        %dma_wait3A_406 = tpu.memref_squeeze %dma_wait3A_405 : memref<1x8x32x32xf32, #tpu.memory_space<vmem>> -> memref<8x32x32xf32, #tpu.memory_space<vmem>>
        tpu.wait_dma2 semaphore(%arg11 : memref<!tpu.dma_semaphore, #tpu.memory_space<semaphore_mem>>) src(%dma_wait3A_406 : memref<8x32x32xf32, #tpu.memory_space<vmem>>) dst(%dma_wait3A_401 : memref<8x32x32xf32, #tpu.memory_space<hbm>>)
      } else {
      }
      %parallel_loop3A_206 = arith.constant 0 : i32
      %parallel_loop3A_207 = arith.constant 64 : i32
      %parallel_loop3A_208 = arith.constant 1 : i32
      scf.for %parallel_loop3A_384 = %parallel_loop3A_206 to %parallel_loop3A_207 step %parallel_loop3A_208  : i32 {
        %parallel_loop3A_385 = arith.constant 2 : i32
        %parallel_loop3A_386 = arith.divsi %parallel_loop3A_384, %parallel_loop3A_385 : i32
        %parallel_loop3A_387 = arith.constant 0 : i32
        %parallel_loop3A_388 = arith.cmpi sgt, %parallel_loop3A_384, %parallel_loop3A_387 : i32
        %parallel_loop3A_389 = arith.extui %parallel_loop3A_388 : i1 to i32
        %parallel_loop3A_390 = arith.constant 0 : i32
        %parallel_loop3A_391 = arith.cmpi slt, %parallel_loop3A_384, %parallel_loop3A_390 : i32
        %parallel_loop3A_392 = arith.extui %parallel_loop3A_391 : i1 to i32
        %parallel_loop3A_393 = arith.subi %parallel_loop3A_389, %parallel_loop3A_392 : i32
        %parallel_loop3A_394 = arith.constant 0 : i32
        %parallel_loop3A_395 = arith.cmpi sgt, %parallel_loop3A_385, %parallel_loop3A_394 : i32
        %parallel_loop3A_396 = arith.extui %parallel_loop3A_395 : i1 to i32
        %parallel_loop3A_397 = arith.constant 0 : i32
        %parallel_loop3A_398 = arith.cmpi slt, %parallel_loop3A_385, %parallel_loop3A_397 : i32
        %parallel_loop3A_399 = arith.extui %parallel_loop3A_398 : i1 to i32
        %parallel_loop3A_400 = arith.subi %parallel_loop3A_396, %parallel_loop3A_399 : i32
        %parallel_loop3A_401 = arith.cmpi ne, %parallel_loop3A_393, %parallel_loop3A_400 : i32
        %parallel_loop3A_402 = arith.remsi %parallel_loop3A_384, %parallel_loop3A_385 : i32
        %parallel_loop3A_403 = arith.constant 0 : i32
        %parallel_loop3A_404 = arith.cmpi ne, %parallel_loop3A_402, %parallel_loop3A_403 : i32
        %parallel_loop3A_405 = arith.andi %parallel_loop3A_401, %parallel_loop3A_404 : i1
        %parallel_loop3A_406 = arith.constant 1 : i32
        %parallel_loop3A_407 = arith.subi %parallel_loop3A_386, %parallel_loop3A_406 : i32
        %parallel_loop3A_408 = arith.select %parallel_loop3A_405, %parallel_loop3A_407, %parallel_loop3A_386 : i32
        %parallel_loop3A_409 = arith.constant 2 : i32
        %parallel_loop3A_410 = arith.constant 0 : i32
        %parallel_loop3A_411 = arith.cmpi eq, %parallel_loop3A_409, %parallel_loop3A_410 : i32
        %parallel_loop3A_412 = arith.constant 1 : i32
        %parallel_loop3A_413 = arith.select %parallel_loop3A_411, %parallel_loop3A_412, %parallel_loop3A_409 : i32
        %parallel_loop3A_414 = arith.remsi %parallel_loop3A_384, %parallel_loop3A_413 : i32
        %parallel_loop3A_415 = arith.constant 0 : i32
        %parallel_loop3A_416 = arith.cmpi ne, %parallel_loop3A_414, %parallel_loop3A_415 : i32
        %parallel_loop3A_417 = arith.constant 0 : i32
        %parallel_loop3A_418 = arith.cmpi slt, %parallel_loop3A_414, %parallel_loop3A_417 : i32
        %parallel_loop3A_419 = arith.constant 0 : i32
        %parallel_loop3A_420 = arith.cmpi slt, %parallel_loop3A_413, %parallel_loop3A_419 : i32
        %parallel_loop3A_421 = arith.xori %parallel_loop3A_418, %parallel_loop3A_420 : i1
        %parallel_loop3A_422 = arith.andi %parallel_loop3A_421, %parallel_loop3A_416 : i1
        %parallel_loop3A_423 = arith.addi %parallel_loop3A_414, %parallel_loop3A_413 : i32
        %parallel_loop3A_424 = arith.select %parallel_loop3A_422, %parallel_loop3A_423, %parallel_loop3A_414 : i32
        %parallel_loop3A_425 = arith.constant 16 : i32
        %parallel_loop3A_426 = arith.muli %parallel_loop3A_424, %parallel_loop3A_425 : i32
        %parallel_loop3A_427 = arith.constant 0 : i32
        %parallel_loop3A_428 = arith.index_cast %parallel_loop3A_427 : i32 to index
        %parallel_loop3A_429 = arith.index_cast %parallel_loop3A_408 : i32 to index
        %parallel_loop3A_430 = arith.index_cast %parallel_loop3A_426 : i32 to index
        %parallel_loop3A_431 = tpu.vector_load %arg6[%parallel_loop3A_428, %parallel_loop3A_429, %parallel_loop3A_430] {strides = array<i32>} : memref<2x32x32xi32, #tpu.memory_space<vmem>>, vector<16xi32>,
        %parallel_loop3A_432 = arith.constant 0 : i32
        %parallel_loop3A_433 = vector.broadcast %parallel_loop3A_432 : i32 to vector<16xi32>
        %parallel_loop3A_434 = arith.maxsi %parallel_loop3A_431, %parallel_loop3A_433 : vector<16xi32>
        %parallel_loop3A_435 = arith.constant 999 : i32
        %parallel_loop3A_436 = vector.broadcast %parallel_loop3A_435 : i32 to vector<16xi32>
        %parallel_loop3A_437 = arith.minsi %parallel_loop3A_434, %parallel_loop3A_436 : vector<16xi32>
        %parallel_loop3A_438 = arith.constant 24000 : i32
        %parallel_loop3A_439 = vector.broadcast %parallel_loop3A_438 : i32 to vector<16xi32>
        %parallel_loop3A_440 = arith.addi %parallel_loop3A_437, %parallel_loop3A_439 : vector<16xi32>
        %parallel_loop3A_441 = tpu.vector_load_idx %arg5[%parallel_loop3A_440] : memref<32000xf32, #tpu.memory_space<vmem>>[vector<16xi32>], vector<16xf32>,
        %parallel_loop3A_442 = arith.constant 1 : i32
        %parallel_loop3A_443 = arith.constant 0 : i32
        %parallel_loop3A_444 = arith.index_cast %parallel_loop3A_442 : i32 to index
        %parallel_loop3A_445 = arith.index_cast %parallel_loop3A_443 : i32 to index
        %parallel_loop3A_446 = arith.index_cast %parallel_loop3A_408 : i32 to index
        %parallel_loop3A_447 = arith.index_cast %parallel_loop3A_426 : i32 to index
        %parallel_loop3A_448 = tpu.vector_load %arg7[%parallel_loop3A_444, %parallel_loop3A_445, %parallel_loop3A_446, %parallel_loop3A_447] {strides = array<i32>} : memref<2x8x32x32xf32, #tpu.memory_space<vmem>>, vector<16xf32>,
        tpu.vector_store %arg7[%parallel_loop3A_444, %parallel_loop3A_445, %parallel_loop3A_446, %parallel_loop3A_447], %parallel_loop3A_441 {strides = array<i32>} : memref<2x8x32x32xf32, #tpu.memory_space<vmem>>, vector<16xf32>,
        %parallel_loop3A_449 = arith.constant 25000 : i32
        %parallel_loop3A_450 = vector.broadcast %parallel_loop3A_449 : i32 to vector<16xi32>
        %parallel_loop3A_451 = arith.addi %parallel_loop3A_437, %parallel_loop3A_450 : vector<16xi32>
        %parallel_loop3A_452 = tpu.vector_load_idx %arg5[%parallel_loop3A_451] : memref<32000xf32, #tpu.memory_space<vmem>>[vector<16xi32>], vector<16xf32>,
        %parallel_loop3A_453 = arith.constant 1 : i32
        %parallel_loop3A_454 = arith.constant 1 : i32
        %parallel_loop3A_455 = arith.index_cast %parallel_loop3A_453 : i32 to index
        %parallel_loop3A_456 = arith.index_cast %parallel_loop3A_454 : i32 to index
        %parallel_loop3A_457 = arith.index_cast %parallel_loop3A_408 : i32 to index
        %parallel_loop3A_458 = arith.index_cast %parallel_loop3A_426 : i32 to index
        %parallel_loop3A_459 = tpu.vector_load %arg7[%parallel_loop3A_455, %parallel_loop3A_456, %parallel_loop3A_457, %parallel_loop3A_458] {strides = array<i32>} : memref<2x8x32x32xf32, #tpu.memory_space<vmem>>, vector<16xf32>,
        tpu.vector_store %arg7[%parallel_loop3A_455, %parallel_loop3A_456, %parallel_loop3A_457, %parallel_loop3A_458], %parallel_loop3A_452 {strides = array<i32>} : memref<2x8x32x32xf32, #tpu.memory_space<vmem>>, vector<16xf32>,
        %parallel_loop3A_460 = arith.constant 26000 : i32
        %parallel_loop3A_461 = vector.broadcast %parallel_loop3A_460 : i32 to vector<16xi32>
        %parallel_loop3A_462 = arith.addi %parallel_loop3A_437, %parallel_loop3A_461 : vector<16xi32>
        %parallel_loop3A_463 = tpu.vector_load_idx %arg5[%parallel_loop3A_462] : memref<32000xf32, #tpu.memory_space<vmem>>[vector<16xi32>], vector<16xf32>,
        %parallel_loop3A_464 = arith.constant 1 : i32
        %parallel_loop3A_465 = arith.constant 2 : i32
        %parallel_loop3A_466 = arith.index_cast %parallel_loop3A_464 : i32 to index
        %parallel_loop3A_467 = arith.index_cast %parallel_loop3A_465 : i32 to index
        %parallel_loop3A_468 = arith.index_cast %parallel_loop3A_408 : i32 to index
        %parallel_loop3A_469 = arith.index_cast %parallel_loop3A_426 : i32 to index
        %parallel_loop3A_470 = tpu.vector_load %arg7[%parallel_loop3A_466, %parallel_loop3A_467, %parallel_loop3A_468, %parallel_loop3A_469] {strides = array<i32>} : memref<2x8x32x32xf32, #tpu.memory_space<vmem>>, vector<16xf32>,
        tpu.vector_store %arg7[%parallel_loop3A_466, %parallel_loop3A_467, %parallel_loop3A_468, %parallel_loop3A_469], %parallel_loop3A_463 {strides = array<i32>} : memref<2x8x32x32xf32, #tpu.memory_space<vmem>>, vector<16xf32>,
        %parallel_loop3A_471 = arith.constant 27000 : i32
        %parallel_loop3A_472 = vector.broadcast %parallel_loop3A_471 : i32 to vector<16xi32>
        %parallel_loop3A_473 = arith.addi %parallel_loop3A_437, %parallel_loop3A_472 : vector<16xi32>
        %parallel_loop3A_474 = tpu.vector_load_idx %arg5[%parallel_loop3A_473] : memref<32000xf32, #tpu.memory_space<vmem>>[vector<16xi32>], vector<16xf32>,
        %parallel_loop3A_475 = arith.constant 1 : i32
        %parallel_loop3A_476 = arith.constant 3 : i32
        %parallel_loop3A_477 = arith.index_cast %parallel_loop3A_475 : i32 to index
        %parallel_loop3A_478 = arith.index_cast %parallel_loop3A_476 : i32 to index
        %parallel_loop3A_479 = arith.index_cast %parallel_loop3A_408 : i32 to index
        %parallel_loop3A_480 = arith.index_cast %parallel_loop3A_426 : i32 to index
        %parallel_loop3A_481 = tpu.vector_load %arg7[%parallel_loop3A_477, %parallel_loop3A_478, %parallel_loop3A_479, %parallel_loop3A_480] {strides = array<i32>} : memref<2x8x32x32xf32, #tpu.memory_space<vmem>>, vector<16xf32>,
        tpu.vector_store %arg7[%parallel_loop3A_477, %parallel_loop3A_478, %parallel_loop3A_479, %parallel_loop3A_480], %parallel_loop3A_474 {strides = array<i32>} : memref<2x8x32x32xf32, #tpu.memory_space<vmem>>, vector<16xf32>,
        %parallel_loop3A_482 = arith.constant 28000 : i32
        %parallel_loop3A_483 = vector.broadcast %parallel_loop3A_482 : i32 to vector<16xi32>
        %parallel_loop3A_484 = arith.addi %parallel_loop3A_437, %parallel_loop3A_483 : vector<16xi32>
        %parallel_loop3A_485 = tpu.vector_load_idx %arg5[%parallel_loop3A_484] : memref<32000xf32, #tpu.memory_space<vmem>>[vector<16xi32>], vector<16xf32>,
        %parallel_loop3A_486 = arith.constant 1 : i32
        %parallel_loop3A_487 = arith.constant 4 : i32
        %parallel_loop3A_488 = arith.index_cast %parallel_loop3A_486 : i32 to index
        %parallel_loop3A_489 = arith.index_cast %parallel_loop3A_487 : i32 to index
        %parallel_loop3A_490 = arith.index_cast %parallel_loop3A_408 : i32 to index
        %parallel_loop3A_491 = arith.index_cast %parallel_loop3A_426 : i32 to index
        %parallel_loop3A_492 = tpu.vector_load %arg7[%parallel_loop3A_488, %parallel_loop3A_489, %parallel_loop3A_490, %parallel_loop3A_491] {strides = array<i32>} : memref<2x8x32x32xf32, #tpu.memory_space<vmem>>, vector<16xf32>,
        tpu.vector_store %arg7[%parallel_loop3A_488, %parallel_loop3A_489, %parallel_loop3A_490, %parallel_loop3A_491], %parallel_loop3A_485 {strides = array<i32>} : memref<2x8x32x32xf32, #tpu.memory_space<vmem>>, vector<16xf32>,
        %parallel_loop3A_493 = arith.constant 29000 : i32
        %parallel_loop3A_494 = vector.broadcast %parallel_loop3A_493 : i32 to vector<16xi32>
        %parallel_loop3A_495 = arith.addi %parallel_loop3A_437, %parallel_loop3A_494 : vector<16xi32>
        %parallel_loop3A_496 = tpu.vector_load_idx %arg5[%parallel_loop3A_495] : memref<32000xf32, #tpu.memory_space<vmem>>[vector<16xi32>], vector<16xf32>,
        %parallel_loop3A_497 = arith.constant 1 : i32
        %parallel_loop3A_498 = arith.constant 5 : i32
        %parallel_loop3A_499 = arith.index_cast %parallel_loop3A_497 : i32 to index
        %parallel_loop3A_500 = arith.index_cast %parallel_loop3A_498 : i32 to index
        %parallel_loop3A_501 = arith.index_cast %parallel_loop3A_408 : i32 to index
        %parallel_loop3A_502 = arith.index_cast %parallel_loop3A_426 : i32 to index
        %parallel_loop3A_503 = tpu.vector_load %arg7[%parallel_loop3A_499, %parallel_loop3A_500, %parallel_loop3A_501, %parallel_loop3A_502] {strides = array<i32>} : memref<2x8x32x32xf32, #tpu.memory_space<vmem>>, vector<16xf32>,
        tpu.vector_store %arg7[%parallel_loop3A_499, %parallel_loop3A_500, %parallel_loop3A_501, %parallel_loop3A_502], %parallel_loop3A_496 {strides = array<i32>} : memref<2x8x32x32xf32, #tpu.memory_space<vmem>>, vector<16xf32>,
        %parallel_loop3A_504 = arith.constant 30000 : i32
        %parallel_loop3A_505 = vector.broadcast %parallel_loop3A_504 : i32 to vector<16xi32>
        %parallel_loop3A_506 = arith.addi %parallel_loop3A_437, %parallel_loop3A_505 : vector<16xi32>
        %parallel_loop3A_507 = tpu.vector_load_idx %arg5[%parallel_loop3A_506] : memref<32000xf32, #tpu.memory_space<vmem>>[vector<16xi32>], vector<16xf32>,
        %parallel_loop3A_508 = arith.constant 1 : i32
        %parallel_loop3A_509 = arith.constant 6 : i32
        %parallel_loop3A_510 = arith.index_cast %parallel_loop3A_508 : i32 to index
        %parallel_loop3A_511 = arith.index_cast %parallel_loop3A_509 : i32 to index
        %parallel_loop3A_512 = arith.index_cast %parallel_loop3A_408 : i32 to index
        %parallel_loop3A_513 = arith.index_cast %parallel_loop3A_426 : i32 to index
        %parallel_loop3A_514 = tpu.vector_load %arg7[%parallel_loop3A_510, %parallel_loop3A_511, %parallel_loop3A_512, %parallel_loop3A_513] {strides = array<i32>} : memref<2x8x32x32xf32, #tpu.memory_space<vmem>>, vector<16xf32>,
        tpu.vector_store %arg7[%parallel_loop3A_510, %parallel_loop3A_511, %parallel_loop3A_512, %parallel_loop3A_513], %parallel_loop3A_507 {strides = array<i32>} : memref<2x8x32x32xf32, #tpu.memory_space<vmem>>, vector<16xf32>,
        %parallel_loop3A_515 = arith.constant 31000 : i32
        %parallel_loop3A_516 = vector.broadcast %parallel_loop3A_515 : i32 to vector<16xi32>
        %parallel_loop3A_517 = arith.addi %parallel_loop3A_437, %parallel_loop3A_516 : vector<16xi32>
        %parallel_loop3A_518 = tpu.vector_load_idx %arg5[%parallel_loop3A_517] : memref<32000xf32, #tpu.memory_space<vmem>>[vector<16xi32>], vector<16xf32>,
        %parallel_loop3A_519 = arith.constant 1 : i32
        %parallel_loop3A_520 = arith.constant 7 : i32
        %parallel_loop3A_521 = arith.index_cast %parallel_loop3A_519 : i32 to index
        %parallel_loop3A_522 = arith.index_cast %parallel_loop3A_520 : i32 to index
        %parallel_loop3A_523 = arith.index_cast %parallel_loop3A_408 : i32 to index
        %parallel_loop3A_524 = arith.index_cast %parallel_loop3A_426 : i32 to index
        %parallel_loop3A_525 = tpu.vector_load %arg7[%parallel_loop3A_521, %parallel_loop3A_522, %parallel_loop3A_523, %parallel_loop3A_524] {strides = array<i32>} : memref<2x8x32x32xf32, #tpu.memory_space<vmem>>, vector<16xf32>,
        tpu.vector_store %arg7[%parallel_loop3A_521, %parallel_loop3A_522, %parallel_loop3A_523, %parallel_loop3A_524], %parallel_loop3A_518 {strides = array<i32>} : memref<2x8x32x32xf32, #tpu.memory_space<vmem>>, vector<16xf32>,
      } {sc.loop_unroll_factor = 2 : i64, sc.parallel_access}
      %dma_start3A_209 = arith.constant 1 : i32
      %dma_start3A_210 = arith.constant 0 : i32
      %dma_start3A_211 = arith.constant 0 : i32
      %dma_start3A_212 = arith.constant 0 : i32
      %dma_start3A_213 = tpu.memref_slice %arg7[%dma_start3A_209, %dma_start3A_210, %dma_start3A_211, %dma_start3A_212] : memref<2x8x32x32xf32, #tpu.memory_space<vmem>> -> memref<1x8x32x32xf32, #tpu.memory_space<vmem>>
      %dma_start3A_214 = tpu.memref_squeeze %dma_start3A_213 : memref<1x8x32x32xf32, #tpu.memory_space<vmem>> -> memref<8x32x32xf32, #tpu.memory_space<vmem>>
      %dma_start3A_215 = arith.constant 24 : i32
      %dma_start3A_216 = arith.constant 0 : i32
      %dma_start3A_217 = arith.constant 0 : i32
      %dma_start3A_218 = tpu.memref_slice %arg4[%add3A_91, %dma_start3A_215, %add3A, %dma_start3A_216, %dma_start3A_217] : memref<16x32x32x32x32xf32, #tpu.memory_space<hbm>> -> memref<1x8x1x32x32xf32, #tpu.memory_space<hbm>>
      %dma_start3A_219 = tpu.memref_squeeze %dma_start3A_218 : memref<1x8x1x32x32xf32, #tpu.memory_space<hbm>> -> memref<8x32x32xf32, #tpu.memory_space<hbm>>
      %dma_start3A_220 = arith.constant 24 : i32
      %dma_start3A_221 = arith.constant 0 : i32
      %dma_start3A_222 = arith.constant 0 : i32
      %dma_start3A_223 = tpu.memref_slice %arg4[%add3A_91, %dma_start3A_220, %add3A, %dma_start3A_221, %dma_start3A_222] : memref<16x32x32x32x32xf32, #tpu.memory_space<hbm>> -> memref<1x8x1x32x32xf32, #tpu.memory_space<hbm>>
      %dma_start3A_224 = tpu.memref_squeeze %dma_start3A_223 : memref<1x8x1x32x32xf32, #tpu.memory_space<hbm>> -> memref<8x32x32xf32, #tpu.memory_space<hbm>>
      %dma_start3A_225 = arith.constant 0 : i32
      %dma_start3A_226 = arith.constant 0 : i32
      %dma_start3A_227 = arith.constant 0 : i32
      %dma_start3A_228 = tpu.memref_slice %arg7[%dma_start3A_209, %dma_start3A_225, %dma_start3A_226, %dma_start3A_227] : memref<2x8x32x32xf32, #tpu.memory_space<vmem>> -> memref<1x8x32x32xf32, #tpu.memory_space<vmem>>
      %dma_start3A_229 = tpu.memref_squeeze %dma_start3A_228 : memref<1x8x32x32xf32, #tpu.memory_space<vmem>> -> memref<8x32x32xf32, #tpu.memory_space<vmem>>
      tpu.enqueue_dma source(%dma_start3A_229 : memref<8x32x32xf32, #tpu.memory_space<vmem>>) target(%dma_start3A_224 : memref<8x32x32xf32, #tpu.memory_space<hbm>>) target_semaphore(%arg11 : memref<!tpu.dma_semaphore, #tpu.memory_space<semaphore_mem>>)
      %lt3A = arith.constant 14 : i32
      %lt3A_230 = arith.cmpi slt, %add3A_89, %lt3A : i32
      %convert_element_type3A_231 = arith.extui %lt3A_230 : i1 to i32
      %cond3A_232 = arith.constant 0 : i32
      %cond3A_233 = arith.cmpi ne, %convert_element_type3A_231, %cond3A_232 : i32
      scf.if %cond3A_233 {
        %add3A_384 = arith.constant 2 : i32
        %add3A_385 = arith.addi %add3A_91, %add3A_384 : i32
        %dma_start3A_386 = arith.constant 0 : i32
        %dma_start3A_387 = arith.constant 0 : i32
        %dma_start3A_388 = arith.constant 0 : i32
        %dma_start3A_389 = tpu.memref_slice %arg6[%dma_start3A_386, %dma_start3A_387, %dma_start3A_388] : memref<2x32x32xi32, #tpu.memory_space<vmem>> -> memref<1x32x32xi32, #tpu.memory_space<vmem>>
        %dma_start3A_390 = tpu.memref_squeeze %dma_start3A_389 : memref<1x32x32xi32, #tpu.memory_space<vmem>> -> memref<32x32xi32, #tpu.memory_space<vmem>>
        %dma_start3A_391 = arith.constant 0 : i32
        %dma_start3A_392 = arith.constant 0 : i32
        %dma_start3A_393 = tpu.memref_slice %arg2[%add3A_385, %add3A, %dma_start3A_391, %dma_start3A_392] : memref<16x32x32x32xi32, #tpu.memory_space<hbm>> -> memref<1x1x32x32xi32, #tpu.memory_space<hbm>>
        %dma_start3A_394 = tpu.memref_squeeze %dma_start3A_393 : memref<1x1x32x32xi32, #tpu.memory_space<hbm>> -> memref<32x32xi32, #tpu.memory_space<hbm>>
        %dma_start3A_395 = arith.constant 0 : i32
        %dma_start3A_396 = arith.constant 0 : i32
        %dma_start3A_397 = tpu.memref_slice %arg6[%dma_start3A_386, %dma_start3A_395, %dma_start3A_396] : memref<2x32x32xi32, #tpu.memory_space<vmem>> -> memref<1x32x32xi32, #tpu.memory_space<vmem>>
        %dma_start3A_398 = tpu.memref_squeeze %dma_start3A_397 : memref<1x32x32xi32, #tpu.memory_space<vmem>> -> memref<32x32xi32, #tpu.memory_space<vmem>>
        %dma_start3A_399 = arith.constant 0 : i32
        %dma_start3A_400 = arith.constant 0 : i32
        %dma_start3A_401 = tpu.memref_slice %arg2[%add3A_385, %add3A, %dma_start3A_399, %dma_start3A_400] : memref<16x32x32x32xi32, #tpu.memory_space<hbm>> -> memref<1x1x32x32xi32, #tpu.memory_space<hbm>>
        %dma_start3A_402 = tpu.memref_squeeze %dma_start3A_401 : memref<1x1x32x32xi32, #tpu.memory_space<hbm>> -> memref<32x32xi32, #tpu.memory_space<hbm>>
        tpu.enqueue_dma source(%dma_start3A_402 : memref<32x32xi32, #tpu.memory_space<hbm>>) target(%dma_start3A_398 : memref<32x32xi32, #tpu.memory_space<vmem>>) target_semaphore(%arg8 : memref<!tpu.dma_semaphore, #tpu.memory_space<semaphore_mem>>)
      } else {
      }
      %add3A_234 = arith.constant 1 : i32
      %add3A_235 = arith.addi %add3A_89, %add3A_234 : i32
      %dma_wait3A_236 = arith.constant 0 : i32
      %dma_wait3A_237 = arith.constant 0 : i32
      %dma_wait3A_238 = arith.constant 1 : i32
      %dma_wait3A_239 = arith.constant 0 : i32
      %dma_wait3A_240 = arith.constant 0 : i32
      %dma_wait3A_241 = tpu.memref_slice %arg6[%dma_wait3A_238, %dma_wait3A_239, %dma_wait3A_240] : memref<2x32x32xi32, #tpu.memory_space<vmem>> -> memref<1x32x32xi32, #tpu.memory_space<vmem>>
      %dma_wait3A_242 = tpu.memref_squeeze %dma_wait3A_241 : memref<1x32x32xi32, #tpu.memory_space<vmem>> -> memref<32x32xi32, #tpu.memory_space<vmem>>
      %dma_wait3A_243 = arith.constant 0 : i32
      %dma_wait3A_244 = arith.constant 0 : i32
      %dma_wait3A_245 = tpu.memref_slice %arg2[%dma_wait3A_236, %dma_wait3A_237, %dma_wait3A_243, %dma_wait3A_244] : memref<16x32x32x32xi32, #tpu.memory_space<hbm>> -> memref<1x1x32x32xi32, #tpu.memory_space<hbm>>
      %dma_wait3A_246 = tpu.memref_squeeze %dma_wait3A_245 : memref<1x1x32x32xi32, #tpu.memory_space<hbm>> -> memref<32x32xi32, #tpu.memory_space<hbm>>
      %dma_wait3A_247 = arith.constant 0 : i32
      %dma_wait3A_248 = arith.constant 0 : i32
      %dma_wait3A_249 = tpu.memref_slice %arg6[%dma_wait3A_238, %dma_wait3A_247, %dma_wait3A_248] : memref<2x32x32xi32, #tpu.memory_space<vmem>> -> memref<1x32x32xi32, #tpu.memory_space<vmem>>
      %dma_wait3A_250 = tpu.memref_squeeze %dma_wait3A_249 : memref<1x32x32xi32, #tpu.memory_space<vmem>> -> memref<32x32xi32, #tpu.memory_space<vmem>>
      %dma_wait3A_251 = arith.constant 0 : i32
      %dma_wait3A_252 = arith.constant 0 : i32
      %dma_wait3A_253 = tpu.memref_slice %arg2[%dma_wait3A_236, %dma_wait3A_237, %dma_wait3A_251, %dma_wait3A_252] : memref<16x32x32x32xi32, #tpu.memory_space<hbm>> -> memref<1x1x32x32xi32, #tpu.memory_space<hbm>>
      %dma_wait3A_254 = tpu.memref_squeeze %dma_wait3A_253 : memref<1x1x32x32xi32, #tpu.memory_space<hbm>> -> memref<32x32xi32, #tpu.memory_space<hbm>>
      tpu.wait_dma2 semaphore(%arg9 : memref<!tpu.dma_semaphore, #tpu.memory_space<semaphore_mem>>) src(%dma_wait3A_254 : memref<32x32xi32, #tpu.memory_space<hbm>>) dst(%dma_wait3A_250 : memref<32x32xi32, #tpu.memory_space<vmem>>)
      %gt3A_255 = arith.constant 0 : i32
      %gt3A_256 = arith.cmpi sgt, %add3A_89, %gt3A_255 : i32
      %or3A_257 = arith.constant true
      %or3A_258 = arith.ori %gt3A_256, %or3A_257 : i1
      %convert_element_type3A_259 = arith.extui %or3A_258 : i1 to i32
      %cond3A_260 = arith.constant 0 : i32
      %cond3A_261 = arith.cmpi ne, %convert_element_type3A_259, %cond3A_260 : i32
      scf.if %cond3A_261 {
        %dma_wait3A_384 = arith.constant 0 : i32
        %dma_wait3A_385 = arith.constant 0 : i32
        %dma_wait3A_386 = arith.constant 0 : i32
        %dma_wait3A_387 = arith.constant 0 : i32
        %dma_wait3A_388 = arith.constant 0 : i32
        %dma_wait3A_389 = arith.constant 0 : i32
        %dma_wait3A_390 = tpu.memref_slice %arg7[%dma_wait3A_384, %dma_wait3A_387, %dma_wait3A_388, %dma_wait3A_389] : memref<2x8x32x32xf32, #tpu.memory_space<vmem>> -> memref<1x8x32x32xf32, #tpu.memory_space<vmem>>
        %dma_wait3A_391 = tpu.memref_squeeze %dma_wait3A_390 : memref<1x8x32x32xf32, #tpu.memory_space<vmem>> -> memref<8x32x32xf32, #tpu.memory_space<vmem>>
        %dma_wait3A_392 = arith.constant 0 : i32
        %dma_wait3A_393 = arith.constant 0 : i32
        %dma_wait3A_394 = arith.constant 0 : i32
        %dma_wait3A_395 = tpu.memref_slice %arg4[%dma_wait3A_385, %dma_wait3A_392, %dma_wait3A_386, %dma_wait3A_393, %dma_wait3A_394] : memref<16x32x32x32x32xf32, #tpu.memory_space<hbm>> -> memref<1x8x1x32x32xf32, #tpu.memory_space<hbm>>
        %dma_wait3A_396 = tpu.memref_squeeze %dma_wait3A_395 : memref<1x8x1x32x32xf32, #tpu.memory_space<hbm>> -> memref<8x32x32xf32, #tpu.memory_space<hbm>>
        %dma_wait3A_397 = arith.constant 0 : i32
        %dma_wait3A_398 = arith.constant 0 : i32
        %dma_wait3A_399 = arith.constant 0 : i32
        %dma_wait3A_400 = tpu.memref_slice %arg4[%dma_wait3A_385, %dma_wait3A_397, %dma_wait3A_386, %dma_wait3A_398, %dma_wait3A_399] : memref<16x32x32x32x32xf32, #tpu.memory_space<hbm>> -> memref<1x8x1x32x32xf32, #tpu.memory_space<hbm>>
        %dma_wait3A_401 = tpu.memref_squeeze %dma_wait3A_400 : memref<1x8x1x32x32xf32, #tpu.memory_space<hbm>> -> memref<8x32x32xf32, #tpu.memory_space<hbm>>
        %dma_wait3A_402 = arith.constant 0 : i32
        %dma_wait3A_403 = arith.constant 0 : i32
        %dma_wait3A_404 = arith.constant 0 : i32
        %dma_wait3A_405 = tpu.memref_slice %arg7[%dma_wait3A_384, %dma_wait3A_402, %dma_wait3A_403, %dma_wait3A_404] : memref<2x8x32x32xf32, #tpu.memory_space<vmem>> -> memref<1x8x32x32xf32, #tpu.memory_space<vmem>>
        %dma_wait3A_406 = tpu.memref_squeeze %dma_wait3A_405 : memref<1x8x32x32xf32, #tpu.memory_space<vmem>> -> memref<8x32x32xf32, #tpu.memory_space<vmem>>
        tpu.wait_dma2 semaphore(%arg10 : memref<!tpu.dma_semaphore, #tpu.memory_space<semaphore_mem>>) src(%dma_wait3A_406 : memref<8x32x32xf32, #tpu.memory_space<vmem>>) dst(%dma_wait3A_401 : memref<8x32x32xf32, #tpu.memory_space<hbm>>)
      } else {
      }
      %parallel_loop3A_262 = arith.constant 0 : i32
      %parallel_loop3A_263 = arith.constant 64 : i32
      %parallel_loop3A_264 = arith.constant 1 : i32
      scf.for %parallel_loop3A_384 = %parallel_loop3A_262 to %parallel_loop3A_263 step %parallel_loop3A_264  : i32 {
        %parallel_loop3A_385 = arith.constant 2 : i32
        %parallel_loop3A_386 = arith.divsi %parallel_loop3A_384, %parallel_loop3A_385 : i32
        %parallel_loop3A_387 = arith.constant 0 : i32
        %parallel_loop3A_388 = arith.cmpi sgt, %parallel_loop3A_384, %parallel_loop3A_387 : i32
        %parallel_loop3A_389 = arith.extui %parallel_loop3A_388 : i1 to i32
        %parallel_loop3A_390 = arith.constant 0 : i32
        %parallel_loop3A_391 = arith.cmpi slt, %parallel_loop3A_384, %parallel_loop3A_390 : i32
        %parallel_loop3A_392 = arith.extui %parallel_loop3A_391 : i1 to i32
        %parallel_loop3A_393 = arith.subi %parallel_loop3A_389, %parallel_loop3A_392 : i32
        %parallel_loop3A_394 = arith.constant 0 : i32
        %parallel_loop3A_395 = arith.cmpi sgt, %parallel_loop3A_385, %parallel_loop3A_394 : i32
        %parallel_loop3A_396 = arith.extui %parallel_loop3A_395 : i1 to i32
        %parallel_loop3A_397 = arith.constant 0 : i32
        %parallel_loop3A_398 = arith.cmpi slt, %parallel_loop3A_385, %parallel_loop3A_397 : i32
        %parallel_loop3A_399 = arith.extui %parallel_loop3A_398 : i1 to i32
        %parallel_loop3A_400 = arith.subi %parallel_loop3A_396, %parallel_loop3A_399 : i32
        %parallel_loop3A_401 = arith.cmpi ne, %parallel_loop3A_393, %parallel_loop3A_400 : i32
        %parallel_loop3A_402 = arith.remsi %parallel_loop3A_384, %parallel_loop3A_385 : i32
        %parallel_loop3A_403 = arith.constant 0 : i32
        %parallel_loop3A_404 = arith.cmpi ne, %parallel_loop3A_402, %parallel_loop3A_403 : i32
        %parallel_loop3A_405 = arith.andi %parallel_loop3A_401, %parallel_loop3A_404 : i1
        %parallel_loop3A_406 = arith.constant 1 : i32
        %parallel_loop3A_407 = arith.subi %parallel_loop3A_386, %parallel_loop3A_406 : i32
        %parallel_loop3A_408 = arith.select %parallel_loop3A_405, %parallel_loop3A_407, %parallel_loop3A_386 : i32
        %parallel_loop3A_409 = arith.constant 2 : i32
        %parallel_loop3A_410 = arith.constant 0 : i32
        %parallel_loop3A_411 = arith.cmpi eq, %parallel_loop3A_409, %parallel_loop3A_410 : i32
        %parallel_loop3A_412 = arith.constant 1 : i32
        %parallel_loop3A_413 = arith.select %parallel_loop3A_411, %parallel_loop3A_412, %parallel_loop3A_409 : i32
        %parallel_loop3A_414 = arith.remsi %parallel_loop3A_384, %parallel_loop3A_413 : i32
        %parallel_loop3A_415 = arith.constant 0 : i32
        %parallel_loop3A_416 = arith.cmpi ne, %parallel_loop3A_414, %parallel_loop3A_415 : i32
        %parallel_loop3A_417 = arith.constant 0 : i32
        %parallel_loop3A_418 = arith.cmpi slt, %parallel_loop3A_414, %parallel_loop3A_417 : i32
        %parallel_loop3A_419 = arith.constant 0 : i32
        %parallel_loop3A_420 = arith.cmpi slt, %parallel_loop3A_413, %parallel_loop3A_419 : i32
        %parallel_loop3A_421 = arith.xori %parallel_loop3A_418, %parallel_loop3A_420 : i1
        %parallel_loop3A_422 = arith.andi %parallel_loop3A_421, %parallel_loop3A_416 : i1
        %parallel_loop3A_423 = arith.addi %parallel_loop3A_414, %parallel_loop3A_413 : i32
        %parallel_loop3A_424 = arith.select %parallel_loop3A_422, %parallel_loop3A_423, %parallel_loop3A_414 : i32
        %parallel_loop3A_425 = arith.constant 16 : i32
        %parallel_loop3A_426 = arith.muli %parallel_loop3A_424, %parallel_loop3A_425 : i32
        %parallel_loop3A_427 = arith.constant 1 : i32
        %parallel_loop3A_428 = arith.index_cast %parallel_loop3A_427 : i32 to index
        %parallel_loop3A_429 = arith.index_cast %parallel_loop3A_408 : i32 to index
        %parallel_loop3A_430 = arith.index_cast %parallel_loop3A_426 : i32 to index
        %parallel_loop3A_431 = tpu.vector_load %arg6[%parallel_loop3A_428, %parallel_loop3A_429, %parallel_loop3A_430] {strides = array<i32>} : memref<2x32x32xi32, #tpu.memory_space<vmem>>, vector<16xi32>,
        %parallel_loop3A_432 = arith.constant 0 : i32
        %parallel_loop3A_433 = vector.broadcast %parallel_loop3A_432 : i32 to vector<16xi32>
        %parallel_loop3A_434 = arith.maxsi %parallel_loop3A_431, %parallel_loop3A_433 : vector<16xi32>
        %parallel_loop3A_435 = arith.constant 999 : i32
        %parallel_loop3A_436 = vector.broadcast %parallel_loop3A_435 : i32 to vector<16xi32>
        %parallel_loop3A_437 = arith.minsi %parallel_loop3A_434, %parallel_loop3A_436 : vector<16xi32>
        %parallel_loop3A_438 = arith.constant 0 : i32
        %parallel_loop3A_439 = vector.broadcast %parallel_loop3A_438 : i32 to vector<16xi32>
        %parallel_loop3A_440 = arith.addi %parallel_loop3A_437, %parallel_loop3A_439 : vector<16xi32>
        %parallel_loop3A_441 = tpu.vector_load_idx %arg5[%parallel_loop3A_440] : memref<32000xf32, #tpu.memory_space<vmem>>[vector<16xi32>], vector<16xf32>,
        %parallel_loop3A_442 = arith.constant 0 : i32
        %parallel_loop3A_443 = arith.constant 0 : i32
        %parallel_loop3A_444 = arith.index_cast %parallel_loop3A_442 : i32 to index
        %parallel_loop3A_445 = arith.index_cast %parallel_loop3A_443 : i32 to index
        %parallel_loop3A_446 = arith.index_cast %parallel_loop3A_408 : i32 to index
        %parallel_loop3A_447 = arith.index_cast %parallel_loop3A_426 : i32 to index
        %parallel_loop3A_448 = tpu.vector_load %arg7[%parallel_loop3A_444, %parallel_loop3A_445, %parallel_loop3A_446, %parallel_loop3A_447] {strides = array<i32>} : memref<2x8x32x32xf32, #tpu.memory_space<vmem>>, vector<16xf32>,
        tpu.vector_store %arg7[%parallel_loop3A_444, %parallel_loop3A_445, %parallel_loop3A_446, %parallel_loop3A_447], %parallel_loop3A_441 {strides = array<i32>} : memref<2x8x32x32xf32, #tpu.memory_space<vmem>>, vector<16xf32>,
        %parallel_loop3A_449 = arith.constant 1000 : i32
        %parallel_loop3A_450 = vector.broadcast %parallel_loop3A_449 : i32 to vector<16xi32>
        %parallel_loop3A_451 = arith.addi %parallel_loop3A_437, %parallel_loop3A_450 : vector<16xi32>
        %parallel_loop3A_452 = tpu.vector_load_idx %arg5[%parallel_loop3A_451] : memref<32000xf32, #tpu.memory_space<vmem>>[vector<16xi32>], vector<16xf32>,
        %parallel_loop3A_453 = arith.constant 0 : i32
        %parallel_loop3A_454 = arith.constant 1 : i32
        %parallel_loop3A_455 = arith.index_cast %parallel_loop3A_453 : i32 to index
        %parallel_loop3A_456 = arith.index_cast %parallel_loop3A_454 : i32 to index
        %parallel_loop3A_457 = arith.index_cast %parallel_loop3A_408 : i32 to index
        %parallel_loop3A_458 = arith.index_cast %parallel_loop3A_426 : i32 to index
        %parallel_loop3A_459 = tpu.vector_load %arg7[%parallel_loop3A_455, %parallel_loop3A_456, %parallel_loop3A_457, %parallel_loop3A_458] {strides = array<i32>} : memref<2x8x32x32xf32, #tpu.memory_space<vmem>>, vector<16xf32>,
        tpu.vector_store %arg7[%parallel_loop3A_455, %parallel_loop3A_456, %parallel_loop3A_457, %parallel_loop3A_458], %parallel_loop3A_452 {strides = array<i32>} : memref<2x8x32x32xf32, #tpu.memory_space<vmem>>, vector<16xf32>,
        %parallel_loop3A_460 = arith.constant 2000 : i32
        %parallel_loop3A_461 = vector.broadcast %parallel_loop3A_460 : i32 to vector<16xi32>
        %parallel_loop3A_462 = arith.addi %parallel_loop3A_437, %parallel_loop3A_461 : vector<16xi32>
        %parallel_loop3A_463 = tpu.vector_load_idx %arg5[%parallel_loop3A_462] : memref<32000xf32, #tpu.memory_space<vmem>>[vector<16xi32>], vector<16xf32>,
        %parallel_loop3A_464 = arith.constant 0 : i32
        %parallel_loop3A_465 = arith.constant 2 : i32
        %parallel_loop3A_466 = arith.index_cast %parallel_loop3A_464 : i32 to index
        %parallel_loop3A_467 = arith.index_cast %parallel_loop3A_465 : i32 to index
        %parallel_loop3A_468 = arith.index_cast %parallel_loop3A_408 : i32 to index
        %parallel_loop3A_469 = arith.index_cast %parallel_loop3A_426 : i32 to index
        %parallel_loop3A_470 = tpu.vector_load %arg7[%parallel_loop3A_466, %parallel_loop3A_467, %parallel_loop3A_468, %parallel_loop3A_469] {strides = array<i32>} : memref<2x8x32x32xf32, #tpu.memory_space<vmem>>, vector<16xf32>,
        tpu.vector_store %arg7[%parallel_loop3A_466, %parallel_loop3A_467, %parallel_loop3A_468, %parallel_loop3A_469], %parallel_loop3A_463 {strides = array<i32>} : memref<2x8x32x32xf32, #tpu.memory_space<vmem>>, vector<16xf32>,
        %parallel_loop3A_471 = arith.constant 3000 : i32
        %parallel_loop3A_472 = vector.broadcast %parallel_loop3A_471 : i32 to vector<16xi32>
        %parallel_loop3A_473 = arith.addi %parallel_loop3A_437, %parallel_loop3A_472 : vector<16xi32>
        %parallel_loop3A_474 = tpu.vector_load_idx %arg5[%parallel_loop3A_473] : memref<32000xf32, #tpu.memory_space<vmem>>[vector<16xi32>], vector<16xf32>,
        %parallel_loop3A_475 = arith.constant 0 : i32
        %parallel_loop3A_476 = arith.constant 3 : i32
        %parallel_loop3A_477 = arith.index_cast %parallel_loop3A_475 : i32 to index
        %parallel_loop3A_478 = arith.index_cast %parallel_loop3A_476 : i32 to index
        %parallel_loop3A_479 = arith.index_cast %parallel_loop3A_408 : i32 to index
        %parallel_loop3A_480 = arith.index_cast %parallel_loop3A_426 : i32 to index
        %parallel_loop3A_481 = tpu.vector_load %arg7[%parallel_loop3A_477, %parallel_loop3A_478, %parallel_loop3A_479, %parallel_loop3A_480] {strides = array<i32>} : memref<2x8x32x32xf32, #tpu.memory_space<vmem>>, vector<16xf32>,
        tpu.vector_store %arg7[%parallel_loop3A_477, %parallel_loop3A_478, %parallel_loop3A_479, %parallel_loop3A_480], %parallel_loop3A_474 {strides = array<i32>} : memref<2x8x32x32xf32, #tpu.memory_space<vmem>>, vector<16xf32>,
        %parallel_loop3A_482 = arith.constant 4000 : i32
        %parallel_loop3A_483 = vector.broadcast %parallel_loop3A_482 : i32 to vector<16xi32>
        %parallel_loop3A_484 = arith.addi %parallel_loop3A_437, %parallel_loop3A_483 : vector<16xi32>
        %parallel_loop3A_485 = tpu.vector_load_idx %arg5[%parallel_loop3A_484] : memref<32000xf32, #tpu.memory_space<vmem>>[vector<16xi32>], vector<16xf32>,
        %parallel_loop3A_486 = arith.constant 0 : i32
        %parallel_loop3A_487 = arith.constant 4 : i32
        %parallel_loop3A_488 = arith.index_cast %parallel_loop3A_486 : i32 to index
        %parallel_loop3A_489 = arith.index_cast %parallel_loop3A_487 : i32 to index
        %parallel_loop3A_490 = arith.index_cast %parallel_loop3A_408 : i32 to index
        %parallel_loop3A_491 = arith.index_cast %parallel_loop3A_426 : i32 to index
        %parallel_loop3A_492 = tpu.vector_load %arg7[%parallel_loop3A_488, %parallel_loop3A_489, %parallel_loop3A_490, %parallel_loop3A_491] {strides = array<i32>} : memref<2x8x32x32xf32, #tpu.memory_space<vmem>>, vector<16xf32>,
        tpu.vector_store %arg7[%parallel_loop3A_488, %parallel_loop3A_489, %parallel_loop3A_490, %parallel_loop3A_491], %parallel_loop3A_485 {strides = array<i32>} : memref<2x8x32x32xf32, #tpu.memory_space<vmem>>, vector<16xf32>,
        %parallel_loop3A_493 = arith.constant 5000 : i32
        %parallel_loop3A_494 = vector.broadcast %parallel_loop3A_493 : i32 to vector<16xi32>
        %parallel_loop3A_495 = arith.addi %parallel_loop3A_437, %parallel_loop3A_494 : vector<16xi32>
        %parallel_loop3A_496 = tpu.vector_load_idx %arg5[%parallel_loop3A_495] : memref<32000xf32, #tpu.memory_space<vmem>>[vector<16xi32>], vector<16xf32>,
        %parallel_loop3A_497 = arith.constant 0 : i32
        %parallel_loop3A_498 = arith.constant 5 : i32
        %parallel_loop3A_499 = arith.index_cast %parallel_loop3A_497 : i32 to index
        %parallel_loop3A_500 = arith.index_cast %parallel_loop3A_498 : i32 to index
        %parallel_loop3A_501 = arith.index_cast %parallel_loop3A_408 : i32 to index
        %parallel_loop3A_502 = arith.index_cast %parallel_loop3A_426 : i32 to index
        %parallel_loop3A_503 = tpu.vector_load %arg7[%parallel_loop3A_499, %parallel_loop3A_500, %parallel_loop3A_501, %parallel_loop3A_502] {strides = array<i32>} : memref<2x8x32x32xf32, #tpu.memory_space<vmem>>, vector<16xf32>,
        tpu.vector_store %arg7[%parallel_loop3A_499, %parallel_loop3A_500, %parallel_loop3A_501, %parallel_loop3A_502], %parallel_loop3A_496 {strides = array<i32>} : memref<2x8x32x32xf32, #tpu.memory_space<vmem>>, vector<16xf32>,
        %parallel_loop3A_504 = arith.constant 6000 : i32
        %parallel_loop3A_505 = vector.broadcast %parallel_loop3A_504 : i32 to vector<16xi32>
        %parallel_loop3A_506 = arith.addi %parallel_loop3A_437, %parallel_loop3A_505 : vector<16xi32>
        %parallel_loop3A_507 = tpu.vector_load_idx %arg5[%parallel_loop3A_506] : memref<32000xf32, #tpu.memory_space<vmem>>[vector<16xi32>], vector<16xf32>,
        %parallel_loop3A_508 = arith.constant 0 : i32
        %parallel_loop3A_509 = arith.constant 6 : i32
        %parallel_loop3A_510 = arith.index_cast %parallel_loop3A_508 : i32 to index
        %parallel_loop3A_511 = arith.index_cast %parallel_loop3A_509 : i32 to index
        %parallel_loop3A_512 = arith.index_cast %parallel_loop3A_408 : i32 to index
        %parallel_loop3A_513 = arith.index_cast %parallel_loop3A_426 : i32 to index
        %parallel_loop3A_514 = tpu.vector_load %arg7[%parallel_loop3A_510, %parallel_loop3A_511, %parallel_loop3A_512, %parallel_loop3A_513] {strides = array<i32>} : memref<2x8x32x32xf32, #tpu.memory_space<vmem>>, vector<16xf32>,
        tpu.vector_store %arg7[%parallel_loop3A_510, %parallel_loop3A_511, %parallel_loop3A_512, %parallel_loop3A_513], %parallel_loop3A_507 {strides = array<i32>} : memref<2x8x32x32xf32, #tpu.memory_space<vmem>>, vector<16xf32>,
        %parallel_loop3A_515 = arith.constant 7000 : i32
        %parallel_loop3A_516 = vector.broadcast %parallel_loop3A_515 : i32 to vector<16xi32>
        %parallel_loop3A_517 = arith.addi %parallel_loop3A_437, %parallel_loop3A_516 : vector<16xi32>
        %parallel_loop3A_518 = tpu.vector_load_idx %arg5[%parallel_loop3A_517] : memref<32000xf32, #tpu.memory_space<vmem>>[vector<16xi32>], vector<16xf32>,
        %parallel_loop3A_519 = arith.constant 0 : i32
        %parallel_loop3A_520 = arith.constant 7 : i32
        %parallel_loop3A_521 = arith.index_cast %parallel_loop3A_519 : i32 to index
        %parallel_loop3A_522 = arith.index_cast %parallel_loop3A_520 : i32 to index
        %parallel_loop3A_523 = arith.index_cast %parallel_loop3A_408 : i32 to index
        %parallel_loop3A_524 = arith.index_cast %parallel_loop3A_426 : i32 to index
        %parallel_loop3A_525 = tpu.vector_load %arg7[%parallel_loop3A_521, %parallel_loop3A_522, %parallel_loop3A_523, %parallel_loop3A_524] {strides = array<i32>} : memref<2x8x32x32xf32, #tpu.memory_space<vmem>>, vector<16xf32>,
        tpu.vector_store %arg7[%parallel_loop3A_521, %parallel_loop3A_522, %parallel_loop3A_523, %parallel_loop3A_524], %parallel_loop3A_518 {strides = array<i32>} : memref<2x8x32x32xf32, #tpu.memory_space<vmem>>, vector<16xf32>,
      } {sc.loop_unroll_factor = 2 : i64, sc.parallel_access}
      %dma_start3A_265 = arith.constant 0 : i32
      %dma_start3A_266 = arith.constant 0 : i32
      %dma_start3A_267 = arith.constant 0 : i32
      %dma_start3A_268 = arith.constant 0 : i32
      %dma_start3A_269 = tpu.memref_slice %arg7[%dma_start3A_265, %dma_start3A_266, %dma_start3A_267, %dma_start3A_268] : memref<2x8x32x32xf32, #tpu.memory_space<vmem>> -> memref<1x8x32x32xf32, #tpu.memory_space<vmem>>
      %dma_start3A_270 = tpu.memref_squeeze %dma_start3A_269 : memref<1x8x32x32xf32, #tpu.memory_space<vmem>> -> memref<8x32x32xf32, #tpu.memory_space<vmem>>
      %dma_start3A_271 = arith.constant 0 : i32
      %dma_start3A_272 = arith.constant 0 : i32
      %dma_start3A_273 = arith.constant 0 : i32
      %dma_start3A_274 = tpu.memref_slice %arg4[%add3A_235, %dma_start3A_271, %add3A, %dma_start3A_272, %dma_start3A_273] : memref<16x32x32x32x32xf32, #tpu.memory_space<hbm>> -> memref<1x8x1x32x32xf32, #tpu.memory_space<hbm>>
      %dma_start3A_275 = tpu.memref_squeeze %dma_start3A_274 : memref<1x8x1x32x32xf32, #tpu.memory_space<hbm>> -> memref<8x32x32xf32, #tpu.memory_space<hbm>>
      %dma_start3A_276 = arith.constant 0 : i32
      %dma_start3A_277 = arith.constant 0 : i32
      %dma_start3A_278 = arith.constant 0 : i32
      %dma_start3A_279 = tpu.memref_slice %arg4[%add3A_235, %dma_start3A_276, %add3A, %dma_start3A_277, %dma_start3A_278] : memref<16x32x32x32x32xf32, #tpu.memory_space<hbm>> -> memref<1x8x1x32x32xf32, #tpu.memory_space<hbm>>
      %dma_start3A_280 = tpu.memref_squeeze %dma_start3A_279 : memref<1x8x1x32x32xf32, #tpu.memory_space<hbm>> -> memref<8x32x32xf32, #tpu.memory_space<hbm>>
      %dma_start3A_281 = arith.constant 0 : i32
      %dma_start3A_282 = arith.constant 0 : i32
      %dma_start3A_283 = arith.constant 0 : i32
      %dma_start3A_284 = tpu.memref_slice %arg7[%dma_start3A_265, %dma_start3A_281, %dma_start3A_282, %dma_start3A_283] : memref<2x8x32x32xf32, #tpu.memory_space<vmem>> -> memref<1x8x32x32xf32, #tpu.memory_space<vmem>>
      %dma_start3A_285 = tpu.memref_squeeze %dma_start3A_284 : memref<1x8x32x32xf32, #tpu.memory_space<vmem>> -> memref<8x32x32xf32, #tpu.memory_space<vmem>>
      tpu.enqueue_dma source(%dma_start3A_285 : memref<8x32x32xf32, #tpu.memory_space<vmem>>) target(%dma_start3A_280 : memref<8x32x32xf32, #tpu.memory_space<hbm>>) target_semaphore(%arg10 : memref<!tpu.dma_semaphore, #tpu.memory_space<semaphore_mem>>)
      %gt3A_286 = arith.constant 0 : i32
      %gt3A_287 = arith.cmpi sgt, %add3A_89, %gt3A_286 : i32
      %or3A_288 = arith.constant true
      %or3A_289 = arith.ori %gt3A_287, %or3A_288 : i1
      %convert_element_type3A_290 = arith.extui %or3A_289 : i1 to i32
      %cond3A_291 = arith.constant 0 : i32
      %cond3A_292 = arith.cmpi ne, %convert_element_type3A_290, %cond3A_291 : i32
      scf.if %cond3A_292 {
        %dma_wait3A_384 = arith.constant 1 : i32
        %dma_wait3A_385 = arith.constant 0 : i32
        %dma_wait3A_386 = arith.constant 0 : i32
        %dma_wait3A_387 = arith.constant 0 : i32
        %dma_wait3A_388 = arith.constant 0 : i32
        %dma_wait3A_389 = arith.constant 0 : i32
        %dma_wait3A_390 = tpu.memref_slice %arg7[%dma_wait3A_384, %dma_wait3A_387, %dma_wait3A_388, %dma_wait3A_389] : memref<2x8x32x32xf32, #tpu.memory_space<vmem>> -> memref<1x8x32x32xf32, #tpu.memory_space<vmem>>
        %dma_wait3A_391 = tpu.memref_squeeze %dma_wait3A_390 : memref<1x8x32x32xf32, #tpu.memory_space<vmem>> -> memref<8x32x32xf32, #tpu.memory_space<vmem>>
        %dma_wait3A_392 = arith.constant 0 : i32
        %dma_wait3A_393 = arith.constant 0 : i32
        %dma_wait3A_394 = arith.constant 0 : i32
        %dma_wait3A_395 = tpu.memref_slice %arg4[%dma_wait3A_385, %dma_wait3A_392, %dma_wait3A_386, %dma_wait3A_393, %dma_wait3A_394] : memref<16x32x32x32x32xf32, #tpu.memory_space<hbm>> -> memref<1x8x1x32x32xf32, #tpu.memory_space<hbm>>
        %dma_wait3A_396 = tpu.memref_squeeze %dma_wait3A_395 : memref<1x8x1x32x32xf32, #tpu.memory_space<hbm>> -> memref<8x32x32xf32, #tpu.memory_space<hbm>>
        %dma_wait3A_397 = arith.constant 0 : i32
        %dma_wait3A_398 = arith.constant 0 : i32
        %dma_wait3A_399 = arith.constant 0 : i32
        %dma_wait3A_400 = tpu.memref_slice %arg4[%dma_wait3A_385, %dma_wait3A_397, %dma_wait3A_386, %dma_wait3A_398, %dma_wait3A_399] : memref<16x32x32x32x32xf32, #tpu.memory_space<hbm>> -> memref<1x8x1x32x32xf32, #tpu.memory_space<hbm>>
        %dma_wait3A_401 = tpu.memref_squeeze %dma_wait3A_400 : memref<1x8x1x32x32xf32, #tpu.memory_space<hbm>> -> memref<8x32x32xf32, #tpu.memory_space<hbm>>
        %dma_wait3A_402 = arith.constant 0 : i32
        %dma_wait3A_403 = arith.constant 0 : i32
        %dma_wait3A_404 = arith.constant 0 : i32
        %dma_wait3A_405 = tpu.memref_slice %arg7[%dma_wait3A_384, %dma_wait3A_402, %dma_wait3A_403, %dma_wait3A_404] : memref<2x8x32x32xf32, #tpu.memory_space<vmem>> -> memref<1x8x32x32xf32, #tpu.memory_space<vmem>>
        %dma_wait3A_406 = tpu.memref_squeeze %dma_wait3A_405 : memref<1x8x32x32xf32, #tpu.memory_space<vmem>> -> memref<8x32x32xf32, #tpu.memory_space<vmem>>
        tpu.wait_dma2 semaphore(%arg11 : memref<!tpu.dma_semaphore, #tpu.memory_space<semaphore_mem>>) src(%dma_wait3A_406 : memref<8x32x32xf32, #tpu.memory_space<vmem>>) dst(%dma_wait3A_401 : memref<8x32x32xf32, #tpu.memory_space<hbm>>)
      } else {
      }
      %parallel_loop3A_293 = arith.constant 0 : i32
      %parallel_loop3A_294 = arith.constant 64 : i32
      %parallel_loop3A_295 = arith.constant 1 : i32
      scf.for %parallel_loop3A_384 = %parallel_loop3A_293 to %parallel_loop3A_294 step %parallel_loop3A_295  : i32 {
        %parallel_loop3A_385 = arith.constant 2 : i32
        %parallel_loop3A_386 = arith.divsi %parallel_loop3A_384, %parallel_loop3A_385 : i32
        %parallel_loop3A_387 = arith.constant 0 : i32
        %parallel_loop3A_388 = arith.cmpi sgt, %parallel_loop3A_384, %parallel_loop3A_387 : i32
        %parallel_loop3A_389 = arith.extui %parallel_loop3A_388 : i1 to i32
        %parallel_loop3A_390 = arith.constant 0 : i32
        %parallel_loop3A_391 = arith.cmpi slt, %parallel_loop3A_384, %parallel_loop3A_390 : i32
        %parallel_loop3A_392 = arith.extui %parallel_loop3A_391 : i1 to i32
        %parallel_loop3A_393 = arith.subi %parallel_loop3A_389, %parallel_loop3A_392 : i32
        %parallel_loop3A_394 = arith.constant 0 : i32
        %parallel_loop3A_395 = arith.cmpi sgt, %parallel_loop3A_385, %parallel_loop3A_394 : i32
        %parallel_loop3A_396 = arith.extui %parallel_loop3A_395 : i1 to i32
        %parallel_loop3A_397 = arith.constant 0 : i32
        %parallel_loop3A_398 = arith.cmpi slt, %parallel_loop3A_385, %parallel_loop3A_397 : i32
        %parallel_loop3A_399 = arith.extui %parallel_loop3A_398 : i1 to i32
        %parallel_loop3A_400 = arith.subi %parallel_loop3A_396, %parallel_loop3A_399 : i32
        %parallel_loop3A_401 = arith.cmpi ne, %parallel_loop3A_393, %parallel_loop3A_400 : i32
        %parallel_loop3A_402 = arith.remsi %parallel_loop3A_384, %parallel_loop3A_385 : i32
        %parallel_loop3A_403 = arith.constant 0 : i32
        %parallel_loop3A_404 = arith.cmpi ne, %parallel_loop3A_402, %parallel_loop3A_403 : i32
        %parallel_loop3A_405 = arith.andi %parallel_loop3A_401, %parallel_loop3A_404 : i1
        %parallel_loop3A_406 = arith.constant 1 : i32
        %parallel_loop3A_407 = arith.subi %parallel_loop3A_386, %parallel_loop3A_406 : i32
        %parallel_loop3A_408 = arith.select %parallel_loop3A_405, %parallel_loop3A_407, %parallel_loop3A_386 : i32
        %parallel_loop3A_409 = arith.constant 2 : i32
        %parallel_loop3A_410 = arith.constant 0 : i32
        %parallel_loop3A_411 = arith.cmpi eq, %parallel_loop3A_409, %parallel_loop3A_410 : i32
        %parallel_loop3A_412 = arith.constant 1 : i32
        %parallel_loop3A_413 = arith.select %parallel_loop3A_411, %parallel_loop3A_412, %parallel_loop3A_409 : i32
        %parallel_loop3A_414 = arith.remsi %parallel_loop3A_384, %parallel_loop3A_413 : i32
        %parallel_loop3A_415 = arith.constant 0 : i32
        %parallel_loop3A_416 = arith.cmpi ne, %parallel_loop3A_414, %parallel_loop3A_415 : i32
        %parallel_loop3A_417 = arith.constant 0 : i32
        %parallel_loop3A_418 = arith.cmpi slt, %parallel_loop3A_414, %parallel_loop3A_417 : i32
        %parallel_loop3A_419 = arith.constant 0 : i32
        %parallel_loop3A_420 = arith.cmpi slt, %parallel_loop3A_413, %parallel_loop3A_419 : i32
        %parallel_loop3A_421 = arith.xori %parallel_loop3A_418, %parallel_loop3A_420 : i1
        %parallel_loop3A_422 = arith.andi %parallel_loop3A_421, %parallel_loop3A_416 : i1
        %parallel_loop3A_423 = arith.addi %parallel_loop3A_414, %parallel_loop3A_413 : i32
        %parallel_loop3A_424 = arith.select %parallel_loop3A_422, %parallel_loop3A_423, %parallel_loop3A_414 : i32
        %parallel_loop3A_425 = arith.constant 16 : i32
        %parallel_loop3A_426 = arith.muli %parallel_loop3A_424, %parallel_loop3A_425 : i32
        %parallel_loop3A_427 = arith.constant 1 : i32
        %parallel_loop3A_428 = arith.index_cast %parallel_loop3A_427 : i32 to index
        %parallel_loop3A_429 = arith.index_cast %parallel_loop3A_408 : i32 to index
        %parallel_loop3A_430 = arith.index_cast %parallel_loop3A_426 : i32 to index
        %parallel_loop3A_431 = tpu.vector_load %arg6[%parallel_loop3A_428, %parallel_loop3A_429, %parallel_loop3A_430] {strides = array<i32>} : memref<2x32x32xi32, #tpu.memory_space<vmem>>, vector<16xi32>,
        %parallel_loop3A_432 = arith.constant 0 : i32
        %parallel_loop3A_433 = vector.broadcast %parallel_loop3A_432 : i32 to vector<16xi32>
        %parallel_loop3A_434 = arith.maxsi %parallel_loop3A_431, %parallel_loop3A_433 : vector<16xi32>
        %parallel_loop3A_435 = arith.constant 999 : i32
        %parallel_loop3A_436 = vector.broadcast %parallel_loop3A_435 : i32 to vector<16xi32>
        %parallel_loop3A_437 = arith.minsi %parallel_loop3A_434, %parallel_loop3A_436 : vector<16xi32>
        %parallel_loop3A_438 = arith.constant 8000 : i32
        %parallel_loop3A_439 = vector.broadcast %parallel_loop3A_438 : i32 to vector<16xi32>
        %parallel_loop3A_440 = arith.addi %parallel_loop3A_437, %parallel_loop3A_439 : vector<16xi32>
        %parallel_loop3A_441 = tpu.vector_load_idx %arg5[%parallel_loop3A_440] : memref<32000xf32, #tpu.memory_space<vmem>>[vector<16xi32>], vector<16xf32>,
        %parallel_loop3A_442 = arith.constant 1 : i32
        %parallel_loop3A_443 = arith.constant 0 : i32
        %parallel_loop3A_444 = arith.index_cast %parallel_loop3A_442 : i32 to index
        %parallel_loop3A_445 = arith.index_cast %parallel_loop3A_443 : i32 to index
        %parallel_loop3A_446 = arith.index_cast %parallel_loop3A_408 : i32 to index
        %parallel_loop3A_447 = arith.index_cast %parallel_loop3A_426 : i32 to index
        %parallel_loop3A_448 = tpu.vector_load %arg7[%parallel_loop3A_444, %parallel_loop3A_445, %parallel_loop3A_446, %parallel_loop3A_447] {strides = array<i32>} : memref<2x8x32x32xf32, #tpu.memory_space<vmem>>, vector<16xf32>,
        tpu.vector_store %arg7[%parallel_loop3A_444, %parallel_loop3A_445, %parallel_loop3A_446, %parallel_loop3A_447], %parallel_loop3A_441 {strides = array<i32>} : memref<2x8x32x32xf32, #tpu.memory_space<vmem>>, vector<16xf32>,
        %parallel_loop3A_449 = arith.constant 9000 : i32
        %parallel_loop3A_450 = vector.broadcast %parallel_loop3A_449 : i32 to vector<16xi32>
        %parallel_loop3A_451 = arith.addi %parallel_loop3A_437, %parallel_loop3A_450 : vector<16xi32>
        %parallel_loop3A_452 = tpu.vector_load_idx %arg5[%parallel_loop3A_451] : memref<32000xf32, #tpu.memory_space<vmem>>[vector<16xi32>], vector<16xf32>,
        %parallel_loop3A_453 = arith.constant 1 : i32
        %parallel_loop3A_454 = arith.constant 1 : i32
        %parallel_loop3A_455 = arith.index_cast %parallel_loop3A_453 : i32 to index
        %parallel_loop3A_456 = arith.index_cast %parallel_loop3A_454 : i32 to index
        %parallel_loop3A_457 = arith.index_cast %parallel_loop3A_408 : i32 to index
        %parallel_loop3A_458 = arith.index_cast %parallel_loop3A_426 : i32 to index
        %parallel_loop3A_459 = tpu.vector_load %arg7[%parallel_loop3A_455, %parallel_loop3A_456, %parallel_loop3A_457, %parallel_loop3A_458] {strides = array<i32>} : memref<2x8x32x32xf32, #tpu.memory_space<vmem>>, vector<16xf32>,
        tpu.vector_store %arg7[%parallel_loop3A_455, %parallel_loop3A_456, %parallel_loop3A_457, %parallel_loop3A_458], %parallel_loop3A_452 {strides = array<i32>} : memref<2x8x32x32xf32, #tpu.memory_space<vmem>>, vector<16xf32>,
        %parallel_loop3A_460 = arith.constant 10000 : i32
        %parallel_loop3A_461 = vector.broadcast %parallel_loop3A_460 : i32 to vector<16xi32>
        %parallel_loop3A_462 = arith.addi %parallel_loop3A_437, %parallel_loop3A_461 : vector<16xi32>
        %parallel_loop3A_463 = tpu.vector_load_idx %arg5[%parallel_loop3A_462] : memref<32000xf32, #tpu.memory_space<vmem>>[vector<16xi32>], vector<16xf32>,
        %parallel_loop3A_464 = arith.constant 1 : i32
        %parallel_loop3A_465 = arith.constant 2 : i32
        %parallel_loop3A_466 = arith.index_cast %parallel_loop3A_464 : i32 to index
        %parallel_loop3A_467 = arith.index_cast %parallel_loop3A_465 : i32 to index
        %parallel_loop3A_468 = arith.index_cast %parallel_loop3A_408 : i32 to index
        %parallel_loop3A_469 = arith.index_cast %parallel_loop3A_426 : i32 to index
        %parallel_loop3A_470 = tpu.vector_load %arg7[%parallel_loop3A_466, %parallel_loop3A_467, %parallel_loop3A_468, %parallel_loop3A_469] {strides = array<i32>} : memref<2x8x32x32xf32, #tpu.memory_space<vmem>>, vector<16xf32>,
        tpu.vector_store %arg7[%parallel_loop3A_466, %parallel_loop3A_467, %parallel_loop3A_468, %parallel_loop3A_469], %parallel_loop3A_463 {strides = array<i32>} : memref<2x8x32x32xf32, #tpu.memory_space<vmem>>, vector<16xf32>,
        %parallel_loop3A_471 = arith.constant 11000 : i32
        %parallel_loop3A_472 = vector.broadcast %parallel_loop3A_471 : i32 to vector<16xi32>
        %parallel_loop3A_473 = arith.addi %parallel_loop3A_437, %parallel_loop3A_472 : vector<16xi32>
        %parallel_loop3A_474 = tpu.vector_load_idx %arg5[%parallel_loop3A_473] : memref<32000xf32, #tpu.memory_space<vmem>>[vector<16xi32>], vector<16xf32>,
        %parallel_loop3A_475 = arith.constant 1 : i32
        %parallel_loop3A_476 = arith.constant 3 : i32
        %parallel_loop3A_477 = arith.index_cast %parallel_loop3A_475 : i32 to index
        %parallel_loop3A_478 = arith.index_cast %parallel_loop3A_476 : i32 to index
        %parallel_loop3A_479 = arith.index_cast %parallel_loop3A_408 : i32 to index
        %parallel_loop3A_480 = arith.index_cast %parallel_loop3A_426 : i32 to index
        %parallel_loop3A_481 = tpu.vector_load %arg7[%parallel_loop3A_477, %parallel_loop3A_478, %parallel_loop3A_479, %parallel_loop3A_480] {strides = array<i32>} : memref<2x8x32x32xf32, #tpu.memory_space<vmem>>, vector<16xf32>,
        tpu.vector_store %arg7[%parallel_loop3A_477, %parallel_loop3A_478, %parallel_loop3A_479, %parallel_loop3A_480], %parallel_loop3A_474 {strides = array<i32>} : memref<2x8x32x32xf32, #tpu.memory_space<vmem>>, vector<16xf32>,
        %parallel_loop3A_482 = arith.constant 12000 : i32
        %parallel_loop3A_483 = vector.broadcast %parallel_loop3A_482 : i32 to vector<16xi32>
        %parallel_loop3A_484 = arith.addi %parallel_loop3A_437, %parallel_loop3A_483 : vector<16xi32>
        %parallel_loop3A_485 = tpu.vector_load_idx %arg5[%parallel_loop3A_484] : memref<32000xf32, #tpu.memory_space<vmem>>[vector<16xi32>], vector<16xf32>,
        %parallel_loop3A_486 = arith.constant 1 : i32
        %parallel_loop3A_487 = arith.constant 4 : i32
        %parallel_loop3A_488 = arith.index_cast %parallel_loop3A_486 : i32 to index
        %parallel_loop3A_489 = arith.index_cast %parallel_loop3A_487 : i32 to index
        %parallel_loop3A_490 = arith.index_cast %parallel_loop3A_408 : i32 to index
        %parallel_loop3A_491 = arith.index_cast %parallel_loop3A_426 : i32 to index
        %parallel_loop3A_492 = tpu.vector_load %arg7[%parallel_loop3A_488, %parallel_loop3A_489, %parallel_loop3A_490, %parallel_loop3A_491] {strides = array<i32>} : memref<2x8x32x32xf32, #tpu.memory_space<vmem>>, vector<16xf32>,
        tpu.vector_store %arg7[%parallel_loop3A_488, %parallel_loop3A_489, %parallel_loop3A_490, %parallel_loop3A_491], %parallel_loop3A_485 {strides = array<i32>} : memref<2x8x32x32xf32, #tpu.memory_space<vmem>>, vector<16xf32>,
        %parallel_loop3A_493 = arith.constant 13000 : i32
        %parallel_loop3A_494 = vector.broadcast %parallel_loop3A_493 : i32 to vector<16xi32>
        %parallel_loop3A_495 = arith.addi %parallel_loop3A_437, %parallel_loop3A_494 : vector<16xi32>
        %parallel_loop3A_496 = tpu.vector_load_idx %arg5[%parallel_loop3A_495] : memref<32000xf32, #tpu.memory_space<vmem>>[vector<16xi32>], vector<16xf32>,
        %parallel_loop3A_497 = arith.constant 1 : i32
        %parallel_loop3A_498 = arith.constant 5 : i32
        %parallel_loop3A_499 = arith.index_cast %parallel_loop3A_497 : i32 to index
        %parallel_loop3A_500 = arith.index_cast %parallel_loop3A_498 : i32 to index
        %parallel_loop3A_501 = arith.index_cast %parallel_loop3A_408 : i32 to index
        %parallel_loop3A_502 = arith.index_cast %parallel_loop3A_426 : i32 to index
        %parallel_loop3A_503 = tpu.vector_load %arg7[%parallel_loop3A_499, %parallel_loop3A_500, %parallel_loop3A_501, %parallel_loop3A_502] {strides = array<i32>} : memref<2x8x32x32xf32, #tpu.memory_space<vmem>>, vector<16xf32>,
        tpu.vector_store %arg7[%parallel_loop3A_499, %parallel_loop3A_500, %parallel_loop3A_501, %parallel_loop3A_502], %parallel_loop3A_496 {strides = array<i32>} : memref<2x8x32x32xf32, #tpu.memory_space<vmem>>, vector<16xf32>,
        %parallel_loop3A_504 = arith.constant 14000 : i32
        %parallel_loop3A_505 = vector.broadcast %parallel_loop3A_504 : i32 to vector<16xi32>
        %parallel_loop3A_506 = arith.addi %parallel_loop3A_437, %parallel_loop3A_505 : vector<16xi32>
        %parallel_loop3A_507 = tpu.vector_load_idx %arg5[%parallel_loop3A_506] : memref<32000xf32, #tpu.memory_space<vmem>>[vector<16xi32>], vector<16xf32>,
        %parallel_loop3A_508 = arith.constant 1 : i32
        %parallel_loop3A_509 = arith.constant 6 : i32
        %parallel_loop3A_510 = arith.index_cast %parallel_loop3A_508 : i32 to index
        %parallel_loop3A_511 = arith.index_cast %parallel_loop3A_509 : i32 to index
        %parallel_loop3A_512 = arith.index_cast %parallel_loop3A_408 : i32 to index
        %parallel_loop3A_513 = arith.index_cast %parallel_loop3A_426 : i32 to index
        %parallel_loop3A_514 = tpu.vector_load %arg7[%parallel_loop3A_510, %parallel_loop3A_511, %parallel_loop3A_512, %parallel_loop3A_513] {strides = array<i32>} : memref<2x8x32x32xf32, #tpu.memory_space<vmem>>, vector<16xf32>,
        tpu.vector_store %arg7[%parallel_loop3A_510, %parallel_loop3A_511, %parallel_loop3A_512, %parallel_loop3A_513], %parallel_loop3A_507 {strides = array<i32>} : memref<2x8x32x32xf32, #tpu.memory_space<vmem>>, vector<16xf32>,
        %parallel_loop3A_515 = arith.constant 15000 : i32
        %parallel_loop3A_516 = vector.broadcast %parallel_loop3A_515 : i32 to vector<16xi32>
        %parallel_loop3A_517 = arith.addi %parallel_loop3A_437, %parallel_loop3A_516 : vector<16xi32>
        %parallel_loop3A_518 = tpu.vector_load_idx %arg5[%parallel_loop3A_517] : memref<32000xf32, #tpu.memory_space<vmem>>[vector<16xi32>], vector<16xf32>,
        %parallel_loop3A_519 = arith.constant 1 : i32
        %parallel_loop3A_520 = arith.constant 7 : i32
        %parallel_loop3A_521 = arith.index_cast %parallel_loop3A_519 : i32 to index
        %parallel_loop3A_522 = arith.index_cast %parallel_loop3A_520 : i32 to index
        %parallel_loop3A_523 = arith.index_cast %parallel_loop3A_408 : i32 to index
        %parallel_loop3A_524 = arith.index_cast %parallel_loop3A_426 : i32 to index
        %parallel_loop3A_525 = tpu.vector_load %arg7[%parallel_loop3A_521, %parallel_loop3A_522, %parallel_loop3A_523, %parallel_loop3A_524] {strides = array<i32>} : memref<2x8x32x32xf32, #tpu.memory_space<vmem>>, vector<16xf32>,
        tpu.vector_store %arg7[%parallel_loop3A_521, %parallel_loop3A_522, %parallel_loop3A_523, %parallel_loop3A_524], %parallel_loop3A_518 {strides = array<i32>} : memref<2x8x32x32xf32, #tpu.memory_space<vmem>>, vector<16xf32>,
      } {sc.loop_unroll_factor = 2 : i64, sc.parallel_access}
      %dma_start3A_296 = arith.constant 1 : i32
      %dma_start3A_297 = arith.constant 0 : i32
      %dma_start3A_298 = arith.constant 0 : i32
      %dma_start3A_299 = arith.constant 0 : i32
      %dma_start3A_300 = tpu.memref_slice %arg7[%dma_start3A_296, %dma_start3A_297, %dma_start3A_298, %dma_start3A_299] : memref<2x8x32x32xf32, #tpu.memory_space<vmem>> -> memref<1x8x32x32xf32, #tpu.memory_space<vmem>>
      %dma_start3A_301 = tpu.memref_squeeze %dma_start3A_300 : memref<1x8x32x32xf32, #tpu.memory_space<vmem>> -> memref<8x32x32xf32, #tpu.memory_space<vmem>>
      %dma_start3A_302 = arith.constant 8 : i32
      %dma_start3A_303 = arith.constant 0 : i32
      %dma_start3A_304 = arith.constant 0 : i32
      %dma_start3A_305 = tpu.memref_slice %arg4[%add3A_235, %dma_start3A_302, %add3A, %dma_start3A_303, %dma_start3A_304] : memref<16x32x32x32x32xf32, #tpu.memory_space<hbm>> -> memref<1x8x1x32x32xf32, #tpu.memory_space<hbm>>
      %dma_start3A_306 = tpu.memref_squeeze %dma_start3A_305 : memref<1x8x1x32x32xf32, #tpu.memory_space<hbm>> -> memref<8x32x32xf32, #tpu.memory_space<hbm>>
      %dma_start3A_307 = arith.constant 8 : i32
      %dma_start3A_308 = arith.constant 0 : i32
      %dma_start3A_309 = arith.constant 0 : i32
      %dma_start3A_310 = tpu.memref_slice %arg4[%add3A_235, %dma_start3A_307, %add3A, %dma_start3A_308, %dma_start3A_309] : memref<16x32x32x32x32xf32, #tpu.memory_space<hbm>> -> memref<1x8x1x32x32xf32, #tpu.memory_space<hbm>>
      %dma_start3A_311 = tpu.memref_squeeze %dma_start3A_310 : memref<1x8x1x32x32xf32, #tpu.memory_space<hbm>> -> memref<8x32x32xf32, #tpu.memory_space<hbm>>
      %dma_start3A_312 = arith.constant 0 : i32
      %dma_start3A_313 = arith.constant 0 : i32
      %dma_start3A_314 = arith.constant 0 : i32
      %dma_start3A_315 = tpu.memref_slice %arg7[%dma_start3A_296, %dma_start3A_312, %dma_start3A_313, %dma_start3A_314] : memref<2x8x32x32xf32, #tpu.memory_space<vmem>> -> memref<1x8x32x32xf32, #tpu.memory_space<vmem>>
      %dma_start3A_316 = tpu.memref_squeeze %dma_start3A_315 : memref<1x8x32x32xf32, #tpu.memory_space<vmem>> -> memref<8x32x32xf32, #tpu.memory_space<vmem>>
      tpu.enqueue_dma source(%dma_start3A_316 : memref<8x32x32xf32, #tpu.memory_space<vmem>>) target(%dma_start3A_311 : memref<8x32x32xf32, #tpu.memory_space<hbm>>) target_semaphore(%arg11 : memref<!tpu.dma_semaphore, #tpu.memory_space<semaphore_mem>>)
      %gt3A_317 = arith.constant 0 : i32
      %gt3A_318 = arith.cmpi sgt, %add3A_89, %gt3A_317 : i32
      %or3A_319 = arith.constant true
      %or3A_320 = arith.ori %gt3A_318, %or3A_319 : i1
      %convert_element_type3A_321 = arith.extui %or3A_320 : i1 to i32
      %cond3A_322 = arith.constant 0 : i32
      %cond3A_323 = arith.cmpi ne, %convert_element_type3A_321, %cond3A_322 : i32
      scf.if %cond3A_323 {
        %dma_wait3A_384 = arith.constant 0 : i32
        %dma_wait3A_385 = arith.constant 0 : i32
        %dma_wait3A_386 = arith.constant 0 : i32
        %dma_wait3A_387 = arith.constant 0 : i32
        %dma_wait3A_388 = arith.constant 0 : i32
        %dma_wait3A_389 = arith.constant 0 : i32
        %dma_wait3A_390 = tpu.memref_slice %arg7[%dma_wait3A_384, %dma_wait3A_387, %dma_wait3A_388, %dma_wait3A_389] : memref<2x8x32x32xf32, #tpu.memory_space<vmem>> -> memref<1x8x32x32xf32, #tpu.memory_space<vmem>>
        %dma_wait3A_391 = tpu.memref_squeeze %dma_wait3A_390 : memref<1x8x32x32xf32, #tpu.memory_space<vmem>> -> memref<8x32x32xf32, #tpu.memory_space<vmem>>
        %dma_wait3A_392 = arith.constant 0 : i32
        %dma_wait3A_393 = arith.constant 0 : i32
        %dma_wait3A_394 = arith.constant 0 : i32
        %dma_wait3A_395 = tpu.memref_slice %arg4[%dma_wait3A_385, %dma_wait3A_392, %dma_wait3A_386, %dma_wait3A_393, %dma_wait3A_394] : memref<16x32x32x32x32xf32, #tpu.memory_space<hbm>> -> memref<1x8x1x32x32xf32, #tpu.memory_space<hbm>>
        %dma_wait3A_396 = tpu.memref_squeeze %dma_wait3A_395 : memref<1x8x1x32x32xf32, #tpu.memory_space<hbm>> -> memref<8x32x32xf32, #tpu.memory_space<hbm>>
        %dma_wait3A_397 = arith.constant 0 : i32
        %dma_wait3A_398 = arith.constant 0 : i32
        %dma_wait3A_399 = arith.constant 0 : i32
        %dma_wait3A_400 = tpu.memref_slice %arg4[%dma_wait3A_385, %dma_wait3A_397, %dma_wait3A_386, %dma_wait3A_398, %dma_wait3A_399] : memref<16x32x32x32x32xf32, #tpu.memory_space<hbm>> -> memref<1x8x1x32x32xf32, #tpu.memory_space<hbm>>
        %dma_wait3A_401 = tpu.memref_squeeze %dma_wait3A_400 : memref<1x8x1x32x32xf32, #tpu.memory_space<hbm>> -> memref<8x32x32xf32, #tpu.memory_space<hbm>>
        %dma_wait3A_402 = arith.constant 0 : i32
        %dma_wait3A_403 = arith.constant 0 : i32
        %dma_wait3A_404 = arith.constant 0 : i32
        %dma_wait3A_405 = tpu.memref_slice %arg7[%dma_wait3A_384, %dma_wait3A_402, %dma_wait3A_403, %dma_wait3A_404] : memref<2x8x32x32xf32, #tpu.memory_space<vmem>> -> memref<1x8x32x32xf32, #tpu.memory_space<vmem>>
        %dma_wait3A_406 = tpu.memref_squeeze %dma_wait3A_405 : memref<1x8x32x32xf32, #tpu.memory_space<vmem>> -> memref<8x32x32xf32, #tpu.memory_space<vmem>>
        tpu.wait_dma2 semaphore(%arg10 : memref<!tpu.dma_semaphore, #tpu.memory_space<semaphore_mem>>) src(%dma_wait3A_406 : memref<8x32x32xf32, #tpu.memory_space<vmem>>) dst(%dma_wait3A_401 : memref<8x32x32xf32, #tpu.memory_space<hbm>>)
      } else {
      }
      %parallel_loop3A_324 = arith.constant 0 : i32
      %parallel_loop3A_325 = arith.constant 64 : i32
      %parallel_loop3A_326 = arith.constant 1 : i32
      scf.for %parallel_loop3A_384 = %parallel_loop3A_324 to %parallel_loop3A_325 step %parallel_loop3A_326  : i32 {
        %parallel_loop3A_385 = arith.constant 2 : i32
        %parallel_loop3A_386 = arith.divsi %parallel_loop3A_384, %parallel_loop3A_385 : i32
        %parallel_loop3A_387 = arith.constant 0 : i32
        %parallel_loop3A_388 = arith.cmpi sgt, %parallel_loop3A_384, %parallel_loop3A_387 : i32
        %parallel_loop3A_389 = arith.extui %parallel_loop3A_388 : i1 to i32
        %parallel_loop3A_390 = arith.constant 0 : i32
        %parallel_loop3A_391 = arith.cmpi slt, %parallel_loop3A_384, %parallel_loop3A_390 : i32
        %parallel_loop3A_392 = arith.extui %parallel_loop3A_391 : i1 to i32
        %parallel_loop3A_393 = arith.subi %parallel_loop3A_389, %parallel_loop3A_392 : i32
        %parallel_loop3A_394 = arith.constant 0 : i32
        %parallel_loop3A_395 = arith.cmpi sgt, %parallel_loop3A_385, %parallel_loop3A_394 : i32
        %parallel_loop3A_396 = arith.extui %parallel_loop3A_395 : i1 to i32
        %parallel_loop3A_397 = arith.constant 0 : i32
        %parallel_loop3A_398 = arith.cmpi slt, %parallel_loop3A_385, %parallel_loop3A_397 : i32
        %parallel_loop3A_399 = arith.extui %parallel_loop3A_398 : i1 to i32
        %parallel_loop3A_400 = arith.subi %parallel_loop3A_396, %parallel_loop3A_399 : i32
        %parallel_loop3A_401 = arith.cmpi ne, %parallel_loop3A_393, %parallel_loop3A_400 : i32
        %parallel_loop3A_402 = arith.remsi %parallel_loop3A_384, %parallel_loop3A_385 : i32
        %parallel_loop3A_403 = arith.constant 0 : i32
        %parallel_loop3A_404 = arith.cmpi ne, %parallel_loop3A_402, %parallel_loop3A_403 : i32
        %parallel_loop3A_405 = arith.andi %parallel_loop3A_401, %parallel_loop3A_404 : i1
        %parallel_loop3A_406 = arith.constant 1 : i32
        %parallel_loop3A_407 = arith.subi %parallel_loop3A_386, %parallel_loop3A_406 : i32
        %parallel_loop3A_408 = arith.select %parallel_loop3A_405, %parallel_loop3A_407, %parallel_loop3A_386 : i32
        %parallel_loop3A_409 = arith.constant 2 : i32
        %parallel_loop3A_410 = arith.constant 0 : i32
        %parallel_loop3A_411 = arith.cmpi eq, %parallel_loop3A_409, %parallel_loop3A_410 : i32
        %parallel_loop3A_412 = arith.constant 1 : i32
        %parallel_loop3A_413 = arith.select %parallel_loop3A_411, %parallel_loop3A_412, %parallel_loop3A_409 : i32
        %parallel_loop3A_414 = arith.remsi %parallel_loop3A_384, %parallel_loop3A_413 : i32
        %parallel_loop3A_415 = arith.constant 0 : i32
        %parallel_loop3A_416 = arith.cmpi ne, %parallel_loop3A_414, %parallel_loop3A_415 : i32
        %parallel_loop3A_417 = arith.constant 0 : i32
        %parallel_loop3A_418 = arith.cmpi slt, %parallel_loop3A_414, %parallel_loop3A_417 : i32
        %parallel_loop3A_419 = arith.constant 0 : i32
        %parallel_loop3A_420 = arith.cmpi slt, %parallel_loop3A_413, %parallel_loop3A_419 : i32
        %parallel_loop3A_421 = arith.xori %parallel_loop3A_418, %parallel_loop3A_420 : i1
        %parallel_loop3A_422 = arith.andi %parallel_loop3A_421, %parallel_loop3A_416 : i1
        %parallel_loop3A_423 = arith.addi %parallel_loop3A_414, %parallel_loop3A_413 : i32
        %parallel_loop3A_424 = arith.select %parallel_loop3A_422, %parallel_loop3A_423, %parallel_loop3A_414 : i32
        %parallel_loop3A_425 = arith.constant 16 : i32
        %parallel_loop3A_426 = arith.muli %parallel_loop3A_424, %parallel_loop3A_425 : i32
        %parallel_loop3A_427 = arith.constant 1 : i32
        %parallel_loop3A_428 = arith.index_cast %parallel_loop3A_427 : i32 to index
        %parallel_loop3A_429 = arith.index_cast %parallel_loop3A_408 : i32 to index
        %parallel_loop3A_430 = arith.index_cast %parallel_loop3A_426 : i32 to index
        %parallel_loop3A_431 = tpu.vector_load %arg6[%parallel_loop3A_428, %parallel_loop3A_429, %parallel_loop3A_430] {strides = array<i32>} : memref<2x32x32xi32, #tpu.memory_space<vmem>>, vector<16xi32>,
        %parallel_loop3A_432 = arith.constant 0 : i32
        %parallel_loop3A_433 = vector.broadcast %parallel_loop3A_432 : i32 to vector<16xi32>
        %parallel_loop3A_434 = arith.maxsi %parallel_loop3A_431, %parallel_loop3A_433 : vector<16xi32>
        %parallel_loop3A_435 = arith.constant 999 : i32
        %parallel_loop3A_436 = vector.broadcast %parallel_loop3A_435 : i32 to vector<16xi32>
        %parallel_loop3A_437 = arith.minsi %parallel_loop3A_434, %parallel_loop3A_436 : vector<16xi32>
        %parallel_loop3A_438 = arith.constant 16000 : i32
        %parallel_loop3A_439 = vector.broadcast %parallel_loop3A_438 : i32 to vector<16xi32>
        %parallel_loop3A_440 = arith.addi %parallel_loop3A_437, %parallel_loop3A_439 : vector<16xi32>
        %parallel_loop3A_441 = tpu.vector_load_idx %arg5[%parallel_loop3A_440] : memref<32000xf32, #tpu.memory_space<vmem>>[vector<16xi32>], vector<16xf32>,
        %parallel_loop3A_442 = arith.constant 0 : i32
        %parallel_loop3A_443 = arith.constant 0 : i32
        %parallel_loop3A_444 = arith.index_cast %parallel_loop3A_442 : i32 to index
        %parallel_loop3A_445 = arith.index_cast %parallel_loop3A_443 : i32 to index
        %parallel_loop3A_446 = arith.index_cast %parallel_loop3A_408 : i32 to index
        %parallel_loop3A_447 = arith.index_cast %parallel_loop3A_426 : i32 to index
        %parallel_loop3A_448 = tpu.vector_load %arg7[%parallel_loop3A_444, %parallel_loop3A_445, %parallel_loop3A_446, %parallel_loop3A_447] {strides = array<i32>} : memref<2x8x32x32xf32, #tpu.memory_space<vmem>>, vector<16xf32>,
        tpu.vector_store %arg7[%parallel_loop3A_444, %parallel_loop3A_445, %parallel_loop3A_446, %parallel_loop3A_447], %parallel_loop3A_441 {strides = array<i32>} : memref<2x8x32x32xf32, #tpu.memory_space<vmem>>, vector<16xf32>,
        %parallel_loop3A_449 = arith.constant 17000 : i32
        %parallel_loop3A_450 = vector.broadcast %parallel_loop3A_449 : i32 to vector<16xi32>
        %parallel_loop3A_451 = arith.addi %parallel_loop3A_437, %parallel_loop3A_450 : vector<16xi32>
        %parallel_loop3A_452 = tpu.vector_load_idx %arg5[%parallel_loop3A_451] : memref<32000xf32, #tpu.memory_space<vmem>>[vector<16xi32>], vector<16xf32>,
        %parallel_loop3A_453 = arith.constant 0 : i32
        %parallel_loop3A_454 = arith.constant 1 : i32
        %parallel_loop3A_455 = arith.index_cast %parallel_loop3A_453 : i32 to index
        %parallel_loop3A_456 = arith.index_cast %parallel_loop3A_454 : i32 to index
        %parallel_loop3A_457 = arith.index_cast %parallel_loop3A_408 : i32 to index
        %parallel_loop3A_458 = arith.index_cast %parallel_loop3A_426 : i32 to index
        %parallel_loop3A_459 = tpu.vector_load %arg7[%parallel_loop3A_455, %parallel_loop3A_456, %parallel_loop3A_457, %parallel_loop3A_458] {strides = array<i32>} : memref<2x8x32x32xf32, #tpu.memory_space<vmem>>, vector<16xf32>,
        tpu.vector_store %arg7[%parallel_loop3A_455, %parallel_loop3A_456, %parallel_loop3A_457, %parallel_loop3A_458], %parallel_loop3A_452 {strides = array<i32>} : memref<2x8x32x32xf32, #tpu.memory_space<vmem>>, vector<16xf32>,
        %parallel_loop3A_460 = arith.constant 18000 : i32
        %parallel_loop3A_461 = vector.broadcast %parallel_loop3A_460 : i32 to vector<16xi32>
        %parallel_loop3A_462 = arith.addi %parallel_loop3A_437, %parallel_loop3A_461 : vector<16xi32>
        %parallel_loop3A_463 = tpu.vector_load_idx %arg5[%parallel_loop3A_462] : memref<32000xf32, #tpu.memory_space<vmem>>[vector<16xi32>], vector<16xf32>,
        %parallel_loop3A_464 = arith.constant 0 : i32
        %parallel_loop3A_465 = arith.constant 2 : i32
        %parallel_loop3A_466 = arith.index_cast %parallel_loop3A_464 : i32 to index
        %parallel_loop3A_467 = arith.index_cast %parallel_loop3A_465 : i32 to index
        %parallel_loop3A_468 = arith.index_cast %parallel_loop3A_408 : i32 to index
        %parallel_loop3A_469 = arith.index_cast %parallel_loop3A_426 : i32 to index
        %parallel_loop3A_470 = tpu.vector_load %arg7[%parallel_loop3A_466, %parallel_loop3A_467, %parallel_loop3A_468, %parallel_loop3A_469] {strides = array<i32>} : memref<2x8x32x32xf32, #tpu.memory_space<vmem>>, vector<16xf32>,
        tpu.vector_store %arg7[%parallel_loop3A_466, %parallel_loop3A_467, %parallel_loop3A_468, %parallel_loop3A_469], %parallel_loop3A_463 {strides = array<i32>} : memref<2x8x32x32xf32, #tpu.memory_space<vmem>>, vector<16xf32>,
        %parallel_loop3A_471 = arith.constant 19000 : i32
        %parallel_loop3A_472 = vector.broadcast %parallel_loop3A_471 : i32 to vector<16xi32>
        %parallel_loop3A_473 = arith.addi %parallel_loop3A_437, %parallel_loop3A_472 : vector<16xi32>
        %parallel_loop3A_474 = tpu.vector_load_idx %arg5[%parallel_loop3A_473] : memref<32000xf32, #tpu.memory_space<vmem>>[vector<16xi32>], vector<16xf32>,
        %parallel_loop3A_475 = arith.constant 0 : i32
        %parallel_loop3A_476 = arith.constant 3 : i32
        %parallel_loop3A_477 = arith.index_cast %parallel_loop3A_475 : i32 to index
        %parallel_loop3A_478 = arith.index_cast %parallel_loop3A_476 : i32 to index
        %parallel_loop3A_479 = arith.index_cast %parallel_loop3A_408 : i32 to index
        %parallel_loop3A_480 = arith.index_cast %parallel_loop3A_426 : i32 to index
        %parallel_loop3A_481 = tpu.vector_load %arg7[%parallel_loop3A_477, %parallel_loop3A_478, %parallel_loop3A_479, %parallel_loop3A_480] {strides = array<i32>} : memref<2x8x32x32xf32, #tpu.memory_space<vmem>>, vector<16xf32>,
        tpu.vector_store %arg7[%parallel_loop3A_477, %parallel_loop3A_478, %parallel_loop3A_479, %parallel_loop3A_480], %parallel_loop3A_474 {strides = array<i32>} : memref<2x8x32x32xf32, #tpu.memory_space<vmem>>, vector<16xf32>,
        %parallel_loop3A_482 = arith.constant 20000 : i32
        %parallel_loop3A_483 = vector.broadcast %parallel_loop3A_482 : i32 to vector<16xi32>
        %parallel_loop3A_484 = arith.addi %parallel_loop3A_437, %parallel_loop3A_483 : vector<16xi32>
        %parallel_loop3A_485 = tpu.vector_load_idx %arg5[%parallel_loop3A_484] : memref<32000xf32, #tpu.memory_space<vmem>>[vector<16xi32>], vector<16xf32>,
        %parallel_loop3A_486 = arith.constant 0 : i32
        %parallel_loop3A_487 = arith.constant 4 : i32
        %parallel_loop3A_488 = arith.index_cast %parallel_loop3A_486 : i32 to index
        %parallel_loop3A_489 = arith.index_cast %parallel_loop3A_487 : i32 to index
        %parallel_loop3A_490 = arith.index_cast %parallel_loop3A_408 : i32 to index
        %parallel_loop3A_491 = arith.index_cast %parallel_loop3A_426 : i32 to index
        %parallel_loop3A_492 = tpu.vector_load %arg7[%parallel_loop3A_488, %parallel_loop3A_489, %parallel_loop3A_490, %parallel_loop3A_491] {strides = array<i32>} : memref<2x8x32x32xf32, #tpu.memory_space<vmem>>, vector<16xf32>,
        tpu.vector_store %arg7[%parallel_loop3A_488, %parallel_loop3A_489, %parallel_loop3A_490, %parallel_loop3A_491], %parallel_loop3A_485 {strides = array<i32>} : memref<2x8x32x32xf32, #tpu.memory_space<vmem>>, vector<16xf32>,
        %parallel_loop3A_493 = arith.constant 21000 : i32
        %parallel_loop3A_494 = vector.broadcast %parallel_loop3A_493 : i32 to vector<16xi32>
        %parallel_loop3A_495 = arith.addi %parallel_loop3A_437, %parallel_loop3A_494 : vector<16xi32>
        %parallel_loop3A_496 = tpu.vector_load_idx %arg5[%parallel_loop3A_495] : memref<32000xf32, #tpu.memory_space<vmem>>[vector<16xi32>], vector<16xf32>,
        %parallel_loop3A_497 = arith.constant 0 : i32
        %parallel_loop3A_498 = arith.constant 5 : i32
        %parallel_loop3A_499 = arith.index_cast %parallel_loop3A_497 : i32 to index
        %parallel_loop3A_500 = arith.index_cast %parallel_loop3A_498 : i32 to index
        %parallel_loop3A_501 = arith.index_cast %parallel_loop3A_408 : i32 to index
        %parallel_loop3A_502 = arith.index_cast %parallel_loop3A_426 : i32 to index
        %parallel_loop3A_503 = tpu.vector_load %arg7[%parallel_loop3A_499, %parallel_loop3A_500, %parallel_loop3A_501, %parallel_loop3A_502] {strides = array<i32>} : memref<2x8x32x32xf32, #tpu.memory_space<vmem>>, vector<16xf32>,
        tpu.vector_store %arg7[%parallel_loop3A_499, %parallel_loop3A_500, %parallel_loop3A_501, %parallel_loop3A_502], %parallel_loop3A_496 {strides = array<i32>} : memref<2x8x32x32xf32, #tpu.memory_space<vmem>>, vector<16xf32>,
        %parallel_loop3A_504 = arith.constant 22000 : i32
        %parallel_loop3A_505 = vector.broadcast %parallel_loop3A_504 : i32 to vector<16xi32>
        %parallel_loop3A_506 = arith.addi %parallel_loop3A_437, %parallel_loop3A_505 : vector<16xi32>
        %parallel_loop3A_507 = tpu.vector_load_idx %arg5[%parallel_loop3A_506] : memref<32000xf32, #tpu.memory_space<vmem>>[vector<16xi32>], vector<16xf32>,
        %parallel_loop3A_508 = arith.constant 0 : i32
        %parallel_loop3A_509 = arith.constant 6 : i32
        %parallel_loop3A_510 = arith.index_cast %parallel_loop3A_508 : i32 to index
        %parallel_loop3A_511 = arith.index_cast %parallel_loop3A_509 : i32 to index
        %parallel_loop3A_512 = arith.index_cast %parallel_loop3A_408 : i32 to index
        %parallel_loop3A_513 = arith.index_cast %parallel_loop3A_426 : i32 to index
        %parallel_loop3A_514 = tpu.vector_load %arg7[%parallel_loop3A_510, %parallel_loop3A_511, %parallel_loop3A_512, %parallel_loop3A_513] {strides = array<i32>} : memref<2x8x32x32xf32, #tpu.memory_space<vmem>>, vector<16xf32>,
        tpu.vector_store %arg7[%parallel_loop3A_510, %parallel_loop3A_511, %parallel_loop3A_512, %parallel_loop3A_513], %parallel_loop3A_507 {strides = array<i32>} : memref<2x8x32x32xf32, #tpu.memory_space<vmem>>, vector<16xf32>,
        %parallel_loop3A_515 = arith.constant 23000 : i32
        %parallel_loop3A_516 = vector.broadcast %parallel_loop3A_515 : i32 to vector<16xi32>
        %parallel_loop3A_517 = arith.addi %parallel_loop3A_437, %parallel_loop3A_516 : vector<16xi32>
        %parallel_loop3A_518 = tpu.vector_load_idx %arg5[%parallel_loop3A_517] : memref<32000xf32, #tpu.memory_space<vmem>>[vector<16xi32>], vector<16xf32>,
        %parallel_loop3A_519 = arith.constant 0 : i32
        %parallel_loop3A_520 = arith.constant 7 : i32
        %parallel_loop3A_521 = arith.index_cast %parallel_loop3A_519 : i32 to index
        %parallel_loop3A_522 = arith.index_cast %parallel_loop3A_520 : i32 to index
        %parallel_loop3A_523 = arith.index_cast %parallel_loop3A_408 : i32 to index
        %parallel_loop3A_524 = arith.index_cast %parallel_loop3A_426 : i32 to index
        %parallel_loop3A_525 = tpu.vector_load %arg7[%parallel_loop3A_521, %parallel_loop3A_522, %parallel_loop3A_523, %parallel_loop3A_524] {strides = array<i32>} : memref<2x8x32x32xf32, #tpu.memory_space<vmem>>, vector<16xf32>,
        tpu.vector_store %arg7[%parallel_loop3A_521, %parallel_loop3A_522, %parallel_loop3A_523, %parallel_loop3A_524], %parallel_loop3A_518 {strides = array<i32>} : memref<2x8x32x32xf32, #tpu.memory_space<vmem>>, vector<16xf32>,
      } {sc.loop_unroll_factor = 2 : i64, sc.parallel_access}
      %dma_start3A_327 = arith.constant 0 : i32
      %dma_start3A_328 = arith.constant 0 : i32
      %dma_start3A_329 = arith.constant 0 : i32
      %dma_start3A_330 = arith.constant 0 : i32
      %dma_start3A_331 = tpu.memref_slice %arg7[%dma_start3A_327, %dma_start3A_328, %dma_start3A_329, %dma_start3A_330] : memref<2x8x32x32xf32, #tpu.memory_space<vmem>> -> memref<1x8x32x32xf32, #tpu.memory_space<vmem>>
      %dma_start3A_332 = tpu.memref_squeeze %dma_start3A_331 : memref<1x8x32x32xf32, #tpu.memory_space<vmem>> -> memref<8x32x32xf32, #tpu.memory_space<vmem>>
      %dma_start3A_333 = arith.constant 16 : i32
      %dma_start3A_334 = arith.constant 0 : i32
      %dma_start3A_335 = arith.constant 0 : i32
      %dma_start3A_336 = tpu.memref_slice %arg4[%add3A_235, %dma_start3A_333, %add3A, %dma_start3A_334, %dma_start3A_335] : memref<16x32x32x32x32xf32, #tpu.memory_space<hbm>> -> memref<1x8x1x32x32xf32, #tpu.memory_space<hbm>>
      %dma_start3A_337 = tpu.memref_squeeze %dma_start3A_336 : memref<1x8x1x32x32xf32, #tpu.memory_space<hbm>> -> memref<8x32x32xf32, #tpu.memory_space<hbm>>
      %dma_start3A_338 = arith.constant 16 : i32
      %dma_start3A_339 = arith.constant 0 : i32
      %dma_start3A_340 = arith.constant 0 : i32
      %dma_start3A_341 = tpu.memref_slice %arg4[%add3A_235, %dma_start3A_338, %add3A, %dma_start3A_339, %dma_start3A_340] : memref<16x32x32x32x32xf32, #tpu.memory_space<hbm>> -> memref<1x8x1x32x32xf32, #tpu.memory_space<hbm>>
      %dma_start3A_342 = tpu.memref_squeeze %dma_start3A_341 : memref<1x8x1x32x32xf32, #tpu.memory_space<hbm>> -> memref<8x32x32xf32, #tpu.memory_space<hbm>>
      %dma_start3A_343 = arith.constant 0 : i32
      %dma_start3A_344 = arith.constant 0 : i32
      %dma_start3A_345 = arith.constant 0 : i32
      %dma_start3A_346 = tpu.memref_slice %arg7[%dma_start3A_327, %dma_start3A_343, %dma_start3A_344, %dma_start3A_345] : memref<2x8x32x32xf32, #tpu.memory_space<vmem>> -> memref<1x8x32x32xf32, #tpu.memory_space<vmem>>
      %dma_start3A_347 = tpu.memref_squeeze %dma_start3A_346 : memref<1x8x32x32xf32, #tpu.memory_space<vmem>> -> memref<8x32x32xf32, #tpu.memory_space<vmem>>
      tpu.enqueue_dma source(%dma_start3A_347 : memref<8x32x32xf32, #tpu.memory_space<vmem>>) target(%dma_start3A_342 : memref<8x32x32xf32, #tpu.memory_space<hbm>>) target_semaphore(%arg10 : memref<!tpu.dma_semaphore, #tpu.memory_space<semaphore_mem>>)
      %gt3A_348 = arith.constant 0 : i32
      %gt3A_349 = arith.cmpi sgt, %add3A_89, %gt3A_348 : i32
      %or3A_350 = arith.constant true
      %or3A_351 = arith.ori %gt3A_349, %or3A_350 : i1
      %convert_element_type3A_352 = arith.extui %or3A_351 : i1 to i32
      %cond3A_353 = arith.constant 0 : i32
      %cond3A_354 = arith.cmpi ne, %convert_element_type3A_352, %cond3A_353 : i32
      scf.if %cond3A_354 {
        %dma_wait3A_384 = arith.constant 1 : i32
        %dma_wait3A_385 = arith.constant 0 : i32
        %dma_wait3A_386 = arith.constant 0 : i32
        %dma_wait3A_387 = arith.constant 0 : i32
        %dma_wait3A_388 = arith.constant 0 : i32
        %dma_wait3A_389 = arith.constant 0 : i32
        %dma_wait3A_390 = tpu.memref_slice %arg7[%dma_wait3A_384, %dma_wait3A_387, %dma_wait3A_388, %dma_wait3A_389] : memref<2x8x32x32xf32, #tpu.memory_space<vmem>> -> memref<1x8x32x32xf32, #tpu.memory_space<vmem>>
        %dma_wait3A_391 = tpu.memref_squeeze %dma_wait3A_390 : memref<1x8x32x32xf32, #tpu.memory_space<vmem>> -> memref<8x32x32xf32, #tpu.memory_space<vmem>>
        %dma_wait3A_392 = arith.constant 0 : i32
        %dma_wait3A_393 = arith.constant 0 : i32
        %dma_wait3A_394 = arith.constant 0 : i32
        %dma_wait3A_395 = tpu.memref_slice %arg4[%dma_wait3A_385, %dma_wait3A_392, %dma_wait3A_386, %dma_wait3A_393, %dma_wait3A_394] : memref<16x32x32x32x32xf32, #tpu.memory_space<hbm>> -> memref<1x8x1x32x32xf32, #tpu.memory_space<hbm>>
        %dma_wait3A_396 = tpu.memref_squeeze %dma_wait3A_395 : memref<1x8x1x32x32xf32, #tpu.memory_space<hbm>> -> memref<8x32x32xf32, #tpu.memory_space<hbm>>
        %dma_wait3A_397 = arith.constant 0 : i32
        %dma_wait3A_398 = arith.constant 0 : i32
        %dma_wait3A_399 = arith.constant 0 : i32
        %dma_wait3A_400 = tpu.memref_slice %arg4[%dma_wait3A_385, %dma_wait3A_397, %dma_wait3A_386, %dma_wait3A_398, %dma_wait3A_399] : memref<16x32x32x32x32xf32, #tpu.memory_space<hbm>> -> memref<1x8x1x32x32xf32, #tpu.memory_space<hbm>>
        %dma_wait3A_401 = tpu.memref_squeeze %dma_wait3A_400 : memref<1x8x1x32x32xf32, #tpu.memory_space<hbm>> -> memref<8x32x32xf32, #tpu.memory_space<hbm>>
        %dma_wait3A_402 = arith.constant 0 : i32
        %dma_wait3A_403 = arith.constant 0 : i32
        %dma_wait3A_404 = arith.constant 0 : i32
        %dma_wait3A_405 = tpu.memref_slice %arg7[%dma_wait3A_384, %dma_wait3A_402, %dma_wait3A_403, %dma_wait3A_404] : memref<2x8x32x32xf32, #tpu.memory_space<vmem>> -> memref<1x8x32x32xf32, #tpu.memory_space<vmem>>
        %dma_wait3A_406 = tpu.memref_squeeze %dma_wait3A_405 : memref<1x8x32x32xf32, #tpu.memory_space<vmem>> -> memref<8x32x32xf32, #tpu.memory_space<vmem>>
        tpu.wait_dma2 semaphore(%arg11 : memref<!tpu.dma_semaphore, #tpu.memory_space<semaphore_mem>>) src(%dma_wait3A_406 : memref<8x32x32xf32, #tpu.memory_space<vmem>>) dst(%dma_wait3A_401 : memref<8x32x32xf32, #tpu.memory_space<hbm>>)
      } else {
      }
      %parallel_loop3A_355 = arith.constant 0 : i32
      %parallel_loop3A_356 = arith.constant 64 : i32
      %parallel_loop3A_357 = arith.constant 1 : i32
      scf.for %parallel_loop3A_384 = %parallel_loop3A_355 to %parallel_loop3A_356 step %parallel_loop3A_357  : i32 {
        %parallel_loop3A_385 = arith.constant 2 : i32
        %parallel_loop3A_386 = arith.divsi %parallel_loop3A_384, %parallel_loop3A_385 : i32
        %parallel_loop3A_387 = arith.constant 0 : i32
        %parallel_loop3A_388 = arith.cmpi sgt, %parallel_loop3A_384, %parallel_loop3A_387 : i32
        %parallel_loop3A_389 = arith.extui %parallel_loop3A_388 : i1 to i32
        %parallel_loop3A_390 = arith.constant 0 : i32
        %parallel_loop3A_391 = arith.cmpi slt, %parallel_loop3A_384, %parallel_loop3A_390 : i32
        %parallel_loop3A_392 = arith.extui %parallel_loop3A_391 : i1 to i32
        %parallel_loop3A_393 = arith.subi %parallel_loop3A_389, %parallel_loop3A_392 : i32
        %parallel_loop3A_394 = arith.constant 0 : i32
        %parallel_loop3A_395 = arith.cmpi sgt, %parallel_loop3A_385, %parallel_loop3A_394 : i32
        %parallel_loop3A_396 = arith.extui %parallel_loop3A_395 : i1 to i32
        %parallel_loop3A_397 = arith.constant 0 : i32
        %parallel_loop3A_398 = arith.cmpi slt, %parallel_loop3A_385, %parallel_loop3A_397 : i32
        %parallel_loop3A_399 = arith.extui %parallel_loop3A_398 : i1 to i32
        %parallel_loop3A_400 = arith.subi %parallel_loop3A_396, %parallel_loop3A_399 : i32
        %parallel_loop3A_401 = arith.cmpi ne, %parallel_loop3A_393, %parallel_loop3A_400 : i32
        %parallel_loop3A_402 = arith.remsi %parallel_loop3A_384, %parallel_loop3A_385 : i32
        %parallel_loop3A_403 = arith.constant 0 : i32
        %parallel_loop3A_404 = arith.cmpi ne, %parallel_loop3A_402, %parallel_loop3A_403 : i32
        %parallel_loop3A_405 = arith.andi %parallel_loop3A_401, %parallel_loop3A_404 : i1
        %parallel_loop3A_406 = arith.constant 1 : i32
        %parallel_loop3A_407 = arith.subi %parallel_loop3A_386, %parallel_loop3A_406 : i32
        %parallel_loop3A_408 = arith.select %parallel_loop3A_405, %parallel_loop3A_407, %parallel_loop3A_386 : i32
        %parallel_loop3A_409 = arith.constant 2 : i32
        %parallel_loop3A_410 = arith.constant 0 : i32
        %parallel_loop3A_411 = arith.cmpi eq, %parallel_loop3A_409, %parallel_loop3A_410 : i32
        %parallel_loop3A_412 = arith.constant 1 : i32
        %parallel_loop3A_413 = arith.select %parallel_loop3A_411, %parallel_loop3A_412, %parallel_loop3A_409 : i32
        %parallel_loop3A_414 = arith.remsi %parallel_loop3A_384, %parallel_loop3A_413 : i32
        %parallel_loop3A_415 = arith.constant 0 : i32
        %parallel_loop3A_416 = arith.cmpi ne, %parallel_loop3A_414, %parallel_loop3A_415 : i32
        %parallel_loop3A_417 = arith.constant 0 : i32
        %parallel_loop3A_418 = arith.cmpi slt, %parallel_loop3A_414, %parallel_loop3A_417 : i32
        %parallel_loop3A_419 = arith.constant 0 : i32
        %parallel_loop3A_420 = arith.cmpi slt, %parallel_loop3A_413, %parallel_loop3A_419 : i32
        %parallel_loop3A_421 = arith.xori %parallel_loop3A_418, %parallel_loop3A_420 : i1
        %parallel_loop3A_422 = arith.andi %parallel_loop3A_421, %parallel_loop3A_416 : i1
        %parallel_loop3A_423 = arith.addi %parallel_loop3A_414, %parallel_loop3A_413 : i32
        %parallel_loop3A_424 = arith.select %parallel_loop3A_422, %parallel_loop3A_423, %parallel_loop3A_414 : i32
        %parallel_loop3A_425 = arith.constant 16 : i32
        %parallel_loop3A_426 = arith.muli %parallel_loop3A_424, %parallel_loop3A_425 : i32
        %parallel_loop3A_427 = arith.constant 1 : i32
        %parallel_loop3A_428 = arith.index_cast %parallel_loop3A_427 : i32 to index
        %parallel_loop3A_429 = arith.index_cast %parallel_loop3A_408 : i32 to index
        %parallel_loop3A_430 = arith.index_cast %parallel_loop3A_426 : i32 to index
        %parallel_loop3A_431 = tpu.vector_load %arg6[%parallel_loop3A_428, %parallel_loop3A_429, %parallel_loop3A_430] {strides = array<i32>} : memref<2x32x32xi32, #tpu.memory_space<vmem>>, vector<16xi32>,
        %parallel_loop3A_432 = arith.constant 0 : i32
        %parallel_loop3A_433 = vector.broadcast %parallel_loop3A_432 : i32 to vector<16xi32>
        %parallel_loop3A_434 = arith.maxsi %parallel_loop3A_431, %parallel_loop3A_433 : vector<16xi32>
        %parallel_loop3A_435 = arith.constant 999 : i32
        %parallel_loop3A_436 = vector.broadcast %parallel_loop3A_435 : i32 to vector<16xi32>
        %parallel_loop3A_437 = arith.minsi %parallel_loop3A_434, %parallel_loop3A_436 : vector<16xi32>
        %parallel_loop3A_438 = arith.constant 24000 : i32
        %parallel_loop3A_439 = vector.broadcast %parallel_loop3A_438 : i32 to vector<16xi32>
        %parallel_loop3A_440 = arith.addi %parallel_loop3A_437, %parallel_loop3A_439 : vector<16xi32>
        %parallel_loop3A_441 = tpu.vector_load_idx %arg5[%parallel_loop3A_440] : memref<32000xf32, #tpu.memory_space<vmem>>[vector<16xi32>], vector<16xf32>,
        %parallel_loop3A_442 = arith.constant 1 : i32
        %parallel_loop3A_443 = arith.constant 0 : i32
        %parallel_loop3A_444 = arith.index_cast %parallel_loop3A_442 : i32 to index
        %parallel_loop3A_445 = arith.index_cast %parallel_loop3A_443 : i32 to index
        %parallel_loop3A_446 = arith.index_cast %parallel_loop3A_408 : i32 to index
        %parallel_loop3A_447 = arith.index_cast %parallel_loop3A_426 : i32 to index
        %parallel_loop3A_448 = tpu.vector_load %arg7[%parallel_loop3A_444, %parallel_loop3A_445, %parallel_loop3A_446, %parallel_loop3A_447] {strides = array<i32>} : memref<2x8x32x32xf32, #tpu.memory_space<vmem>>, vector<16xf32>,
        tpu.vector_store %arg7[%parallel_loop3A_444, %parallel_loop3A_445, %parallel_loop3A_446, %parallel_loop3A_447], %parallel_loop3A_441 {strides = array<i32>} : memref<2x8x32x32xf32, #tpu.memory_space<vmem>>, vector<16xf32>,
        %parallel_loop3A_449 = arith.constant 25000 : i32
        %parallel_loop3A_450 = vector.broadcast %parallel_loop3A_449 : i32 to vector<16xi32>
        %parallel_loop3A_451 = arith.addi %parallel_loop3A_437, %parallel_loop3A_450 : vector<16xi32>
        %parallel_loop3A_452 = tpu.vector_load_idx %arg5[%parallel_loop3A_451] : memref<32000xf32, #tpu.memory_space<vmem>>[vector<16xi32>], vector<16xf32>,
        %parallel_loop3A_453 = arith.constant 1 : i32
        %parallel_loop3A_454 = arith.constant 1 : i32
        %parallel_loop3A_455 = arith.index_cast %parallel_loop3A_453 : i32 to index
        %parallel_loop3A_456 = arith.index_cast %parallel_loop3A_454 : i32 to index
        %parallel_loop3A_457 = arith.index_cast %parallel_loop3A_408 : i32 to index
        %parallel_loop3A_458 = arith.index_cast %parallel_loop3A_426 : i32 to index
        %parallel_loop3A_459 = tpu.vector_load %arg7[%parallel_loop3A_455, %parallel_loop3A_456, %parallel_loop3A_457, %parallel_loop3A_458] {strides = array<i32>} : memref<2x8x32x32xf32, #tpu.memory_space<vmem>>, vector<16xf32>,
        tpu.vector_store %arg7[%parallel_loop3A_455, %parallel_loop3A_456, %parallel_loop3A_457, %parallel_loop3A_458], %parallel_loop3A_452 {strides = array<i32>} : memref<2x8x32x32xf32, #tpu.memory_space<vmem>>, vector<16xf32>,
        %parallel_loop3A_460 = arith.constant 26000 : i32
        %parallel_loop3A_461 = vector.broadcast %parallel_loop3A_460 : i32 to vector<16xi32>
        %parallel_loop3A_462 = arith.addi %parallel_loop3A_437, %parallel_loop3A_461 : vector<16xi32>
        %parallel_loop3A_463 = tpu.vector_load_idx %arg5[%parallel_loop3A_462] : memref<32000xf32, #tpu.memory_space<vmem>>[vector<16xi32>], vector<16xf32>,
        %parallel_loop3A_464 = arith.constant 1 : i32
        %parallel_loop3A_465 = arith.constant 2 : i32
        %parallel_loop3A_466 = arith.index_cast %parallel_loop3A_464 : i32 to index
        %parallel_loop3A_467 = arith.index_cast %parallel_loop3A_465 : i32 to index
        %parallel_loop3A_468 = arith.index_cast %parallel_loop3A_408 : i32 to index
        %parallel_loop3A_469 = arith.index_cast %parallel_loop3A_426 : i32 to index
        %parallel_loop3A_470 = tpu.vector_load %arg7[%parallel_loop3A_466, %parallel_loop3A_467, %parallel_loop3A_468, %parallel_loop3A_469] {strides = array<i32>} : memref<2x8x32x32xf32, #tpu.memory_space<vmem>>, vector<16xf32>,
        tpu.vector_store %arg7[%parallel_loop3A_466, %parallel_loop3A_467, %parallel_loop3A_468, %parallel_loop3A_469], %parallel_loop3A_463 {strides = array<i32>} : memref<2x8x32x32xf32, #tpu.memory_space<vmem>>, vector<16xf32>,
        %parallel_loop3A_471 = arith.constant 27000 : i32
        %parallel_loop3A_472 = vector.broadcast %parallel_loop3A_471 : i32 to vector<16xi32>
        %parallel_loop3A_473 = arith.addi %parallel_loop3A_437, %parallel_loop3A_472 : vector<16xi32>
        %parallel_loop3A_474 = tpu.vector_load_idx %arg5[%parallel_loop3A_473] : memref<32000xf32, #tpu.memory_space<vmem>>[vector<16xi32>], vector<16xf32>,
        %parallel_loop3A_475 = arith.constant 1 : i32
        %parallel_loop3A_476 = arith.constant 3 : i32
        %parallel_loop3A_477 = arith.index_cast %parallel_loop3A_475 : i32 to index
        %parallel_loop3A_478 = arith.index_cast %parallel_loop3A_476 : i32 to index
        %parallel_loop3A_479 = arith.index_cast %parallel_loop3A_408 : i32 to index
        %parallel_loop3A_480 = arith.index_cast %parallel_loop3A_426 : i32 to index
        %parallel_loop3A_481 = tpu.vector_load %arg7[%parallel_loop3A_477, %parallel_loop3A_478, %parallel_loop3A_479, %parallel_loop3A_480] {strides = array<i32>} : memref<2x8x32x32xf32, #tpu.memory_space<vmem>>, vector<16xf32>,
        tpu.vector_store %arg7[%parallel_loop3A_477, %parallel_loop3A_478, %parallel_loop3A_479, %parallel_loop3A_480], %parallel_loop3A_474 {strides = array<i32>} : memref<2x8x32x32xf32, #tpu.memory_space<vmem>>, vector<16xf32>,
        %parallel_loop3A_482 = arith.constant 28000 : i32
        %parallel_loop3A_483 = vector.broadcast %parallel_loop3A_482 : i32 to vector<16xi32>
        %parallel_loop3A_484 = arith.addi %parallel_loop3A_437, %parallel_loop3A_483 : vector<16xi32>
        %parallel_loop3A_485 = tpu.vector_load_idx %arg5[%parallel_loop3A_484] : memref<32000xf32, #tpu.memory_space<vmem>>[vector<16xi32>], vector<16xf32>,
        %parallel_loop3A_486 = arith.constant 1 : i32
        %parallel_loop3A_487 = arith.constant 4 : i32
        %parallel_loop3A_488 = arith.index_cast %parallel_loop3A_486 : i32 to index
        %parallel_loop3A_489 = arith.index_cast %parallel_loop3A_487 : i32 to index
        %parallel_loop3A_490 = arith.index_cast %parallel_loop3A_408 : i32 to index
        %parallel_loop3A_491 = arith.index_cast %parallel_loop3A_426 : i32 to index
        %parallel_loop3A_492 = tpu.vector_load %arg7[%parallel_loop3A_488, %parallel_loop3A_489, %parallel_loop3A_490, %parallel_loop3A_491] {strides = array<i32>} : memref<2x8x32x32xf32, #tpu.memory_space<vmem>>, vector<16xf32>,
        tpu.vector_store %arg7[%parallel_loop3A_488, %parallel_loop3A_489, %parallel_loop3A_490, %parallel_loop3A_491], %parallel_loop3A_485 {strides = array<i32>} : memref<2x8x32x32xf32, #tpu.memory_space<vmem>>, vector<16xf32>,
        %parallel_loop3A_493 = arith.constant 29000 : i32
        %parallel_loop3A_494 = vector.broadcast %parallel_loop3A_493 : i32 to vector<16xi32>
        %parallel_loop3A_495 = arith.addi %parallel_loop3A_437, %parallel_loop3A_494 : vector<16xi32>
        %parallel_loop3A_496 = tpu.vector_load_idx %arg5[%parallel_loop3A_495] : memref<32000xf32, #tpu.memory_space<vmem>>[vector<16xi32>], vector<16xf32>,
        %parallel_loop3A_497 = arith.constant 1 : i32
        %parallel_loop3A_498 = arith.constant 5 : i32
        %parallel_loop3A_499 = arith.index_cast %parallel_loop3A_497 : i32 to index
        %parallel_loop3A_500 = arith.index_cast %parallel_loop3A_498 : i32 to index
        %parallel_loop3A_501 = arith.index_cast %parallel_loop3A_408 : i32 to index
        %parallel_loop3A_502 = arith.index_cast %parallel_loop3A_426 : i32 to index
        %parallel_loop3A_503 = tpu.vector_load %arg7[%parallel_loop3A_499, %parallel_loop3A_500, %parallel_loop3A_501, %parallel_loop3A_502] {strides = array<i32>} : memref<2x8x32x32xf32, #tpu.memory_space<vmem>>, vector<16xf32>,
        tpu.vector_store %arg7[%parallel_loop3A_499, %parallel_loop3A_500, %parallel_loop3A_501, %parallel_loop3A_502], %parallel_loop3A_496 {strides = array<i32>} : memref<2x8x32x32xf32, #tpu.memory_space<vmem>>, vector<16xf32>,
        %parallel_loop3A_504 = arith.constant 30000 : i32
        %parallel_loop3A_505 = vector.broadcast %parallel_loop3A_504 : i32 to vector<16xi32>
        %parallel_loop3A_506 = arith.addi %parallel_loop3A_437, %parallel_loop3A_505 : vector<16xi32>
        %parallel_loop3A_507 = tpu.vector_load_idx %arg5[%parallel_loop3A_506] : memref<32000xf32, #tpu.memory_space<vmem>>[vector<16xi32>], vector<16xf32>,
        %parallel_loop3A_508 = arith.constant 1 : i32
        %parallel_loop3A_509 = arith.constant 6 : i32
        %parallel_loop3A_510 = arith.index_cast %parallel_loop3A_508 : i32 to index
        %parallel_loop3A_511 = arith.index_cast %parallel_loop3A_509 : i32 to index
        %parallel_loop3A_512 = arith.index_cast %parallel_loop3A_408 : i32 to index
        %parallel_loop3A_513 = arith.index_cast %parallel_loop3A_426 : i32 to index
        %parallel_loop3A_514 = tpu.vector_load %arg7[%parallel_loop3A_510, %parallel_loop3A_511, %parallel_loop3A_512, %parallel_loop3A_513] {strides = array<i32>} : memref<2x8x32x32xf32, #tpu.memory_space<vmem>>, vector<16xf32>,
        tpu.vector_store %arg7[%parallel_loop3A_510, %parallel_loop3A_511, %parallel_loop3A_512, %parallel_loop3A_513], %parallel_loop3A_507 {strides = array<i32>} : memref<2x8x32x32xf32, #tpu.memory_space<vmem>>, vector<16xf32>,
        %parallel_loop3A_515 = arith.constant 31000 : i32
        %parallel_loop3A_516 = vector.broadcast %parallel_loop3A_515 : i32 to vector<16xi32>
        %parallel_loop3A_517 = arith.addi %parallel_loop3A_437, %parallel_loop3A_516 : vector<16xi32>
        %parallel_loop3A_518 = tpu.vector_load_idx %arg5[%parallel_loop3A_517] : memref<32000xf32, #tpu.memory_space<vmem>>[vector<16xi32>], vector<16xf32>,
        %parallel_loop3A_519 = arith.constant 1 : i32
        %parallel_loop3A_520 = arith.constant 7 : i32
        %parallel_loop3A_521 = arith.index_cast %parallel_loop3A_519 : i32 to index
        %parallel_loop3A_522 = arith.index_cast %parallel_loop3A_520 : i32 to index
        %parallel_loop3A_523 = arith.index_cast %parallel_loop3A_408 : i32 to index
        %parallel_loop3A_524 = arith.index_cast %parallel_loop3A_426 : i32 to index
        %parallel_loop3A_525 = tpu.vector_load %arg7[%parallel_loop3A_521, %parallel_loop3A_522, %parallel_loop3A_523, %parallel_loop3A_524] {strides = array<i32>} : memref<2x8x32x32xf32, #tpu.memory_space<vmem>>, vector<16xf32>,
        tpu.vector_store %arg7[%parallel_loop3A_521, %parallel_loop3A_522, %parallel_loop3A_523, %parallel_loop3A_524], %parallel_loop3A_518 {strides = array<i32>} : memref<2x8x32x32xf32, #tpu.memory_space<vmem>>, vector<16xf32>,
      } {sc.loop_unroll_factor = 2 : i64, sc.parallel_access}
      %dma_start3A_358 = arith.constant 1 : i32
      %dma_start3A_359 = arith.constant 0 : i32
      %dma_start3A_360 = arith.constant 0 : i32
      %dma_start3A_361 = arith.constant 0 : i32
      %dma_start3A_362 = tpu.memref_slice %arg7[%dma_start3A_358, %dma_start3A_359, %dma_start3A_360, %dma_start3A_361] : memref<2x8x32x32xf32, #tpu.memory_space<vmem>> -> memref<1x8x32x32xf32, #tpu.memory_space<vmem>>
      %dma_start3A_363 = tpu.memref_squeeze %dma_start3A_362 : memref<1x8x32x32xf32, #tpu.memory_space<vmem>> -> memref<8x32x32xf32, #tpu.memory_space<vmem>>
      %dma_start3A_364 = arith.constant 24 : i32
      %dma_start3A_365 = arith.constant 0 : i32
      %dma_start3A_366 = arith.constant 0 : i32
      %dma_start3A_367 = tpu.memref_slice %arg4[%add3A_235, %dma_start3A_364, %add3A, %dma_start3A_365, %dma_start3A_366] : memref<16x32x32x32x32xf32, #tpu.memory_space<hbm>> -> memref<1x8x1x32x32xf32, #tpu.memory_space<hbm>>
      %dma_start3A_368 = tpu.memref_squeeze %dma_start3A_367 : memref<1x8x1x32x32xf32, #tpu.memory_space<hbm>> -> memref<8x32x32xf32, #tpu.memory_space<hbm>>
      %dma_start3A_369 = arith.constant 24 : i32
      %dma_start3A_370 = arith.constant 0 : i32
      %dma_start3A_371 = arith.constant 0 : i32
      %dma_start3A_372 = tpu.memref_slice %arg4[%add3A_235, %dma_start3A_369, %add3A, %dma_start3A_370, %dma_start3A_371] : memref<16x32x32x32x32xf32, #tpu.memory_space<hbm>> -> memref<1x8x1x32x32xf32, #tpu.memory_space<hbm>>
      %dma_start3A_373 = tpu.memref_squeeze %dma_start3A_372 : memref<1x8x1x32x32xf32, #tpu.memory_space<hbm>> -> memref<8x32x32xf32, #tpu.memory_space<hbm>>
      %dma_start3A_374 = arith.constant 0 : i32
      %dma_start3A_375 = arith.constant 0 : i32
      %dma_start3A_376 = arith.constant 0 : i32
      %dma_start3A_377 = tpu.memref_slice %arg7[%dma_start3A_358, %dma_start3A_374, %dma_start3A_375, %dma_start3A_376] : memref<2x8x32x32xf32, #tpu.memory_space<vmem>> -> memref<1x8x32x32xf32, #tpu.memory_space<vmem>>
      %dma_start3A_378 = tpu.memref_squeeze %dma_start3A_377 : memref<1x8x32x32xf32, #tpu.memory_space<vmem>> -> memref<8x32x32xf32, #tpu.memory_space<vmem>>
      tpu.enqueue_dma source(%dma_start3A_378 : memref<8x32x32xf32, #tpu.memory_space<vmem>>) target(%dma_start3A_373 : memref<8x32x32xf32, #tpu.memory_space<hbm>>) target_semaphore(%arg11 : memref<!tpu.dma_semaphore, #tpu.memory_space<semaphore_mem>>)
      %lt3A_379 = arith.constant 14 : i32
      %lt3A_380 = arith.cmpi slt, %add3A_89, %lt3A_379 : i32
      %convert_element_type3A_381 = arith.extui %lt3A_380 : i1 to i32
      %cond3A_382 = arith.constant 0 : i32
      %cond3A_383 = arith.cmpi ne, %convert_element_type3A_381, %cond3A_382 : i32
      scf.if %cond3A_383 {
        %add3A_384 = arith.constant 2 : i32
        %add3A_385 = arith.addi %add3A_235, %add3A_384 : i32
        %dma_start3A_386 = arith.constant 1 : i32
        %dma_start3A_387 = arith.constant 0 : i32
        %dma_start3A_388 = arith.constant 0 : i32
        %dma_start3A_389 = tpu.memref_slice %arg6[%dma_start3A_386, %dma_start3A_387, %dma_start3A_388] : memref<2x32x32xi32, #tpu.memory_space<vmem>> -> memref<1x32x32xi32, #tpu.memory_space<vmem>>
        %dma_start3A_390 = tpu.memref_squeeze %dma_start3A_389 : memref<1x32x32xi32, #tpu.memory_space<vmem>> -> memref<32x32xi32, #tpu.memory_space<vmem>>
        %dma_start3A_391 = arith.constant 0 : i32
        %dma_start3A_392 = arith.constant 0 : i32
        %dma_start3A_393 = tpu.memref_slice %arg2[%add3A_385, %add3A, %dma_start3A_391, %dma_start3A_392] : memref<16x32x32x32xi32, #tpu.memory_space<hbm>> -> memref<1x1x32x32xi32, #tpu.memory_space<hbm>>
        %dma_start3A_394 = tpu.memref_squeeze %dma_start3A_393 : memref<1x1x32x32xi32, #tpu.memory_space<hbm>> -> memref<32x32xi32, #tpu.memory_space<hbm>>
        %dma_start3A_395 = arith.constant 0 : i32
        %dma_start3A_396 = arith.constant 0 : i32
        %dma_start3A_397 = tpu.memref_slice %arg6[%dma_start3A_386, %dma_start3A_395, %dma_start3A_396] : memref<2x32x32xi32, #tpu.memory_space<vmem>> -> memref<1x32x32xi32, #tpu.memory_space<vmem>>
        %dma_start3A_398 = tpu.memref_squeeze %dma_start3A_397 : memref<1x32x32xi32, #tpu.memory_space<vmem>> -> memref<32x32xi32, #tpu.memory_space<vmem>>
        %dma_start3A_399 = arith.constant 0 : i32
        %dma_start3A_400 = arith.constant 0 : i32
        %dma_start3A_401 = tpu.memref_slice %arg2[%add3A_385, %add3A, %dma_start3A_399, %dma_start3A_400] : memref<16x32x32x32xi32, #tpu.memory_space<hbm>> -> memref<1x1x32x32xi32, #tpu.memory_space<hbm>>
        %dma_start3A_402 = tpu.memref_squeeze %dma_start3A_401 : memref<1x1x32x32xi32, #tpu.memory_space<hbm>> -> memref<32x32xi32, #tpu.memory_space<hbm>>
        tpu.enqueue_dma source(%dma_start3A_402 : memref<32x32xi32, #tpu.memory_space<hbm>>) target(%dma_start3A_398 : memref<32x32xi32, #tpu.memory_space<vmem>>) target_semaphore(%arg9 : memref<!tpu.dma_semaphore, #tpu.memory_space<semaphore_mem>>)
      } else {
      }
    }
    %scan3A_39 = arith.constant 8 : i32
    %dma_wait3A = arith.constant 0 : i32
    %dma_wait3A_40 = arith.constant 0 : i32
    %dma_wait3A_41 = arith.constant 0 : i32
    %dma_wait3A_42 = arith.constant 0 : i32
    %dma_wait3A_43 = arith.constant 0 : i32
    %dma_wait3A_44 = arith.constant 0 : i32
    %dma_wait3A_45 = tpu.memref_slice %arg7[%dma_wait3A, %dma_wait3A_42, %dma_wait3A_43, %dma_wait3A_44] : memref<2x8x32x32xf32, #tpu.memory_space<vmem>> -> memref<1x8x32x32xf32, #tpu.memory_space<vmem>>
    %dma_wait3A_46 = tpu.memref_squeeze %dma_wait3A_45 : memref<1x8x32x32xf32, #tpu.memory_space<vmem>> -> memref<8x32x32xf32, #tpu.memory_space<vmem>>
    %dma_wait3A_47 = arith.constant 0 : i32
    %dma_wait3A_48 = arith.constant 0 : i32
    %dma_wait3A_49 = arith.constant 0 : i32
    %dma_wait3A_50 = tpu.memref_slice %arg4[%dma_wait3A_40, %dma_wait3A_47, %dma_wait3A_41, %dma_wait3A_48, %dma_wait3A_49] : memref<16x32x32x32x32xf32, #tpu.memory_space<hbm>> -> memref<1x8x1x32x32xf32, #tpu.memory_space<hbm>>
    %dma_wait3A_51 = tpu.memref_squeeze %dma_wait3A_50 : memref<1x8x1x32x32xf32, #tpu.memory_space<hbm>> -> memref<8x32x32xf32, #tpu.memory_space<hbm>>
    %dma_wait3A_52 = arith.constant 0 : i32
    %dma_wait3A_53 = arith.constant 0 : i32
    %dma_wait3A_54 = arith.constant 0 : i32
    %dma_wait3A_55 = tpu.memref_slice %arg4[%dma_wait3A_40, %dma_wait3A_52, %dma_wait3A_41, %dma_wait3A_53, %dma_wait3A_54] : memref<16x32x32x32x32xf32, #tpu.memory_space<hbm>> -> memref<1x8x1x32x32xf32, #tpu.memory_space<hbm>>
    %dma_wait3A_56 = tpu.memref_squeeze %dma_wait3A_55 : memref<1x8x1x32x32xf32, #tpu.memory_space<hbm>> -> memref<8x32x32xf32, #tpu.memory_space<hbm>>
    %dma_wait3A_57 = arith.constant 0 : i32
    %dma_wait3A_58 = arith.constant 0 : i32
    %dma_wait3A_59 = arith.constant 0 : i32
    %dma_wait3A_60 = tpu.memref_slice %arg7[%dma_wait3A, %dma_wait3A_57, %dma_wait3A_58, %dma_wait3A_59] : memref<2x8x32x32xf32, #tpu.memory_space<vmem>> -> memref<1x8x32x32xf32, #tpu.memory_space<vmem>>
    %dma_wait3A_61 = tpu.memref_squeeze %dma_wait3A_60 : memref<1x8x32x32xf32, #tpu.memory_space<vmem>> -> memref<8x32x32xf32, #tpu.memory_space<vmem>>
    tpu.wait_dma2 semaphore(%arg10 : memref<!tpu.dma_semaphore, #tpu.memory_space<semaphore_mem>>) src(%dma_wait3A_61 : memref<8x32x32xf32, #tpu.memory_space<vmem>>) dst(%dma_wait3A_56 : memref<8x32x32xf32, #tpu.memory_space<hbm>>)
    %dma_wait3A_62 = arith.constant 1 : i32
    %dma_wait3A_63 = arith.constant 0 : i32
    %dma_wait3A_64 = arith.constant 0 : i32
    %dma_wait3A_65 = arith.constant 0 : i32
    %dma_wait3A_66 = arith.constant 0 : i32
    %dma_wait3A_67 = arith.constant 0 : i32
    %dma_wait3A_68 = tpu.memref_slice %arg7[%dma_wait3A_62, %dma_wait3A_65, %dma_wait3A_66, %dma_wait3A_67] : memref<2x8x32x32xf32, #tpu.memory_space<vmem>> -> memref<1x8x32x32xf32, #tpu.memory_space<vmem>>
    %dma_wait3A_69 = tpu.memref_squeeze %dma_wait3A_68 : memref<1x8x32x32xf32, #tpu.memory_space<vmem>> -> memref<8x32x32xf32, #tpu.memory_space<vmem>>
    %dma_wait3A_70 = arith.constant 0 : i32
    %dma_wait3A_71 = arith.constant 0 : i32
    %dma_wait3A_72 = arith.constant 0 : i32
    %dma_wait3A_73 = tpu.memref_slice %arg4[%dma_wait3A_63, %dma_wait3A_70, %dma_wait3A_64, %dma_wait3A_71, %dma_wait3A_72] : memref<16x32x32x32x32xf32, #tpu.memory_space<hbm>> -> memref<1x8x1x32x32xf32, #tpu.memory_space<hbm>>
    %dma_wait3A_74 = tpu.memref_squeeze %dma_wait3A_73 : memref<1x8x1x32x32xf32, #tpu.memory_space<hbm>> -> memref<8x32x32xf32, #tpu.memory_space<hbm>>
    %dma_wait3A_75 = arith.constant 0 : i32
    %dma_wait3A_76 = arith.constant 0 : i32
    %dma_wait3A_77 = arith.constant 0 : i32
    %dma_wait3A_78 = tpu.memref_slice %arg4[%dma_wait3A_63, %dma_wait3A_75, %dma_wait3A_64, %dma_wait3A_76, %dma_wait3A_77] : memref<16x32x32x32x32xf32, #tpu.memory_space<hbm>> -> memref<1x8x1x32x32xf32, #tpu.memory_space<hbm>>
    %dma_wait3A_79 = tpu.memref_squeeze %dma_wait3A_78 : memref<1x8x1x32x32xf32, #tpu.memory_space<hbm>> -> memref<8x32x32xf32, #tpu.memory_space<hbm>>
    %dma_wait3A_80 = arith.constant 0 : i32
    %dma_wait3A_81 = arith.constant 0 : i32
    %dma_wait3A_82 = arith.constant 0 : i32
    %dma_wait3A_83 = tpu.memref_slice %arg7[%dma_wait3A_62, %dma_wait3A_80, %dma_wait3A_81, %dma_wait3A_82] : memref<2x8x32x32xf32, #tpu.memory_space<vmem>> -> memref<1x8x32x32xf32, #tpu.memory_space<vmem>>
    %dma_wait3A_84 = tpu.memref_squeeze %dma_wait3A_83 : memref<1x8x32x32xf32, #tpu.memory_space<vmem>> -> memref<8x32x32xf32, #tpu.memory_space<vmem>>
    tpu.wait_dma2 semaphore(%arg11 : memref<!tpu.dma_semaphore, #tpu.memory_space<semaphore_mem>>) src(%dma_wait3A_84 : memref<8x32x32xf32, #tpu.memory_space<vmem>>) dst(%dma_wait3A_79 : memref<8x32x32xf32, #tpu.memory_space<hbm>>)
    return
  }
}

</mosaic_0001>

<sc_bundles>
// kernel: kernel.3.cloned.1.call-start
scs
__scs_entry_jumppad:
0x0: {  	(pc) =	sbr.rel $0x88, $3  }
0x1: {  	(tag) =	ssettag $0x0;
	lr =	simm.s32 $0x1  }
0x2: {  	[smem:$0x3F9F] =	sst lr;
	_ =	strace $0xD0000000  }
0x3: {  	_ = 	snop  }
0x4: {  	_ = 	snop  }
0x5: {  	_ = 	snop  }
0x6: {  	_ = 	snop  }
0x7: {  	_ = 	snop  }
__scs_overlays_trampoline_lowered:
0x8: {  	[smem:$0x3FAE] =	sst s0  }
0x9: {  	[smem:$0x3FAF] =	sst s1  }
0xa: {  	[smem:$0x3FB0] =	sst s2  }
0xb: {  	[smem:$0x3FB1] =	sst s3  }
0xc: {  	[smem:$0x3FB2] =	sst s4  }
0xd: {  	[smem:$0x3FB3] =	sst s5  }
0xe: {  	[smem:$0x3FB4] =	sst s6  }
0xf: {  	[smem:$0x3FB5] =	sst s7  }
0x10: {  	[smem:$0x3FB6] =	sst s8  }
0x11: {  	[smem:$0x3FB7] =	sst s9;
	s0 =	simm.s32 @!p0 $0x0  }
0x12: {  	s1 =	sld [smem:$0x3F9D];
	s0 =	simm.s32 @p0 $0x1  }
0x13: {  	[smem:$0x3FB8] =	sst s0;
	s0 =	simm.s32 @!p1 $0x0  }
0x14: {  	s2 =	sld [smem:$0x3F9C];
	s0 =	simm.s32 @p1 $0x1  }
0x15: {  	[smem:$0x3FB9] =	sst s0;
	s0 =	simm.s32 @!p2 $0x0  }
0x16: {  	s3 =	sld [smem:$0x3FDB];
	s0 =	simm.s32 @p2 $0x1  }
0x17: {  	s4 =	simm.s32 $0x1BF5;
	[smem:$0x3FBB] =	sst s0  }
0x18: {  	s0 =	sld [smem:$0x3F9E];
	_ =	swait.ge [sflag:s4], $0x0  }
0x19: {  	s7 =	sld [smem:$0x3F9F]  }
0x1a: {  	s8 =	sadd.s32 $0xFFFFE003, lr  }
0x1b: {  	s9 =	sadd.s32 $0xFFFFFEF7, lr;
	s5 =	simm.s32 $0xFFFFFFFF;
	p2 =	slt.u32 s8, $0xFFFFF086  }
0x1c: {  	p1 =	slt.u32 s9, $0xF7A;
	s5 =	simm.s32 @!p2 $0x0  }
0x1d: {  	s5 =	simm.s32 @p1 $0x1;
	p0 =	seq.s32 s7, s2  }
0x1e: {  	s7 =	smul.u32 @!p0 $0xF7A, s2;
	p2 =	seq.s32 @!p0 s5, $0x0  }
0x1f: {  	s9 =	smul.u32 $0xF7A, s1;
	s8 =	simm.s32 @!p0 $0x1BF5;
	p2 =	por !p2, p0  }
0x20: {  	[sflag:s8] =	ssyncset.s32 @!p0 $0xFFFFF086;
	s6 =	sadd.s32 @!p0 s3, s7;
	s7 =	simm.s32 @!p0 $0x108  }
0x21: {  	s3 =	sadd.s32 s3, s9;
	s6 =	sadd.s32 @!p0 $0x88, s6;
	s7 =	simm.s32 @p2 $0x1082  }
0x22: {  	[simem:s7], [sflag:s8] =	dma.local @!p0 [hbm:s6], $0xF7A  }
0x23: {  	s9 =	sor.u32 $0xD0000000, s2;
	s6 =	simm.s32 $0x108;
	_ =	swait.ge @!p0 [sflag:s8], $0x0  }
0x24: {  	s3 =	sadd.s32 $0x88, s3;
	s6 =	simm.s32 @!p1 $0x1082;
	[sflag:s4] =	ssyncset.s32 $0xFFFFF086  }
0x25: {  	[simem:s6], [sflag:s4] =	dma.local [hbm:s3], $0xF7A  }
0x26: {  	[smem:$0x3F9F] =	sst s1;
	(tag) =	ssettag s2;
	_ =	strace s9  }
0x27: {  	s1 =	sld [smem:$0x3FAF]  }
0x28: {  	s2 =	sld [smem:$0x3FB0]  }
0x29: {  	s4 =	sld [smem:$0x3FB2]  }
0x2a: {  	p0 =	seq.s32 s5, $0x0;
	s5 =	sld [smem:$0x3FB3]  }
0x2b: {  	s6 =	sld [smem:$0x3FB4]  }
0x2c: {  	s7 =	sld [smem:$0x3FB5]  }
0x2d: {  	s3 =	simm.s32 $0x108;
	s8 =	sld [smem:$0x3FB6]  }
0x2e: {  	s3 =	simm.s32 @!p0 $0x1082;
	s9 =	sld [smem:$0x3FB7]  }
0x2f: {  	lr =	sadd.s32 s0, s3;
	s0 =	sld [smem:$0x3FAE]  }
0x30: {  	s3 =	sld [smem:$0x3FB1]  }
0x31: {  	[smem:$0x3FBA] =	sst s10  }
0x32: {  	s10 =	sld [smem:$0x3FB8];
	_ =	sdelay $0x3  }
0x33: {  	p0 =	seq.s32 s10, $0x1;
	s10 =	sld [smem:$0x3FBA];
	_ =	sdelay $0x3  }
0x34: {  	[smem:$0x3FBA] =	sst s10  }
0x35: {  	s10 =	sld [smem:$0x3FB9];
	_ =	sdelay $0x3  }
0x36: {  	p1 =	seq.s32 s10, $0x1;
	s10 =	sld [smem:$0x3FBA];
	_ =	sdelay $0x3  }
0x37: {  	[smem:$0x3FBA] =	sst s10  }
0x38: {  	s10 =	sld [smem:$0x3FBB]  }
0x39: {  	_ = 	snop;
	(pc) =	sbr.ind lr, $3  }
0x3a: {  	_ = 	snop  }
0x3b: {  	_ = 	snop  }
0x3c: {  	p2 =	seq.s32 s10, $0x1;
	s10 =	sld [smem:$0x3FBA]  }
0x3d: {  	_ =	shalt  }
0x3e: {  	_ =	shalt  }
0x3f: {  	_ =	shalt  }
0x40: {  	_ =	shalt  }
0x41: {  	_ =	shalt  }
0x42: {  	_ =	shalt  }
0x43: {  	_ =	shalt  }
0x44: {  	_ =	shalt  }
0x45: {  	_ =	shalt  }
0x46: {  	_ =	shalt  }
0x47: {  	_ =	shalt  }
0x48: {  	_ =	shalt  }
0x49: {  	_ =	shalt  }
0x4a: {  	_ =	shalt  }
0x4b: {  	_ =	shalt  }
0x4c: {  	_ =	shalt  }
0x4d: {  	_ =	shalt  }
0x4e: {  	_ =	shalt  }
0x4f: {  	_ =	shalt  }
0x50: {  	_ =	shalt  }
0x51: {  	_ =	shalt  }
0x52: {  	_ =	shalt  }
0x53: {  	_ =	shalt  }
0x54: {  	_ =	shalt  }
0x55: {  	_ =	shalt  }
0x56: {  	_ =	shalt  }
0x57: {  	_ =	shalt  }
0x58: {  	_ =	shalt  }
0x59: {  	_ =	shalt  }
0x5a: {  	_ =	shalt  }
0x5b: {  	_ =	shalt  }
0x5c: {  	_ =	shalt  }
0x5d: {  	_ =	shalt  }
0x5e: {  	_ =	shalt  }
0x5f: {  	_ =	shalt  }
0x60: {  	_ =	shalt  }
0x61: {  	_ =	shalt  }
0x62: {  	_ =	shalt  }
0x63: {  	_ =	shalt  }
0x64: {  	_ =	shalt  }
0x65: {  	_ =	shalt  }
0x66: {  	_ =	shalt  }
0x67: {  	_ =	shalt  }
0x68: {  	_ =	shalt  }
0x69: {  	_ =	shalt  }
0x6a: {  	_ =	shalt  }
0x6b: {  	_ =	shalt  }
0x6c: {  	_ =	shalt  }
0x6d: {  	_ =	shalt  }
0x6e: {  	_ =	shalt  }
0x6f: {  	_ =	shalt  }
0x70: {  	_ =	shalt  }
0x71: {  	_ =	shalt  }
0x72: {  	_ =	shalt  }
0x73: {  	_ =	shalt  }
0x74: {  	_ =	shalt  }
0x75: {  	_ =	shalt  }
0x76: {  	_ =	shalt  }
0x77: {  	_ =	shalt  }
0x78: {  	_ =	shalt  }
0x79: {  	_ =	shalt  }
0x7a: {  	_ =	shalt  }
0x7b: {  	_ =	shalt  }
0x7c: {  	_ =	shalt  }
0x7d: {  	_ =	shalt  }
0x7e: {  	_ =	shalt  }
0x7f: {  	_ =	shalt  }
0x80: {  	_ =	shalt  }
0x81: {  	_ =	shalt  }
0x82: {  	_ =	shalt  }
0x83: {  	_ =	shalt  }
0x84: {  	_ =	shalt  }
0x85: {  	_ =	shalt  }
0x86: {  	_ =	shalt  }
0x87: {  	_ =	shalt  }
.Lfunc_end0:
.L_simem_size_0:
called_computation_lowered:
.L_overlay_start_0:
0x88: {  	s2 =	sld [smem:$0x3FD9]  }
0x89: {  	s3 =	sld [smem:$0x3FFE];
	_ =	sdelay $0x1  }
0x8a: {  	s1 =	srdreg.scid  }
0x8b: {  	s0 =	sand.u32 $0x1, s1  }
0x8c: {  	s17 =	sshll.u32 s0, $0xA;
	s2 =	sadd.s32 s3, s2  }
0x8d: {  	s2 =	sadd.s32 s2, s17  }
0x8e: {  	[smem:$0x3FC6] =	sst s2  }
0x8f: {  	_ = 	snop  }
0x90: {  	s2 =	sld [smem:$0x3FC9]  }
0x91: {  	s18 =	sld [smem:$0x3FD0];
	(tm) =	ssettm $0x1  }
0x92: {  	s4 =	sld [smem:$0x3FFB];
	_ =	sdelay $0x3  }
0x93: {  	_ =	strace s4  }
0x94: {  	s4 =	sld [smem:$0x3FFC];
	_ =	sdelay $0x3  }
0x95: {  	_ =	strace s4  }
0x96: {  	s4 =	sld [smem:$0x3FFD];
	_ =	sdelay $0x3  }
0x97: {  	_ =	strace s4  }
0x98: {  	_ =	strace $0x8FFFFFFF  }
0x99: {  	s19 =	sld [smem:$0x3FDB];
	_ =	sdelay $0x1  }
0x9a: {  	s5 =	simm.s32 $_scs_section_size  }
0x9b: {  	s6 =	simm.s32 $_size__tile_overlayer_lowered;
	s7 =	simm.s32 $_tile_overlayer_lowered  }
0x9c: {  	s22 =	simm.s32 $0x1BFF;
	s21 =	sshll.u32 s7, $0x1;
	s4 =	sadd.s32 s5, s19  }
0x9d: {  	s8 =	simm.s32 $0x0;
	s20 =	sshll.u32 s6, $0x1;
	s6 =	sadd.s32 s21, s4  }
0x9e: {  	[timem:s8], [sflag:s22] =	dma.local [hbm:s6], s20  }
0x9f: {  	_ =	swait.ge [sflag:s22], s20  }
0xa0: {  	s5 =	ssub.s32 $0x0, s20;
	[sflag:s22] =	ssyncset.done $0x0  }
0xa1: {  	[sflag:s22] =	ssyncadd.s32 s5;
	_ =	sdelay $0x1  }
0xa2: {  	s23 =	simm.s32 $0x1B8B  }
0xa3: {  	_ =	swait.ge [sflag:s23], $0x1  }
0xa4: {  	[sflag:s23] =	ssyncset.done $0x0  }
0xa5: {  	s25 =	simm.s32 $0x1B8E;
	s24 =	sld [smem:$0x3FFE];
	[sflag:s23] =	ssyncadd.s32 $0xFFFFFFFF  }
0xa6: {  	s26 =	simm.s32 $execute0_lowered;
	[smem:$0x3FD2] =	sst s25  }
0xa7: {  	s6 =	sshll.u32 s26, $0x1;
	_ =	strace $0x80000046;
	[dreg:$0x1] =	wrdreg $0xFFFFFFFF  }
0xa8: {  	s28 =	simm.s32 $_size_execute0_lowered;
	s4 =	sadd.s32 s4, s6;
	[dreg:$0x0] =	wrdreg $0x0  }
0xa9: {  	s6 =	sshll.u32 s28, $0x1;
	[dreg:$0x2] =	wrdreg s4  }
0xaa: {  	[dreg:$0x3] =	wrdreg s6  }
0xab: {  	[dreg:$0x4] =	wrdreg $0xC0  }
0xac: {  	_ =	task [dreg:s8], $0x5FFFF  }
0xad: {  	[dreg:$0x1] =	wrdreg $0xFFFFFFFF  }
0xae: {  	[dreg:$0x0] =	wrdreg $0x60  }
0xaf: {  	[dreg:$0x2] =	wrdreg s2  }
0xb0: {  	[dreg:$0x3] =	wrdreg s24  }
0xb1: {  	[dreg:$0x4] =	wrdreg s18  }
0xb2: {  	[dreg:$0x5] =	wrdreg $0x9  }
0xb3: {  	_ =	task.clear_ibuf [dreg:s8], $0x6FFFF;
	_ =	strace $0x90000046  }
0xb4: {  	s29 =	simm.s32 $0x9;
	_ =	strace $0x80000048  }
0xb5: {  	_ =	swait.ge [sflag:s29], $0x1  }
0xb6: {  	[sflag:s29] =	ssyncadd.s32 $0xFFFFFFFF  }
0xb7: {  	_ =	strace $0x90000048  }
0xb8: {  	_ =	sfence  }
0xb9: {  	s30 =	sld [smem:$0x0];
	_ =	sdelay $0x2  }
0xba: {  	s31 =	sshll.u32 s1, $0xD;
	s1 =	sshrl.u32 s1, $0x2  }
0xbb: {  	s3 =	sand.u32 $0x4000, s31;
	s1 =	sadd.s32 s1, s30  }
0xbc: {  	s0 =	sor.u32 s3, s0;
	s1 =	sshll.u32 s1, $0x11  }
0xbd: {  	s0 =	sor.u32 s1, s0  }
0xbe: {  	s0 =	sadd.s32 $0x8F2B, s0  }
0xbf: {  	[sflag:s0] =	ssyncadd.remote.s32 $0x1  }
0xc0: {  	_ =	sfence.sel $0xFFFF  }
0xc1: {  	[dreg:$0x0] =	wrdreg $0xFFFFFFFF;
	(pc) =	sbr.abs _section_cstart, $3  }
0xc2: {  	[dreg:$0x1] =	wrdreg $0xFFFFFFFF  }
0xc3: {  	_ =	task.clear_ibuf [dreg:s8], $0x2FFFF;
	_ =	strace $0x9FFFFFFF  }
0xc4: {  	(tm) =	ssettm $0x7FFFFFFF  }
0xc5: {  	_ =	shalt  }
tec
execute0_lowered:
.L_overlay_start_1:
0x0: {  	(tag) =	ssettag $0x1  }
0x1: {  	s1 =	rddreg [dreg:$0x0]  }
0x2: {  	s0 =	rddreg [dreg:$0x1]  }
0x3: {  	s7 =	rddreg [dreg:$0x2]  }
0x4: {  	s2 =	srdreg.scid;
	s3 =	stileid.u32  }
0x5: {  	s4 =	simm.s32 $0x0;
	s22 =	simm.s32 $0x1;
	s23 =	simm.s32 $0x1000  }
0x6: {  	s24 =	simm.s32 $0x20000;
	s28 =	simm.s32 $0x3;
	s29 =	simm.s32 $0x4  }
0x7: {  	s30 =	simm.s32 $0x2;
	s2 =	sand.u32 $0x1, s2;
	s5 =	sshll.u32 s3, $0xD  }
0x8: {  	[smem:$0x7FF] =	sst s4;
	s0 =	sadd.s32 $0x400, s0;
	s11 =	sadd.s32 $0x20000, s7  }
0x9: {  	s12 =	sadd.s32 $0x40000, s7;
	s13 =	sadd.s32 $0x60000, s7;
	s14 =	sadd.s32 $0x80000, s7  }
0xa: {  	s15 =	sadd.s32 $0xA0000, s7;
	s16 =	sadd.s32 $0xC0000, s7;
	s21 =	smov.u32 s7  }
0xb: {  	s17 =	sadd.s32 $0xE0000, s7;
	s6 =	sshll.u32 s2, $0xC;
	_ =	strace $0x80000047  }
0xc: {  	s2 =	ssub.s32 $0x2, s2;
	[dreg:$0x4] =	wrdreg s0;
	s5 =	sor.u32 s6, s5  }
.Ltmp0:
0xd: {  	s25 =	sshrl.u32 s2, $0x1;
	s6 =	sshrl.u32 s5, $0x3;
	(pc) =	sbr.rel .LBB2_1-.Ltmp0, $4  }
0xe: {  	s0 =	ssub.s32 s2, s25;
	s9 =	sor.u32 $0x40000, s5;
	s26 =	sadd.s32 s1, s6  }
0xf: {  	s10 =	sor.u32 $0x60000, s5;
	s0 =	smax.u32 s0, $0x1;
	[dreg:$0x5] =	wrdreg s26  }
0x10: {  	s25 =	simm.s32 $0x9D00;
	s31 =	sadd.s32 $0x4000, s26;
	[dreg:$0x7] =	wrdreg s0  }
0x11: {  	s2 =	simm.s32 $0x0;
	s26 =	simm.s32 $0x11D00;
	[dreg:$0x6] =	wrdreg s31  }
.LBB2_20:
0x12: {  	_ =	swait.ge [sflag:s28], $0x8000  }
0x13: {  	[sflag:s28] =	ssyncset.done $0x0  }
0x14: {  	[sflag:s28] =	ssyncadd.s32 $0xFFFF8000  }
0x15: {  	_ =	swait.ge [sflag:s29], $0x8000  }
0x16: {  	s2 =	rddreg [dreg:$0x8]  }
0x17: {  	s0 =	rddreg [dreg:$0x7];
	s2 =	sadd.s32 $0x1, s2  }
0x18: {  	p0 =	sne.s32 s2, s0  }
.Ltmp1:
0x19: {  	_ = 	snop;
	(pc) =	sbr.rel @!p0 .LBB2_21-.Ltmp1, $3  }
0x1a: {  	_ =	sdelay $0x1  }
0x1b: {  	[sflag:s29] =	ssyncset.done $0x0  }
0x1c: {  	[sflag:s29] =	ssyncadd.s32 $0xFFFF8000  }
.LBB2_1:
0x1d: {  	[dreg:$0x8] =	wrdreg s2  }
0x1e: {  	s0 =	rddreg [dreg:$0x4];
	s8 =	simm.s32 $0x5  }
0x1f: {  	[tilespmem:s4], [sflag:$0x5] =	stream.linear.gather [hbm4b:s0+s4], $0x7D00, $0x38;
	[tilespmem:$0x19D00] =	vst v63  }
0x20: {  	_ =	swait.ge [sflag:s8], $0x7D00  }
0x21: {  	[sflag:s8] =	ssyncset.done $0x0  }
0x22: {  	s19 =	simm.s32 $0x7D00;
	s18 =	rddreg [dreg:$0x5];
	[sflag:s8] =	ssyncadd.s32 $0xFFFF8300  }
0x23: {  	[tilespmem:s19], [sflag:$0x1] =	stream.linear.gather [hbm4b:s18+s4], $0x1000, $0x38;
	[tilespmem:$0x19D00] =	vst v63  }
0x24: {  	s31 =	simm.s32 $0x8D00;
	s0 =	simm.s32 $0x0;
	s20 =	rddreg [dreg:$0x6]  }
0x25: {  	[tilespmem:s31], [sflag:$0x2] =	stream.linear.gather [hbm4b:s20+s4], $0x1000, $0x38;
	[tilespmem:$0x19D00] =	vst v63  }
.LBB2_2:
0x26: {  	_ =	swait.ge [sflag:s22], $0x1000  }
0x27: {  	p0 =	seq.s32 s0, $0x0;
	[sflag:s22] =	ssyncset.done $0x0  }
0x28: {  	s2 =	simm.s32 @!p0 $0x3;
	[sflag:s22] =	ssyncadd.s32 $0xFFFFF000  }
0x29: {  	_ =	swait.ge @!p0 [sflag:s2], $0x8000  }
0x2a: {  	[sflag:s2] =	ssyncset.done @!p0 $0x0  }
0x2b: {  	[sflag:s2] =	ssyncadd.s32 @!p0 $0xFFFF8000;
	s2 =	simm.s32 $0x0  }
0x2c: {  	v0 =	vld [tilespmem:s2+$0x7D10];
	_ =	sdelay $0x4  }
0x2d: {  	vm0 =	vgt.s32 v0, $0x0  }
0x2e: {  	v0 =	vnsel vm0, $0x0, v0  }
0x2f: {  	v2 =	vmin.u32 v0, $0x3E7  }
0x30: {  	v0 =	vld [tilespmem:s2+$0x7D00];
	_ =	sdelay $0x3  }
0x31: {  	v1 =	vld.idx.msk [tilespmem:v2+s4+$0x0], $0xffff  }
0x32: {  	v3 =	vadd.s32 $0x3E8, v2;
	vm9 =	vgt.s32 v0, $0x0  }
0x33: {  	v0 =	vnsel vm9, $0x0, v0  }
0x34: {  	s6 =	simm.s32 $0x80;
	v4 =	vmin.u32 v0, $0x3E7  }
0x35: {  	v0 =	vld [tilespmem:s6+$0x7D10]  }
0x36: {  	[tilespmem:s2+$0x9D10] =	vst v1;
	v1 =	vld [tilespmem:s6+$0x7D00]  }
0x37: {  	v3 =	vld.idx.msk [tilespmem:v3+s4+$0x0], $0xffff  }
0x38: {  	v5 =	vadd.s32 $0x7D0, v2  }
0x39: {  	v6 =	vld.idx.msk [tilespmem:v4+s4+$0x0], $0xffff  }
0x3a: {  	v7 =	vadd.s32 $0x3E8, v4;
	vm10 =	vgt.s32 v0, $0x0  }
0x3b: {  	v0 =	vnsel vm10, $0x0, v0;
	vm11 =	vgt.s32 v1, $0x0  }
0x3c: {  	v0 =	vmin.u32 v0, $0x3E7;
	[tilespmem:s2+$0xAD10] =	vst v3;
	v1 =	vnsel vm11, $0x0, v1  }
0x3d: {  	v3 =	vld.idx.msk [tilespmem:v5+s4+$0x0], $0xffff;
	v9 =	vmin.u32 v1, $0x3E7  }
0x3e: {  	[tilespmem:s2+$0x9D00] =	vst v6;
	v1 =	vadd.s32 $0xBB8, v2  }
0x3f: {  	v5 =	vld.idx.msk [tilespmem:v7+s4+$0x0], $0xffff  }
0x40: {  	v6 =	vadd.s32 $0x7D0, v4  }
0x41: {  	v7 =	vld.idx.msk [tilespmem:v0+s4+$0x0], $0xffff  }
0x42: {  	v10 =	vadd.s32 $0x3E8, v0;
	v8 =	vld.idx.msk [tilespmem:v9+s4+$0x0], $0xffff;
	[tilespmem:s2+$0xBD10] =	vst v3  }
0x43: {  	s8 =	simm.s32 $0x100;
	v1 =	vld.idx.msk [tilespmem:v1+s4+$0x0], $0xffff  }
0x44: {  	v3 =	vadd.s32 $0x3E8, v9;
	[tilespmem:s2+$0xAD00] =	vst v5;
	v5 =	vld [tilespmem:s8+$0x7D10]  }
0x45: {  	v11 =	vadd.s32 $0xFA0, v2;
	v6 =	vld.idx.msk [tilespmem:v6+s4+$0x0], $0xffff  }
0x46: {  	[tilespmem:s6+$0x9D10] =	vst v7;
	v7 =	vld [tilespmem:s8+$0x7D00]  }
0x47: {  	v12 =	vadd.s32 $0xBB8, v4;
	v10 =	vld.idx.msk [tilespmem:v10+s4+$0x0], $0xffff  }
0x48: {  	[tilespmem:s6+$0x9D00] =	vst v8;
	v8 =	vadd.s32 $0x7D0, v0  }
0x49: {  	v3 =	vld.idx.msk [tilespmem:v3+s4+$0x0], $0xffff;
	[tilespmem:s2+$0xCD10] =	vst v1  }
0x4a: {  	v13 =	vadd.s32 $0x7D0, v9;
	vm12 =	vgt.s32 v5, $0x0;
	v11 =	vld.idx.msk [tilespmem:v11+s4+$0x0], $0xffff  }
0x4b: {  	[tilespmem:s2+$0xBD00] =	vst v6;
	v1 =	vnsel vm12, $0x0, v5;
	v5 =	vadd.s32 $0x1388, v2;
	vm13 =	vgt.s32 v7, $0x0  }
0x4c: {  	v6 =	vld.idx.msk [tilespmem:v12+s4+$0x0], $0xffff;
	v1 =	vmin.u32 v1, $0x3E7;
	[tilespmem:s6+$0xAD10] =	vst v10;
	v7 =	vnsel vm13, $0x0, v7  }
0x4d: {  	s18 =	simm.s32 $0x180;
	v10 =	vmin.u32 v7, $0x3E7;
	v8 =	vld.idx.msk [tilespmem:v8+s4+$0x0], $0xffff  }
0x4e: {  	v15 =	vld [tilespmem:s18+$0x7D10];
	v7 =	vadd.s32 $0xBB8, v0;
	[tilespmem:s6+$0xAD00] =	vst v3  }
0x4f: {  	v3 =	vld.idx.msk [tilespmem:v13+s4+$0x0], $0xffff;
	[tilespmem:s2+$0xDD10] =	vst v11  }
0x50: {  	v12 =	vadd.s32 $0xFA0, v4;
	v5 =	vld.idx.msk [tilespmem:v5+s4+$0x0], $0xffff  }
0x51: {  	v11 =	vadd.s32 $0x1770, v2;
	[tilespmem:s2+$0xCD00] =	vst v6;
	v6 =	vld.idx.msk [tilespmem:v1+s4+$0x0], $0xffff  }
0x52: {  	v14 =	vadd.s32 $0x3E8, v1;
	v13 =	vld.idx.msk [tilespmem:v10+s4+$0x0], $0xffff;
	[tilespmem:s6+$0xBD10] =	vst v8  }
0x53: {  	v8 =	vadd.s32 $0x3E8, v10;
	v7 =	vld.idx.msk [tilespmem:v7+s4+$0x0], $0xffff  }
0x54: {  	v18 =	vld [tilespmem:s18+$0x7D00];
	v16 =	vadd.s32 $0xFA0, v0  }
0x55: {  	v12 =	vld.idx.msk [tilespmem:v12+s4+$0x0], $0xffff;
	[tilespmem:s2+$0xED10] =	vst v5;
	v5 =	vadd.s32 $0xBB8, v9  }
0x56: {  	v17 =	vadd.s32 $0x1388, v4;
	[tilespmem:s8+$0x9D10] =	vst v6;
	v11 =	vld.idx.msk [tilespmem:v11+s4+$0x0], $0xffff  }
0x57: {  	v2 =	vadd.s32 $0x1B58, v2;
	v14 =	vld.idx.msk [tilespmem:v14+s4+$0x0], $0xffff;
	[tilespmem:s8+$0x9D00] =	vst v13  }
0x58: {  	v13 =	vadd.s32 $0x7D0, v1;
	v8 =	vld.idx.msk [tilespmem:v8+s4+$0x0], $0xffff;
	[tilespmem:s6+$0xCD10] =	vst v7  }
0x59: {  	vm14 =	vgt.s32 v15, $0x0;
	[tilespmem:s6+$0xBD00] =	vst v3;
	v7 =	vadd.s32 $0x7D0, v10;
	v3 =	vld.idx.msk [tilespmem:v16+s4+$0x0], $0xffff  }
0x5a: {  	[tilespmem:s2+$0xDD00] =	vst v12;
	v16 =	vld.idx.msk [tilespmem:v5+s4+$0x0], $0xffff;
	v5 =	vnsel vm14, $0x0, v15;
	v15 =	vadd.s32 $0x1388, v0  }
0x5b: {  	vm15 =	vgt.s32 v18, $0x0;
	v21 =	vld.idx.msk [tilespmem:v17+s4+$0x0], $0xffff;
	[tilespmem:s2+$0xFD10] =	vst v11;
	v6 =	vmin.u32 v5, $0x3E7  }
0x5c: {  	v23 =	vadd.s32 $0xFA0, v9;
	[tilespmem:s8+$0xAD10] =	vst v14;
	v5 =	vnsel vm15, $0x0, v18;
	v24 =	vld.idx.msk [tilespmem:v2+s4+$0x0], $0xffff  }
0x5d: {  	v29 =	vadd.s32 $0xBB8, v1;
	v12 =	vadd.s32 $0xFA0, v10;
	v27 =	vld.idx.msk [tilespmem:v13+s4+$0x0], $0xffff;
	v28 =	vmin.u32 v5, $0x3E7;
	[tilespmem:s8+$0xAD00] =	vst v8  }
0x5e: {  	v11 =	vadd.s32 $0x1770, v4;
	v14 =	vadd.s32 $0xBB8, v10;
	v2 =	vadd.s32 $0x1B58, v4;
	v22 =	vld.idx.msk [tilespmem:v7+s4+$0x0], $0xffff;
	[tilespmem:s6+$0xDD10] =	vst v3  }
0x5f: {  	v8 =	vadd.s32 $0x1388, v9;
	v5 =	vadd.s32 $0x1770, v9;
	v4 =	vadd.s32 $0x1B58, v10;
	v20 =	vld.idx.msk [tilespmem:v15+s4+$0x0], $0xffff  }
0x60: {  	v7 =	vadd.s32 $0x1770, v10;
	v19 =	vadd.s32 $0x3E8, v28;
	v17 =	vadd.s32 $0xBB8, v28;
	[tilespmem:s6+$0xCD00] =	vst v16;
	v25 =	vld.idx.msk [tilespmem:v6+s4+$0x0], $0xffff  }
0x61: {  	[tilespmem:s2+$0xED00] =	vst v21;
	v13 =	vadd.s32 $0xFA0, v28;
	v18 =	vadd.s32 $0x1770, v28;
	v21 =	vld.idx.msk [tilespmem:v23+s4+$0x0], $0xffff;
	v23 =	vadd.s32 $0x1770, v0  }
0x62: {  	v3 =	vadd.s32 $0x1B58, v9;
	v9 =	vadd.s32 $0x1388, v10;
	v26 =	vld.idx.msk [tilespmem:v28+s4+$0x0], $0xffff;
	[tilespmem:s8+$0xBD10] =	vst v27;
	v27 =	vadd.s32 $0x3E8, v6  }
0x63: {  	s7 =	simm.s32 $0x6;
	s19 =	simm.s32 $0x800;
	v10 =	vadd.s32 $0x1B58, v28;
	v16 =	vadd.s32 $0x7D0, v28;
	v15 =	vadd.s32 $0x1388, v28;
	[tilespmem:s2+$0x10D10] =	vst v24;
	v24 =	vld.idx.msk [tilespmem:v29+s4+$0x0], $0xffff  }
.LBB2_3:
0x64: {  	[tilespmem:s8+$0xBD00] =	vst v22;
	v22 =	vld.idx.msk [tilespmem:v11+s4+$0x0], $0xffff;
	v11 =	vmov v5;
	v5 =	vmov v7;
	v7 =	vmov v18;
	s20 =	smov.u32 s8;
	s8 =	smov.u32 s18;
	s18 =	sshra.s32 s19, $0x2  }
0x65: {  	s7 =	sadd.s32 $0x2, s7;
	v28 =	vadd.s32 $0xFA0, v1;
	v18 =	vld [tilespmem:s18+$0x7D10];
	[tilespmem:s6+$0xED10] =	vst v20  }
0x66: {  	p1 =	slt.u32 s7, $0x3E;
	[tilespmem:s8+$0x9D10] =	vst v25;
	v20 =	vld.idx.msk [tilespmem:v23+s4+$0x0], $0xffff  }
0x67: {  	v23 =	vld.idx.msk [tilespmem:v27+s4+$0x0], $0xffff;
	[tilespmem:s6+$0xDD00] =	vst v21  }
0x68: {  	v25 =	vadd.s32 $0x1B58, v0;
	v0 =	vmov v1;
	v1 =	vmov v6;
	v21 =	vld [tilespmem:s18+$0x7D00];
	[tilespmem:s8+$0x9D00] =	vst v26  }
0x69: {  	v26 =	vadd.s32 $0x7D0, v1;
	v19 =	vld.idx.msk [tilespmem:v19+s4+$0x0], $0xffff;
	[tilespmem:s20+$0xCD10] =	vst v24  }
0x6a: {  	v24 =	vld.idx.msk [tilespmem:v28+s4+$0x0], $0xffff;
	[tilespmem:s2+$0xFD00] =	vst v22  }
0x6b: {  	vm0 =	vgt.s32 v18, $0x0;
	v27 =	vld.idx.msk [tilespmem:v14+s4+$0x0], $0xffff;
	v14 =	vmov v17  }
0x6c: {  	v6 =	vnsel vm0, $0x0, v18;
	v18 =	vadd.s32 $0x1388, v0;
	v28 =	vld.idx.msk [tilespmem:v8+s4+$0x0], $0xffff;
	[tilespmem:s6+$0xFD10] =	vst v20;
	v8 =	vmovc v9;
	v9 =	vmov v15  }
0x6d: {  	v6 =	vmin.u32 v6, $0x3E7;
	vm0 =	vgt.s32 v21, $0x0;
	[tilespmem:s8+$0xAD10] =	vst v23;
	v29 =	vld.idx.msk [tilespmem:v25+s4+$0x0], $0xffff  }
0x6e: {  	v15 =	vnsel vm0, $0x0, v21;
	v30 =	vld.idx.msk [tilespmem:v26+s4+$0x0], $0xffff  }
0x6f: {  	v26 =	vmin.u32 v15, $0x3E7;
	[tilespmem:s8+$0xAD00] =	vst v19;
	v31 =	vld.idx.msk [tilespmem:v2+s4+$0x0], $0xffff;
	v2 =	vmovc v3;
	v3 =	vmov v4;
	v4 =	vmov v10  }
0x70: {  	v32 =	vadd.s32 $0xBB8, v1;
	v19 =	vadd.s32 $0x3E8, v26;
	v22 =	vld.idx.msk [tilespmem:v16+s4+$0x0], $0xffff;
	v16 =	vadd.s32 $0x7D0, v26;
	[tilespmem:s20+$0xDD10] =	vst v24  }
.Ltmp2:
0x71: {  	v17 =	vadd.s32 $0xBB8, v26;
	v24 =	vadd.s32 $0xFA0, v26;
	v15 =	vadd.s32 $0x1388, v26;
	[tilespmem:s20+$0xCD00] =	vst v27;
	v20 =	vld.idx.msk [tilespmem:v18+s4+$0x0], $0xffff;
	(pc) =	sbr.rel @p1 .LBB2_3-.Ltmp2, $4  }
0x72: {  	v10 =	vadd.s32 $0x1B58, v26;
	v18 =	vadd.s32 $0x1770, v26;
	v25 =	vld.idx.msk [tilespmem:v6+s4+$0x0], $0xffff;
	[tilespmem:s6+$0xED00] =	vst v28  }
0x73: {  	v23 =	vadd.s32 $0x1770, v0;
	v21 =	vld.idx.msk [tilespmem:v12+s4+$0x0], $0xffff;
	[tilespmem:s6+$0x10D10] =	vst v29;
	v12 =	vmov v13;
	v13 =	vmov v24  }
0x74: {  	v27 =	vadd.s32 $0x3E8, v6;
	v26 =	vld.idx.msk [tilespmem:v26+s4+$0x0], $0xffff;
	[tilespmem:s8+$0xBD10] =	vst v30  }
0x75: {  	s19 =	sadd.s32 $0x200, s19;
	v24 =	vld.idx.msk [tilespmem:v32+s4+$0x0], $0xffff;
	[tilespmem:s2+$0x10D00] =	vst v31;
	s2 =	smov.u32 s6;
	s6 =	smov.u32 s20  }
0x76: {  	_ =	sdelay $0x2  }
0x77: {  	[tilespmem:s18+$0x9D10] =	vst v25  }
0x78: {  	v25 =	vld.idx.msk [tilespmem:v27+s4+$0x0], $0xffff;
	[tilespmem:s18+$0x9D00] =	vst v26  }
0x79: {  	v26 =	vadd.s32 $0x7D0, v6;
	v19 =	vld.idx.msk [tilespmem:v19+s4+$0x0], $0xffff;
	_ =	sdelay $0x3  }
0x7a: {  	[tilespmem:s18+$0xAD10] =	vst v25  }
0x7b: {  	v25 =	vld.idx.msk [tilespmem:v26+s4+$0x0], $0xffff;
	[tilespmem:s18+$0xAD00] =	vst v19  }
0x7c: {  	v19 =	vadd.s32 $0xBB8, v6;
	v16 =	vld.idx.msk [tilespmem:v16+s4+$0x0], $0xffff;
	_ =	sdelay $0x1  }
0x7d: {  	[tilespmem:s8+$0xBD00] =	vst v22  }
0x7e: {  	v14 =	vld.idx.msk [tilespmem:v14+s4+$0x0], $0xffff  }
0x7f: {  	[tilespmem:s18+$0xBD10] =	vst v25  }
0x80: {  	v26 =	vadd.s32 $0xFA0, v1;
	v19 =	vld.idx.msk [tilespmem:v19+s4+$0x0], $0xffff;
	[tilespmem:s18+$0xBD00] =	vst v16  }
0x81: {  	v16 =	vadd.s32 $0xFA0, v6;
	v17 =	vld.idx.msk [tilespmem:v17+s4+$0x0], $0xffff  }
0x82: {  	[tilespmem:s6+$0xED10] =	vst v20  }
0x83: {  	v11 =	vld.idx.msk [tilespmem:v11+s4+$0x0], $0xffff;
	[tilespmem:s8+$0xCD00] =	vst v14  }
0x84: {  	[tilespmem:s8+$0xCD10] =	vst v24;
	v12 =	vld.idx.msk [tilespmem:v12+s4+$0x0], $0xffff  }
0x85: {  	v20 =	vld.idx.msk [tilespmem:v26+s4+$0x0], $0xffff;
	[tilespmem:s18+$0xCD10] =	vst v19  }
0x86: {  	v22 =	vadd.s32 $0x1388, v1;
	v14 =	vld.idx.msk [tilespmem:v16+s4+$0x0], $0xffff;
	[tilespmem:s18+$0xCD00] =	vst v17  }
0x87: {  	[tilespmem:s6+$0xDD00] =	vst v21;
	v16 =	vadd.s32 $0x1388, v6;
	v13 =	vld.idx.msk [tilespmem:v13+s4+$0x0], $0xffff  }
0x88: {  	[tilespmem:s2+$0xFD00] =	vst v11;
	v17 =	vld.idx.msk [tilespmem:v23+s4+$0x0], $0xffff  }
0x89: {  	v0 =	vadd.s32 $0x1B58, v0;
	v8 =	vld.idx.msk [tilespmem:v8+s4+$0x0], $0xffff;
	[tilespmem:s8+$0xDD00] =	vst v12  }
0x8a: {  	v9 =	vld.idx.msk [tilespmem:v9+s4+$0x0], $0xffff;
	[tilespmem:s8+$0xDD10] =	vst v20  }
0x8b: {  	v11 =	vld.idx.msk [tilespmem:v22+s4+$0x0], $0xffff;
	[tilespmem:s18+$0xDD10] =	vst v14  }
0x8c: {  	v19 =	vadd.s32 $0x1770, v1;
	v12 =	vld.idx.msk [tilespmem:v16+s4+$0x0], $0xffff;
	[tilespmem:s18+$0xDD00] =	vst v13  }
0x8d: {  	v14 =	vadd.s32 $0x1770, v6;
	[tilespmem:s6+$0xFD10] =	vst v17;
	v13 =	vld.idx.msk [tilespmem:v15+s4+$0x0], $0xffff  }
0x8e: {  	[tilespmem:s6+$0xED00] =	vst v8;
	v0 =	vld.idx.msk [tilespmem:v0+s4+$0x0], $0xffff  }
0x8f: {  	v5 =	vld.idx.msk [tilespmem:v5+s4+$0x0], $0xffff;
	[tilespmem:s8+$0xED00] =	vst v9  }
0x90: {  	v7 =	vld.idx.msk [tilespmem:v7+s4+$0x0], $0xffff;
	[tilespmem:s8+$0xED10] =	vst v11  }
0x91: {  	v8 =	vld.idx.msk [tilespmem:v19+s4+$0x0], $0xffff;
	[tilespmem:s18+$0xED10] =	vst v12  }
0x92: {  	v1 =	vadd.s32 $0x1B58, v1;
	v9 =	vld.idx.msk [tilespmem:v14+s4+$0x0], $0xffff;
	[tilespmem:s18+$0xED00] =	vst v13  }
0x93: {  	v6 =	vadd.s32 $0x1B58, v6;
	[tilespmem:s6+$0x10D10] =	vst v0;
	v0 =	vld.idx.msk [tilespmem:v18+s4+$0x0], $0xffff  }
0x94: {  	v2 =	vld.idx.msk [tilespmem:v2+s4+$0x0], $0xffff;
	[tilespmem:s6+$0xFD00] =	vst v5  }
0x95: {  	v3 =	vld.idx.msk [tilespmem:v3+s4+$0x0], $0xffff;
	[tilespmem:s8+$0xFD00] =	vst v7  }
0x96: {  	v4 =	vld.idx.msk [tilespmem:v4+s4+$0x0], $0xffff;
	[tilespmem:s8+$0xFD10] =	vst v8  }
0x97: {  	v1 =	vld.idx.msk [tilespmem:v1+s4+$0x0], $0xffff;
	[tilespmem:s18+$0xFD10] =	vst v9  }
0x98: {  	v5 =	vld.idx.msk [tilespmem:v6+s4+$0x0], $0xffff;
	[tilespmem:s18+$0xFD00] =	vst v0  }
0x99: {  	[tilespmem:s2+$0x10D00] =	vst v2;
	v0 =	vld.idx.msk [tilespmem:v10+s4+$0x0], $0xffff  }
0x9a: {  	[tilespmem:s6+$0x10D00] =	vst v3  }
0x9b: {  	s20 =	sshll.u32 s0, $0x17;
	[tilespmem:s8+$0x10D00] =	vst v4  }
0x9c: {  	s2 =	sor.u32 s5, s20;
	[tilespmem:s8+$0x10D10] =	vst v1  }
0x9d: {  	s2 =	sshrl.u32 s2, $0x3;
	[tilespmem:s18+$0x10D10] =	vst v5  }
0x9e: {  	s31 =	sadd.s32 s21, s2;
	s6 =	simm.s32 @!p0 $0x4;
	[tilespmem:s18+$0x10D00] =	vst v0  }
0x9f: {  	[hbm4b:s31+s23] =	stream.strided.scatter [tilespmem:s25], [sflag:$0x3], $0x8000, s24, s23, $0x38;
	[tilespmem:$0x19D00] =	vst v63  }
0xa0: {  	_ =	swait.ge @!p0 [sflag:s6], $0x8000  }
0xa1: {  	[sflag:s6] =	ssyncset.done @!p0 $0x0  }
0xa2: {  	[sflag:s6] =	ssyncadd.s32 @!p0 $0xFFFF8000;
	s6 =	simm.s32 $0x0  }
0xa3: {  	v0 =	vld [tilespmem:s6+$0x7D10];
	_ =	sdelay $0x1  }
0xa4: {  	v1 =	vld [tilespmem:s6+$0x7D00];
	_ =	sdelay $0x2  }
0xa5: {  	vm0 =	vgt.s32 v0, $0x0  }
0xa6: {  	v0 =	vnsel vm0, $0x0, v0  }
0xa7: {  	vm9 =	vgt.s32 v1, $0x0;
	v2 =	vmin.u32 v0, $0x3E7  }
0xa8: {  	v1 =	vnsel vm9, $0x0, v1;
	v0 =	vadd.s32 $0x1F40, v2  }
0xa9: {  	v3 =	vmin.u32 v1, $0x3E7  }
0xaa: {  	v1 =	vadd.s32 $0x1F40, v3  }
0xab: {  	s20 =	simm.s32 $0x80  }
0xac: {  	v5 =	vld [tilespmem:s20+$0x7D10]  }
0xad: {  	v0 =	vld.idx.msk [tilespmem:v0+s4+$0x0], $0xffff  }
0xae: {  	v8 =	vld [tilespmem:s20+$0x7D00];
	v4 =	vadd.s32 $0x2328, v2  }
0xaf: {  	v1 =	vld.idx.msk [tilespmem:v1+s4+$0x0], $0xffff  }
0xb0: {  	v6 =	vadd.s32 $0x2328, v3;
	_ =	sdelay $0x1  }
0xb1: {  	vm10 =	vgt.s32 v5, $0x0;
	[tilespmem:s6+$0x11D10] =	vst v0  }
0xb2: {  	v0 =	vnsel vm10, $0x0, v5;
	v4 =	vld.idx.msk [tilespmem:v4+s4+$0x0], $0xffff  }
0xb3: {  	vm11 =	vgt.s32 v8, $0x0;
	v7 =	vadd.s32 $0x2710, v2;
	[tilespmem:s6+$0x11D00] =	vst v1;
	v0 =	vmin.u32 v0, $0x3E7  }
0xb4: {  	v8 =	vnsel vm11, $0x0, v8;
	v1 =	vld.idx.msk [tilespmem:v6+s4+$0x0], $0xffff;
	v5 =	vadd.s32 $0x1F40, v0  }
0xb5: {  	v9 =	vmin.u32 v8, $0x3E7  }
0xb6: {  	s8 =	simm.s32 $0x100;
	v8 =	vadd.s32 $0x1F40, v9  }
0xb7: {  	v10 =	vld [tilespmem:s8+$0x7D10];
	[tilespmem:s6+$0x12D10] =	vst v4  }
0xb8: {  	v4 =	vadd.s32 $0x2710, v3;
	v6 =	vld.idx.msk [tilespmem:v7+s4+$0x0], $0xffff  }
0xb9: {  	[tilespmem:s6+$0x12D00] =	vst v1;
	v7 =	vadd.s32 $0x2AF8, v2;
	v1 =	vld.idx.msk [tilespmem:v5+s4+$0x0], $0xffff  }
0xba: {  	v5 =	vadd.s32 $0x2328, v0  }
0xbb: {  	v8 =	vld.idx.msk [tilespmem:v8+s4+$0x0], $0xffff  }
0xbc: {  	v12 =	vadd.s32 $0x2328, v9  }
0xbd: {  	v4 =	vld.idx.msk [tilespmem:v4+s4+$0x0], $0xffff;
	[tilespmem:s6+$0x13D10] =	vst v6  }
0xbe: {  	vm12 =	vgt.s32 v10, $0x0;
	[tilespmem:s20+$0x11D10] =	vst v1;
	v6 =	vld.idx.msk [tilespmem:v7+s4+$0x0], $0xffff;
	v7 =	vadd.s32 $0x2AF8, v3  }
0xbf: {  	v11 =	vadd.s32 $0x2EE0, v2;
	v1 =	vnsel vm12, $0x0, v10;
	v5 =	vld.idx.msk [tilespmem:v5+s4+$0x0], $0xffff  }
0xc0: {  	[tilespmem:s20+$0x11D00] =	vst v8;
	v13 =	vadd.s32 $0x2710, v0;
	v1 =	vmin.u32 v1, $0x3E7  }
0xc1: {  	v10 =	vld.idx.msk [tilespmem:v12+s4+$0x0], $0xffff;
	v12 =	vadd.s32 $0x1F40, v1  }
0xc2: {  	[tilespmem:s6+$0x13D00] =	vst v4;
	v4 =	vld [tilespmem:s8+$0x7D00]  }
0xc3: {  	v7 =	vld.idx.msk [tilespmem:v7+s4+$0x0], $0xffff;
	[tilespmem:s6+$0x14D10] =	vst v6  }
0xc4: {  	[tilespmem:s20+$0x12D10] =	vst v5;
	v5 =	vadd.s32 $0x2710, v9;
	v11 =	vld.idx.msk [tilespmem:v11+s4+$0x0], $0xffff  }
0xc5: {  	v6 =	vadd.s32 $0x2EE0, v3;
	v13 =	vld.idx.msk [tilespmem:v13+s4+$0x0], $0xffff  }
0xc6: {  	v8 =	vadd.s32 $0x32C8, v2;
	[tilespmem:s20+$0x12D00] =	vst v10;
	v10 =	vld.idx.msk [tilespmem:v12+s4+$0x0], $0xffff  }
0xc7: {  	s18 =	simm.s32 $0x180;
	v12 =	vadd.s32 $0x2328, v1;
	vm13 =	vgt.s32 v4, $0x0  }
0xc8: {  	v15 =	vld [tilespmem:s18+$0x7D10];
	v4 =	vnsel vm13, $0x0, v4;
	[tilespmem:s6+$0x14D00] =	vst v7;
	v7 =	vadd.s32 $0x2AF8, v0  }
0xc9: {  	v14 =	vmin.u32 v4, $0x3E7;
	v5 =	vld.idx.msk [tilespmem:v5+s4+$0x0], $0xffff;
	[tilespmem:s6+$0x15D10] =	vst v11  }
0xca: {  	v4 =	vld.idx.msk [tilespmem:v6+s4+$0x0], $0xffff;
	v6 =	vadd.s32 $0x1F40, v14;
	[tilespmem:s20+$0x13D10] =	vst v13  }
0xcb: {  	v13 =	vadd.s32 $0x2AF8, v9;
	[tilespmem:s8+$0x11D10] =	vst v10;
	v8 =	vld.idx.msk [tilespmem:v8+s4+$0x0], $0xffff  }
0xcc: {  	v11 =	vadd.s32 $0x36B0, v2;
	v12 =	vld.idx.msk [tilespmem:v12+s4+$0x0], $0xffff  }
0xcd: {  	v7 =	vld.idx.msk [tilespmem:v7+s4+$0x0], $0xffff  }
0xce: {  	v18 =	vadd.s32 $0x2710, v1;
	[tilespmem:s20+$0x13D00] =	vst v5;
	v5 =	vld [tilespmem:s18+$0x7D00]  }
0xcf: {  	vm14 =	vgt.s32 v15, $0x0;
	v16 =	vadd.s32 $0x2EE0, v0;
	v6 =	vld.idx.msk [tilespmem:v6+s4+$0x0], $0xffff  }
0xd0: {  	v17 =	vadd.s32 $0x3A98, v2;
	v2 =	vnsel vm14, $0x0, v15;
	v13 =	vld.idx.msk [tilespmem:v13+s4+$0x0], $0xffff;
	[tilespmem:s6+$0x16D10] =	vst v8;
	v8 =	vadd.s32 $0x2328, v14  }
0xd1: {  	[tilespmem:s6+$0x15D00] =	vst v4;
	v4 =	vmin.u32 v2, $0x3E7;
	v10 =	vld.idx.msk [tilespmem:v11+s4+$0x0], $0xffff;
	v11 =	vadd.s32 $0x32C8, v3  }
0xd2: {  	v22 =	vadd.s32 $0x1F40, v4;
	[tilespmem:s8+$0x12D10] =	vst v12  }
0xd3: {  	v27 =	vld.idx.msk [tilespmem:v18+s4+$0x0], $0xffff;
	[tilespmem:s20+$0x14D10] =	vst v7  }
0xd4: {  	v7 =	vadd.s32 $0x2EE0, v9;
	[tilespmem:s8+$0x11D00] =	vst v6;
	v16 =	vld.idx.msk [tilespmem:v16+s4+$0x0], $0xffff  }
0xd5: {  	v21 =	vadd.s32 $0x36B0, v3;
	v19 =	vadd.s32 $0x32C8, v0;
	v15 =	vld.idx.msk [tilespmem:v8+s4+$0x0], $0xffff  }
0xd6: {  	v28 =	vadd.s32 $0x2AF8, v1;
	v23 =	vadd.s32 $0x2710, v14;
	vm15 =	vgt.s32 v5, $0x0;
	[tilespmem:s20+$0x14D00] =	vst v13;
	v11 =	vld.idx.msk [tilespmem:v11+s4+$0x0], $0xffff  }
0xd7: {  	v2 =	vadd.s32 $0x3A98, v3;
	v12 =	vadd.s32 $0x2EE0, v14;
	v5 =	vnsel vm15, $0x0, v5;
	v25 =	vld.idx.msk [tilespmem:v22+s4+$0x0], $0xffff;
	[tilespmem:s6+$0x17D10] =	vst v10  }
0xd8: {  	v3 =	vadd.s32 $0x3A98, v9;
	v6 =	vadd.s32 $0x36B0, v9;
	v29 =	vmin.u32 v5, $0x3E7;
	[tilespmem:s8+$0x13D10] =	vst v27;
	v26 =	vld.idx.msk [tilespmem:v17+s4+$0x0], $0xffff  }
0xd9: {  	v13 =	vadd.s32 $0x2AF8, v14;
	v8 =	vadd.s32 $0x32C8, v9;
	v24 =	vadd.s32 $0x1F40, v29;
	v20 =	vld.idx.msk [tilespmem:v7+s4+$0x0], $0xffff;
	[tilespmem:s20+$0x15D10] =	vst v16  }
0xda: {  	v5 =	vadd.s32 $0x3A98, v14;
	v22 =	vadd.s32 $0x36B0, v0;
	v10 =	vadd.s32 $0x32C8, v14;
	v19 =	vld.idx.msk [tilespmem:v19+s4+$0x0], $0xffff;
	[tilespmem:s8+$0x12D00] =	vst v15  }
0xdb: {  	v18 =	vadd.s32 $0x2AF8, v29;
	v9 =	vadd.s32 $0x36B0, v29;
	v27 =	vadd.s32 $0x2328, v4;
	[tilespmem:s6+$0x16D00] =	vst v11;
	v23 =	vld.idx.msk [tilespmem:v23+s4+$0x0], $0xffff  }
0xdc: {  	v17 =	vadd.s32 $0x2328, v29;
	v7 =	vadd.s32 $0x36B0, v14;
	v14 =	vadd.s32 $0x2EE0, v29;
	v21 =	vld.idx.msk [tilespmem:v21+s4+$0x0], $0xffff  }
0xdd: {  	s7 =	simm.s32 $0x6;
	s19 =	simm.s32 $0x800;
	v16 =	vadd.s32 $0x2710, v29;
	v15 =	vadd.s32 $0x32C8, v29;
	v11 =	vadd.s32 $0x3A98, v29;
	[tilespmem:s6+$0x18D10] =	vst v26;
	v26 =	vld.idx.msk [tilespmem:v28+s4+$0x0], $0xffff  }
.LBB2_5:
0xde: {  	s3 =	sshra.s32 s19, $0x2;
	s7 =	sadd.s32 $0x2, s7;
	v24 =	vld.idx.msk [tilespmem:v24+s4+$0x0], $0xffff;
	[tilespmem:s20+$0x15D00] =	vst v20;
	s31 =	smov.u32 s8  }
0xdf: {  	v28 =	vadd.s32 $0x2EE0, v1;
	s8 =	smov.u32 s18;
	v20 =	vld [tilespmem:s3+$0x7D10];
	p0 =	slt.u32 s7, $0x3E;
	[tilespmem:s20+$0x16D10] =	vst v19;
	s18 =	smov.u32 s3  }
0xe0: {  	[tilespmem:s8+$0x11D10] =	vst v25;
	v19 =	vld.idx.msk [tilespmem:v22+s4+$0x0], $0xffff  }
0xe1: {  	v22 =	vld.idx.msk [tilespmem:v27+s4+$0x0], $0xffff;
	[tilespmem:s31+$0x13D00] =	vst v23  }
0xe2: {  	v25 =	vadd.s32 $0x3A98, v0;
	v0 =	vmov v1;
	v1 =	vmov v4;
	v23 =	vld [tilespmem:s18+$0x7D00];
	[tilespmem:s6+$0x17D00] =	vst v21  }
0xe3: {  	v21 =	vadd.s32 $0x2710, v1;
	v27 =	vld.idx.msk [tilespmem:v13+s4+$0x0], $0xffff;
	[tilespmem:s31+$0x14D10] =	vst v26;
	v13 =	vmov v18  }
0xe4: {  	vm0 =	vgt.s32 v20, $0x0;
	[tilespmem:s8+$0x11D00] =	vst v24;
	v18 =	vld.idx.msk [tilespmem:v28+s4+$0x0], $0xffff  }
0xe5: {  	v4 =	vnsel vm0, $0x0, v20;
	v26 =	vld.idx.msk [tilespmem:v17+s4+$0x0], $0xffff  }
0xe6: {  	v28 =	vadd.s32 $0x32C8, v0;
	v4 =	vmin.u32 v4, $0x3E7;
	v29 =	vld.idx.msk [tilespmem:v8+s4+$0x0], $0xffff;
	[tilespmem:s20+$0x17D10] =	vst v19;
	v8 =	vmovc v10;
	v10 =	vmov v15  }
0xe7: {  	vm0 =	vgt.s32 v23, $0x0;
	v30 =	vadd.s32 $0x1F40, v4;
	[tilespmem:s8+$0x12D10] =	vst v22;
	v31 =	vld.idx.msk [tilespmem:v25+s4+$0x0], $0xffff  }
0xe8: {  	v15 =	vnsel vm0, $0x0, v23;
	v21 =	vld.idx.msk [tilespmem:v21+s4+$0x0], $0xffff  }
0xe9: {  	v22 =	vmin.u32 v15, $0x3E7;
	[tilespmem:s31+$0x14D00] =	vst v27;
	v32 =	vld.idx.msk [tilespmem:v2+s4+$0x0], $0xffff;
	v2 =	vmovc v3;
	v3 =	vmov v5;
	v5 =	vmov v11  }
0xea: {  	v33 =	vadd.s32 $0x2AF8, v1;
	v24 =	vadd.s32 $0x1F40, v22;
	v17 =	vadd.s32 $0x2328, v22;
	v20 =	vld.idx.msk [tilespmem:v12+s4+$0x0], $0xffff;
	[tilespmem:s31+$0x15D10] =	vst v18;
	v12 =	vmovc v14  }
.Ltmp3:
0xeb: {  	v27 =	vadd.s32 $0x2710, v22;
	v18 =	vadd.s32 $0x2AF8, v22;
	v14 =	vadd.s32 $0x2EE0, v22;
	[tilespmem:s8+$0x12D00] =	vst v26;
	v19 =	vld.idx.msk [tilespmem:v28+s4+$0x0], $0xffff;
	(pc) =	sbr.rel @p0 .LBB2_5-.Ltmp3, $4  }
0xec: {  	v15 =	vadd.s32 $0x32C8, v22;
	v11 =	vadd.s32 $0x3A98, v22;
	v26 =	vadd.s32 $0x36B0, v22;
	v25 =	vld.idx.msk [tilespmem:v30+s4+$0x0], $0xffff;
	[tilespmem:s20+$0x16D00] =	vst v29  }
0xed: {  	v22 =	vadd.s32 $0x36B0, v0;
	v23 =	vld.idx.msk [tilespmem:v16+s4+$0x0], $0xffff;
	[tilespmem:s20+$0x18D10] =	vst v31;
	v16 =	vmov v27  }
0xee: {  	v27 =	vadd.s32 $0x2328, v4;
	[tilespmem:s8+$0x13D10] =	vst v21;
	v21 =	vld.idx.msk [tilespmem:v6+s4+$0x0], $0xffff;
	v6 =	vmovc v7;
	v7 =	vmov v9;
	v9 =	vmov v26  }
0xef: {  	s19 =	sadd.s32 $0x200, s19;
	v26 =	vld.idx.msk [tilespmem:v33+s4+$0x0], $0xffff;
	[tilespmem:s6+$0x18D00] =	vst v32;
	s6 =	smov.u32 s20;
	s20 =	smov.u32 s31  }
0xf0: {  	_ =	sdelay $0x3  }
0xf1: {  	v24 =	vld.idx.msk [tilespmem:v24+s4+$0x0], $0xffff;
	_ =	sdelay $0x3  }
0xf2: {  	[tilespmem:s18+$0x11D10] =	vst v25  }
0xf3: {  	v25 =	vld.idx.msk [tilespmem:v27+s4+$0x0], $0xffff;
	[tilespmem:s18+$0x11D00] =	vst v24  }
0xf4: {  	v27 =	vadd.s32 $0x2710, v4;
	v17 =	vld.idx.msk [tilespmem:v17+s4+$0x0], $0xffff;
	_ =	sdelay $0x3  }
0xf5: {  	[tilespmem:s18+$0x12D10] =	vst v25  }
0xf6: {  	v24 =	vld.idx.msk [tilespmem:v27+s4+$0x0], $0xffff;
	[tilespmem:s18+$0x12D00] =	vst v17  }
0xf7: {  	v25 =	vadd.s32 $0x2AF8, v4;
	v16 =	vld.idx.msk [tilespmem:v16+s4+$0x0], $0xffff;
	_ =	sdelay $0x1  }
0xf8: {  	[tilespmem:s8+$0x13D00] =	vst v23  }
0xf9: {  	v13 =	vld.idx.msk [tilespmem:v13+s4+$0x0], $0xffff  }
0xfa: {  	[tilespmem:s18+$0x13D10] =	vst v24  }
0xfb: {  	v17 =	vadd.s32 $0x2EE0, v1;
	v23 =	vld.idx.msk [tilespmem:v25+s4+$0x0], $0xffff;
	[tilespmem:s18+$0x13D00] =	vst v16  }
0xfc: {  	v24 =	vadd.s32 $0x2EE0, v4;
	v16 =	vld.idx.msk [tilespmem:v18+s4+$0x0], $0xffff  }
0xfd: {  	[tilespmem:s20+$0x15D00] =	vst v20  }
0xfe: {  	[tilespmem:s8+$0x14D00] =	vst v13  }
0xff: {  	[tilespmem:s8+$0x14D10] =	vst v26;
	v12 =	vld.idx.msk [tilespmem:v12+s4+$0x0], $0xffff  }
0x100: {  	v17 =	vld.idx.msk [tilespmem:v17+s4+$0x0], $0xffff;
	[tilespmem:s18+$0x14D10] =	vst v23  }
0x101: {  	v18 =	vadd.s32 $0x32C8, v1;
	v13 =	vld.idx.msk [tilespmem:v24+s4+$0x0], $0xffff;
	[tilespmem:s18+$0x14D00] =	vst v16  }
0x102: {  	v20 =	vadd.s32 $0x32C8, v4;
	[tilespmem:s20+$0x16D10] =	vst v19;
	v14 =	vld.idx.msk [tilespmem:v14+s4+$0x0], $0xffff  }
0x103: {  	[tilespmem:s6+$0x17D00] =	vst v21;
	v16 =	vld.idx.msk [tilespmem:v22+s4+$0x0], $0xffff  }
0x104: {  	v0 =	vadd.s32 $0x3A98, v0;
	v8 =	vld.idx.msk [tilespmem:v8+s4+$0x0], $0xffff;
	[tilespmem:s8+$0x15D00] =	vst v12  }
0x105: {  	v10 =	vld.idx.msk [tilespmem:v10+s4+$0x0], $0xffff;
	[tilespmem:s8+$0x15D10] =	vst v17  }
0x106: {  	v17 =	vld.idx.msk [tilespmem:v18+s4+$0x0], $0xffff;
	[tilespmem:s18+$0x15D10] =	vst v13  }
0x107: {  	v18 =	vadd.s32 $0x36B0, v1;
	v12 =	vld.idx.msk [tilespmem:v20+s4+$0x0], $0xffff;
	[tilespmem:s18+$0x15D00] =	vst v14  }
0x108: {  	v13 =	vadd.s32 $0x36B0, v4;
	[tilespmem:s20+$0x17D10] =	vst v16;
	v14 =	vld.idx.msk [tilespmem:v15+s4+$0x0], $0xffff  }
0x109: {  	[tilespmem:s20+$0x16D00] =	vst v8;
	v0 =	vld.idx.msk [tilespmem:v0+s4+$0x0], $0xffff  }
0x10a: {  	v6 =	vld.idx.msk [tilespmem:v6+s4+$0x0], $0xffff;
	[tilespmem:s8+$0x16D00] =	vst v10  }
0x10b: {  	v7 =	vld.idx.msk [tilespmem:v7+s4+$0x0], $0xffff;
	[tilespmem:s8+$0x16D10] =	vst v17  }
0x10c: {  	v8 =	vld.idx.msk [tilespmem:v18+s4+$0x0], $0xffff;
	[tilespmem:s18+$0x16D10] =	vst v12  }
0x10d: {  	v1 =	vadd.s32 $0x3A98, v1;
	v10 =	vld.idx.msk [tilespmem:v13+s4+$0x0], $0xffff;
	[tilespmem:s18+$0x16D00] =	vst v14  }
0x10e: {  	v4 =	vadd.s32 $0x3A98, v4;
	[tilespmem:s20+$0x18D10] =	vst v0;
	v0 =	vld.idx.msk [tilespmem:v9+s4+$0x0], $0xffff  }
0x10f: {  	v2 =	vld.idx.msk [tilespmem:v2+s4+$0x0], $0xffff;
	[tilespmem:s20+$0x17D00] =	vst v6  }
0x110: {  	v3 =	vld.idx.msk [tilespmem:v3+s4+$0x0], $0xffff;
	[tilespmem:s8+$0x17D00] =	vst v7  }
0x111: {  	v5 =	vld.idx.msk [tilespmem:v5+s4+$0x0], $0xffff;
	[tilespmem:s8+$0x17D10] =	vst v8  }
0x112: {  	v1 =	vld.idx.msk [tilespmem:v1+s4+$0x0], $0xffff;
	[tilespmem:s18+$0x17D10] =	vst v10  }
0x113: {  	v4 =	vld.idx.msk [tilespmem:v4+s4+$0x0], $0xffff;
	[tilespmem:s18+$0x17D00] =	vst v0  }
0x114: {  	[tilespmem:s6+$0x18D00] =	vst v2;
	v0 =	vld.idx.msk [tilespmem:v11+s4+$0x0], $0xffff  }
0x115: {  	[tilespmem:s20+$0x18D00] =	vst v3  }
0x116: {  	[tilespmem:s8+$0x18D00] =	vst v5  }
0x117: {  	[tilespmem:s8+$0x18D10] =	vst v1  }
0x118: {  	[tilespmem:s18+$0x18D10] =	vst v4  }
0x119: {  	s3 =	sadd.s32 s2, s11;
	[tilespmem:s18+$0x18D00] =	vst v0  }
0x11a: {  	[hbm4b:s3+s23] =	stream.strided.scatter [tilespmem:s26], [sflag:$0x4], $0x8000, s24, s23, $0x38;
	[tilespmem:$0x19D00] =	vst v63  }
0x11b: {  	_ =	swait.ge [sflag:s28], $0x8000  }
0x11c: {  	[sflag:s28] =	ssyncset.done $0x0  }
0x11d: {  	s20 =	simm.s32 $0x0;
	[sflag:s28] =	ssyncadd.s32 $0xFFFF8000  }
0x11e: {  	v0 =	vld [tilespmem:s20+$0x7D10];
	_ =	sdelay $0x3  }
0x11f: {  	v1 =	vld [tilespmem:s20+$0x7D00]  }
0x120: {  	vm0 =	vgt.s32 v0, $0x0  }
0x121: {  	v0 =	vnsel vm0, $0x0, v0  }
0x122: {  	v2 =	vmin.u32 v0, $0x3E7  }
0x123: {  	v0 =	vadd.s32 $0x3E80, v2  }
0x124: {  	vm9 =	vgt.s32 v1, $0x0;
	v3 =	vand.u32 $0x7F, v2;
	v0 =	vand.u32 $0x7F80, v0  }
0x125: {  	v1 =	vnsel vm9, $0x0, v1;
	v0 =	vor.u32 v3, v0  }
0x126: {  	v3 =	vmin.u32 v1, $0x3E7  }
0x127: {  	v1 =	vadd.s32 $0x3E80, v3  }
0x128: {  	s6 =	simm.s32 $0x80;
	v4 =	vand.u32 $0x7F, v3;
	v1 =	vand.u32 $0x7F80, v1  }
0x129: {  	v1 =	vor.u32 v4, v1;
	v4 =	vld [tilespmem:s6+$0x7D10]  }
0x12a: {  	v0 =	vld.idx.msk [tilespmem:v0+s4+$0x0], $0xffff  }
0x12b: {  	v5 =	vadd.s32 $0x4268, v2;
	_ =	sdelay $0x2  }
0x12c: {  	v6 =	vld [tilespmem:s6+$0x7D00]  }
0x12d: {  	v1 =	vld.idx.msk [tilespmem:v1+s4+$0x0], $0xffff;
	vm10 =	vgt.s32 v4, $0x0;
	[tilespmem:s20+$0x9D10] =	vst v0  }
0x12e: {  	v7 =	vadd.s32 $0x4268, v3;
	v0 =	vnsel vm10, $0x0, v4;
	v5 =	vld.idx.msk [tilespmem:v5+s4+$0x0], $0xffff  }
0x12f: {  	v4 =	vadd.s32 $0x4650, v2;
	v0 =	vmin.u32 v0, $0x3E7  }
0x130: {  	v8 =	vadd.s32 $0x3E80, v0  }
0x131: {  	v9 =	vand.u32 $0x7F, v0;
	v8 =	vand.u32 $0x7F80, v8  }
0x132: {  	vm11 =	vgt.s32 v6, $0x0;
	[tilespmem:s20+$0x9D00] =	vst v1;
	v1 =	vor.u32 v9, v8  }
0x133: {  	v6 =	vnsel vm11, $0x0, v6;
	v7 =	vld.idx.msk [tilespmem:v7+s4+$0x0], $0xffff;
	[tilespmem:s20+$0xAD10] =	vst v5  }
0x134: {  	v6 =	vmin.u32 v6, $0x3E7;
	v5 =	vadd.s32 $0x4650, v3;
	v4 =	vld.idx.msk [tilespmem:v4+s4+$0x0], $0xffff  }
0x135: {  	v8 =	vadd.s32 $0x3E80, v6;
	v9 =	vadd.s32 $0x4A38, v2  }
0x136: {  	v10 =	vand.u32 $0x7F, v6;
	v8 =	vand.u32 $0x7F80, v8  }
0x137: {  	s8 =	simm.s32 $0x100;
	v8 =	vor.u32 v10, v8;
	v1 =	vld.idx.msk [tilespmem:v1+s4+$0x0], $0xffff  }
0x138: {  	[tilespmem:s20+$0xAD00] =	vst v7;
	v7 =	vld [tilespmem:s8+$0x7D10]  }
0x139: {  	v10 =	vadd.s32 $0x4268, v0;
	v5 =	vld.idx.msk [tilespmem:v5+s4+$0x0], $0xffff;
	[tilespmem:s20+$0xBD10] =	vst v4  }
0x13a: {  	v4 =	vadd.s32 $0x4A38, v3;
	v9 =	vld.idx.msk [tilespmem:v9+s4+$0x0], $0xffff  }
0x13b: {  	v11 =	vadd.s32 $0x4E20, v2  }
0x13c: {  	v8 =	vld.idx.msk [tilespmem:v8+s4+$0x0], $0xffff  }
0x13d: {  	v13 =	vld [tilespmem:s8+$0x7D00];
	v12 =	vadd.s32 $0x4268, v6;
	[tilespmem:s6+$0x9D10] =	vst v1;
	vm12 =	vgt.s32 v7, $0x0  }
0x13e: {  	v10 =	vld.idx.msk [tilespmem:v10+s4+$0x0], $0xffff;
	v1 =	vnsel vm12, $0x0, v7;
	[tilespmem:s20+$0xBD00] =	vst v5  }
0x13f: {  	v5 =	vadd.s32 $0x4650, v0;
	v1 =	vmin.u32 v1, $0x3E7;
	v4 =	vld.idx.msk [tilespmem:v4+s4+$0x0], $0xffff;
	[tilespmem:s20+$0xCD10] =	vst v9  }
0x140: {  	v7 =	vadd.s32 $0x4E20, v3;
	v9 =	vld.idx.msk [tilespmem:v11+s4+$0x0], $0xffff;
	v11 =	vadd.s32 $0x3E80, v1  }
0x141: {  	v14 =	vadd.s32 $0x5208, v2;
	[tilespmem:s6+$0x9D00] =	vst v8;
	v8 =	vand.u32 $0x7F80, v11;
	v11 =	vand.u32 $0x7F, v1  }
0x142: {  	s18 =	simm.s32 $0x180;
	vm13 =	vgt.s32 v13, $0x0;
	v12 =	vld.idx.msk [tilespmem:v12+s4+$0x0], $0xffff;
	v8 =	vor.u32 v11, v8  }
0x143: {  	v18 =	vld [tilespmem:s18+$0x7D00];
	v13 =	vnsel vm13, $0x0, v13;
	[tilespmem:s6+$0xAD10] =	vst v10;
	v11 =	vadd.s32 $0x4650, v6  }
0x144: {  	v15 =	vmin.u32 v13, $0x3E7;
	v5 =	vld.idx.msk [tilespmem:v5+s4+$0x0], $0xffff;
	[tilespmem:s20+$0xCD00] =	vst v4  }
0x145: {  	v10 =	vadd.s32 $0x4A38, v0;
	v4 =	vadd.s32 $0x3E80, v15;
	v7 =	vld.idx.msk [tilespmem:v7+s4+$0x0], $0xffff;
	[tilespmem:s20+$0xDD10] =	vst v9  }
0x146: {  	v17 =	vadd.s32 $0x5208, v3;
	v4 =	vand.u32 $0x7F80, v4;
	v9 =	vand.u32 $0x7F, v15;
	v13 =	vld.idx.msk [tilespmem:v14+s4+$0x0], $0xffff  }
0x147: {  	[tilespmem:s6+$0xAD00] =	vst v12;
	v4 =	vor.u32 v9, v4;
	v8 =	vld.idx.msk [tilespmem:v8+s4+$0x0], $0xffff  }
0x148: {  	v9 =	vld.idx.msk [tilespmem:v11+s4+$0x0], $0xffff;
	v11 =	vadd.s32 $0x55F0, v2  }
0x149: {  	v12 =	vld [tilespmem:s18+$0x7D10];
	v14 =	vadd.s32 $0x4268, v1;
	[tilespmem:s6+$0xBD10] =	vst v5  }
0x14a: {  	v16 =	vadd.s32 $0x4A38, v6;
	v10 =	vld.idx.msk [tilespmem:v10+s4+$0x0], $0xffff;
	[tilespmem:s20+$0xDD00] =	vst v7  }
0x14b: {  	v21 =	vadd.s32 $0x4E20, v0;
	v17 =	vld.idx.msk [tilespmem:v17+s4+$0x0], $0xffff  }
0x14c: {  	vm15 =	vgt.s32 v18, $0x0;
	v23 =	vadd.s32 $0x4E20, v6;
	v19 =	vld.idx.msk [tilespmem:v4+s4+$0x0], $0xffff;
	[tilespmem:s20+$0xED10] =	vst v13  }
0x14d: {  	v22 =	vadd.s32 $0x4268, v15;
	v20 =	vadd.s32 $0x55F0, v3;
	v5 =	vadd.s32 $0x5208, v6;
	[tilespmem:s8+$0x9D10] =	vst v8;
	v8 =	vld.idx.msk [tilespmem:v11+s4+$0x0], $0xffff  }
0x14e: {  	vm14 =	vgt.s32 v12, $0x0;
	v4 =	vadd.s32 $0x55F0, v6;
	[tilespmem:s6+$0xBD00] =	vst v9;
	v9 =	vadd.s32 $0x59D8, v2;
	v14 =	vld.idx.msk [tilespmem:v14+s4+$0x0], $0xffff  }
0x14f: {  	v2 =	vadd.s32 $0x59D8, v6;
	v6 =	vnsel vm14, $0x0, v12;
	v7 =	vld.idx.msk [tilespmem:v16+s4+$0x0], $0xffff;
	v16 =	vadd.s32 $0x4650, v1;
	[tilespmem:s6+$0xCD10] =	vst v10  }
0x150: {  	v26 =	vadd.s32 $0x5208, v0;
	v6 =	vmin.u32 v6, $0x3E7;
	v10 =	vnsel vm15, $0x0, v18;
	v18 =	vld.idx.msk [tilespmem:v21+s4+$0x0], $0xffff;
	[tilespmem:s20+$0xED00] =	vst v17  }
0x151: {  	v3 =	vadd.s32 $0x59D8, v3;
	v13 =	vadd.s32 $0x4650, v15;
	v11 =	vadd.s32 $0x3E80, v6;
	[tilespmem:s8+$0x9D00] =	vst v19  }
0x152: {  	v12 =	vadd.s32 $0x4A38, v15;
	v21 =	vand.u32 $0x7F, v6;
	v19 =	vand.u32 $0x7F80, v11;
	v28 =	vld.idx.msk [tilespmem:v22+s4+$0x0], $0xffff;
	[tilespmem:s20+$0xFD10] =	vst v8  }
0x153: {  	v27 =	vmin.u32 v10, $0x3E7;
	v10 =	vadd.s32 $0x5208, v15;
	v29 =	vor.u32 v21, v19;
	[tilespmem:s8+$0xAD10] =	vst v14;
	v19 =	vld.idx.msk [tilespmem:v9+s4+$0x0], $0xffff  }
0x154: {  	v17 =	vadd.s32 $0x4268, v27;
	v24 =	vadd.s32 $0x4650, v27;
	v11 =	vadd.s32 $0x4E20, v15;
	[tilespmem:s6+$0xCD00] =	vst v7;
	v22 =	vld.idx.msk [tilespmem:v16+s4+$0x0], $0xffff  }
0x155: {  	v8 =	vadd.s32 $0x55F0, v15;
	v9 =	vadd.s32 $0x3E80, v27;
	v7 =	vadd.s32 $0x59D8, v15;
	v21 =	vld.idx.msk [tilespmem:v23+s4+$0x0], $0xffff;
	[tilespmem:s6+$0xDD10] =	vst v18  }
0x156: {  	v14 =	vand.u32 $0x7F, v27;
	v15 =	vadd.s32 $0x4E20, v27;
	v23 =	vld.idx.msk [tilespmem:v26+s4+$0x0], $0xffff;
	v26 =	vadd.s32 $0x4A38, v1  }
0x157: {  	v20 =	vld.idx.msk [tilespmem:v20+s4+$0x0], $0xffff;
	v9 =	vand.u32 $0x7F80, v9;
	v18 =	vadd.s32 $0x4A38, v27;
	v16 =	vadd.s32 $0x5208, v27  }
0x158: {  	s7 =	simm.s32 $0x6;
	s19 =	simm.s32 $0x800;
	v25 =	vor.u32 v14, v9;
	v9 =	vadd.s32 $0x55F0, v27;
	v14 =	vadd.s32 $0x59D8, v27;
	v27 =	vld.idx.msk [tilespmem:v29+s4+$0x0], $0xffff;
	[tilespmem:s8+$0xAD00] =	vst v28  }
.LBB2_7:
0x159: {  	s31 =	sshra.s32 s19, $0x2;
	v28 =	vld.idx.msk [tilespmem:v13+s4+$0x0], $0xffff;
	v29 =	vadd.s32 $0x55F0, v0;
	[tilespmem:s20+$0x10D10] =	vst v19;
	v13 =	vmov v24  }
0x15a: {  	s7 =	sadd.s32 $0x2, s7;
	v24 =	vadd.s32 $0x4268, v6;
	v19 =	vld [tilespmem:s31+$0x7D10];
	[tilespmem:s8+$0xBD10] =	vst v22  }
0x15b: {  	p0 =	slt.u32 s7, $0x3E;
	v22 =	vld.idx.msk [tilespmem:v26+s4+$0x0], $0xffff;
	[tilespmem:s6+$0xDD00] =	vst v21  }
0x15c: {  	v21 =	vld [tilespmem:s31+$0x7D00];
	[tilespmem:s20+$0xFD00] =	vst v20  }
0x15d: {  	v20 =	vld.idx.msk [tilespmem:v25+s4+$0x0], $0xffff;
	v25 =	vadd.s32 $0x4E20, v1;
	[tilespmem:s6+$0xED10] =	vst v23  }
0x15e: {  	[tilespmem:s18+$0x9D10] =	vst v27;
	v23 =	vld.idx.msk [tilespmem:v29+s4+$0x0], $0xffff  }
0x15f: {  	v24 =	vld.idx.msk [tilespmem:v24+s4+$0x0], $0xffff;
	[tilespmem:s8+$0xBD00] =	vst v28  }
0x160: {  	v27 =	vadd.s32 $0x59D8, v0;
	v0 =	vmovc v1;
	v1 =	vmovc v6;
	vm0 =	vgt.s32 v19, $0x0;
	v26 =	vld.idx.msk [tilespmem:v12+s4+$0x0], $0xffff;
	v12 =	vmov v18  }
0x161: {  	v6 =	vnsel vm0, $0x0, v19;
	v18 =	vadd.s32 $0x4650, v1;
	vm1 =	vgt.s32 v21, $0x0;
	[tilespmem:s8+$0xCD10] =	vst v22;
	v28 =	vld.idx.msk [tilespmem:v5+s4+$0x0], $0xffff;
	v5 =	vmovc v10;
	v10 =	vmovc v16  }
0x162: {  	v6 =	vmin.u32 v6, $0x3E7;
	v16 =	vnsel vm1, $0x0, v21;
	v29 =	vld.idx.msk [tilespmem:v25+s4+$0x0], $0xffff  }
0x163: {  	v30 =	vmin.u32 v16, $0x3E7;
	v16 =	vadd.s32 $0x3E80, v6;
	[tilespmem:s18+$0x9D00] =	vst v20;
	v31 =	vld.idx.msk [tilespmem:v3+s4+$0x0], $0xffff;
	v3 =	vmovc v2;
	v2 =	vmovc v7;
	v7 =	vmov v14  }
0x164: {  	v33 =	vadd.s32 $0x5208, v0;
	v14 =	vand.u32 $0x7F80, v16;
	v16 =	vand.u32 $0x7F, v6;
	v32 =	vld.idx.msk [tilespmem:v17+s4+$0x0], $0xffff;
	[tilespmem:s6+$0xFD10] =	vst v23  }
0x165: {  	v17 =	vadd.s32 $0x3E80, v30;
	v20 =	vand.u32 $0x7F, v30;
	v34 =	vor.u32 v16, v14;
	[tilespmem:s18+$0xAD10] =	vst v24;
	v19 =	vld.idx.msk [tilespmem:v27+s4+$0x0], $0xffff  }
.Ltmp4:
0x166: {  	v14 =	vand.u32 $0x7F80, v17;
	v17 =	vadd.s32 $0x4268, v30;
	v24 =	vadd.s32 $0x4650, v30;
	v22 =	vld.idx.msk [tilespmem:v18+s4+$0x0], $0xffff;
	[tilespmem:s8+$0xCD00] =	vst v26;
	(pc) =	sbr.rel @p0 .LBB2_7-.Ltmp4, $4  }
0x167: {  	v25 =	vor.u32 v20, v14;
	v18 =	vadd.s32 $0x4A38, v30;
	v21 =	vld.idx.msk [tilespmem:v11+s4+$0x0], $0xffff;
	[tilespmem:s6+$0xED00] =	vst v28;
	v11 =	vmovc v15;
	v15 =	vadd.s32 $0x4E20, v30  }
0x168: {  	v16 =	vadd.s32 $0x5208, v30;
	v26 =	vadd.s32 $0x4A38, v1;
	[tilespmem:s8+$0xDD10] =	vst v29;
	v20 =	vld.idx.msk [tilespmem:v4+s4+$0x0], $0xffff;
	v4 =	vmovc v8;
	v8 =	vmovc v9;
	v9 =	vadd.s32 $0x55F0, v30  }
0x169: {  	v14 =	vadd.s32 $0x59D8, v30;
	v23 =	vld.idx.msk [tilespmem:v33+s4+$0x0], $0xffff;
	[tilespmem:s20+$0x10D00] =	vst v31;
	s20 =	smov.u32 s6;
	s6 =	smov.u32 s8;
	s8 =	smov.u32 s18  }
0x16a: {  	s19 =	sadd.s32 $0x200, s19;
	s18 =	smov.u32 s31;
	v27 =	vld.idx.msk [tilespmem:v34+s4+$0x0], $0xffff;
	[tilespmem:s8+$0xAD00] =	vst v32  }
0x16b: {  	_ =	sdelay $0x3  }
0x16c: {  	v28 =	vadd.s32 $0x4268, v6;
	v25 =	vld.idx.msk [tilespmem:v25+s4+$0x0], $0xffff;
	_ =	sdelay $0x3  }
0x16d: {  	[tilespmem:s18+$0x9D10] =	vst v27  }
0x16e: {  	v27 =	vld.idx.msk [tilespmem:v28+s4+$0x0], $0xffff;
	[tilespmem:s18+$0x9D00] =	vst v25  }
0x16f: {  	v25 =	vadd.s32 $0x4650, v6;
	v17 =	vld.idx.msk [tilespmem:v17+s4+$0x0], $0xffff;
	_ =	sdelay $0x3  }
0x170: {  	v13 =	vld.idx.msk [tilespmem:v13+s4+$0x0], $0xffff;
	[tilespmem:s18+$0xAD10] =	vst v27  }
0x171: {  	v25 =	vld.idx.msk [tilespmem:v25+s4+$0x0], $0xffff;
	[tilespmem:s18+$0xAD00] =	vst v17  }
0x172: {  	v17 =	vadd.s32 $0x4A38, v6;
	v24 =	vld.idx.msk [tilespmem:v24+s4+$0x0], $0xffff;
	_ =	sdelay $0x1  }
0x173: {  	[tilespmem:s8+$0xBD10] =	vst v22  }
0x174: {  	v22 =	vld.idx.msk [tilespmem:v26+s4+$0x0], $0xffff;
	[tilespmem:s8+$0xBD00] =	vst v13  }
0x175: {  	v13 =	vadd.s32 $0x4E20, v1;
	v12 =	vld.idx.msk [tilespmem:v12+s4+$0x0], $0xffff;
	[tilespmem:s18+$0xBD10] =	vst v25  }
0x176: {  	v17 =	vld.idx.msk [tilespmem:v17+s4+$0x0], $0xffff;
	[tilespmem:s18+$0xBD00] =	vst v24  }
0x177: {  	[tilespmem:s20+$0x10D10] =	vst v19;
	v19 =	vadd.s32 $0x4E20, v6;
	v18 =	vld.idx.msk [tilespmem:v18+s4+$0x0], $0xffff  }
0x178: {  	[tilespmem:s6+$0xDD00] =	vst v21  }
0x179: {  	[tilespmem:s8+$0xCD10] =	vst v22  }
0x17a: {  	v13 =	vld.idx.msk [tilespmem:v13+s4+$0x0], $0xffff;
	[tilespmem:s8+$0xCD00] =	vst v12  }
0x17b: {  	v12 =	vadd.s32 $0x5208, v1;
	v11 =	vld.idx.msk [tilespmem:v11+s4+$0x0], $0xffff;
	[tilespmem:s18+$0xCD10] =	vst v17  }
0x17c: {  	v17 =	vld.idx.msk [tilespmem:v19+s4+$0x0], $0xffff;
	[tilespmem:s18+$0xCD00] =	vst v18  }
0x17d: {  	[tilespmem:s20+$0xFD00] =	vst v20;
	v18 =	vadd.s32 $0x5208, v6;
	v15 =	vld.idx.msk [tilespmem:v15+s4+$0x0], $0xffff  }
0x17e: {  	v5 =	vld.idx.msk [tilespmem:v5+s4+$0x0], $0xffff;
	[tilespmem:s6+$0xED10] =	vst v23  }
0x17f: {  	v21 =	vadd.s32 $0x55F0, v0;
	v3 =	vld.idx.msk [tilespmem:v3+s4+$0x0], $0xffff;
	[tilespmem:s8+$0xDD10] =	vst v13  }
0x180: {  	v12 =	vld.idx.msk [tilespmem:v12+s4+$0x0], $0xffff;
	[tilespmem:s8+$0xDD00] =	vst v11  }
0x181: {  	v11 =	vadd.s32 $0x55F0, v1;
	v10 =	vld.idx.msk [tilespmem:v10+s4+$0x0], $0xffff;
	[tilespmem:s18+$0xDD10] =	vst v17  }
0x182: {  	v13 =	vld.idx.msk [tilespmem:v18+s4+$0x0], $0xffff;
	[tilespmem:s18+$0xDD00] =	vst v15  }
0x183: {  	[tilespmem:s6+$0xED00] =	vst v5;
	v15 =	vadd.s32 $0x55F0, v6;
	v16 =	vld.idx.msk [tilespmem:v16+s4+$0x0], $0xffff  }
0x184: {  	[tilespmem:s20+$0x10D00] =	vst v3;
	v19 =	vld.idx.msk [tilespmem:v21+s4+$0x0], $0xffff  }
0x185: {  	v0 =	vadd.s32 $0x59D8, v0;
	v4 =	vld.idx.msk [tilespmem:v4+s4+$0x0], $0xffff;
	[tilespmem:s8+$0xED10] =	vst v12  }
0x186: {  	v5 =	vld.idx.msk [tilespmem:v11+s4+$0x0], $0xffff;
	[tilespmem:s8+$0xED00] =	vst v10  }
0x187: {  	v1 =	vadd.s32 $0x59D8, v1;
	v8 =	vld.idx.msk [tilespmem:v8+s4+$0x0], $0xffff;
	[tilespmem:s18+$0xED10] =	vst v13  }
0x188: {  	v10 =	vld.idx.msk [tilespmem:v15+s4+$0x0], $0xffff;
	[tilespmem:s18+$0xED00] =	vst v16  }
0x189: {  	v3 =	vadd.s32 $0x59D8, v6;
	[tilespmem:s6+$0xFD10] =	vst v19;
	v6 =	vld.idx.msk [tilespmem:v9+s4+$0x0], $0xffff  }
0x18a: {  	[tilespmem:s6+$0xFD00] =	vst v4;
	v0 =	vld.idx.msk [tilespmem:v0+s4+$0x0], $0xffff  }
0x18b: {  	v2 =	vld.idx.msk [tilespmem:v2+s4+$0x0], $0xffff;
	[tilespmem:s8+$0xFD10] =	vst v5  }
0x18c: {  	v1 =	vld.idx.msk [tilespmem:v1+s4+$0x0], $0xffff;
	[tilespmem:s8+$0xFD00] =	vst v8  }
0x18d: {  	v4 =	vld.idx.msk [tilespmem:v7+s4+$0x0], $0xffff;
	[tilespmem:s18+$0xFD10] =	vst v10  }
0x18e: {  	v3 =	vld.idx.msk [tilespmem:v3+s4+$0x0], $0xffff;
	[tilespmem:s18+$0xFD00] =	vst v6  }
0x18f: {  	[tilespmem:s6+$0x10D10] =	vst v0;
	v0 =	vld.idx.msk [tilespmem:v14+s4+$0x0], $0xffff  }
0x190: {  	[tilespmem:s6+$0x10D00] =	vst v2  }
0x191: {  	[tilespmem:s8+$0x10D10] =	vst v1  }
0x192: {  	[tilespmem:s8+$0x10D00] =	vst v4  }
0x193: {  	[tilespmem:s18+$0x10D10] =	vst v3  }
0x194: {  	s3 =	sadd.s32 s2, s12;
	[tilespmem:s18+$0x10D00] =	vst v0  }
0x195: {  	[hbm4b:s3+s23] =	stream.strided.scatter [tilespmem:s25], [sflag:$0x3], $0x8000, s24, s23, $0x38;
	[tilespmem:$0x19D00] =	vst v63  }
0x196: {  	_ =	swait.ge [sflag:s29], $0x8000  }
0x197: {  	[sflag:s29] =	ssyncset.done $0x0  }
0x198: {  	s6 =	simm.s32 $0x0;
	[sflag:s29] =	ssyncadd.s32 $0xFFFF8000  }
0x199: {  	v0 =	vld [tilespmem:s6+$0x7D10];
	_ =	sdelay $0x1  }
0x19a: {  	v1 =	vld [tilespmem:s6+$0x7D00];
	_ =	sdelay $0x2  }
0x19b: {  	vm0 =	vgt.s32 v0, $0x0  }
0x19c: {  	v0 =	vnsel vm0, $0x0, v0  }
0x19d: {  	vm9 =	vgt.s32 v1, $0x0;
	v2 =	vmin.u32 v0, $0x3E7  }
0x19e: {  	v1 =	vnsel vm9, $0x0, v1;
	v0 =	vadd.s32 $0x5DC0, v2  }
0x19f: {  	v3 =	vmin.u32 v1, $0x3E7  }
0x1a0: {  	v1 =	vadd.s32 $0x5DC0, v3  }
0x1a1: {  	s20 =	simm.s32 $0x80  }
0x1a2: {  	v5 =	vld [tilespmem:s20+$0x7D10]  }
0x1a3: {  	v0 =	vld.idx.msk [tilespmem:v0+s4+$0x0], $0xffff  }
0x1a4: {  	v8 =	vld [tilespmem:s20+$0x7D00];
	v4 =	vadd.s32 $0x61A8, v2  }
0x1a5: {  	v1 =	vld.idx.msk [tilespmem:v1+s4+$0x0], $0xffff  }
0x1a6: {  	v6 =	vadd.s32 $0x61A8, v3;
	_ =	sdelay $0x1  }
0x1a7: {  	vm10 =	vgt.s32 v5, $0x0;
	[tilespmem:s6+$0x11D10] =	vst v0  }
0x1a8: {  	v0 =	vnsel vm10, $0x0, v5;
	v4 =	vld.idx.msk [tilespmem:v4+s4+$0x0], $0xffff  }
0x1a9: {  	vm11 =	vgt.s32 v8, $0x0;
	v7 =	vadd.s32 $0x6590, v2;
	[tilespmem:s6+$0x11D00] =	vst v1;
	v0 =	vmin.u32 v0, $0x3E7  }
0x1aa: {  	v8 =	vnsel vm11, $0x0, v8;
	v1 =	vld.idx.msk [tilespmem:v6+s4+$0x0], $0xffff;
	v5 =	vadd.s32 $0x5DC0, v0  }
0x1ab: {  	v9 =	vmin.u32 v8, $0x3E7  }
0x1ac: {  	s8 =	simm.s32 $0x100;
	v8 =	vadd.s32 $0x5DC0, v9  }
0x1ad: {  	v10 =	vld [tilespmem:s8+$0x7D10];
	[tilespmem:s6+$0x12D10] =	vst v4  }
0x1ae: {  	v4 =	vadd.s32 $0x6590, v3;
	v6 =	vld.idx.msk [tilespmem:v7+s4+$0x0], $0xffff  }
0x1af: {  	[tilespmem:s6+$0x12D00] =	vst v1;
	v7 =	vadd.s32 $0x6978, v2;
	v1 =	vld.idx.msk [tilespmem:v5+s4+$0x0], $0xffff  }
0x1b0: {  	v5 =	vadd.s32 $0x61A8, v0  }
0x1b1: {  	v8 =	vld.idx.msk [tilespmem:v8+s4+$0x0], $0xffff  }
0x1b2: {  	v12 =	vadd.s32 $0x61A8, v9  }
0x1b3: {  	v4 =	vld.idx.msk [tilespmem:v4+s4+$0x0], $0xffff;
	[tilespmem:s6+$0x13D10] =	vst v6  }
0x1b4: {  	vm12 =	vgt.s32 v10, $0x0;
	[tilespmem:s20+$0x11D10] =	vst v1;
	v6 =	vld.idx.msk [tilespmem:v7+s4+$0x0], $0xffff;
	v7 =	vadd.s32 $0x6978, v3  }
0x1b5: {  	v11 =	vadd.s32 $0x6D60, v2;
	v1 =	vnsel vm12, $0x0, v10;
	v5 =	vld.idx.msk [tilespmem:v5+s4+$0x0], $0xffff  }
0x1b6: {  	[tilespmem:s20+$0x11D00] =	vst v8;
	v13 =	vadd.s32 $0x6590, v0;
	v1 =	vmin.u32 v1, $0x3E7  }
0x1b7: {  	v10 =	vld.idx.msk [tilespmem:v12+s4+$0x0], $0xffff;
	v12 =	vadd.s32 $0x5DC0, v1  }
0x1b8: {  	[tilespmem:s6+$0x13D00] =	vst v4;
	v4 =	vld [tilespmem:s8+$0x7D00]  }
0x1b9: {  	v7 =	vld.idx.msk [tilespmem:v7+s4+$0x0], $0xffff;
	[tilespmem:s6+$0x14D10] =	vst v6  }
0x1ba: {  	[tilespmem:s20+$0x12D10] =	vst v5;
	v5 =	vadd.s32 $0x6590, v9;
	v11 =	vld.idx.msk [tilespmem:v11+s4+$0x0], $0xffff  }
0x1bb: {  	v6 =	vadd.s32 $0x6D60, v3;
	v13 =	vld.idx.msk [tilespmem:v13+s4+$0x0], $0xffff  }
0x1bc: {  	v8 =	vadd.s32 $0x7148, v2;
	[tilespmem:s20+$0x12D00] =	vst v10;
	v10 =	vld.idx.msk [tilespmem:v12+s4+$0x0], $0xffff  }
0x1bd: {  	s18 =	simm.s32 $0x180;
	v12 =	vadd.s32 $0x61A8, v1;
	vm13 =	vgt.s32 v4, $0x0  }
0x1be: {  	v15 =	vld [tilespmem:s18+$0x7D10];
	v4 =	vnsel vm13, $0x0, v4;
	[tilespmem:s6+$0x14D00] =	vst v7;
	v7 =	vadd.s32 $0x6978, v0  }
0x1bf: {  	v14 =	vmin.u32 v4, $0x3E7;
	v5 =	vld.idx.msk [tilespmem:v5+s4+$0x0], $0xffff;
	[tilespmem:s6+$0x15D10] =	vst v11  }
0x1c0: {  	v4 =	vld.idx.msk [tilespmem:v6+s4+$0x0], $0xffff;
	v6 =	vadd.s32 $0x5DC0, v14;
	[tilespmem:s20+$0x13D10] =	vst v13  }
0x1c1: {  	v13 =	vadd.s32 $0x6978, v9;
	[tilespmem:s8+$0x11D10] =	vst v10;
	v8 =	vld.idx.msk [tilespmem:v8+s4+$0x0], $0xffff  }
0x1c2: {  	v11 =	vadd.s32 $0x7530, v2;
	v12 =	vld.idx.msk [tilespmem:v12+s4+$0x0], $0xffff  }
0x1c3: {  	v7 =	vld.idx.msk [tilespmem:v7+s4+$0x0], $0xffff  }
0x1c4: {  	v18 =	vadd.s32 $0x6590, v1;
	[tilespmem:s20+$0x13D00] =	vst v5;
	v5 =	vld [tilespmem:s18+$0x7D00]  }
0x1c5: {  	vm14 =	vgt.s32 v15, $0x0;
	v16 =	vadd.s32 $0x6D60, v0;
	v6 =	vld.idx.msk [tilespmem:v6+s4+$0x0], $0xffff  }
0x1c6: {  	v17 =	vadd.s32 $0x7918, v2;
	v2 =	vnsel vm14, $0x0, v15;
	v13 =	vld.idx.msk [tilespmem:v13+s4+$0x0], $0xffff;
	[tilespmem:s6+$0x16D10] =	vst v8;
	v8 =	vadd.s32 $0x61A8, v14  }
0x1c7: {  	[tilespmem:s6+$0x15D00] =	vst v4;
	v4 =	vmin.u32 v2, $0x3E7;
	v10 =	vld.idx.msk [tilespmem:v11+s4+$0x0], $0xffff;
	v11 =	vadd.s32 $0x7148, v3  }
0x1c8: {  	v22 =	vadd.s32 $0x5DC0, v4;
	[tilespmem:s8+$0x12D10] =	vst v12  }
0x1c9: {  	v27 =	vld.idx.msk [tilespmem:v18+s4+$0x0], $0xffff;
	[tilespmem:s20+$0x14D10] =	vst v7  }
0x1ca: {  	v7 =	vadd.s32 $0x6D60, v9;
	[tilespmem:s8+$0x11D00] =	vst v6;
	v16 =	vld.idx.msk [tilespmem:v16+s4+$0x0], $0xffff  }
0x1cb: {  	v21 =	vadd.s32 $0x7530, v3;
	v19 =	vadd.s32 $0x7148, v0;
	v15 =	vld.idx.msk [tilespmem:v8+s4+$0x0], $0xffff  }
0x1cc: {  	v28 =	vadd.s32 $0x6978, v1;
	v23 =	vadd.s32 $0x6590, v14;
	vm15 =	vgt.s32 v5, $0x0;
	[tilespmem:s20+$0x14D00] =	vst v13;
	v11 =	vld.idx.msk [tilespmem:v11+s4+$0x0], $0xffff  }
0x1cd: {  	v2 =	vadd.s32 $0x7918, v3;
	v12 =	vadd.s32 $0x6D60, v14;
	v5 =	vnsel vm15, $0x0, v5;
	v25 =	vld.idx.msk [tilespmem:v22+s4+$0x0], $0xffff;
	[tilespmem:s6+$0x17D10] =	vst v10  }
0x1ce: {  	v3 =	vadd.s32 $0x7918, v9;
	v6 =	vadd.s32 $0x7530, v9;
	v29 =	vmin.u32 v5, $0x3E7;
	[tilespmem:s8+$0x13D10] =	vst v27;
	v26 =	vld.idx.msk [tilespmem:v17+s4+$0x0], $0xffff  }
0x1cf: {  	v13 =	vadd.s32 $0x6978, v14;
	v8 =	vadd.s32 $0x7148, v9;
	v24 =	vadd.s32 $0x5DC0, v29;
	v20 =	vld.idx.msk [tilespmem:v7+s4+$0x0], $0xffff;
	[tilespmem:s20+$0x15D10] =	vst v16  }
0x1d0: {  	v5 =	vadd.s32 $0x7918, v14;
	v22 =	vadd.s32 $0x7530, v0;
	v10 =	vadd.s32 $0x7148, v14;
	v19 =	vld.idx.msk [tilespmem:v19+s4+$0x0], $0xffff;
	[tilespmem:s8+$0x12D00] =	vst v15  }
0x1d1: {  	v18 =	vadd.s32 $0x6978, v29;
	v9 =	vadd.s32 $0x7530, v29;
	v27 =	vadd.s32 $0x61A8, v4;
	[tilespmem:s6+$0x16D00] =	vst v11;
	v23 =	vld.idx.msk [tilespmem:v23+s4+$0x0], $0xffff  }
0x1d2: {  	v17 =	vadd.s32 $0x61A8, v29;
	v7 =	vadd.s32 $0x7530, v14;
	v14 =	vadd.s32 $0x6D60, v29;
	v21 =	vld.idx.msk [tilespmem:v21+s4+$0x0], $0xffff  }
0x1d3: {  	s7 =	simm.s32 $0x6;
	s19 =	simm.s32 $0x800;
	v16 =	vadd.s32 $0x6590, v29;
	v15 =	vadd.s32 $0x7148, v29;
	v11 =	vadd.s32 $0x7918, v29;
	[tilespmem:s6+$0x18D10] =	vst v26;
	v26 =	vld.idx.msk [tilespmem:v28+s4+$0x0], $0xffff  }
.LBB2_9:
0x1d4: {  	s3 =	sshra.s32 s19, $0x2;
	s7 =	sadd.s32 $0x2, s7;
	v24 =	vld.idx.msk [tilespmem:v24+s4+$0x0], $0xffff;
	[tilespmem:s20+$0x15D00] =	vst v20;
	s31 =	smov.u32 s8  }
0x1d5: {  	v28 =	vadd.s32 $0x6D60, v1;
	s8 =	smov.u32 s18;
	v20 =	vld [tilespmem:s3+$0x7D10];
	p0 =	slt.u32 s7, $0x3E;
	[tilespmem:s20+$0x16D10] =	vst v19;
	s18 =	smov.u32 s3  }
0x1d6: {  	[tilespmem:s8+$0x11D10] =	vst v25;
	v19 =	vld.idx.msk [tilespmem:v22+s4+$0x0], $0xffff  }
0x1d7: {  	v22 =	vld.idx.msk [tilespmem:v27+s4+$0x0], $0xffff;
	[tilespmem:s31+$0x13D00] =	vst v23  }
0x1d8: {  	v25 =	vadd.s32 $0x7918, v0;
	v0 =	vmov v1;
	v1 =	vmov v4;
	v23 =	vld [tilespmem:s18+$0x7D00];
	[tilespmem:s6+$0x17D00] =	vst v21  }
0x1d9: {  	v21 =	vadd.s32 $0x6590, v1;
	v27 =	vld.idx.msk [tilespmem:v13+s4+$0x0], $0xffff;
	[tilespmem:s31+$0x14D10] =	vst v26;
	v13 =	vmov v18  }
0x1da: {  	vm0 =	vgt.s32 v20, $0x0;
	[tilespmem:s8+$0x11D00] =	vst v24;
	v18 =	vld.idx.msk [tilespmem:v28+s4+$0x0], $0xffff  }
0x1db: {  	v4 =	vnsel vm0, $0x0, v20;
	v26 =	vld.idx.msk [tilespmem:v17+s4+$0x0], $0xffff  }
0x1dc: {  	v28 =	vadd.s32 $0x7148, v0;
	v4 =	vmin.u32 v4, $0x3E7;
	v29 =	vld.idx.msk [tilespmem:v8+s4+$0x0], $0xffff;
	[tilespmem:s20+$0x17D10] =	vst v19;
	v8 =	vmovc v10;
	v10 =	vmov v15  }
0x1dd: {  	vm0 =	vgt.s32 v23, $0x0;
	v30 =	vadd.s32 $0x5DC0, v4;
	[tilespmem:s8+$0x12D10] =	vst v22;
	v31 =	vld.idx.msk [tilespmem:v25+s4+$0x0], $0xffff  }
0x1de: {  	v15 =	vnsel vm0, $0x0, v23;
	v21 =	vld.idx.msk [tilespmem:v21+s4+$0x0], $0xffff  }
0x1df: {  	v22 =	vmin.u32 v15, $0x3E7;
	[tilespmem:s31+$0x14D00] =	vst v27;
	v32 =	vld.idx.msk [tilespmem:v2+s4+$0x0], $0xffff;
	v2 =	vmovc v3;
	v3 =	vmov v5;
	v5 =	vmov v11  }
0x1e0: {  	v33 =	vadd.s32 $0x6978, v1;
	v24 =	vadd.s32 $0x5DC0, v22;
	v17 =	vadd.s32 $0x61A8, v22;
	v20 =	vld.idx.msk [tilespmem:v12+s4+$0x0], $0xffff;
	[tilespmem:s31+$0x15D10] =	vst v18;
	v12 =	vmovc v14  }
.Ltmp5:
0x1e1: {  	v27 =	vadd.s32 $0x6590, v22;
	v18 =	vadd.s32 $0x6978, v22;
	v14 =	vadd.s32 $0x6D60, v22;
	[tilespmem:s8+$0x12D00] =	vst v26;
	v19 =	vld.idx.msk [tilespmem:v28+s4+$0x0], $0xffff;
	(pc) =	sbr.rel @p0 .LBB2_9-.Ltmp5, $4  }
0x1e2: {  	v15 =	vadd.s32 $0x7148, v22;
	v11 =	vadd.s32 $0x7918, v22;
	v26 =	vadd.s32 $0x7530, v22;
	v25 =	vld.idx.msk [tilespmem:v30+s4+$0x0], $0xffff;
	[tilespmem:s20+$0x16D00] =	vst v29  }
0x1e3: {  	v22 =	vadd.s32 $0x7530, v0;
	v23 =	vld.idx.msk [tilespmem:v16+s4+$0x0], $0xffff;
	[tilespmem:s20+$0x18D10] =	vst v31;
	v16 =	vmov v27  }
0x1e4: {  	v27 =	vadd.s32 $0x61A8, v4;
	[tilespmem:s8+$0x13D10] =	vst v21;
	v21 =	vld.idx.msk [tilespmem:v6+s4+$0x0], $0xffff;
	v6 =	vmovc v7;
	v7 =	vmov v9;
	v9 =	vmov v26  }
0x1e5: {  	s19 =	sadd.s32 $0x200, s19;
	v26 =	vld.idx.msk [tilespmem:v33+s4+$0x0], $0xffff;
	[tilespmem:s6+$0x18D00] =	vst v32;
	s6 =	smov.u32 s20;
	s20 =	smov.u32 s31  }
0x1e6: {  	_ =	sdelay $0x3  }
0x1e7: {  	v24 =	vld.idx.msk [tilespmem:v24+s4+$0x0], $0xffff;
	_ =	sdelay $0x3  }
0x1e8: {  	[tilespmem:s18+$0x11D10] =	vst v25  }
0x1e9: {  	v25 =	vld.idx.msk [tilespmem:v27+s4+$0x0], $0xffff;
	[tilespmem:s18+$0x11D00] =	vst v24  }
0x1ea: {  	v27 =	vadd.s32 $0x6590, v4;
	v17 =	vld.idx.msk [tilespmem:v17+s4+$0x0], $0xffff;
	_ =	sdelay $0x3  }
0x1eb: {  	[tilespmem:s18+$0x12D10] =	vst v25  }
0x1ec: {  	v24 =	vld.idx.msk [tilespmem:v27+s4+$0x0], $0xffff;
	[tilespmem:s18+$0x12D00] =	vst v17  }
0x1ed: {  	v25 =	vadd.s32 $0x6978, v4;
	v16 =	vld.idx.msk [tilespmem:v16+s4+$0x0], $0xffff;
	_ =	sdelay $0x1  }
0x1ee: {  	[tilespmem:s8+$0x13D00] =	vst v23  }
0x1ef: {  	v13 =	vld.idx.msk [tilespmem:v13+s4+$0x0], $0xffff  }
0x1f0: {  	[tilespmem:s18+$0x13D10] =	vst v24  }
0x1f1: {  	v17 =	vadd.s32 $0x6D60, v1;
	v23 =	vld.idx.msk [tilespmem:v25+s4+$0x0], $0xffff;
	[tilespmem:s18+$0x13D00] =	vst v16  }
0x1f2: {  	v24 =	vadd.s32 $0x6D60, v4;
	v16 =	vld.idx.msk [tilespmem:v18+s4+$0x0], $0xffff  }
0x1f3: {  	[tilespmem:s20+$0x15D00] =	vst v20  }
0x1f4: {  	[tilespmem:s8+$0x14D00] =	vst v13  }
0x1f5: {  	[tilespmem:s8+$0x14D10] =	vst v26;
	v12 =	vld.idx.msk [tilespmem:v12+s4+$0x0], $0xffff  }
0x1f6: {  	v17 =	vld.idx.msk [tilespmem:v17+s4+$0x0], $0xffff;
	[tilespmem:s18+$0x14D10] =	vst v23  }
0x1f7: {  	v18 =	vadd.s32 $0x7148, v1;
	v13 =	vld.idx.msk [tilespmem:v24+s4+$0x0], $0xffff;
	[tilespmem:s18+$0x14D00] =	vst v16  }
0x1f8: {  	v20 =	vadd.s32 $0x7148, v4;
	[tilespmem:s20+$0x16D10] =	vst v19;
	v14 =	vld.idx.msk [tilespmem:v14+s4+$0x0], $0xffff  }
0x1f9: {  	[tilespmem:s6+$0x17D00] =	vst v21;
	v16 =	vld.idx.msk [tilespmem:v22+s4+$0x0], $0xffff  }
0x1fa: {  	v0 =	vadd.s32 $0x7918, v0;
	v8 =	vld.idx.msk [tilespmem:v8+s4+$0x0], $0xffff;
	[tilespmem:s8+$0x15D00] =	vst v12  }
0x1fb: {  	v10 =	vld.idx.msk [tilespmem:v10+s4+$0x0], $0xffff;
	[tilespmem:s8+$0x15D10] =	vst v17  }
0x1fc: {  	v17 =	vld.idx.msk [tilespmem:v18+s4+$0x0], $0xffff;
	[tilespmem:s18+$0x15D10] =	vst v13  }
0x1fd: {  	v18 =	vadd.s32 $0x7530, v1;
	v12 =	vld.idx.msk [tilespmem:v20+s4+$0x0], $0xffff;
	[tilespmem:s18+$0x15D00] =	vst v14  }
0x1fe: {  	v13 =	vadd.s32 $0x7530, v4;
	[tilespmem:s20+$0x17D10] =	vst v16;
	v14 =	vld.idx.msk [tilespmem:v15+s4+$0x0], $0xffff  }
0x1ff: {  	[tilespmem:s20+$0x16D00] =	vst v8;
	v0 =	vld.idx.msk [tilespmem:v0+s4+$0x0], $0xffff  }
0x200: {  	v6 =	vld.idx.msk [tilespmem:v6+s4+$0x0], $0xffff;
	[tilespmem:s8+$0x16D00] =	vst v10  }
0x201: {  	v7 =	vld.idx.msk [tilespmem:v7+s4+$0x0], $0xffff;
	[tilespmem:s8+$0x16D10] =	vst v17  }
0x202: {  	v8 =	vld.idx.msk [tilespmem:v18+s4+$0x0], $0xffff;
	[tilespmem:s18+$0x16D10] =	vst v12  }
0x203: {  	v1 =	vadd.s32 $0x7918, v1;
	v10 =	vld.idx.msk [tilespmem:v13+s4+$0x0], $0xffff;
	[tilespmem:s18+$0x16D00] =	vst v14  }
0x204: {  	v4 =	vadd.s32 $0x7918, v4;
	[tilespmem:s20+$0x18D10] =	vst v0;
	v0 =	vld.idx.msk [tilespmem:v9+s4+$0x0], $0xffff  }
0x205: {  	v2 =	vld.idx.msk [tilespmem:v2+s4+$0x0], $0xffff;
	[tilespmem:s20+$0x17D00] =	vst v6  }
0x206: {  	v3 =	vld.idx.msk [tilespmem:v3+s4+$0x0], $0xffff;
	[tilespmem:s8+$0x17D00] =	vst v7  }
0x207: {  	v5 =	vld.idx.msk [tilespmem:v5+s4+$0x0], $0xffff;
	[tilespmem:s8+$0x17D10] =	vst v8  }
0x208: {  	v1 =	vld.idx.msk [tilespmem:v1+s4+$0x0], $0xffff;
	[tilespmem:s18+$0x17D10] =	vst v10  }
0x209: {  	v4 =	vld.idx.msk [tilespmem:v4+s4+$0x0], $0xffff;
	[tilespmem:s18+$0x17D00] =	vst v0  }
0x20a: {  	[tilespmem:s6+$0x18D00] =	vst v2;
	v0 =	vld.idx.msk [tilespmem:v11+s4+$0x0], $0xffff  }
0x20b: {  	[tilespmem:s20+$0x18D00] =	vst v3  }
0x20c: {  	[tilespmem:s8+$0x18D00] =	vst v5  }
0x20d: {  	[tilespmem:s8+$0x18D10] =	vst v1  }
0x20e: {  	[tilespmem:s18+$0x18D10] =	vst v4  }
0x20f: {  	s3 =	sadd.s32 s2, s13;
	p0 =	seq.s32 s0, $0x7;
	[tilespmem:s18+$0x18D00] =	vst v0  }
0x210: {  	[hbm4b:s3+s23] =	stream.strided.scatter [tilespmem:s26], [sflag:$0x4], $0x8000, s24, s23, $0x38;
	[tilespmem:$0x19D00] =	vst v63  }
0x211: {  	s3 =	sshll.u32 @!p0 s0, $0x12  }
0x212: {  	s3 =	sadd.s32 @!p0 s9, s3  }
0x213: {  	s3 =	sshrl.u32 @!p0 s3, $0x3  }
0x214: {  	s7 =	simm.s32 @!p0 $0x7D00;
	s6 =	simm.s32 @!p0 $0x0;
	s3 =	sadd.s32 @!p0 s1, s3  }
0x215: {  	[tilespmem:s7], [sflag:$0x1] =	stream.linear.gather @!p0 [hbm4b:s3+s6], $0x1000, $0x38;
	[tilespmem:$0x19D00] =	vst v63  }
0x216: {  	_ =	swait.ge [sflag:s30], $0x1000  }
0x217: {  	[sflag:s30] =	ssyncset.done $0x0  }
0x218: {  	[sflag:s30] =	ssyncadd.s32 $0xFFFFF000  }
0x219: {  	_ =	swait.ge [sflag:s28], $0x8000  }
0x21a: {  	[sflag:s28] =	ssyncset.done $0x0  }
0x21b: {  	s6 =	simm.s32 $0x0;
	[sflag:s28] =	ssyncadd.s32 $0xFFFF8000  }
0x21c: {  	v0 =	vld [tilespmem:s6+$0x8D10];
	_ =	sdelay $0x4  }
0x21d: {  	vm0 =	vgt.s32 v0, $0x0  }
0x21e: {  	v0 =	vnsel vm0, $0x0, v0  }
0x21f: {  	v2 =	vmin.u32 v0, $0x3E7  }
0x220: {  	v0 =	vld [tilespmem:s6+$0x8D00];
	_ =	sdelay $0x3  }
0x221: {  	v1 =	vld.idx.msk [tilespmem:v2+s4+$0x0], $0xffff  }
0x222: {  	v3 =	vadd.s32 $0x3E8, v2;
	vm9 =	vgt.s32 v0, $0x0  }
0x223: {  	v0 =	vnsel vm9, $0x0, v0  }
0x224: {  	s8 =	simm.s32 $0x80;
	v4 =	vmin.u32 v0, $0x3E7  }
0x225: {  	v0 =	vld [tilespmem:s8+$0x8D10]  }
0x226: {  	[tilespmem:s6+$0x9D10] =	vst v1;
	v1 =	vld [tilespmem:s8+$0x8D00]  }
0x227: {  	v3 =	vld.idx.msk [tilespmem:v3+s4+$0x0], $0xffff  }
0x228: {  	v5 =	vadd.s32 $0x7D0, v2  }
0x229: {  	v6 =	vld.idx.msk [tilespmem:v4+s4+$0x0], $0xffff  }
0x22a: {  	v7 =	vadd.s32 $0x3E8, v4;
	vm10 =	vgt.s32 v0, $0x0  }
0x22b: {  	v0 =	vnsel vm10, $0x0, v0;
	vm11 =	vgt.s32 v1, $0x0  }
0x22c: {  	v0 =	vmin.u32 v0, $0x3E7;
	[tilespmem:s6+$0xAD10] =	vst v3;
	v1 =	vnsel vm11, $0x0, v1  }
0x22d: {  	v3 =	vld.idx.msk [tilespmem:v5+s4+$0x0], $0xffff;
	v9 =	vmin.u32 v1, $0x3E7  }
0x22e: {  	[tilespmem:s6+$0x9D00] =	vst v6;
	v1 =	vadd.s32 $0xBB8, v2  }
0x22f: {  	v5 =	vld.idx.msk [tilespmem:v7+s4+$0x0], $0xffff  }
0x230: {  	v6 =	vadd.s32 $0x7D0, v4  }
0x231: {  	v7 =	vld.idx.msk [tilespmem:v0+s4+$0x0], $0xffff  }
0x232: {  	v10 =	vadd.s32 $0x3E8, v0;
	v8 =	vld.idx.msk [tilespmem:v9+s4+$0x0], $0xffff;
	[tilespmem:s6+$0xBD10] =	vst v3  }
0x233: {  	s20 =	simm.s32 $0x100;
	v1 =	vld.idx.msk [tilespmem:v1+s4+$0x0], $0xffff  }
0x234: {  	v3 =	vadd.s32 $0x3E8, v9;
	[tilespmem:s6+$0xAD00] =	vst v5;
	v5 =	vld [tilespmem:s20+$0x8D10]  }
0x235: {  	v11 =	vadd.s32 $0xFA0, v2;
	v6 =	vld.idx.msk [tilespmem:v6+s4+$0x0], $0xffff  }
0x236: {  	[tilespmem:s8+$0x9D10] =	vst v7;
	v7 =	vld [tilespmem:s20+$0x8D00]  }
0x237: {  	v12 =	vadd.s32 $0xBB8, v4;
	v10 =	vld.idx.msk [tilespmem:v10+s4+$0x0], $0xffff  }
0x238: {  	[tilespmem:s8+$0x9D00] =	vst v8;
	v8 =	vadd.s32 $0x7D0, v0  }
0x239: {  	v3 =	vld.idx.msk [tilespmem:v3+s4+$0x0], $0xffff;
	[tilespmem:s6+$0xCD10] =	vst v1  }
0x23a: {  	v13 =	vadd.s32 $0x7D0, v9;
	vm12 =	vgt.s32 v5, $0x0;
	v11 =	vld.idx.msk [tilespmem:v11+s4+$0x0], $0xffff  }
0x23b: {  	[tilespmem:s6+$0xBD00] =	vst v6;
	v1 =	vnsel vm12, $0x0, v5;
	v5 =	vadd.s32 $0x1388, v2;
	vm13 =	vgt.s32 v7, $0x0  }
0x23c: {  	v6 =	vld.idx.msk [tilespmem:v12+s4+$0x0], $0xffff;
	v1 =	vmin.u32 v1, $0x3E7;
	[tilespmem:s8+$0xAD10] =	vst v10;
	v7 =	vnsel vm13, $0x0, v7  }
0x23d: {  	s18 =	simm.s32 $0x180;
	v10 =	vmin.u32 v7, $0x3E7;
	v8 =	vld.idx.msk [tilespmem:v8+s4+$0x0], $0xffff  }
0x23e: {  	v15 =	vld [tilespmem:s18+$0x8D10];
	v7 =	vadd.s32 $0xBB8, v0;
	[tilespmem:s8+$0xAD00] =	vst v3  }
0x23f: {  	v3 =	vld.idx.msk [tilespmem:v13+s4+$0x0], $0xffff;
	[tilespmem:s6+$0xDD10] =	vst v11  }
0x240: {  	v12 =	vadd.s32 $0xFA0, v4;
	v5 =	vld.idx.msk [tilespmem:v5+s4+$0x0], $0xffff  }
0x241: {  	v11 =	vadd.s32 $0x1770, v2;
	[tilespmem:s6+$0xCD00] =	vst v6;
	v6 =	vld.idx.msk [tilespmem:v1+s4+$0x0], $0xffff  }
0x242: {  	v14 =	vadd.s32 $0x3E8, v1;
	v13 =	vld.idx.msk [tilespmem:v10+s4+$0x0], $0xffff;
	[tilespmem:s8+$0xBD10] =	vst v8  }
0x243: {  	v8 =	vadd.s32 $0x3E8, v10;
	v7 =	vld.idx.msk [tilespmem:v7+s4+$0x0], $0xffff  }
0x244: {  	v18 =	vld [tilespmem:s18+$0x8D00];
	v16 =	vadd.s32 $0xFA0, v0  }
0x245: {  	v12 =	vld.idx.msk [tilespmem:v12+s4+$0x0], $0xffff;
	[tilespmem:s6+$0xED10] =	vst v5;
	v5 =	vadd.s32 $0xBB8, v9  }
0x246: {  	v17 =	vadd.s32 $0x1388, v4;
	[tilespmem:s20+$0x9D10] =	vst v6;
	v11 =	vld.idx.msk [tilespmem:v11+s4+$0x0], $0xffff  }
0x247: {  	v2 =	vadd.s32 $0x1B58, v2;
	v14 =	vld.idx.msk [tilespmem:v14+s4+$0x0], $0xffff;
	[tilespmem:s20+$0x9D00] =	vst v13  }
0x248: {  	v13 =	vadd.s32 $0x7D0, v1;
	v8 =	vld.idx.msk [tilespmem:v8+s4+$0x0], $0xffff;
	[tilespmem:s8+$0xCD10] =	vst v7  }
0x249: {  	vm14 =	vgt.s32 v15, $0x0;
	[tilespmem:s8+$0xBD00] =	vst v3;
	v7 =	vadd.s32 $0x7D0, v10;
	v3 =	vld.idx.msk [tilespmem:v16+s4+$0x0], $0xffff  }
0x24a: {  	[tilespmem:s6+$0xDD00] =	vst v12;
	v16 =	vld.idx.msk [tilespmem:v5+s4+$0x0], $0xffff;
	v5 =	vnsel vm14, $0x0, v15;
	v15 =	vadd.s32 $0x1388, v0  }
0x24b: {  	vm15 =	vgt.s32 v18, $0x0;
	v21 =	vld.idx.msk [tilespmem:v17+s4+$0x0], $0xffff;
	[tilespmem:s6+$0xFD10] =	vst v11;
	v6 =	vmin.u32 v5, $0x3E7  }
0x24c: {  	v23 =	vadd.s32 $0xFA0, v9;
	[tilespmem:s20+$0xAD10] =	vst v14;
	v5 =	vnsel vm15, $0x0, v18;
	v24 =	vld.idx.msk [tilespmem:v2+s4+$0x0], $0xffff  }
0x24d: {  	v29 =	vadd.s32 $0xBB8, v1;
	v12 =	vadd.s32 $0xFA0, v10;
	v27 =	vld.idx.msk [tilespmem:v13+s4+$0x0], $0xffff;
	v28 =	vmin.u32 v5, $0x3E7;
	[tilespmem:s20+$0xAD00] =	vst v8  }
0x24e: {  	v11 =	vadd.s32 $0x1770, v4;
	v14 =	vadd.s32 $0xBB8, v10;
	v2 =	vadd.s32 $0x1B58, v4;
	v22 =	vld.idx.msk [tilespmem:v7+s4+$0x0], $0xffff;
	[tilespmem:s8+$0xDD10] =	vst v3  }
0x24f: {  	v8 =	vadd.s32 $0x1388, v9;
	v5 =	vadd.s32 $0x1770, v9;
	v4 =	vadd.s32 $0x1B58, v10;
	v20 =	vld.idx.msk [tilespmem:v15+s4+$0x0], $0xffff  }
0x250: {  	v7 =	vadd.s32 $0x1770, v10;
	v19 =	vadd.s32 $0x3E8, v28;
	v17 =	vadd.s32 $0xBB8, v28;
	[tilespmem:s8+$0xCD00] =	vst v16;
	v25 =	vld.idx.msk [tilespmem:v6+s4+$0x0], $0xffff  }
0x251: {  	[tilespmem:s6+$0xED00] =	vst v21;
	v13 =	vadd.s32 $0xFA0, v28;
	v18 =	vadd.s32 $0x1770, v28;
	v21 =	vld.idx.msk [tilespmem:v23+s4+$0x0], $0xffff;
	v23 =	vadd.s32 $0x1770, v0  }
0x252: {  	v3 =	vadd.s32 $0x1B58, v9;
	v9 =	vadd.s32 $0x1388, v10;
	v26 =	vld.idx.msk [tilespmem:v28+s4+$0x0], $0xffff;
	[tilespmem:s20+$0xBD10] =	vst v27;
	v27 =	vadd.s32 $0x3E8, v6  }
0x253: {  	s19 =	simm.s32 $0x800;
	s7 =	simm.s32 $0x6;
	v10 =	vadd.s32 $0x1B58, v28;
	v16 =	vadd.s32 $0x7D0, v28;
	v15 =	vadd.s32 $0x1388, v28;
	[tilespmem:s6+$0x10D10] =	vst v24;
	v24 =	vld.idx.msk [tilespmem:v29+s4+$0x0], $0xffff  }
.LBB2_11:
0x254: {  	[tilespmem:s20+$0xBD00] =	vst v22;
	v22 =	vld.idx.msk [tilespmem:v11+s4+$0x0], $0xffff;
	v11 =	vmov v5;
	v5 =	vmov v7;
	v7 =	vmov v18;
	s31 =	smov.u32 s20;
	s20 =	smov.u32 s18;
	s18 =	sshra.s32 s19, $0x2  }
0x255: {  	s7 =	sadd.s32 $0x2, s7;
	v28 =	vadd.s32 $0xFA0, v1;
	v18 =	vld [tilespmem:s18+$0x8D10];
	[tilespmem:s8+$0xED10] =	vst v20  }
0x256: {  	p1 =	slt.u32 s7, $0x3E;
	[tilespmem:s20+$0x9D10] =	vst v25;
	v20 =	vld.idx.msk [tilespmem:v23+s4+$0x0], $0xffff  }
0x257: {  	v23 =	vld.idx.msk [tilespmem:v27+s4+$0x0], $0xffff;
	[tilespmem:s8+$0xDD00] =	vst v21  }
0x258: {  	v25 =	vadd.s32 $0x1B58, v0;
	v0 =	vmov v1;
	v1 =	vmov v6;
	v21 =	vld [tilespmem:s18+$0x8D00];
	[tilespmem:s20+$0x9D00] =	vst v26  }
0x259: {  	v26 =	vadd.s32 $0x7D0, v1;
	v19 =	vld.idx.msk [tilespmem:v19+s4+$0x0], $0xffff;
	[tilespmem:s31+$0xCD10] =	vst v24  }
0x25a: {  	v24 =	vld.idx.msk [tilespmem:v28+s4+$0x0], $0xffff;
	[tilespmem:s6+$0xFD00] =	vst v22  }
0x25b: {  	vm0 =	vgt.s32 v18, $0x0;
	v27 =	vld.idx.msk [tilespmem:v14+s4+$0x0], $0xffff;
	v14 =	vmov v17  }
0x25c: {  	v6 =	vnsel vm0, $0x0, v18;
	v18 =	vadd.s32 $0x1388, v0;
	v28 =	vld.idx.msk [tilespmem:v8+s4+$0x0], $0xffff;
	[tilespmem:s8+$0xFD10] =	vst v20;
	v8 =	vmovc v9;
	v9 =	vmov v15  }
0x25d: {  	v6 =	vmin.u32 v6, $0x3E7;
	vm0 =	vgt.s32 v21, $0x0;
	[tilespmem:s20+$0xAD10] =	vst v23;
	v29 =	vld.idx.msk [tilespmem:v25+s4+$0x0], $0xffff  }
0x25e: {  	v15 =	vnsel vm0, $0x0, v21;
	v30 =	vld.idx.msk [tilespmem:v26+s4+$0x0], $0xffff  }
0x25f: {  	v26 =	vmin.u32 v15, $0x3E7;
	[tilespmem:s20+$0xAD00] =	vst v19;
	v31 =	vld.idx.msk [tilespmem:v2+s4+$0x0], $0xffff;
	v2 =	vmovc v3;
	v3 =	vmov v4;
	v4 =	vmov v10  }
0x260: {  	v32 =	vadd.s32 $0xBB8, v1;
	v19 =	vadd.s32 $0x3E8, v26;
	v22 =	vld.idx.msk [tilespmem:v16+s4+$0x0], $0xffff;
	v16 =	vadd.s32 $0x7D0, v26;
	[tilespmem:s31+$0xDD10] =	vst v24  }
.Ltmp6:
0x261: {  	v17 =	vadd.s32 $0xBB8, v26;
	v24 =	vadd.s32 $0xFA0, v26;
	v15 =	vadd.s32 $0x1388, v26;
	[tilespmem:s31+$0xCD00] =	vst v27;
	v20 =	vld.idx.msk [tilespmem:v18+s4+$0x0], $0xffff;
	(pc) =	sbr.rel @p1 .LBB2_11-.Ltmp6, $4  }
0x262: {  	v10 =	vadd.s32 $0x1B58, v26;
	v18 =	vadd.s32 $0x1770, v26;
	v25 =	vld.idx.msk [tilespmem:v6+s4+$0x0], $0xffff;
	[tilespmem:s8+$0xED00] =	vst v28  }
0x263: {  	v23 =	vadd.s32 $0x1770, v0;
	v21 =	vld.idx.msk [tilespmem:v12+s4+$0x0], $0xffff;
	[tilespmem:s8+$0x10D10] =	vst v29;
	v12 =	vmov v13;
	v13 =	vmov v24  }
0x264: {  	v27 =	vadd.s32 $0x3E8, v6;
	v26 =	vld.idx.msk [tilespmem:v26+s4+$0x0], $0xffff;
	[tilespmem:s20+$0xBD10] =	vst v30  }
0x265: {  	s19 =	sadd.s32 $0x200, s19;
	v24 =	vld.idx.msk [tilespmem:v32+s4+$0x0], $0xffff;
	[tilespmem:s6+$0x10D00] =	vst v31;
	s6 =	smov.u32 s8;
	s8 =	smov.u32 s31  }
0x266: {  	_ =	sdelay $0x2  }
0x267: {  	[tilespmem:s18+$0x9D10] =	vst v25  }
0x268: {  	v25 =	vld.idx.msk [tilespmem:v27+s4+$0x0], $0xffff;
	[tilespmem:s18+$0x9D00] =	vst v26  }
0x269: {  	v26 =	vadd.s32 $0x7D0, v6;
	v19 =	vld.idx.msk [tilespmem:v19+s4+$0x0], $0xffff;
	_ =	sdelay $0x3  }
0x26a: {  	[tilespmem:s18+$0xAD10] =	vst v25  }
0x26b: {  	v25 =	vld.idx.msk [tilespmem:v26+s4+$0x0], $0xffff;
	[tilespmem:s18+$0xAD00] =	vst v19  }
0x26c: {  	v19 =	vadd.s32 $0xBB8, v6;
	v16 =	vld.idx.msk [tilespmem:v16+s4+$0x0], $0xffff;
	_ =	sdelay $0x1  }
0x26d: {  	[tilespmem:s20+$0xBD00] =	vst v22  }
0x26e: {  	v14 =	vld.idx.msk [tilespmem:v14+s4+$0x0], $0xffff  }
0x26f: {  	[tilespmem:s18+$0xBD10] =	vst v25  }
0x270: {  	v26 =	vadd.s32 $0xFA0, v1;
	v19 =	vld.idx.msk [tilespmem:v19+s4+$0x0], $0xffff;
	[tilespmem:s18+$0xBD00] =	vst v16  }
0x271: {  	v16 =	vadd.s32 $0xFA0, v6;
	v17 =	vld.idx.msk [tilespmem:v17+s4+$0x0], $0xffff  }
0x272: {  	[tilespmem:s8+$0xED10] =	vst v20  }
0x273: {  	v11 =	vld.idx.msk [tilespmem:v11+s4+$0x0], $0xffff;
	[tilespmem:s20+$0xCD00] =	vst v14  }
0x274: {  	[tilespmem:s20+$0xCD10] =	vst v24;
	v12 =	vld.idx.msk [tilespmem:v12+s4+$0x0], $0xffff  }
0x275: {  	v20 =	vld.idx.msk [tilespmem:v26+s4+$0x0], $0xffff;
	[tilespmem:s18+$0xCD10] =	vst v19  }
0x276: {  	v22 =	vadd.s32 $0x1388, v1;
	v14 =	vld.idx.msk [tilespmem:v16+s4+$0x0], $0xffff;
	[tilespmem:s18+$0xCD00] =	vst v17  }
0x277: {  	[tilespmem:s8+$0xDD00] =	vst v21;
	v16 =	vadd.s32 $0x1388, v6;
	v13 =	vld.idx.msk [tilespmem:v13+s4+$0x0], $0xffff  }
0x278: {  	[tilespmem:s6+$0xFD00] =	vst v11;
	v17 =	vld.idx.msk [tilespmem:v23+s4+$0x0], $0xffff  }
0x279: {  	v0 =	vadd.s32 $0x1B58, v0;
	v8 =	vld.idx.msk [tilespmem:v8+s4+$0x0], $0xffff;
	[tilespmem:s20+$0xDD00] =	vst v12  }
0x27a: {  	v9 =	vld.idx.msk [tilespmem:v9+s4+$0x0], $0xffff;
	[tilespmem:s20+$0xDD10] =	vst v20  }
0x27b: {  	v11 =	vld.idx.msk [tilespmem:v22+s4+$0x0], $0xffff;
	[tilespmem:s18+$0xDD10] =	vst v14  }
0x27c: {  	v19 =	vadd.s32 $0x1770, v1;
	v12 =	vld.idx.msk [tilespmem:v16+s4+$0x0], $0xffff;
	[tilespmem:s18+$0xDD00] =	vst v13  }
0x27d: {  	v14 =	vadd.s32 $0x1770, v6;
	[tilespmem:s8+$0xFD10] =	vst v17;
	v13 =	vld.idx.msk [tilespmem:v15+s4+$0x0], $0xffff  }
0x27e: {  	[tilespmem:s8+$0xED00] =	vst v8;
	v0 =	vld.idx.msk [tilespmem:v0+s4+$0x0], $0xffff  }
0x27f: {  	v5 =	vld.idx.msk [tilespmem:v5+s4+$0x0], $0xffff;
	[tilespmem:s20+$0xED00] =	vst v9  }
0x280: {  	v7 =	vld.idx.msk [tilespmem:v7+s4+$0x0], $0xffff;
	[tilespmem:s20+$0xED10] =	vst v11  }
0x281: {  	v8 =	vld.idx.msk [tilespmem:v19+s4+$0x0], $0xffff;
	[tilespmem:s18+$0xED10] =	vst v12  }
0x282: {  	v1 =	vadd.s32 $0x1B58, v1;
	v9 =	vld.idx.msk [tilespmem:v14+s4+$0x0], $0xffff;
	[tilespmem:s18+$0xED00] =	vst v13  }
0x283: {  	v6 =	vadd.s32 $0x1B58, v6;
	[tilespmem:s8+$0x10D10] =	vst v0;
	v0 =	vld.idx.msk [tilespmem:v18+s4+$0x0], $0xffff  }
0x284: {  	v2 =	vld.idx.msk [tilespmem:v2+s4+$0x0], $0xffff;
	[tilespmem:s8+$0xFD00] =	vst v5  }
0x285: {  	v3 =	vld.idx.msk [tilespmem:v3+s4+$0x0], $0xffff;
	[tilespmem:s20+$0xFD00] =	vst v7  }
0x286: {  	v4 =	vld.idx.msk [tilespmem:v4+s4+$0x0], $0xffff;
	[tilespmem:s20+$0xFD10] =	vst v8  }
0x287: {  	v1 =	vld.idx.msk [tilespmem:v1+s4+$0x0], $0xffff;
	[tilespmem:s18+$0xFD10] =	vst v9  }
0x288: {  	v5 =	vld.idx.msk [tilespmem:v6+s4+$0x0], $0xffff;
	[tilespmem:s18+$0xFD00] =	vst v0  }
0x289: {  	[tilespmem:s6+$0x10D00] =	vst v2;
	v0 =	vld.idx.msk [tilespmem:v10+s4+$0x0], $0xffff  }
0x28a: {  	[tilespmem:s8+$0x10D00] =	vst v3  }
0x28b: {  	[tilespmem:s20+$0x10D00] =	vst v4  }
0x28c: {  	[tilespmem:s20+$0x10D10] =	vst v1  }
0x28d: {  	[tilespmem:s18+$0x10D10] =	vst v5  }
0x28e: {  	s3 =	sadd.s32 s2, s14;
	[tilespmem:s18+$0x10D00] =	vst v0  }
0x28f: {  	[hbm4b:s3+s23] =	stream.strided.scatter [tilespmem:s25], [sflag:$0x3], $0x8000, s24, s23, $0x38;
	[tilespmem:$0x19D00] =	vst v63  }
0x290: {  	_ =	swait.ge [sflag:s29], $0x8000  }
0x291: {  	[sflag:s29] =	ssyncset.done $0x0  }
0x292: {  	s6 =	simm.s32 $0x0;
	[sflag:s29] =	ssyncadd.s32 $0xFFFF8000  }
0x293: {  	v0 =	vld [tilespmem:s6+$0x8D10];
	_ =	sdelay $0x1  }
0x294: {  	v1 =	vld [tilespmem:s6+$0x8D00];
	_ =	sdelay $0x2  }
0x295: {  	vm0 =	vgt.s32 v0, $0x0  }
0x296: {  	v0 =	vnsel vm0, $0x0, v0  }
0x297: {  	vm9 =	vgt.s32 v1, $0x0;
	v2 =	vmin.u32 v0, $0x3E7  }
0x298: {  	v1 =	vnsel vm9, $0x0, v1;
	v0 =	vadd.s32 $0x1F40, v2  }
0x299: {  	v3 =	vmin.u32 v1, $0x3E7  }
0x29a: {  	v1 =	vadd.s32 $0x1F40, v3  }
0x29b: {  	s20 =	simm.s32 $0x80  }
0x29c: {  	v5 =	vld [tilespmem:s20+$0x8D10]  }
0x29d: {  	v0 =	vld.idx.msk [tilespmem:v0+s4+$0x0], $0xffff  }
0x29e: {  	v8 =	vld [tilespmem:s20+$0x8D00];
	v4 =	vadd.s32 $0x2328, v2  }
0x29f: {  	v1 =	vld.idx.msk [tilespmem:v1+s4+$0x0], $0xffff  }
0x2a0: {  	v6 =	vadd.s32 $0x2328, v3;
	_ =	sdelay $0x1  }
0x2a1: {  	vm10 =	vgt.s32 v5, $0x0;
	[tilespmem:s6+$0x11D10] =	vst v0  }
0x2a2: {  	v0 =	vnsel vm10, $0x0, v5;
	v4 =	vld.idx.msk [tilespmem:v4+s4+$0x0], $0xffff  }
0x2a3: {  	vm11 =	vgt.s32 v8, $0x0;
	v7 =	vadd.s32 $0x2710, v2;
	[tilespmem:s6+$0x11D00] =	vst v1;
	v0 =	vmin.u32 v0, $0x3E7  }
0x2a4: {  	v8 =	vnsel vm11, $0x0, v8;
	v1 =	vld.idx.msk [tilespmem:v6+s4+$0x0], $0xffff;
	v5 =	vadd.s32 $0x1F40, v0  }
0x2a5: {  	v9 =	vmin.u32 v8, $0x3E7  }
0x2a6: {  	s8 =	simm.s32 $0x100;
	v8 =	vadd.s32 $0x1F40, v9  }
0x2a7: {  	v10 =	vld [tilespmem:s8+$0x8D10];
	[tilespmem:s6+$0x12D10] =	vst v4  }
0x2a8: {  	v4 =	vadd.s32 $0x2710, v3;
	v6 =	vld.idx.msk [tilespmem:v7+s4+$0x0], $0xffff  }
0x2a9: {  	[tilespmem:s6+$0x12D00] =	vst v1;
	v7 =	vadd.s32 $0x2AF8, v2;
	v1 =	vld.idx.msk [tilespmem:v5+s4+$0x0], $0xffff  }
0x2aa: {  	v5 =	vadd.s32 $0x2328, v0  }
0x2ab: {  	v8 =	vld.idx.msk [tilespmem:v8+s4+$0x0], $0xffff  }
0x2ac: {  	v12 =	vadd.s32 $0x2328, v9  }
0x2ad: {  	v4 =	vld.idx.msk [tilespmem:v4+s4+$0x0], $0xffff;
	[tilespmem:s6+$0x13D10] =	vst v6  }
0x2ae: {  	vm12 =	vgt.s32 v10, $0x0;
	[tilespmem:s20+$0x11D10] =	vst v1;
	v6 =	vld.idx.msk [tilespmem:v7+s4+$0x0], $0xffff;
	v7 =	vadd.s32 $0x2AF8, v3  }
0x2af: {  	v11 =	vadd.s32 $0x2EE0, v2;
	v1 =	vnsel vm12, $0x0, v10;
	v5 =	vld.idx.msk [tilespmem:v5+s4+$0x0], $0xffff  }
0x2b0: {  	[tilespmem:s20+$0x11D00] =	vst v8;
	v13 =	vadd.s32 $0x2710, v0;
	v1 =	vmin.u32 v1, $0x3E7  }
0x2b1: {  	v10 =	vld.idx.msk [tilespmem:v12+s4+$0x0], $0xffff;
	v12 =	vadd.s32 $0x1F40, v1  }
0x2b2: {  	[tilespmem:s6+$0x13D00] =	vst v4;
	v4 =	vld [tilespmem:s8+$0x8D00]  }
0x2b3: {  	v7 =	vld.idx.msk [tilespmem:v7+s4+$0x0], $0xffff;
	[tilespmem:s6+$0x14D10] =	vst v6  }
0x2b4: {  	[tilespmem:s20+$0x12D10] =	vst v5;
	v5 =	vadd.s32 $0x2710, v9;
	v11 =	vld.idx.msk [tilespmem:v11+s4+$0x0], $0xffff  }
0x2b5: {  	v6 =	vadd.s32 $0x2EE0, v3;
	v13 =	vld.idx.msk [tilespmem:v13+s4+$0x0], $0xffff  }
0x2b6: {  	v8 =	vadd.s32 $0x32C8, v2;
	[tilespmem:s20+$0x12D00] =	vst v10;
	v10 =	vld.idx.msk [tilespmem:v12+s4+$0x0], $0xffff  }
0x2b7: {  	s18 =	simm.s32 $0x180;
	v12 =	vadd.s32 $0x2328, v1;
	vm13 =	vgt.s32 v4, $0x0  }
0x2b8: {  	v15 =	vld [tilespmem:s18+$0x8D10];
	v4 =	vnsel vm13, $0x0, v4;
	[tilespmem:s6+$0x14D00] =	vst v7;
	v7 =	vadd.s32 $0x2AF8, v0  }
0x2b9: {  	v14 =	vmin.u32 v4, $0x3E7;
	v5 =	vld.idx.msk [tilespmem:v5+s4+$0x0], $0xffff;
	[tilespmem:s6+$0x15D10] =	vst v11  }
0x2ba: {  	v4 =	vld.idx.msk [tilespmem:v6+s4+$0x0], $0xffff;
	v6 =	vadd.s32 $0x1F40, v14;
	[tilespmem:s20+$0x13D10] =	vst v13  }
0x2bb: {  	v13 =	vadd.s32 $0x2AF8, v9;
	[tilespmem:s8+$0x11D10] =	vst v10;
	v8 =	vld.idx.msk [tilespmem:v8+s4+$0x0], $0xffff  }
0x2bc: {  	v11 =	vadd.s32 $0x36B0, v2;
	v12 =	vld.idx.msk [tilespmem:v12+s4+$0x0], $0xffff  }
0x2bd: {  	v7 =	vld.idx.msk [tilespmem:v7+s4+$0x0], $0xffff  }
0x2be: {  	v18 =	vadd.s32 $0x2710, v1;
	[tilespmem:s20+$0x13D00] =	vst v5;
	v5 =	vld [tilespmem:s18+$0x8D00]  }
0x2bf: {  	vm14 =	vgt.s32 v15, $0x0;
	v16 =	vadd.s32 $0x2EE0, v0;
	v6 =	vld.idx.msk [tilespmem:v6+s4+$0x0], $0xffff  }
0x2c0: {  	v17 =	vadd.s32 $0x3A98, v2;
	v2 =	vnsel vm14, $0x0, v15;
	v13 =	vld.idx.msk [tilespmem:v13+s4+$0x0], $0xffff;
	[tilespmem:s6+$0x16D10] =	vst v8;
	v8 =	vadd.s32 $0x2328, v14  }
0x2c1: {  	[tilespmem:s6+$0x15D00] =	vst v4;
	v4 =	vmin.u32 v2, $0x3E7;
	v10 =	vld.idx.msk [tilespmem:v11+s4+$0x0], $0xffff;
	v11 =	vadd.s32 $0x32C8, v3  }
0x2c2: {  	v22 =	vadd.s32 $0x1F40, v4;
	[tilespmem:s8+$0x12D10] =	vst v12  }
0x2c3: {  	v27 =	vld.idx.msk [tilespmem:v18+s4+$0x0], $0xffff;
	[tilespmem:s20+$0x14D10] =	vst v7  }
0x2c4: {  	v7 =	vadd.s32 $0x2EE0, v9;
	[tilespmem:s8+$0x11D00] =	vst v6;
	v16 =	vld.idx.msk [tilespmem:v16+s4+$0x0], $0xffff  }
0x2c5: {  	v21 =	vadd.s32 $0x36B0, v3;
	v19 =	vadd.s32 $0x32C8, v0;
	v15 =	vld.idx.msk [tilespmem:v8+s4+$0x0], $0xffff  }
0x2c6: {  	v28 =	vadd.s32 $0x2AF8, v1;
	v23 =	vadd.s32 $0x2710, v14;
	vm15 =	vgt.s32 v5, $0x0;
	[tilespmem:s20+$0x14D00] =	vst v13;
	v11 =	vld.idx.msk [tilespmem:v11+s4+$0x0], $0xffff  }
0x2c7: {  	v2 =	vadd.s32 $0x3A98, v3;
	v12 =	vadd.s32 $0x2EE0, v14;
	v5 =	vnsel vm15, $0x0, v5;
	v25 =	vld.idx.msk [tilespmem:v22+s4+$0x0], $0xffff;
	[tilespmem:s6+$0x17D10] =	vst v10  }
0x2c8: {  	v3 =	vadd.s32 $0x3A98, v9;
	v6 =	vadd.s32 $0x36B0, v9;
	v29 =	vmin.u32 v5, $0x3E7;
	[tilespmem:s8+$0x13D10] =	vst v27;
	v26 =	vld.idx.msk [tilespmem:v17+s4+$0x0], $0xffff  }
0x2c9: {  	v13 =	vadd.s32 $0x2AF8, v14;
	v8 =	vadd.s32 $0x32C8, v9;
	v24 =	vadd.s32 $0x1F40, v29;
	v20 =	vld.idx.msk [tilespmem:v7+s4+$0x0], $0xffff;
	[tilespmem:s20+$0x15D10] =	vst v16  }
0x2ca: {  	v5 =	vadd.s32 $0x3A98, v14;
	v22 =	vadd.s32 $0x36B0, v0;
	v10 =	vadd.s32 $0x32C8, v14;
	v19 =	vld.idx.msk [tilespmem:v19+s4+$0x0], $0xffff;
	[tilespmem:s8+$0x12D00] =	vst v15  }
0x2cb: {  	v18 =	vadd.s32 $0x2AF8, v29;
	v9 =	vadd.s32 $0x36B0, v29;
	v27 =	vadd.s32 $0x2328, v4;
	[tilespmem:s6+$0x16D00] =	vst v11;
	v23 =	vld.idx.msk [tilespmem:v23+s4+$0x0], $0xffff  }
0x2cc: {  	v17 =	vadd.s32 $0x2328, v29;
	v7 =	vadd.s32 $0x36B0, v14;
	v14 =	vadd.s32 $0x2EE0, v29;
	v21 =	vld.idx.msk [tilespmem:v21+s4+$0x0], $0xffff  }
0x2cd: {  	s7 =	simm.s32 $0x6;
	s19 =	simm.s32 $0x800;
	v16 =	vadd.s32 $0x2710, v29;
	v15 =	vadd.s32 $0x32C8, v29;
	v11 =	vadd.s32 $0x3A98, v29;
	[tilespmem:s6+$0x18D10] =	vst v26;
	v26 =	vld.idx.msk [tilespmem:v28+s4+$0x0], $0xffff  }
.LBB2_13:
0x2ce: {  	s3 =	sshra.s32 s19, $0x2;
	s7 =	sadd.s32 $0x2, s7;
	v24 =	vld.idx.msk [tilespmem:v24+s4+$0x0], $0xffff;
	[tilespmem:s20+$0x15D00] =	vst v20;
	s31 =	smov.u32 s8  }
0x2cf: {  	v28 =	vadd.s32 $0x2EE0, v1;
	s8 =	smov.u32 s18;
	v20 =	vld [tilespmem:s3+$0x8D10];
	p1 =	slt.u32 s7, $0x3E;
	[tilespmem:s20+$0x16D10] =	vst v19;
	s18 =	smov.u32 s3  }
0x2d0: {  	[tilespmem:s8+$0x11D10] =	vst v25;
	v19 =	vld.idx.msk [tilespmem:v22+s4+$0x0], $0xffff  }
0x2d1: {  	v22 =	vld.idx.msk [tilespmem:v27+s4+$0x0], $0xffff;
	[tilespmem:s31+$0x13D00] =	vst v23  }
0x2d2: {  	v25 =	vadd.s32 $0x3A98, v0;
	v0 =	vmov v1;
	v1 =	vmov v4;
	v23 =	vld [tilespmem:s18+$0x8D00];
	[tilespmem:s6+$0x17D00] =	vst v21  }
0x2d3: {  	v21 =	vadd.s32 $0x2710, v1;
	v27 =	vld.idx.msk [tilespmem:v13+s4+$0x0], $0xffff;
	[tilespmem:s31+$0x14D10] =	vst v26;
	v13 =	vmov v18  }
0x2d4: {  	vm0 =	vgt.s32 v20, $0x0;
	[tilespmem:s8+$0x11D00] =	vst v24;
	v18 =	vld.idx.msk [tilespmem:v28+s4+$0x0], $0xffff  }
0x2d5: {  	v4 =	vnsel vm0, $0x0, v20;
	v26 =	vld.idx.msk [tilespmem:v17+s4+$0x0], $0xffff  }
0x2d6: {  	v28 =	vadd.s32 $0x32C8, v0;
	v4 =	vmin.u32 v4, $0x3E7;
	v29 =	vld.idx.msk [tilespmem:v8+s4+$0x0], $0xffff;
	[tilespmem:s20+$0x17D10] =	vst v19;
	v8 =	vmovc v10;
	v10 =	vmov v15  }
0x2d7: {  	vm0 =	vgt.s32 v23, $0x0;
	v30 =	vadd.s32 $0x1F40, v4;
	[tilespmem:s8+$0x12D10] =	vst v22;
	v31 =	vld.idx.msk [tilespmem:v25+s4+$0x0], $0xffff  }
0x2d8: {  	v15 =	vnsel vm0, $0x0, v23;
	v21 =	vld.idx.msk [tilespmem:v21+s4+$0x0], $0xffff  }
0x2d9: {  	v22 =	vmin.u32 v15, $0x3E7;
	[tilespmem:s31+$0x14D00] =	vst v27;
	v32 =	vld.idx.msk [tilespmem:v2+s4+$0x0], $0xffff;
	v2 =	vmovc v3;
	v3 =	vmov v5;
	v5 =	vmov v11  }
0x2da: {  	v33 =	vadd.s32 $0x2AF8, v1;
	v24 =	vadd.s32 $0x1F40, v22;
	v17 =	vadd.s32 $0x2328, v22;
	v20 =	vld.idx.msk [tilespmem:v12+s4+$0x0], $0xffff;
	[tilespmem:s31+$0x15D10] =	vst v18;
	v12 =	vmovc v14  }
.Ltmp7:
0x2db: {  	v27 =	vadd.s32 $0x2710, v22;
	v18 =	vadd.s32 $0x2AF8, v22;
	v14 =	vadd.s32 $0x2EE0, v22;
	[tilespmem:s8+$0x12D00] =	vst v26;
	v19 =	vld.idx.msk [tilespmem:v28+s4+$0x0], $0xffff;
	(pc) =	sbr.rel @p1 .LBB2_13-.Ltmp7, $4  }
0x2dc: {  	v15 =	vadd.s32 $0x32C8, v22;
	v11 =	vadd.s32 $0x3A98, v22;
	v26 =	vadd.s32 $0x36B0, v22;
	v25 =	vld.idx.msk [tilespmem:v30+s4+$0x0], $0xffff;
	[tilespmem:s20+$0x16D00] =	vst v29  }
0x2dd: {  	v22 =	vadd.s32 $0x36B0, v0;
	v23 =	vld.idx.msk [tilespmem:v16+s4+$0x0], $0xffff;
	[tilespmem:s20+$0x18D10] =	vst v31;
	v16 =	vmov v27  }
0x2de: {  	v27 =	vadd.s32 $0x2328, v4;
	[tilespmem:s8+$0x13D10] =	vst v21;
	v21 =	vld.idx.msk [tilespmem:v6+s4+$0x0], $0xffff;
	v6 =	vmovc v7;
	v7 =	vmov v9;
	v9 =	vmov v26  }
0x2df: {  	s19 =	sadd.s32 $0x200, s19;
	v26 =	vld.idx.msk [tilespmem:v33+s4+$0x0], $0xffff;
	[tilespmem:s6+$0x18D00] =	vst v32;
	s6 =	smov.u32 s20;
	s20 =	smov.u32 s31  }
0x2e0: {  	_ =	sdelay $0x3  }
0x2e1: {  	v24 =	vld.idx.msk [tilespmem:v24+s4+$0x0], $0xffff;
	_ =	sdelay $0x3  }
0x2e2: {  	[tilespmem:s18+$0x11D10] =	vst v25  }
0x2e3: {  	v25 =	vld.idx.msk [tilespmem:v27+s4+$0x0], $0xffff;
	[tilespmem:s18+$0x11D00] =	vst v24  }
0x2e4: {  	v27 =	vadd.s32 $0x2710, v4;
	v17 =	vld.idx.msk [tilespmem:v17+s4+$0x0], $0xffff;
	_ =	sdelay $0x3  }
0x2e5: {  	[tilespmem:s18+$0x12D10] =	vst v25  }
0x2e6: {  	v24 =	vld.idx.msk [tilespmem:v27+s4+$0x0], $0xffff;
	[tilespmem:s18+$0x12D00] =	vst v17  }
0x2e7: {  	v25 =	vadd.s32 $0x2AF8, v4;
	v16 =	vld.idx.msk [tilespmem:v16+s4+$0x0], $0xffff;
	_ =	sdelay $0x1  }
0x2e8: {  	[tilespmem:s8+$0x13D00] =	vst v23  }
0x2e9: {  	v13 =	vld.idx.msk [tilespmem:v13+s4+$0x0], $0xffff  }
0x2ea: {  	[tilespmem:s18+$0x13D10] =	vst v24  }
0x2eb: {  	v17 =	vadd.s32 $0x2EE0, v1;
	v23 =	vld.idx.msk [tilespmem:v25+s4+$0x0], $0xffff;
	[tilespmem:s18+$0x13D00] =	vst v16  }
0x2ec: {  	v24 =	vadd.s32 $0x2EE0, v4;
	v16 =	vld.idx.msk [tilespmem:v18+s4+$0x0], $0xffff  }
0x2ed: {  	[tilespmem:s20+$0x15D00] =	vst v20  }
0x2ee: {  	[tilespmem:s8+$0x14D00] =	vst v13  }
0x2ef: {  	[tilespmem:s8+$0x14D10] =	vst v26;
	v12 =	vld.idx.msk [tilespmem:v12+s4+$0x0], $0xffff  }
0x2f0: {  	v17 =	vld.idx.msk [tilespmem:v17+s4+$0x0], $0xffff;
	[tilespmem:s18+$0x14D10] =	vst v23  }
0x2f1: {  	v18 =	vadd.s32 $0x32C8, v1;
	v13 =	vld.idx.msk [tilespmem:v24+s4+$0x0], $0xffff;
	[tilespmem:s18+$0x14D00] =	vst v16  }
0x2f2: {  	v20 =	vadd.s32 $0x32C8, v4;
	[tilespmem:s20+$0x16D10] =	vst v19;
	v14 =	vld.idx.msk [tilespmem:v14+s4+$0x0], $0xffff  }
0x2f3: {  	[tilespmem:s6+$0x17D00] =	vst v21;
	v16 =	vld.idx.msk [tilespmem:v22+s4+$0x0], $0xffff  }
0x2f4: {  	v0 =	vadd.s32 $0x3A98, v0;
	v8 =	vld.idx.msk [tilespmem:v8+s4+$0x0], $0xffff;
	[tilespmem:s8+$0x15D00] =	vst v12  }
0x2f5: {  	v10 =	vld.idx.msk [tilespmem:v10+s4+$0x0], $0xffff;
	[tilespmem:s8+$0x15D10] =	vst v17  }
0x2f6: {  	v17 =	vld.idx.msk [tilespmem:v18+s4+$0x0], $0xffff;
	[tilespmem:s18+$0x15D10] =	vst v13  }
0x2f7: {  	v18 =	vadd.s32 $0x36B0, v1;
	v12 =	vld.idx.msk [tilespmem:v20+s4+$0x0], $0xffff;
	[tilespmem:s18+$0x15D00] =	vst v14  }
0x2f8: {  	v13 =	vadd.s32 $0x36B0, v4;
	[tilespmem:s20+$0x17D10] =	vst v16;
	v14 =	vld.idx.msk [tilespmem:v15+s4+$0x0], $0xffff  }
0x2f9: {  	[tilespmem:s20+$0x16D00] =	vst v8;
	v0 =	vld.idx.msk [tilespmem:v0+s4+$0x0], $0xffff  }
0x2fa: {  	v6 =	vld.idx.msk [tilespmem:v6+s4+$0x0], $0xffff;
	[tilespmem:s8+$0x16D00] =	vst v10  }
0x2fb: {  	v7 =	vld.idx.msk [tilespmem:v7+s4+$0x0], $0xffff;
	[tilespmem:s8+$0x16D10] =	vst v17  }
0x2fc: {  	v8 =	vld.idx.msk [tilespmem:v18+s4+$0x0], $0xffff;
	[tilespmem:s18+$0x16D10] =	vst v12  }
0x2fd: {  	v1 =	vadd.s32 $0x3A98, v1;
	v10 =	vld.idx.msk [tilespmem:v13+s4+$0x0], $0xffff;
	[tilespmem:s18+$0x16D00] =	vst v14  }
0x2fe: {  	v4 =	vadd.s32 $0x3A98, v4;
	[tilespmem:s20+$0x18D10] =	vst v0;
	v0 =	vld.idx.msk [tilespmem:v9+s4+$0x0], $0xffff  }
0x2ff: {  	v2 =	vld.idx.msk [tilespmem:v2+s4+$0x0], $0xffff;
	[tilespmem:s20+$0x17D00] =	vst v6  }
0x300: {  	v3 =	vld.idx.msk [tilespmem:v3+s4+$0x0], $0xffff;
	[tilespmem:s8+$0x17D00] =	vst v7  }
0x301: {  	v5 =	vld.idx.msk [tilespmem:v5+s4+$0x0], $0xffff;
	[tilespmem:s8+$0x17D10] =	vst v8  }
0x302: {  	v1 =	vld.idx.msk [tilespmem:v1+s4+$0x0], $0xffff;
	[tilespmem:s18+$0x17D10] =	vst v10  }
0x303: {  	v4 =	vld.idx.msk [tilespmem:v4+s4+$0x0], $0xffff;
	[tilespmem:s18+$0x17D00] =	vst v0  }
0x304: {  	[tilespmem:s6+$0x18D00] =	vst v2;
	v0 =	vld.idx.msk [tilespmem:v11+s4+$0x0], $0xffff  }
0x305: {  	[tilespmem:s20+$0x18D00] =	vst v3  }
0x306: {  	[tilespmem:s8+$0x18D00] =	vst v5  }
0x307: {  	[tilespmem:s8+$0x18D10] =	vst v1  }
0x308: {  	[tilespmem:s18+$0x18D10] =	vst v4  }
0x309: {  	s3 =	sadd.s32 s2, s15;
	[tilespmem:s18+$0x18D00] =	vst v0  }
0x30a: {  	[hbm4b:s3+s23] =	stream.strided.scatter [tilespmem:s26], [sflag:$0x4], $0x8000, s24, s23, $0x38;
	[tilespmem:$0x19D00] =	vst v63  }
0x30b: {  	_ =	swait.ge [sflag:s28], $0x8000  }
0x30c: {  	[sflag:s28] =	ssyncset.done $0x0  }
0x30d: {  	s20 =	simm.s32 $0x0;
	[sflag:s28] =	ssyncadd.s32 $0xFFFF8000  }
0x30e: {  	v0 =	vld [tilespmem:s20+$0x8D10];
	_ =	sdelay $0x3  }
0x30f: {  	v1 =	vld [tilespmem:s20+$0x8D00]  }
0x310: {  	vm0 =	vgt.s32 v0, $0x0  }
0x311: {  	v0 =	vnsel vm0, $0x0, v0  }
0x312: {  	v2 =	vmin.u32 v0, $0x3E7  }
0x313: {  	v0 =	vadd.s32 $0x3E80, v2  }
0x314: {  	vm9 =	vgt.s32 v1, $0x0;
	v3 =	vand.u32 $0x7F, v2;
	v0 =	vand.u32 $0x7F80, v0  }
0x315: {  	v1 =	vnsel vm9, $0x0, v1;
	v0 =	vor.u32 v3, v0  }
0x316: {  	v3 =	vmin.u32 v1, $0x3E7  }
0x317: {  	v1 =	vadd.s32 $0x3E80, v3  }
0x318: {  	s6 =	simm.s32 $0x80;
	v4 =	vand.u32 $0x7F, v3;
	v1 =	vand.u32 $0x7F80, v1  }
0x319: {  	v1 =	vor.u32 v4, v1;
	v4 =	vld [tilespmem:s6+$0x8D10]  }
0x31a: {  	v0 =	vld.idx.msk [tilespmem:v0+s4+$0x0], $0xffff  }
0x31b: {  	v5 =	vadd.s32 $0x4268, v2;
	_ =	sdelay $0x2  }
0x31c: {  	v6 =	vld [tilespmem:s6+$0x8D00]  }
0x31d: {  	v1 =	vld.idx.msk [tilespmem:v1+s4+$0x0], $0xffff;
	vm10 =	vgt.s32 v4, $0x0;
	[tilespmem:s20+$0x9D10] =	vst v0  }
0x31e: {  	v7 =	vadd.s32 $0x4268, v3;
	v0 =	vnsel vm10, $0x0, v4;
	v5 =	vld.idx.msk [tilespmem:v5+s4+$0x0], $0xffff  }
0x31f: {  	v4 =	vadd.s32 $0x4650, v2;
	v0 =	vmin.u32 v0, $0x3E7  }
0x320: {  	v8 =	vadd.s32 $0x3E80, v0  }
0x321: {  	v9 =	vand.u32 $0x7F, v0;
	v8 =	vand.u32 $0x7F80, v8  }
0x322: {  	vm11 =	vgt.s32 v6, $0x0;
	[tilespmem:s20+$0x9D00] =	vst v1;
	v1 =	vor.u32 v9, v8  }
0x323: {  	v6 =	vnsel vm11, $0x0, v6;
	v7 =	vld.idx.msk [tilespmem:v7+s4+$0x0], $0xffff;
	[tilespmem:s20+$0xAD10] =	vst v5  }
0x324: {  	v6 =	vmin.u32 v6, $0x3E7;
	v5 =	vadd.s32 $0x4650, v3;
	v4 =	vld.idx.msk [tilespmem:v4+s4+$0x0], $0xffff  }
0x325: {  	v8 =	vadd.s32 $0x3E80, v6;
	v9 =	vadd.s32 $0x4A38, v2  }
0x326: {  	v10 =	vand.u32 $0x7F, v6;
	v8 =	vand.u32 $0x7F80, v8  }
0x327: {  	s8 =	simm.s32 $0x100;
	v8 =	vor.u32 v10, v8;
	v1 =	vld.idx.msk [tilespmem:v1+s4+$0x0], $0xffff  }
0x328: {  	[tilespmem:s20+$0xAD00] =	vst v7;
	v7 =	vld [tilespmem:s8+$0x8D10]  }
0x329: {  	v10 =	vadd.s32 $0x4268, v0;
	v5 =	vld.idx.msk [tilespmem:v5+s4+$0x0], $0xffff;
	[tilespmem:s20+$0xBD10] =	vst v4  }
0x32a: {  	v4 =	vadd.s32 $0x4A38, v3;
	v9 =	vld.idx.msk [tilespmem:v9+s4+$0x0], $0xffff  }
0x32b: {  	v11 =	vadd.s32 $0x4E20, v2  }
0x32c: {  	v8 =	vld.idx.msk [tilespmem:v8+s4+$0x0], $0xffff  }
0x32d: {  	v13 =	vld [tilespmem:s8+$0x8D00];
	v12 =	vadd.s32 $0x4268, v6;
	[tilespmem:s6+$0x9D10] =	vst v1;
	vm12 =	vgt.s32 v7, $0x0  }
0x32e: {  	v10 =	vld.idx.msk [tilespmem:v10+s4+$0x0], $0xffff;
	v1 =	vnsel vm12, $0x0, v7;
	[tilespmem:s20+$0xBD00] =	vst v5  }
0x32f: {  	v5 =	vadd.s32 $0x4650, v0;
	v1 =	vmin.u32 v1, $0x3E7;
	v4 =	vld.idx.msk [tilespmem:v4+s4+$0x0], $0xffff;
	[tilespmem:s20+$0xCD10] =	vst v9  }
0x330: {  	v7 =	vadd.s32 $0x4E20, v3;
	v9 =	vld.idx.msk [tilespmem:v11+s4+$0x0], $0xffff;
	v11 =	vadd.s32 $0x3E80, v1  }
0x331: {  	v14 =	vadd.s32 $0x5208, v2;
	[tilespmem:s6+$0x9D00] =	vst v8;
	v8 =	vand.u32 $0x7F80, v11;
	v11 =	vand.u32 $0x7F, v1  }
0x332: {  	s18 =	simm.s32 $0x180;
	vm13 =	vgt.s32 v13, $0x0;
	v12 =	vld.idx.msk [tilespmem:v12+s4+$0x0], $0xffff;
	v8 =	vor.u32 v11, v8  }
0x333: {  	v18 =	vld [tilespmem:s18+$0x8D00];
	v13 =	vnsel vm13, $0x0, v13;
	[tilespmem:s6+$0xAD10] =	vst v10;
	v11 =	vadd.s32 $0x4650, v6  }
0x334: {  	v15 =	vmin.u32 v13, $0x3E7;
	v5 =	vld.idx.msk [tilespmem:v5+s4+$0x0], $0xffff;
	[tilespmem:s20+$0xCD00] =	vst v4  }
0x335: {  	v10 =	vadd.s32 $0x4A38, v0;
	v4 =	vadd.s32 $0x3E80, v15;
	v7 =	vld.idx.msk [tilespmem:v7+s4+$0x0], $0xffff;
	[tilespmem:s20+$0xDD10] =	vst v9  }
0x336: {  	v17 =	vadd.s32 $0x5208, v3;
	v4 =	vand.u32 $0x7F80, v4;
	v9 =	vand.u32 $0x7F, v15;
	v13 =	vld.idx.msk [tilespmem:v14+s4+$0x0], $0xffff  }
0x337: {  	[tilespmem:s6+$0xAD00] =	vst v12;
	v4 =	vor.u32 v9, v4;
	v8 =	vld.idx.msk [tilespmem:v8+s4+$0x0], $0xffff  }
0x338: {  	v9 =	vld.idx.msk [tilespmem:v11+s4+$0x0], $0xffff;
	v11 =	vadd.s32 $0x55F0, v2  }
0x339: {  	v12 =	vld [tilespmem:s18+$0x8D10];
	v14 =	vadd.s32 $0x4268, v1;
	[tilespmem:s6+$0xBD10] =	vst v5  }
0x33a: {  	v16 =	vadd.s32 $0x4A38, v6;
	v10 =	vld.idx.msk [tilespmem:v10+s4+$0x0], $0xffff;
	[tilespmem:s20+$0xDD00] =	vst v7  }
0x33b: {  	v21 =	vadd.s32 $0x4E20, v0;
	v17 =	vld.idx.msk [tilespmem:v17+s4+$0x0], $0xffff  }
0x33c: {  	vm15 =	vgt.s32 v18, $0x0;
	v23 =	vadd.s32 $0x4E20, v6;
	v19 =	vld.idx.msk [tilespmem:v4+s4+$0x0], $0xffff;
	[tilespmem:s20+$0xED10] =	vst v13  }
0x33d: {  	v22 =	vadd.s32 $0x4268, v15;
	v20 =	vadd.s32 $0x55F0, v3;
	v5 =	vadd.s32 $0x5208, v6;
	[tilespmem:s8+$0x9D10] =	vst v8;
	v8 =	vld.idx.msk [tilespmem:v11+s4+$0x0], $0xffff  }
0x33e: {  	vm14 =	vgt.s32 v12, $0x0;
	v4 =	vadd.s32 $0x55F0, v6;
	[tilespmem:s6+$0xBD00] =	vst v9;
	v9 =	vadd.s32 $0x59D8, v2;
	v14 =	vld.idx.msk [tilespmem:v14+s4+$0x0], $0xffff  }
0x33f: {  	v2 =	vadd.s32 $0x59D8, v6;
	v6 =	vnsel vm14, $0x0, v12;
	v7 =	vld.idx.msk [tilespmem:v16+s4+$0x0], $0xffff;
	v16 =	vadd.s32 $0x4650, v1;
	[tilespmem:s6+$0xCD10] =	vst v10  }
0x340: {  	v26 =	vadd.s32 $0x5208, v0;
	v6 =	vmin.u32 v6, $0x3E7;
	v10 =	vnsel vm15, $0x0, v18;
	v18 =	vld.idx.msk [tilespmem:v21+s4+$0x0], $0xffff;
	[tilespmem:s20+$0xED00] =	vst v17  }
0x341: {  	v3 =	vadd.s32 $0x59D8, v3;
	v13 =	vadd.s32 $0x4650, v15;
	v11 =	vadd.s32 $0x3E80, v6;
	[tilespmem:s8+$0x9D00] =	vst v19  }
0x342: {  	v12 =	vadd.s32 $0x4A38, v15;
	v21 =	vand.u32 $0x7F, v6;
	v19 =	vand.u32 $0x7F80, v11;
	v28 =	vld.idx.msk [tilespmem:v22+s4+$0x0], $0xffff;
	[tilespmem:s20+$0xFD10] =	vst v8  }
0x343: {  	v27 =	vmin.u32 v10, $0x3E7;
	v10 =	vadd.s32 $0x5208, v15;
	v29 =	vor.u32 v21, v19;
	[tilespmem:s8+$0xAD10] =	vst v14;
	v19 =	vld.idx.msk [tilespmem:v9+s4+$0x0], $0xffff  }
0x344: {  	v17 =	vadd.s32 $0x4268, v27;
	v24 =	vadd.s32 $0x4650, v27;
	v11 =	vadd.s32 $0x4E20, v15;
	[tilespmem:s6+$0xCD00] =	vst v7;
	v22 =	vld.idx.msk [tilespmem:v16+s4+$0x0], $0xffff  }
0x345: {  	v8 =	vadd.s32 $0x55F0, v15;
	v9 =	vadd.s32 $0x3E80, v27;
	v7 =	vadd.s32 $0x59D8, v15;
	v21 =	vld.idx.msk [tilespmem:v23+s4+$0x0], $0xffff;
	[tilespmem:s6+$0xDD10] =	vst v18  }
0x346: {  	v14 =	vand.u32 $0x7F, v27;
	v15 =	vadd.s32 $0x4E20, v27;
	v23 =	vld.idx.msk [tilespmem:v26+s4+$0x0], $0xffff;
	v26 =	vadd.s32 $0x4A38, v1  }
0x347: {  	v20 =	vld.idx.msk [tilespmem:v20+s4+$0x0], $0xffff;
	v9 =	vand.u32 $0x7F80, v9;
	v18 =	vadd.s32 $0x4A38, v27;
	v16 =	vadd.s32 $0x5208, v27  }
0x348: {  	s7 =	simm.s32 $0x6;
	s19 =	simm.s32 $0x800;
	v25 =	vor.u32 v14, v9;
	v9 =	vadd.s32 $0x55F0, v27;
	v14 =	vadd.s32 $0x59D8, v27;
	v27 =	vld.idx.msk [tilespmem:v29+s4+$0x0], $0xffff;
	[tilespmem:s8+$0xAD00] =	vst v28  }
.LBB2_15:
0x349: {  	s31 =	sshra.s32 s19, $0x2;
	v28 =	vld.idx.msk [tilespmem:v13+s4+$0x0], $0xffff;
	v29 =	vadd.s32 $0x55F0, v0;
	[tilespmem:s20+$0x10D10] =	vst v19;
	v13 =	vmov v24  }
0x34a: {  	s7 =	sadd.s32 $0x2, s7;
	v24 =	vadd.s32 $0x4268, v6;
	v19 =	vld [tilespmem:s31+$0x8D10];
	[tilespmem:s8+$0xBD10] =	vst v22  }
0x34b: {  	p1 =	slt.u32 s7, $0x3E;
	v22 =	vld.idx.msk [tilespmem:v26+s4+$0x0], $0xffff;
	[tilespmem:s6+$0xDD00] =	vst v21  }
0x34c: {  	v21 =	vld [tilespmem:s31+$0x8D00];
	[tilespmem:s20+$0xFD00] =	vst v20  }
0x34d: {  	v20 =	vld.idx.msk [tilespmem:v25+s4+$0x0], $0xffff;
	v25 =	vadd.s32 $0x4E20, v1;
	[tilespmem:s6+$0xED10] =	vst v23  }
0x34e: {  	[tilespmem:s18+$0x9D10] =	vst v27;
	v23 =	vld.idx.msk [tilespmem:v29+s4+$0x0], $0xffff  }
0x34f: {  	v24 =	vld.idx.msk [tilespmem:v24+s4+$0x0], $0xffff;
	[tilespmem:s8+$0xBD00] =	vst v28  }
0x350: {  	v27 =	vadd.s32 $0x59D8, v0;
	v0 =	vmovc v1;
	v1 =	vmovc v6;
	vm0 =	vgt.s32 v19, $0x0;
	v26 =	vld.idx.msk [tilespmem:v12+s4+$0x0], $0xffff;
	v12 =	vmov v18  }
0x351: {  	v6 =	vnsel vm0, $0x0, v19;
	v18 =	vadd.s32 $0x4650, v1;
	vm1 =	vgt.s32 v21, $0x0;
	[tilespmem:s8+$0xCD10] =	vst v22;
	v28 =	vld.idx.msk [tilespmem:v5+s4+$0x0], $0xffff;
	v5 =	vmovc v10;
	v10 =	vmovc v16  }
0x352: {  	v6 =	vmin.u32 v6, $0x3E7;
	v16 =	vnsel vm1, $0x0, v21;
	v29 =	vld.idx.msk [tilespmem:v25+s4+$0x0], $0xffff  }
0x353: {  	v30 =	vmin.u32 v16, $0x3E7;
	v16 =	vadd.s32 $0x3E80, v6;
	[tilespmem:s18+$0x9D00] =	vst v20;
	v31 =	vld.idx.msk [tilespmem:v3+s4+$0x0], $0xffff;
	v3 =	vmovc v2;
	v2 =	vmovc v7;
	v7 =	vmov v14  }
0x354: {  	v33 =	vadd.s32 $0x5208, v0;
	v14 =	vand.u32 $0x7F80, v16;
	v16 =	vand.u32 $0x7F, v6;
	v32 =	vld.idx.msk [tilespmem:v17+s4+$0x0], $0xffff;
	[tilespmem:s6+$0xFD10] =	vst v23  }
0x355: {  	v17 =	vadd.s32 $0x3E80, v30;
	v20 =	vand.u32 $0x7F, v30;
	v34 =	vor.u32 v16, v14;
	[tilespmem:s18+$0xAD10] =	vst v24;
	v19 =	vld.idx.msk [tilespmem:v27+s4+$0x0], $0xffff  }
.Ltmp8:
0x356: {  	v14 =	vand.u32 $0x7F80, v17;
	v17 =	vadd.s32 $0x4268, v30;
	v24 =	vadd.s32 $0x4650, v30;
	v22 =	vld.idx.msk [tilespmem:v18+s4+$0x0], $0xffff;
	[tilespmem:s8+$0xCD00] =	vst v26;
	(pc) =	sbr.rel @p1 .LBB2_15-.Ltmp8, $4  }
0x357: {  	v25 =	vor.u32 v20, v14;
	v18 =	vadd.s32 $0x4A38, v30;
	v21 =	vld.idx.msk [tilespmem:v11+s4+$0x0], $0xffff;
	[tilespmem:s6+$0xED00] =	vst v28;
	v11 =	vmovc v15;
	v15 =	vadd.s32 $0x4E20, v30  }
0x358: {  	v16 =	vadd.s32 $0x5208, v30;
	v26 =	vadd.s32 $0x4A38, v1;
	[tilespmem:s8+$0xDD10] =	vst v29;
	v20 =	vld.idx.msk [tilespmem:v4+s4+$0x0], $0xffff;
	v4 =	vmovc v8;
	v8 =	vmovc v9;
	v9 =	vadd.s32 $0x55F0, v30  }
0x359: {  	v14 =	vadd.s32 $0x59D8, v30;
	v23 =	vld.idx.msk [tilespmem:v33+s4+$0x0], $0xffff;
	[tilespmem:s20+$0x10D00] =	vst v31;
	s20 =	smov.u32 s6;
	s6 =	smov.u32 s8;
	s8 =	smov.u32 s18  }
0x35a: {  	s19 =	sadd.s32 $0x200, s19;
	s18 =	smov.u32 s31;
	v27 =	vld.idx.msk [tilespmem:v34+s4+$0x0], $0xffff;
	[tilespmem:s8+$0xAD00] =	vst v32  }
0x35b: {  	_ =	sdelay $0x3  }
0x35c: {  	v28 =	vadd.s32 $0x4268, v6;
	v25 =	vld.idx.msk [tilespmem:v25+s4+$0x0], $0xffff;
	_ =	sdelay $0x3  }
0x35d: {  	[tilespmem:s18+$0x9D10] =	vst v27  }
0x35e: {  	v27 =	vld.idx.msk [tilespmem:v28+s4+$0x0], $0xffff;
	[tilespmem:s18+$0x9D00] =	vst v25  }
0x35f: {  	v25 =	vadd.s32 $0x4650, v6;
	v17 =	vld.idx.msk [tilespmem:v17+s4+$0x0], $0xffff;
	_ =	sdelay $0x3  }
0x360: {  	v13 =	vld.idx.msk [tilespmem:v13+s4+$0x0], $0xffff;
	[tilespmem:s18+$0xAD10] =	vst v27  }
0x361: {  	v25 =	vld.idx.msk [tilespmem:v25+s4+$0x0], $0xffff;
	[tilespmem:s18+$0xAD00] =	vst v17  }
0x362: {  	v17 =	vadd.s32 $0x4A38, v6;
	v24 =	vld.idx.msk [tilespmem:v24+s4+$0x0], $0xffff;
	_ =	sdelay $0x1  }
0x363: {  	[tilespmem:s8+$0xBD10] =	vst v22  }
0x364: {  	v22 =	vld.idx.msk [tilespmem:v26+s4+$0x0], $0xffff;
	[tilespmem:s8+$0xBD00] =	vst v13  }
0x365: {  	v13 =	vadd.s32 $0x4E20, v1;
	v12 =	vld.idx.msk [tilespmem:v12+s4+$0x0], $0xffff;
	[tilespmem:s18+$0xBD10] =	vst v25  }
0x366: {  	v17 =	vld.idx.msk [tilespmem:v17+s4+$0x0], $0xffff;
	[tilespmem:s18+$0xBD00] =	vst v24  }
0x367: {  	[tilespmem:s20+$0x10D10] =	vst v19;
	v19 =	vadd.s32 $0x4E20, v6;
	v18 =	vld.idx.msk [tilespmem:v18+s4+$0x0], $0xffff  }
0x368: {  	[tilespmem:s6+$0xDD00] =	vst v21  }
0x369: {  	[tilespmem:s8+$0xCD10] =	vst v22  }
0x36a: {  	v13 =	vld.idx.msk [tilespmem:v13+s4+$0x0], $0xffff;
	[tilespmem:s8+$0xCD00] =	vst v12  }
0x36b: {  	v12 =	vadd.s32 $0x5208, v1;
	v11 =	vld.idx.msk [tilespmem:v11+s4+$0x0], $0xffff;
	[tilespmem:s18+$0xCD10] =	vst v17  }
0x36c: {  	v17 =	vld.idx.msk [tilespmem:v19+s4+$0x0], $0xffff;
	[tilespmem:s18+$0xCD00] =	vst v18  }
0x36d: {  	[tilespmem:s20+$0xFD00] =	vst v20;
	v18 =	vadd.s32 $0x5208, v6;
	v15 =	vld.idx.msk [tilespmem:v15+s4+$0x0], $0xffff  }
0x36e: {  	v5 =	vld.idx.msk [tilespmem:v5+s4+$0x0], $0xffff;
	[tilespmem:s6+$0xED10] =	vst v23  }
0x36f: {  	v21 =	vadd.s32 $0x55F0, v0;
	v3 =	vld.idx.msk [tilespmem:v3+s4+$0x0], $0xffff;
	[tilespmem:s8+$0xDD10] =	vst v13  }
0x370: {  	v12 =	vld.idx.msk [tilespmem:v12+s4+$0x0], $0xffff;
	[tilespmem:s8+$0xDD00] =	vst v11  }
0x371: {  	v11 =	vadd.s32 $0x55F0, v1;
	v10 =	vld.idx.msk [tilespmem:v10+s4+$0x0], $0xffff;
	[tilespmem:s18+$0xDD10] =	vst v17  }
0x372: {  	v13 =	vld.idx.msk [tilespmem:v18+s4+$0x0], $0xffff;
	[tilespmem:s18+$0xDD00] =	vst v15  }
0x373: {  	[tilespmem:s6+$0xED00] =	vst v5;
	v15 =	vadd.s32 $0x55F0, v6;
	v16 =	vld.idx.msk [tilespmem:v16+s4+$0x0], $0xffff  }
0x374: {  	[tilespmem:s20+$0x10D00] =	vst v3;
	v19 =	vld.idx.msk [tilespmem:v21+s4+$0x0], $0xffff  }
0x375: {  	v0 =	vadd.s32 $0x59D8, v0;
	v4 =	vld.idx.msk [tilespmem:v4+s4+$0x0], $0xffff;
	[tilespmem:s8+$0xED10] =	vst v12  }
0x376: {  	v5 =	vld.idx.msk [tilespmem:v11+s4+$0x0], $0xffff;
	[tilespmem:s8+$0xED00] =	vst v10  }
0x377: {  	v1 =	vadd.s32 $0x59D8, v1;
	v8 =	vld.idx.msk [tilespmem:v8+s4+$0x0], $0xffff;
	[tilespmem:s18+$0xED10] =	vst v13  }
0x378: {  	v10 =	vld.idx.msk [tilespmem:v15+s4+$0x0], $0xffff;
	[tilespmem:s18+$0xED00] =	vst v16  }
0x379: {  	v3 =	vadd.s32 $0x59D8, v6;
	[tilespmem:s6+$0xFD10] =	vst v19;
	v6 =	vld.idx.msk [tilespmem:v9+s4+$0x0], $0xffff  }
0x37a: {  	[tilespmem:s6+$0xFD00] =	vst v4;
	v0 =	vld.idx.msk [tilespmem:v0+s4+$0x0], $0xffff  }
0x37b: {  	v2 =	vld.idx.msk [tilespmem:v2+s4+$0x0], $0xffff;
	[tilespmem:s8+$0xFD10] =	vst v5  }
0x37c: {  	v1 =	vld.idx.msk [tilespmem:v1+s4+$0x0], $0xffff;
	[tilespmem:s8+$0xFD00] =	vst v8  }
0x37d: {  	v4 =	vld.idx.msk [tilespmem:v7+s4+$0x0], $0xffff;
	[tilespmem:s18+$0xFD10] =	vst v10  }
0x37e: {  	v3 =	vld.idx.msk [tilespmem:v3+s4+$0x0], $0xffff;
	[tilespmem:s18+$0xFD00] =	vst v6  }
0x37f: {  	[tilespmem:s6+$0x10D10] =	vst v0;
	v0 =	vld.idx.msk [tilespmem:v14+s4+$0x0], $0xffff  }
0x380: {  	[tilespmem:s6+$0x10D00] =	vst v2  }
0x381: {  	[tilespmem:s8+$0x10D10] =	vst v1  }
0x382: {  	[tilespmem:s8+$0x10D00] =	vst v4  }
0x383: {  	[tilespmem:s18+$0x10D10] =	vst v3  }
0x384: {  	s3 =	sadd.s32 s2, s16;
	[tilespmem:s18+$0x10D00] =	vst v0  }
0x385: {  	[hbm4b:s3+s23] =	stream.strided.scatter [tilespmem:s25], [sflag:$0x3], $0x8000, s24, s23, $0x38;
	[tilespmem:$0x19D00] =	vst v63  }
0x386: {  	_ =	swait.ge [sflag:s29], $0x8000  }
0x387: {  	[sflag:s29] =	ssyncset.done $0x0  }
0x388: {  	s6 =	simm.s32 $0x0;
	[sflag:s29] =	ssyncadd.s32 $0xFFFF8000  }
0x389: {  	v0 =	vld [tilespmem:s6+$0x8D10];
	_ =	sdelay $0x1  }
0x38a: {  	v1 =	vld [tilespmem:s6+$0x8D00];
	_ =	sdelay $0x2  }
0x38b: {  	vm0 =	vgt.s32 v0, $0x0  }
0x38c: {  	v0 =	vnsel vm0, $0x0, v0  }
0x38d: {  	vm9 =	vgt.s32 v1, $0x0;
	v2 =	vmin.u32 v0, $0x3E7  }
0x38e: {  	v1 =	vnsel vm9, $0x0, v1;
	v0 =	vadd.s32 $0x5DC0, v2  }
0x38f: {  	v3 =	vmin.u32 v1, $0x3E7  }
0x390: {  	v1 =	vadd.s32 $0x5DC0, v3  }
0x391: {  	s20 =	simm.s32 $0x80  }
0x392: {  	v5 =	vld [tilespmem:s20+$0x8D10]  }
0x393: {  	v0 =	vld.idx.msk [tilespmem:v0+s4+$0x0], $0xffff  }
0x394: {  	v8 =	vld [tilespmem:s20+$0x8D00];
	v4 =	vadd.s32 $0x61A8, v2  }
0x395: {  	v1 =	vld.idx.msk [tilespmem:v1+s4+$0x0], $0xffff  }
0x396: {  	v6 =	vadd.s32 $0x61A8, v3;
	_ =	sdelay $0x1  }
0x397: {  	vm10 =	vgt.s32 v5, $0x0;
	[tilespmem:s6+$0x11D10] =	vst v0  }
0x398: {  	v0 =	vnsel vm10, $0x0, v5;
	v4 =	vld.idx.msk [tilespmem:v4+s4+$0x0], $0xffff  }
0x399: {  	vm11 =	vgt.s32 v8, $0x0;
	v7 =	vadd.s32 $0x6590, v2;
	[tilespmem:s6+$0x11D00] =	vst v1;
	v0 =	vmin.u32 v0, $0x3E7  }
0x39a: {  	v8 =	vnsel vm11, $0x0, v8;
	v1 =	vld.idx.msk [tilespmem:v6+s4+$0x0], $0xffff;
	v5 =	vadd.s32 $0x5DC0, v0  }
0x39b: {  	v9 =	vmin.u32 v8, $0x3E7  }
0x39c: {  	s8 =	simm.s32 $0x100;
	v8 =	vadd.s32 $0x5DC0, v9  }
0x39d: {  	v10 =	vld [tilespmem:s8+$0x8D10];
	[tilespmem:s6+$0x12D10] =	vst v4  }
0x39e: {  	v4 =	vadd.s32 $0x6590, v3;
	v6 =	vld.idx.msk [tilespmem:v7+s4+$0x0], $0xffff  }
0x39f: {  	[tilespmem:s6+$0x12D00] =	vst v1;
	v7 =	vadd.s32 $0x6978, v2;
	v1 =	vld.idx.msk [tilespmem:v5+s4+$0x0], $0xffff  }
0x3a0: {  	v5 =	vadd.s32 $0x61A8, v0  }
0x3a1: {  	v8 =	vld.idx.msk [tilespmem:v8+s4+$0x0], $0xffff  }
0x3a2: {  	v12 =	vadd.s32 $0x61A8, v9  }
0x3a3: {  	v4 =	vld.idx.msk [tilespmem:v4+s4+$0x0], $0xffff;
	[tilespmem:s6+$0x13D10] =	vst v6  }
0x3a4: {  	vm12 =	vgt.s32 v10, $0x0;
	[tilespmem:s20+$0x11D10] =	vst v1;
	v6 =	vld.idx.msk [tilespmem:v7+s4+$0x0], $0xffff;
	v7 =	vadd.s32 $0x6978, v3  }
0x3a5: {  	v11 =	vadd.s32 $0x6D60, v2;
	v1 =	vnsel vm12, $0x0, v10;
	v5 =	vld.idx.msk [tilespmem:v5+s4+$0x0], $0xffff  }
0x3a6: {  	[tilespmem:s20+$0x11D00] =	vst v8;
	v13 =	vadd.s32 $0x6590, v0;
	v1 =	vmin.u32 v1, $0x3E7  }
0x3a7: {  	v10 =	vld.idx.msk [tilespmem:v12+s4+$0x0], $0xffff;
	v12 =	vadd.s32 $0x5DC0, v1  }
0x3a8: {  	[tilespmem:s6+$0x13D00] =	vst v4;
	v4 =	vld [tilespmem:s8+$0x8D00]  }
0x3a9: {  	v7 =	vld.idx.msk [tilespmem:v7+s4+$0x0], $0xffff;
	[tilespmem:s6+$0x14D10] =	vst v6  }
0x3aa: {  	[tilespmem:s20+$0x12D10] =	vst v5;
	v5 =	vadd.s32 $0x6590, v9;
	v11 =	vld.idx.msk [tilespmem:v11+s4+$0x0], $0xffff  }
0x3ab: {  	v6 =	vadd.s32 $0x6D60, v3;
	v13 =	vld.idx.msk [tilespmem:v13+s4+$0x0], $0xffff  }
0x3ac: {  	v8 =	vadd.s32 $0x7148, v2;
	[tilespmem:s20+$0x12D00] =	vst v10;
	v10 =	vld.idx.msk [tilespmem:v12+s4+$0x0], $0xffff  }
0x3ad: {  	s18 =	simm.s32 $0x180;
	v12 =	vadd.s32 $0x61A8, v1;
	vm13 =	vgt.s32 v4, $0x0  }
0x3ae: {  	v15 =	vld [tilespmem:s18+$0x8D10];
	v4 =	vnsel vm13, $0x0, v4;
	[tilespmem:s6+$0x14D00] =	vst v7;
	v7 =	vadd.s32 $0x6978, v0  }
0x3af: {  	v14 =	vmin.u32 v4, $0x3E7;
	v5 =	vld.idx.msk [tilespmem:v5+s4+$0x0], $0xffff;
	[tilespmem:s6+$0x15D10] =	vst v11  }
0x3b0: {  	v4 =	vld.idx.msk [tilespmem:v6+s4+$0x0], $0xffff;
	v6 =	vadd.s32 $0x5DC0, v14;
	[tilespmem:s20+$0x13D10] =	vst v13  }
0x3b1: {  	v13 =	vadd.s32 $0x6978, v9;
	[tilespmem:s8+$0x11D10] =	vst v10;
	v8 =	vld.idx.msk [tilespmem:v8+s4+$0x0], $0xffff  }
0x3b2: {  	v11 =	vadd.s32 $0x7530, v2;
	v12 =	vld.idx.msk [tilespmem:v12+s4+$0x0], $0xffff  }
0x3b3: {  	v7 =	vld.idx.msk [tilespmem:v7+s4+$0x0], $0xffff  }
0x3b4: {  	v18 =	vadd.s32 $0x6590, v1;
	[tilespmem:s20+$0x13D00] =	vst v5;
	v5 =	vld [tilespmem:s18+$0x8D00]  }
0x3b5: {  	vm14 =	vgt.s32 v15, $0x0;
	v16 =	vadd.s32 $0x6D60, v0;
	v6 =	vld.idx.msk [tilespmem:v6+s4+$0x0], $0xffff  }
0x3b6: {  	v17 =	vadd.s32 $0x7918, v2;
	v2 =	vnsel vm14, $0x0, v15;
	v13 =	vld.idx.msk [tilespmem:v13+s4+$0x0], $0xffff;
	[tilespmem:s6+$0x16D10] =	vst v8;
	v8 =	vadd.s32 $0x61A8, v14  }
0x3b7: {  	[tilespmem:s6+$0x15D00] =	vst v4;
	v4 =	vmin.u32 v2, $0x3E7;
	v10 =	vld.idx.msk [tilespmem:v11+s4+$0x0], $0xffff;
	v11 =	vadd.s32 $0x7148, v3  }
0x3b8: {  	v22 =	vadd.s32 $0x5DC0, v4;
	[tilespmem:s8+$0x12D10] =	vst v12  }
0x3b9: {  	v27 =	vld.idx.msk [tilespmem:v18+s4+$0x0], $0xffff;
	[tilespmem:s20+$0x14D10] =	vst v7  }
0x3ba: {  	v7 =	vadd.s32 $0x6D60, v9;
	[tilespmem:s8+$0x11D00] =	vst v6;
	v16 =	vld.idx.msk [tilespmem:v16+s4+$0x0], $0xffff  }
0x3bb: {  	v21 =	vadd.s32 $0x7530, v3;
	v19 =	vadd.s32 $0x7148, v0;
	v15 =	vld.idx.msk [tilespmem:v8+s4+$0x0], $0xffff  }
0x3bc: {  	v28 =	vadd.s32 $0x6978, v1;
	v23 =	vadd.s32 $0x6590, v14;
	vm15 =	vgt.s32 v5, $0x0;
	[tilespmem:s20+$0x14D00] =	vst v13;
	v11 =	vld.idx.msk [tilespmem:v11+s4+$0x0], $0xffff  }
0x3bd: {  	v2 =	vadd.s32 $0x7918, v3;
	v12 =	vadd.s32 $0x6D60, v14;
	v5 =	vnsel vm15, $0x0, v5;
	v25 =	vld.idx.msk [tilespmem:v22+s4+$0x0], $0xffff;
	[tilespmem:s6+$0x17D10] =	vst v10  }
0x3be: {  	v3 =	vadd.s32 $0x7918, v9;
	v6 =	vadd.s32 $0x7530, v9;
	v29 =	vmin.u32 v5, $0x3E7;
	[tilespmem:s8+$0x13D10] =	vst v27;
	v26 =	vld.idx.msk [tilespmem:v17+s4+$0x0], $0xffff  }
0x3bf: {  	v13 =	vadd.s32 $0x6978, v14;
	v8 =	vadd.s32 $0x7148, v9;
	v24 =	vadd.s32 $0x5DC0, v29;
	v20 =	vld.idx.msk [tilespmem:v7+s4+$0x0], $0xffff;
	[tilespmem:s20+$0x15D10] =	vst v16  }
0x3c0: {  	v5 =	vadd.s32 $0x7918, v14;
	v22 =	vadd.s32 $0x7530, v0;
	v10 =	vadd.s32 $0x7148, v14;
	v19 =	vld.idx.msk [tilespmem:v19+s4+$0x0], $0xffff;
	[tilespmem:s8+$0x12D00] =	vst v15  }
0x3c1: {  	v18 =	vadd.s32 $0x6978, v29;
	v9 =	vadd.s32 $0x7530, v29;
	v27 =	vadd.s32 $0x61A8, v4;
	[tilespmem:s6+$0x16D00] =	vst v11;
	v23 =	vld.idx.msk [tilespmem:v23+s4+$0x0], $0xffff  }
0x3c2: {  	v17 =	vadd.s32 $0x61A8, v29;
	v7 =	vadd.s32 $0x7530, v14;
	v14 =	vadd.s32 $0x6D60, v29;
	v21 =	vld.idx.msk [tilespmem:v21+s4+$0x0], $0xffff  }
0x3c3: {  	s7 =	simm.s32 $0x6;
	s19 =	simm.s32 $0x800;
	v16 =	vadd.s32 $0x6590, v29;
	v15 =	vadd.s32 $0x7148, v29;
	v11 =	vadd.s32 $0x7918, v29;
	[tilespmem:s6+$0x18D10] =	vst v26;
	v26 =	vld.idx.msk [tilespmem:v28+s4+$0x0], $0xffff  }
.LBB2_17:
0x3c4: {  	s3 =	sshra.s32 s19, $0x2;
	s7 =	sadd.s32 $0x2, s7;
	v24 =	vld.idx.msk [tilespmem:v24+s4+$0x0], $0xffff;
	[tilespmem:s20+$0x15D00] =	vst v20;
	s31 =	smov.u32 s8  }
0x3c5: {  	v28 =	vadd.s32 $0x6D60, v1;
	s8 =	smov.u32 s18;
	v20 =	vld [tilespmem:s3+$0x8D10];
	p1 =	slt.u32 s7, $0x3E;
	[tilespmem:s20+$0x16D10] =	vst v19;
	s18 =	smov.u32 s3  }
0x3c6: {  	[tilespmem:s8+$0x11D10] =	vst v25;
	v19 =	vld.idx.msk [tilespmem:v22+s4+$0x0], $0xffff  }
0x3c7: {  	v22 =	vld.idx.msk [tilespmem:v27+s4+$0x0], $0xffff;
	[tilespmem:s31+$0x13D00] =	vst v23  }
0x3c8: {  	v25 =	vadd.s32 $0x7918, v0;
	v0 =	vmov v1;
	v1 =	vmov v4;
	v23 =	vld [tilespmem:s18+$0x8D00];
	[tilespmem:s6+$0x17D00] =	vst v21  }
0x3c9: {  	v21 =	vadd.s32 $0x6590, v1;
	v27 =	vld.idx.msk [tilespmem:v13+s4+$0x0], $0xffff;
	[tilespmem:s31+$0x14D10] =	vst v26;
	v13 =	vmov v18  }
0x3ca: {  	vm0 =	vgt.s32 v20, $0x0;
	[tilespmem:s8+$0x11D00] =	vst v24;
	v18 =	vld.idx.msk [tilespmem:v28+s4+$0x0], $0xffff  }
0x3cb: {  	v4 =	vnsel vm0, $0x0, v20;
	v26 =	vld.idx.msk [tilespmem:v17+s4+$0x0], $0xffff  }
0x3cc: {  	v28 =	vadd.s32 $0x7148, v0;
	v4 =	vmin.u32 v4, $0x3E7;
	v29 =	vld.idx.msk [tilespmem:v8+s4+$0x0], $0xffff;
	[tilespmem:s20+$0x17D10] =	vst v19;
	v8 =	vmovc v10;
	v10 =	vmov v15  }
0x3cd: {  	vm0 =	vgt.s32 v23, $0x0;
	v30 =	vadd.s32 $0x5DC0, v4;
	[tilespmem:s8+$0x12D10] =	vst v22;
	v31 =	vld.idx.msk [tilespmem:v25+s4+$0x0], $0xffff  }
0x3ce: {  	v15 =	vnsel vm0, $0x0, v23;
	v21 =	vld.idx.msk [tilespmem:v21+s4+$0x0], $0xffff  }
0x3cf: {  	v22 =	vmin.u32 v15, $0x3E7;
	[tilespmem:s31+$0x14D00] =	vst v27;
	v32 =	vld.idx.msk [tilespmem:v2+s4+$0x0], $0xffff;
	v2 =	vmovc v3;
	v3 =	vmov v5;
	v5 =	vmov v11  }
0x3d0: {  	v33 =	vadd.s32 $0x6978, v1;
	v24 =	vadd.s32 $0x5DC0, v22;
	v17 =	vadd.s32 $0x61A8, v22;
	v20 =	vld.idx.msk [tilespmem:v12+s4+$0x0], $0xffff;
	[tilespmem:s31+$0x15D10] =	vst v18;
	v12 =	vmovc v14  }
.Ltmp9:
0x3d1: {  	v27 =	vadd.s32 $0x6590, v22;
	v18 =	vadd.s32 $0x6978, v22;
	v14 =	vadd.s32 $0x6D60, v22;
	[tilespmem:s8+$0x12D00] =	vst v26;
	v19 =	vld.idx.msk [tilespmem:v28+s4+$0x0], $0xffff;
	(pc) =	sbr.rel @p1 .LBB2_17-.Ltmp9, $4  }
0x3d2: {  	v15 =	vadd.s32 $0x7148, v22;
	v11 =	vadd.s32 $0x7918, v22;
	v26 =	vadd.s32 $0x7530, v22;
	v25 =	vld.idx.msk [tilespmem:v30+s4+$0x0], $0xffff;
	[tilespmem:s20+$0x16D00] =	vst v29  }
0x3d3: {  	v22 =	vadd.s32 $0x7530, v0;
	v23 =	vld.idx.msk [tilespmem:v16+s4+$0x0], $0xffff;
	[tilespmem:s20+$0x18D10] =	vst v31;
	v16 =	vmov v27  }
0x3d4: {  	v27 =	vadd.s32 $0x61A8, v4;
	[tilespmem:s8+$0x13D10] =	vst v21;
	v21 =	vld.idx.msk [tilespmem:v6+s4+$0x0], $0xffff;
	v6 =	vmovc v7;
	v7 =	vmov v9;
	v9 =	vmov v26  }
0x3d5: {  	s19 =	sadd.s32 $0x200, s19;
	v26 =	vld.idx.msk [tilespmem:v33+s4+$0x0], $0xffff;
	[tilespmem:s6+$0x18D00] =	vst v32;
	s6 =	smov.u32 s20;
	s20 =	smov.u32 s31  }
0x3d6: {  	_ =	sdelay $0x3  }
0x3d7: {  	v24 =	vld.idx.msk [tilespmem:v24+s4+$0x0], $0xffff;
	_ =	sdelay $0x3  }
0x3d8: {  	[tilespmem:s18+$0x11D10] =	vst v25  }
0x3d9: {  	v25 =	vld.idx.msk [tilespmem:v27+s4+$0x0], $0xffff;
	[tilespmem:s18+$0x11D00] =	vst v24  }
0x3da: {  	v46 =	vadd.s32 $0x6590, v4;
	v17 =	vld.idx.msk [tilespmem:v17+s4+$0x0], $0xffff;
	_ =	sdelay $0x3  }
0x3db: {  	[tilespmem:s18+$0x12D10] =	vst v25  }
0x3dc: {  	v47 =	vld.idx.msk [tilespmem:v46+s4+$0x0], $0xffff;
	[tilespmem:s18+$0x12D00] =	vst v17  }
0x3dd: {  	v48 =	vadd.s32 $0x6978, v4;
	v16 =	vld.idx.msk [tilespmem:v16+s4+$0x0], $0xffff;
	_ =	sdelay $0x1  }
0x3de: {  	[tilespmem:s8+$0x13D00] =	vst v23  }
0x3df: {  	v13 =	vld.idx.msk [tilespmem:v13+s4+$0x0], $0xffff  }
0x3e0: {  	[tilespmem:s18+$0x13D10] =	vst v47  }
0x3e1: {  	v49 =	vadd.s32 $0x6D60, v1;
	v50 =	vld.idx.msk [tilespmem:v48+s4+$0x0], $0xffff;
	[tilespmem:s18+$0x13D00] =	vst v16  }
0x3e2: {  	v51 =	vadd.s32 $0x6D60, v4;
	v16 =	vld.idx.msk [tilespmem:v18+s4+$0x0], $0xffff  }
0x3e3: {  	[tilespmem:s20+$0x15D00] =	vst v20  }
0x3e4: {  	[tilespmem:s8+$0x14D00] =	vst v13  }
0x3e5: {  	[tilespmem:s8+$0x14D10] =	vst v26;
	v12 =	vld.idx.msk [tilespmem:v12+s4+$0x0], $0xffff  }
0x3e6: {  	v17 =	vld.idx.msk [tilespmem:v49+s4+$0x0], $0xffff;
	[tilespmem:s18+$0x14D10] =	vst v50  }
0x3e7: {  	v52 =	vadd.s32 $0x7148, v1;
	v53 =	vld.idx.msk [tilespmem:v51+s4+$0x0], $0xffff;
	[tilespmem:s18+$0x14D00] =	vst v16  }
0x3e8: {  	v54 =	vadd.s32 $0x7148, v4;
	[tilespmem:s20+$0x16D10] =	vst v19;
	v14 =	vld.idx.msk [tilespmem:v14+s4+$0x0], $0xffff  }
0x3e9: {  	v55 =	vld.idx.msk [tilespmem:v22+s4+$0x0], $0xffff;
	[tilespmem:s6+$0x17D00] =	vst v21  }
0x3ea: {  	v8 =	vld.idx.msk [tilespmem:v8+s4+$0x0], $0xffff;
	[tilespmem:s8+$0x15D00] =	vst v12  }
0x3eb: {  	v10 =	vld.idx.msk [tilespmem:v10+s4+$0x0], $0xffff;
	[tilespmem:s8+$0x15D10] =	vst v17  }
0x3ec: {  	v17 =	vld.idx.msk [tilespmem:v52+s4+$0x0], $0xffff;
	[tilespmem:s18+$0x15D10] =	vst v53  }
0x3ed: {  	v56 =	vadd.s32 $0x7530, v1;
	v57 =	vld.idx.msk [tilespmem:v54+s4+$0x0], $0xffff;
	[tilespmem:s18+$0x15D00] =	vst v14  }
0x3ee: {  	v58 =	vadd.s32 $0x7530, v4;
	[tilespmem:s20+$0x17D10] =	vst v55;
	v14 =	vld.idx.msk [tilespmem:v15+s4+$0x0], $0xffff  }
0x3ef: {  	v2 =	vld.idx.msk [tilespmem:v2+s4+$0x0], $0xffff;
	[tilespmem:s20+$0x16D00] =	vst v8  }
0x3f0: {  	v0 =	vadd.s32 $0x7918, v0;
	v6 =	vld.idx.msk [tilespmem:v6+s4+$0x0], $0xffff;
	[tilespmem:s8+$0x16D00] =	vst v10  }
0x3f1: {  	v7 =	vld.idx.msk [tilespmem:v7+s4+$0x0], $0xffff;
	[tilespmem:s8+$0x16D10] =	vst v17  }
0x3f2: {  	v59 =	vld.idx.msk [tilespmem:v56+s4+$0x0], $0xffff;
	[tilespmem:s18+$0x16D10] =	vst v57  }
0x3f3: {  	v60 =	vadd.s32 $0x7918, v1;
	v61 =	vld.idx.msk [tilespmem:v58+s4+$0x0], $0xffff;
	[tilespmem:s18+$0x16D00] =	vst v14  }
0x3f4: {  	v62 =	vadd.s32 $0x7918, v4;
	[tilespmem:s6+$0x18D00] =	vst v2;
	v63 =	vld.idx.msk [tilespmem:v9+s4+$0x0], $0xffff  }
0x3f5: {  	v0 =	vld.idx.msk [tilespmem:v0+s4+$0x0], $0xffff;
	[tilespmem:s20+$0x17D00] =	vst v6  }
0x3f6: {  	v3 =	vld.idx.msk [tilespmem:v3+s4+$0x0], $0xffff;
	[tilespmem:s8+$0x17D00] =	vst v7  }
0x3f7: {  	v5 =	vld.idx.msk [tilespmem:v5+s4+$0x0], $0xffff;
	[tilespmem:s8+$0x17D10] =	vst v59  }
0x3f8: {  	v1 =	vld.idx.msk [tilespmem:v60+s4+$0x0], $0xffff;
	[tilespmem:s18+$0x17D10] =	vst v61  }
0x3f9: {  	v4 =	vld.idx.msk [tilespmem:v62+s4+$0x0], $0xffff;
	[tilespmem:s18+$0x17D00] =	vst v63  }
0x3fa: {  	[tilespmem:s20+$0x18D10] =	vst v0;
	v0 =	vld.idx.msk [tilespmem:v11+s4+$0x0], $0xffff  }
0x3fb: {  	[tilespmem:s20+$0x18D00] =	vst v3  }
.Ltmp10:
0x3fc: {  	[tilespmem:s8+$0x18D00] =	vst v5;
	(pc) =	sbr.rel @p0 .LBB2_20-.Ltmp10, $4  }
0x3fd: {  	[tilespmem:s8+$0x18D10] =	vst v1  }
0x3fe: {  	[tilespmem:s18+$0x18D10] =	vst v4  }
0x3ff: {  	s2 =	sadd.s32 s2, s17;
	[tilespmem:s18+$0x18D00] =	vst v0  }
0x400: {  	[hbm4b:s2+s23] =	stream.strided.scatter [tilespmem:s26], [sflag:$0x4], $0x8000, s24, s23, $0x38;
	[tilespmem:$0x19D00] =	vst v63  }
.Ltmp11:
0x401: {  	s2 =	sshll.u32 s0, $0x12;
	(pc) =	sbr.rel .LBB2_2-.Ltmp11, $4  }
0x402: {  	s2 =	sadd.s32 s10, s2  }
0x403: {  	s2 =	sshrl.u32 s2, $0x3  }
0x404: {  	s3 =	simm.s32 $0x8D00;
	s0 =	sadd.s32 $0x1, s0;
	s2 =	sadd.s32 s1, s2  }
0x405: {  	[tilespmem:s3], [sflag:$0x2] =	stream.linear.gather [hbm4b:s2+s4], $0x1000, $0x38;
	[tilespmem:$0x19D00] =	vst v63  }
.LBB2_21:
0x406: {  	_ =	sfence.sel $0x180000  }
0x407: {  	[bflag:$0x0] =	sbarrier.arrive $0xFFFF  }
0x408: {  	_ =	strace $0x90000047  }
0x409: {  	s0 =	stileid.u32;
	[bflag:$0x2] =	sbarrier.arrive $0xFFFF  }
0x40a: {  	p0 =	sne.s32 s0, $0x0;
	s0 =	rddreg [dreg:$0x3]  }
0x40b: {  	s0 =	sadd.s32 @!p0 $0x100000, s0  }
0x40c: {  	[sflag:s0] =	ssyncadd.tile.s32 @!p0 $0x1;
	_ =	shalt  }
.Lfunc_end2:
_tile_overlayer_lowered:
.L_overlay_start_2:
0x40d: {  	(tag) =	ssettag $0x2  }
0x40e: {  	s0 =	rddreg [dreg:$0x0];
	s2 =	stileid.u32  }
0x40f: {  	s1 =	rddreg [dreg:$0x1];
	p0 =	sne.s32 s2, $0x0  }
0x410: {  	s3 =	rddreg [dreg:$0x2];
	[bflag:$0x3] =	sbarrier.arrive $0xFFFF;
	s2 =	simm.s32 @!p0 $0x1C05  }
0x411: {  	[timem:s3], [sflag:s2] =	dma.local @!p0 [hbm:s0], s1  }
0x412: {  	s0 =	simm.s32 @!p0 $0x5  }
0x413: {  	_ =	swait.ge @!p0 [sflag:s0], s1  }
0x414: {  	s1 =	ssub.s32 @!p0 $0x0, s1;
	[sflag:s0] =	ssyncset.done @!p0 $0x0  }
0x415: {  	[sflag:s0] =	ssyncadd.s32 @!p0 s1  }
0x416: {  	[bflag:$0x3] =	sbarrier.arrive $0xFFFF  }
0x417: {  	_ =	shalt  }

</sc_bundles>
